<compile_context>
chip_gen: v7x
topology: tpu7x:2x2x1
jax: 0.10.2.dev20260603
libtpu: 0.0.44.dev20260713+nightly
codegen_flags: <defaults>
</compile_context>

<pallas_src>
import functools

import jax
import jax.numpy as jnp
from jax import lax
from jax.experimental import pallas as pl
from jax.experimental.pallas import tpu as pltpu
from jax.experimental.pallas import tpu_sc as plsc

N_WORD = 5000
D = 128
N_CAT = 50
L = 20
B = 1024
K = 16
XPAD = 24

NC = 2
NS = 16
NW = NC * NS
B_PER_W = B // NW

_GATHER_DN = lax.GatherDimensionNumbers(
    offset_dims=(), collapsed_slice_dims=(0,), start_index_map=(0,))


def _gather_vec(vec, idx):
    return lax.gather(vec, idx.reshape(16, 1), _GATHER_DN, (1,),
                      mode=lax.GatherScatterMode.PROMISE_IN_BOUNDS)


def _bcast_lane(vec, k):
    return _gather_vec(vec, jnp.full((16,), k, jnp.int32))


def _ln_body(emb_ref, g_ref, b_ref, o_ref):
    h = emb_ref[...]
    mu = jnp.mean(h, axis=1, keepdims=True)
    var = jnp.mean((h - mu) ** 2, axis=1, keepdims=True)
    o_ref[...] = (h - mu) * lax.rsqrt(var + 1e-5) * g_ref[...] + b_ref[...]


def _layer_norm_table(emb_table, gamma, beta):
    return pl.pallas_call(
        _ln_body,
        out_shape=jax.ShapeDtypeStruct((N_WORD, D), jnp.float32),
    )(emb_table, gamma.reshape(1, D), beta.reshape(1, D))


def _fc_body(h_ref, w_ref, b_ref, o_ref):
    o_ref[...] = (
        lax.dot_general(
            h_ref[...], w_ref[...],
            dimension_numbers=(((1,), (1,)), ((), ())),
            preferred_element_type=jnp.float32,
        )
        + b_ref[...]
    )


def _classify(hsum, fc_W, fc_b):
    return pl.pallas_call(
        _fc_body,
        out_shape=jax.ShapeDtypeStruct((B, N_CAT), jnp.float32),
    )(hsum, fc_W, fc_b.reshape(1, N_CAT))


def _sc_body(xp_hbm, nb_hbm, we_hbm, lnemb_hbm, edge_hbm, eta_hbm, out_hbm,
             xv0, nbv0, wev0, xv1, nbv1, wev1,
             ebuf0, cbuf0, wbuf0, etav0, ebuf1, cbuf1, wbuf1, etav1, hbuf,
             si0, si1, sd0, sd1):
    wid = lax.axis_index("s") * NC + lax.axis_index("c")
    edge_flat = edge_hbm.at[0]
    eta_flat = eta_hbm.at[0]

    IDX0 = (xv0, nbv0, wev0)
    IDX1 = (xv1, nbv1, wev1)
    DAT0 = (ebuf0, cbuf0, wbuf0, etav0)
    DAT1 = (ebuf1, cbuf1, wbuf1, etav1)

    def idx_copies(bufs, sem, b):
        xv, nbv, wev = bufs
        return [
            pltpu.make_async_copy(xp_hbm.at[pl.ds(b * XPAD, XPAD)], xv, sem),
            pltpu.make_async_copy(nb_hbm.at[pl.ds(b * L * K, L * K)], nbv, sem),
            pltpu.make_async_copy(we_hbm.at[pl.ds(b * L * K, L * K)], wev, sem),
        ]

    def gather_copies(ibufs, dbufs, sem):
        xv, nbv, wev = ibufs
        ebuf, cbuf, wbuf, etav = dbufs
        return [
            pltpu.make_async_copy(
                lnemb_hbm.at[nbv.at[pl.ds(0, 128)]], ebuf.at[pl.ds(0, 128)], sem),
            pltpu.make_async_copy(
                lnemb_hbm.at[nbv.at[pl.ds(128, 128)]], ebuf.at[pl.ds(128, 128)], sem),
            pltpu.make_async_copy(
                lnemb_hbm.at[nbv.at[pl.ds(256, 64)]], ebuf.at[pl.ds(256, 64)], sem),
            pltpu.make_async_copy(
                edge_flat.at[wev.at[pl.ds(0, 128)]], wbuf.at[pl.ds(0, 128)], sem),
            pltpu.make_async_copy(
                edge_flat.at[wev.at[pl.ds(128, 128)]], wbuf.at[pl.ds(128, 128)], sem),
            pltpu.make_async_copy(
                edge_flat.at[wev.at[pl.ds(256, 64)]], wbuf.at[pl.ds(256, 64)], sem),
            pltpu.make_async_copy(
                lnemb_hbm.at[xv.at[pl.ds(0, L)]], cbuf, sem),
            pltpu.make_async_copy(
                eta_flat.at[xv.at[pl.ds(0, L)]], etav.at[pl.ds(0, L)], sem),
        ]

    def fire(cps):
        for cp in cps:
            cp.start()

    def drain(cps):
        for cp in cps:
            cp.wait()

    def compute(dbufs, b):
        ebuf, cbuf, wbuf, etav = dbufs

        def token(l, acc):
            row0 = l * K
            wv = wbuf[pl.ds(row0, K)]
            ev = etav[pl.ds(l, 16)]
            eta_b = _bcast_lane(ev, 0)
            w_b = _bcast_lane(wv, 0)
            msg = [w_b * ebuf[row0, pl.ds(c * 16, 16)] for c in range(8)]
            for k in range(1, K):
                w_b = _bcast_lane(wv, k)
                for c in range(8):
                    msg[c] = jnp.maximum(
                        msg[c], w_b * ebuf[row0 + k, pl.ds(c * 16, 16)])
            new = []
            for c in range(8):
                cen = cbuf[l, pl.ds(c * 16, 16)]
                h = (1.0 - eta_b) * msg[c] + eta_b * cen
                new.append(acc[c] + h)
            return tuple(new)

        acc = lax.fori_loop(0, L, token,
                            tuple(jnp.zeros((16,), jnp.float32) for _ in range(8)))
        for c in range(8):
            hbuf[pl.ds(c * 16, 16)] = acc[c]
        pltpu.sync_copy(hbuf, out_hbm.at[pl.ds(b * D, D)])

    base = wid * B_PER_W
    fire(idx_copies(IDX0, si0, base))
    drain(idx_copies(IDX0, si0, base))
    fire(gather_copies(IDX0, DAT0, sd0))
    fire(idx_copies(IDX1, si1, base + 1))

    def pair(p, carry):
        a = base + 2 * p
        b = a + 1
        drain(idx_copies(IDX1, si1, b))
        fire(gather_copies(IDX1, DAT1, sd1))
        drain(gather_copies(IDX0, DAT0, sd0))

        @pl.when(p < B_PER_W // 2 - 1)
        def _():
            fire(idx_copies(IDX0, si0, a + 2))

        compute(DAT0, a)

        drain(gather_copies(IDX1, DAT1, sd1))

        @pl.when(p < B_PER_W // 2 - 1)
        def _():
            fire(idx_copies(IDX1, si1, b + 2))
            drain(idx_copies(IDX0, si0, a + 2))
            fire(gather_copies(IDX0, DAT0, sd0))

        compute(DAT1, b)
        return carry

    lax.fori_loop(0, B_PER_W // 2, pair, 0)


def _sc_call(xp, nb, we, lnemb, edge_flat, eta_table):
    mesh = plsc.VectorSubcoreMesh(core_axis_name="c", subcore_axis_name="s")
    ibufs = [
        pltpu.VMEM((XPAD,), jnp.int32),
        pltpu.VMEM((L * K,), jnp.int32),
        pltpu.VMEM((L * K,), jnp.int32),
    ]
    dbufs = [
        pltpu.VMEM((L * K, D), jnp.float32),
        pltpu.VMEM((L, D), jnp.float32),
        pltpu.VMEM((384,), jnp.float32),
        pltpu.VMEM((128,), jnp.float32),
    ]
    f = functools.partial(
        pl.kernel,
        out_type=jax.ShapeDtypeStruct((B * D,), jnp.float32),
        mesh=mesh,
        scratch_types=ibufs + ibufs + dbufs + dbufs + [
            pltpu.VMEM((D,), jnp.float32),
            pltpu.SemaphoreType.DMA,
            pltpu.SemaphoreType.DMA,
            pltpu.SemaphoreType.DMA,
            pltpu.SemaphoreType.DMA,
        ],
    )(_sc_body)
    return f(xp, nb, we, lnemb, edge_flat, eta_table)


def kernel(x, nb_x, w_edge, emb_table, edge_table, eta_table,
           ln_gamma, ln_beta, fc_W, fc_b):
    x = x.astype(jnp.int32)
    nb_x = nb_x.astype(jnp.int32)
    w_edge = w_edge.astype(jnp.int32)

    lnemb = _layer_norm_table(emb_table, ln_gamma, ln_beta)

    xp = jnp.pad(x, ((0, 0), (0, XPAD - L))).reshape(-1)
    nb = nb_x.reshape(-1)
    we = w_edge.reshape(-1)

    hsum = _sc_call(xp, nb, we, lnemb, edge_table.T,
                    eta_table.T).reshape(B, D)
    return _classify(hsum, fc_W, fc_b)

# --- scband reference (transcript-rebuilt; emitter-appended) ---
"""Pipeline reference for scband-text-level-gnn-9337258901945 (READ-ONLY COPY).

The authoritative reference and input builder live on the scoring server;
editing this copy changes nothing except your own understanding.
"""

import jax, jax.numpy as jnp
import numpy as np

N_WORD = 5000
D_MODEL = 128
N_CAT = 50
MAX_LEN = 20
BATCH = 1024
N_NB = 16
N_EDGE_VOCAB = (N_WORD - 1) * N_WORD + 1


def setup_inputs(seed: int = 0) -> dict:
    key = jax.random.key(seed)
    ks = jax.random.split(key, 8)
    x = jax.random.randint(ks[0], (BATCH, MAX_LEN), 0, N_WORD)
    nb_x = jax.random.randint(ks[1], (BATCH, MAX_LEN, N_NB), 0, N_WORD)
    w_edge = jax.random.randint(ks[2], (BATCH, MAX_LEN, N_NB), 0, N_EDGE_VOCAB)
    emb_table = jax.random.normal(ks[3], (N_WORD, D_MODEL), dtype=jnp.float32) * 0.02
    emb_table = emb_table.at[0].set(0.0)  # padding_idx=0
    edge_table = jax.random.normal(ks[4], (N_EDGE_VOCAB, 1), dtype=jnp.float32) * 0.02
    edge_table = edge_table.at[0].set(0.0)  # padding_idx=0
    eta_table = jax.random.normal(ks[5], (N_WORD, 1), dtype=jnp.float32) * 0.02
    eta_table = eta_table.at[0].set(0.0)  # padding_idx=0
    ln_gamma = jnp.ones((D_MODEL,), dtype=jnp.float32)
    ln_beta = jnp.zeros((D_MODEL,), dtype=jnp.float32)
    fc_W = jax.random.normal(ks[6], (N_CAT, D_MODEL), dtype=jnp.float32) * 0.02
    fc_b = jnp.zeros((N_CAT,), dtype=jnp.float32)
    return {
        "x": x,
        "nb_x": nb_x,
        "w_edge": w_edge,
        "emb_table": emb_table,
        "edge_table": edge_table,
        "eta_table": eta_table,
        "ln_gamma": ln_gamma,
        "ln_beta": ln_beta,
        "fc_W": fc_W,
        "fc_b": fc_b,
    }


def _layer_norm(h, gamma, beta, eps=1e-5):
    mu = jnp.mean(h, axis=-1, keepdims=True)
    var = jnp.mean((h - mu) ** 2, axis=-1, keepdims=True)
    return (h - mu) / jnp.sqrt(var + eps) * gamma + beta


def reference(x, nb_x, w_edge, emb_table, edge_table, eta_table, ln_gamma, ln_beta, fc_W, fc_b):
    # idx_nodes: (B, L, n_degree*2 + 1) -- neighbors then center node
    idx_nodes = jnp.concatenate([nb_x, x[..., None]], axis=-1)
    emb_nodes = jnp.take(emb_table, idx_nodes, axis=0)  # (B, L, 17, D)
    emb_nodes = _layer_norm(emb_nodes, ln_gamma, ln_beta)
    w = jnp.take(edge_table, w_edge, axis=0)  # (B, L, 16, 1)
    msg_nb = jnp.max(w * emb_nodes[:, :, :-1, :], axis=2)  # (B, L, D)
    eta = jnp.take(eta_table, x, axis=0)  # (B, L, 1)
    h_node = (1.0 - eta) * msg_nb + eta * emb_nodes[:, :, -1, :]
    scores = h_node.sum(axis=1) @ fc_W.T + fc_b  # (B, n_category)
    return scores

if __name__ == "__main__":
    import jax
    _d = setup_inputs()
    print(jax.jit(kernel)(*tuple(_d.values())))

</pallas_src>

<mosaic_0001>
#map = affine_map<(d0, d1) -> (0)>
#map1 = affine_map<(d0, d1) -> (0, 0)>
module attributes {stable_mosaic.version = 14 : i64} {
  func.func @_sc_body(%arg0: i32, %arg1: i32, %arg2: memref<24576xi32, #tpu.memory_space<hbm>>, %arg3: memref<327680xi32, #tpu.memory_space<hbm>>, %arg4: memref<327680xi32, #tpu.memory_space<hbm>>, %arg5: memref<5000x128xf32, #tpu.memory_space<hbm>>, %arg6: memref<1x24995001xf32, #tpu.memory_space<hbm>>, %arg7: memref<1x5000xf32, #tpu.memory_space<hbm>>, %arg8: memref<131072xf32, #tpu.memory_space<hbm>>, %arg9: memref<24xi32, #tpu.memory_space<vmem>>, %arg10: memref<320xi32, #tpu.memory_space<vmem>>, %arg11: memref<320xi32, #tpu.memory_space<vmem>>, %arg12: memref<24xi32, #tpu.memory_space<vmem>>, %arg13: memref<320xi32, #tpu.memory_space<vmem>>, %arg14: memref<320xi32, #tpu.memory_space<vmem>>, %arg15: memref<320x128xf32, #tpu.memory_space<vmem>>, %arg16: memref<20x128xf32, #tpu.memory_space<vmem>>, %arg17: memref<384xf32, #tpu.memory_space<vmem>>, %arg18: memref<128xf32, #tpu.memory_space<vmem>>, %arg19: memref<320x128xf32, #tpu.memory_space<vmem>>, %arg20: memref<20x128xf32, #tpu.memory_space<vmem>>, %arg21: memref<384xf32, #tpu.memory_space<vmem>>, %arg22: memref<128xf32, #tpu.memory_space<vmem>>, %arg23: memref<128xf32, #tpu.memory_space<vmem>>, %arg24: memref<!tpu.dma_semaphore, #tpu.memory_space<semaphore_mem>>, %arg25: memref<!tpu.dma_semaphore, #tpu.memory_space<semaphore_mem>>, %arg26: memref<!tpu.dma_semaphore, #tpu.memory_space<semaphore_mem>>, %arg27: memref<!tpu.dma_semaphore, #tpu.memory_space<semaphore_mem>>) attributes {dimension_semantics = [#tpu.dimension_semantics<core_parallel>, #tpu.dimension_semantics<subcore_parallel>], iteration_bounds = array<i64: 2, 16>, scalar_prefetch = 0 : i64, scratch_operands = 19 : i64, tpu.core_type = #tpu.core_type<sc_vector_subcore>, window_params = [{transform_indices = #map}, {transform_indices = #map}, {transform_indices = #map}, {transform_indices = #map1}, {transform_indices = #map1}, {transform_indices = #map1}, {transform_indices = #map}]} {
    %mul3A = arith.constant 2 : i32
    %mul3A_0 = arith.muli %arg1, %mul3A : i32
    %add3A = arith.addi %mul3A_0, %arg0 : i32
    %mul3A_1 = arith.constant 32 : i32
    %mul3A_2 = arith.muli %add3A, %mul3A_1 : i32
    %mul3A_3 = arith.constant 24 : i32
    %mul3A_4 = arith.muli %mul3A_2, %mul3A_3 : i32
    %mul3A_5 = arith.constant 20 : i32
    %mul3A_6 = arith.muli %mul3A_2, %mul3A_5 : i32
    %mul3A_7 = arith.constant 16 : i32
    %mul3A_8 = arith.muli %mul3A_6, %mul3A_7 : i32
    %mul3A_9 = arith.constant 20 : i32
    %mul3A_10 = arith.muli %mul3A_2, %mul3A_9 : i32
    %mul3A_11 = arith.constant 16 : i32
    %mul3A_12 = arith.muli %mul3A_10, %mul3A_11 : i32
    %dma_start3A = tpu.memref_slice %arg2[%mul3A_4] : memref<24576xi32, #tpu.memory_space<hbm>> -> memref<24xi32, #tpu.memory_space<hbm>>
    %dma_start3A_13 = tpu.memref_slice %arg2[%mul3A_4] : memref<24576xi32, #tpu.memory_space<hbm>> -> memref<24xi32, #tpu.memory_space<hbm>>
    tpu.enqueue_dma source(%dma_start3A_13 : memref<24xi32, #tpu.memory_space<hbm>>) target(%arg9 : memref<24xi32, #tpu.memory_space<vmem>>) target_semaphore(%arg24 : memref<!tpu.dma_semaphore, #tpu.memory_space<semaphore_mem>>)
    %dma_start3A_14 = tpu.memref_slice %arg3[%mul3A_8] : memref<327680xi32, #tpu.memory_space<hbm>> -> memref<320xi32, #tpu.memory_space<hbm>>
    %dma_start3A_15 = tpu.memref_slice %arg3[%mul3A_8] : memref<327680xi32, #tpu.memory_space<hbm>> -> memref<320xi32, #tpu.memory_space<hbm>>
    tpu.enqueue_dma source(%dma_start3A_15 : memref<320xi32, #tpu.memory_space<hbm>>) target(%arg10 : memref<320xi32, #tpu.memory_space<vmem>>) target_semaphore(%arg24 : memref<!tpu.dma_semaphore, #tpu.memory_space<semaphore_mem>>)
    %dma_start3A_16 = tpu.memref_slice %arg4[%mul3A_12] : memref<327680xi32, #tpu.memory_space<hbm>> -> memref<320xi32, #tpu.memory_space<hbm>>
    %dma_start3A_17 = tpu.memref_slice %arg4[%mul3A_12] : memref<327680xi32, #tpu.memory_space<hbm>> -> memref<320xi32, #tpu.memory_space<hbm>>
    tpu.enqueue_dma source(%dma_start3A_17 : memref<320xi32, #tpu.memory_space<hbm>>) target(%arg11 : memref<320xi32, #tpu.memory_space<vmem>>) target_semaphore(%arg24 : memref<!tpu.dma_semaphore, #tpu.memory_space<semaphore_mem>>)
    %mul3A_18 = arith.constant 24 : i32
    %mul3A_19 = arith.muli %mul3A_2, %mul3A_18 : i32
    %mul3A_20 = arith.constant 20 : i32
    %mul3A_21 = arith.muli %mul3A_2, %mul3A_20 : i32
    %mul3A_22 = arith.constant 16 : i32
    %mul3A_23 = arith.muli %mul3A_21, %mul3A_22 : i32
    %mul3A_24 = arith.constant 20 : i32
    %mul3A_25 = arith.muli %mul3A_2, %mul3A_24 : i32
    %mul3A_26 = arith.constant 16 : i32
    %mul3A_27 = arith.muli %mul3A_25, %mul3A_26 : i32
    %dma_wait3A = tpu.memref_slice %arg2[%mul3A_19] : memref<24576xi32, #tpu.memory_space<hbm>> -> memref<24xi32, #tpu.memory_space<hbm>>
    %dma_wait3A_28 = tpu.memref_slice %arg2[%mul3A_19] : memref<24576xi32, #tpu.memory_space<hbm>> -> memref<24xi32, #tpu.memory_space<hbm>>
    tpu.wait_dma2 semaphore(%arg24 : memref<!tpu.dma_semaphore, #tpu.memory_space<semaphore_mem>>) src(%dma_wait3A_28 : memref<24xi32, #tpu.memory_space<hbm>>) dst(%arg9 : memref<24xi32, #tpu.memory_space<vmem>>)
    %dma_wait3A_29 = tpu.memref_slice %arg3[%mul3A_23] : memref<327680xi32, #tpu.memory_space<hbm>> -> memref<320xi32, #tpu.memory_space<hbm>>
    %dma_wait3A_30 = tpu.memref_slice %arg3[%mul3A_23] : memref<327680xi32, #tpu.memory_space<hbm>> -> memref<320xi32, #tpu.memory_space<hbm>>
    tpu.wait_dma2 semaphore(%arg24 : memref<!tpu.dma_semaphore, #tpu.memory_space<semaphore_mem>>) src(%dma_wait3A_30 : memref<320xi32, #tpu.memory_space<hbm>>) dst(%arg10 : memref<320xi32, #tpu.memory_space<vmem>>)
    %dma_wait3A_31 = tpu.memref_slice %arg4[%mul3A_27] : memref<327680xi32, #tpu.memory_space<hbm>> -> memref<320xi32, #tpu.memory_space<hbm>>
    %dma_wait3A_32 = tpu.memref_slice %arg4[%mul3A_27] : memref<327680xi32, #tpu.memory_space<hbm>> -> memref<320xi32, #tpu.memory_space<hbm>>
    tpu.wait_dma2 semaphore(%arg24 : memref<!tpu.dma_semaphore, #tpu.memory_space<semaphore_mem>>) src(%dma_wait3A_32 : memref<320xi32, #tpu.memory_space<hbm>>) dst(%arg11 : memref<320xi32, #tpu.memory_space<vmem>>)
    %dma_start3A_33 = arith.constant 0 : i32
    %dma_start3A_34 = arith.constant 0 : i32
    %dma_start3A_35 = tpu.memref_slice %arg15[%dma_start3A_33, %dma_start3A_34] : memref<320x128xf32, #tpu.memory_space<vmem>> -> memref<128x128xf32, #tpu.memory_space<vmem>>
    %dma_start3A_36 = arith.constant 0 : i32
    %dma_start3A_37 = tpu.memref_slice %arg10[%dma_start3A_36] : memref<320xi32, #tpu.memory_space<vmem>> -> memref<128xi32, #tpu.memory_space<vmem>>
    %dma_start3A_38 = arith.constant 0 : i32
    %dma_start3A_39 = arith.constant 0 : i32
    %dma_start3A_40 = tpu.memref_slice %arg5[%dma_start3A_38, %dma_start3A_39] : memref<5000x128xf32, #tpu.memory_space<hbm>> -> memref<5000x128xf32, #tpu.memory_space<hbm>>
    tpu.enqueue_indirect_dma source(%dma_start3A_40 : memref<5000x128xf32, #tpu.memory_space<hbm>>) target(%dma_start3A_35 : memref<128x128xf32, #tpu.memory_space<vmem>>) offsets(%dma_start3A_37 : memref<128xi32, #tpu.memory_space<vmem>>) semaphore(%arg26 : memref<!tpu.dma_semaphore, #tpu.memory_space<semaphore_mem>>)
    %dma_start3A_41 = arith.constant 128 : i32
    %dma_start3A_42 = arith.constant 0 : i32
    %dma_start3A_43 = tpu.memref_slice %arg15[%dma_start3A_41, %dma_start3A_42] : memref<320x128xf32, #tpu.memory_space<vmem>> -> memref<128x128xf32, #tpu.memory_space<vmem>>
    %dma_start3A_44 = arith.constant 128 : i32
    %dma_start3A_45 = tpu.memref_slice %arg10[%dma_start3A_44] : memref<320xi32, #tpu.memory_space<vmem>> -> memref<128xi32, #tpu.memory_space<vmem>>
    %dma_start3A_46 = arith.constant 0 : i32
    %dma_start3A_47 = arith.constant 0 : i32
    %dma_start3A_48 = tpu.memref_slice %arg5[%dma_start3A_46, %dma_start3A_47] : memref<5000x128xf32, #tpu.memory_space<hbm>> -> memref<5000x128xf32, #tpu.memory_space<hbm>>
    tpu.enqueue_indirect_dma source(%dma_start3A_48 : memref<5000x128xf32, #tpu.memory_space<hbm>>) target(%dma_start3A_43 : memref<128x128xf32, #tpu.memory_space<vmem>>) offsets(%dma_start3A_45 : memref<128xi32, #tpu.memory_space<vmem>>) semaphore(%arg26 : memref<!tpu.dma_semaphore, #tpu.memory_space<semaphore_mem>>)
    %dma_start3A_49 = arith.constant 256 : i32
    %dma_start3A_50 = arith.constant 0 : i32
    %dma_start3A_51 = tpu.memref_slice %arg15[%dma_start3A_49, %dma_start3A_50] : memref<320x128xf32, #tpu.memory_space<vmem>> -> memref<64x128xf32, #tpu.memory_space<vmem>>
    %dma_start3A_52 = arith.constant 256 : i32
    %dma_start3A_53 = tpu.memref_slice %arg10[%dma_start3A_52] : memref<320xi32, #tpu.memory_space<vmem>> -> memref<64xi32, #tpu.memory_space<vmem>>
    %dma_start3A_54 = arith.constant 0 : i32
    %dma_start3A_55 = arith.constant 0 : i32
    %dma_start3A_56 = tpu.memref_slice %arg5[%dma_start3A_54, %dma_start3A_55] : memref<5000x128xf32, #tpu.memory_space<hbm>> -> memref<5000x128xf32, #tpu.memory_space<hbm>>
    tpu.enqueue_indirect_dma source(%dma_start3A_56 : memref<5000x128xf32, #tpu.memory_space<hbm>>) target(%dma_start3A_51 : memref<64x128xf32, #tpu.memory_space<vmem>>) offsets(%dma_start3A_53 : memref<64xi32, #tpu.memory_space<vmem>>) semaphore(%arg26 : memref<!tpu.dma_semaphore, #tpu.memory_space<semaphore_mem>>)
    %dma_start3A_57 = arith.constant 0 : i32
    %dma_start3A_58 = arith.constant 0 : i32
    %dma_start3A_59 = tpu.memref_slice %arg17[%dma_start3A_58] : memref<384xf32, #tpu.memory_space<vmem>> -> memref<128xf32, #tpu.memory_space<vmem>>
    %dma_start3A_60 = arith.constant 0 : i32
    %dma_start3A_61 = tpu.memref_slice %arg11[%dma_start3A_60] : memref<320xi32, #tpu.memory_space<vmem>> -> memref<128xi32, #tpu.memory_space<vmem>>
    %dma_start3A_62 = arith.constant 0 : i32
    %dma_start3A_63 = tpu.memref_slice %arg6[%dma_start3A_57, %dma_start3A_62] : memref<1x24995001xf32, #tpu.memory_space<hbm>> -> memref<1x24995001xf32, #tpu.memory_space<hbm>>
    %dma_start3A_64 = tpu.memref_squeeze %dma_start3A_63 : memref<1x24995001xf32, #tpu.memory_space<hbm>> -> memref<24995001xf32, #tpu.memory_space<hbm>>
    %dma_start3A_65 = arith.constant 0 : i32
    %dma_start3A_66 = tpu.memref_slice %dma_start3A_64[%dma_start3A_65] : memref<24995001xf32, #tpu.memory_space<hbm>> -> memref<24995001xf32, #tpu.memory_space<hbm>>
    tpu.enqueue_indirect_dma source(%dma_start3A_66 : memref<24995001xf32, #tpu.memory_space<hbm>>) target(%dma_start3A_59 : memref<128xf32, #tpu.memory_space<vmem>>) offsets(%dma_start3A_61 : memref<128xi32, #tpu.memory_space<vmem>>) semaphore(%arg26 : memref<!tpu.dma_semaphore, #tpu.memory_space<semaphore_mem>>)
    %dma_start3A_67 = arith.constant 0 : i32
    %dma_start3A_68 = arith.constant 128 : i32
    %dma_start3A_69 = tpu.memref_slice %arg17[%dma_start3A_68] : memref<384xf32, #tpu.memory_space<vmem>> -> memref<128xf32, #tpu.memory_space<vmem>>
    %dma_start3A_70 = arith.constant 128 : i32
    %dma_start3A_71 = tpu.memref_slice %arg11[%dma_start3A_70] : memref<320xi32, #tpu.memory_space<vmem>> -> memref<128xi32, #tpu.memory_space<vmem>>
    %dma_start3A_72 = arith.constant 0 : i32
    %dma_start3A_73 = tpu.memref_slice %arg6[%dma_start3A_67, %dma_start3A_72] : memref<1x24995001xf32, #tpu.memory_space<hbm>> -> memref<1x24995001xf32, #tpu.memory_space<hbm>>
    %dma_start3A_74 = tpu.memref_squeeze %dma_start3A_73 : memref<1x24995001xf32, #tpu.memory_space<hbm>> -> memref<24995001xf32, #tpu.memory_space<hbm>>
    %dma_start3A_75 = arith.constant 0 : i32
    %dma_start3A_76 = tpu.memref_slice %dma_start3A_74[%dma_start3A_75] : memref<24995001xf32, #tpu.memory_space<hbm>> -> memref<24995001xf32, #tpu.memory_space<hbm>>
    tpu.enqueue_indirect_dma source(%dma_start3A_76 : memref<24995001xf32, #tpu.memory_space<hbm>>) target(%dma_start3A_69 : memref<128xf32, #tpu.memory_space<vmem>>) offsets(%dma_start3A_71 : memref<128xi32, #tpu.memory_space<vmem>>) semaphore(%arg26 : memref<!tpu.dma_semaphore, #tpu.memory_space<semaphore_mem>>)
    %dma_start3A_77 = arith.constant 0 : i32
    %dma_start3A_78 = arith.constant 256 : i32
    %dma_start3A_79 = tpu.memref_slice %arg17[%dma_start3A_78] : memref<384xf32, #tpu.memory_space<vmem>> -> memref<64xf32, #tpu.memory_space<vmem>>
    %dma_start3A_80 = arith.constant 256 : i32
    %dma_start3A_81 = tpu.memref_slice %arg11[%dma_start3A_80] : memref<320xi32, #tpu.memory_space<vmem>> -> memref<64xi32, #tpu.memory_space<vmem>>
    %dma_start3A_82 = arith.constant 0 : i32
    %dma_start3A_83 = tpu.memref_slice %arg6[%dma_start3A_77, %dma_start3A_82] : memref<1x24995001xf32, #tpu.memory_space<hbm>> -> memref<1x24995001xf32, #tpu.memory_space<hbm>>
    %dma_start3A_84 = tpu.memref_squeeze %dma_start3A_83 : memref<1x24995001xf32, #tpu.memory_space<hbm>> -> memref<24995001xf32, #tpu.memory_space<hbm>>
    %dma_start3A_85 = arith.constant 0 : i32
    %dma_start3A_86 = tpu.memref_slice %dma_start3A_84[%dma_start3A_85] : memref<24995001xf32, #tpu.memory_space<hbm>> -> memref<24995001xf32, #tpu.memory_space<hbm>>
    tpu.enqueue_indirect_dma source(%dma_start3A_86 : memref<24995001xf32, #tpu.memory_space<hbm>>) target(%dma_start3A_79 : memref<64xf32, #tpu.memory_space<vmem>>) offsets(%dma_start3A_81 : memref<64xi32, #tpu.memory_space<vmem>>) semaphore(%arg26 : memref<!tpu.dma_semaphore, #tpu.memory_space<semaphore_mem>>)
    %dma_start3A_87 = arith.constant 0 : i32
    %dma_start3A_88 = tpu.memref_slice %arg9[%dma_start3A_87] : memref<24xi32, #tpu.memory_space<vmem>> -> memref<20xi32, #tpu.memory_space<vmem>>
    %dma_start3A_89 = arith.constant 0 : i32
    %dma_start3A_90 = arith.constant 0 : i32
    %dma_start3A_91 = tpu.memref_slice %arg5[%dma_start3A_89, %dma_start3A_90] : memref<5000x128xf32, #tpu.memory_space<hbm>> -> memref<5000x128xf32, #tpu.memory_space<hbm>>
    tpu.enqueue_indirect_dma source(%dma_start3A_91 : memref<5000x128xf32, #tpu.memory_space<hbm>>) target(%arg16 : memref<20x128xf32, #tpu.memory_space<vmem>>) offsets(%dma_start3A_88 : memref<20xi32, #tpu.memory_space<vmem>>) semaphore(%arg26 : memref<!tpu.dma_semaphore, #tpu.memory_space<semaphore_mem>>)
    %dma_start3A_92 = arith.constant 0 : i32
    %dma_start3A_93 = arith.constant 0 : i32
    %dma_start3A_94 = tpu.memref_slice %arg18[%dma_start3A_93] : memref<128xf32, #tpu.memory_space<vmem>> -> memref<20xf32, #tpu.memory_space<vmem>>
    %dma_start3A_95 = arith.constant 0 : i32
    %dma_start3A_96 = tpu.memref_slice %arg9[%dma_start3A_95] : memref<24xi32, #tpu.memory_space<vmem>> -> memref<20xi32, #tpu.memory_space<vmem>>
    %dma_start3A_97 = arith.constant 0 : i32
    %dma_start3A_98 = tpu.memref_slice %arg7[%dma_start3A_92, %dma_start3A_97] : memref<1x5000xf32, #tpu.memory_space<hbm>> -> memref<1x5000xf32, #tpu.memory_space<hbm>>
    %dma_start3A_99 = tpu.memref_squeeze %dma_start3A_98 : memref<1x5000xf32, #tpu.memory_space<hbm>> -> memref<5000xf32, #tpu.memory_space<hbm>>
    %dma_start3A_100 = arith.constant 0 : i32
    %dma_start3A_101 = tpu.memref_slice %dma_start3A_99[%dma_start3A_100] : memref<5000xf32, #tpu.memory_space<hbm>> -> memref<5000xf32, #tpu.memory_space<hbm>>
    tpu.enqueue_indirect_dma source(%dma_start3A_101 : memref<5000xf32, #tpu.memory_space<hbm>>) target(%dma_start3A_94 : memref<20xf32, #tpu.memory_space<vmem>>) offsets(%dma_start3A_96 : memref<20xi32, #tpu.memory_space<vmem>>) semaphore(%arg26 : memref<!tpu.dma_semaphore, #tpu.memory_space<semaphore_mem>>)
    %add3A_102 = arith.constant 1 : i32
    %add3A_103 = arith.addi %mul3A_2, %add3A_102 : i32
    %mul3A_104 = arith.constant 24 : i32
    %mul3A_105 = arith.muli %add3A_103, %mul3A_104 : i32
    %mul3A_106 = arith.constant 20 : i32
    %mul3A_107 = arith.muli %add3A_103, %mul3A_106 : i32
    %mul3A_108 = arith.constant 16 : i32
    %mul3A_109 = arith.muli %mul3A_107, %mul3A_108 : i32
    %mul3A_110 = arith.constant 20 : i32
    %mul3A_111 = arith.muli %add3A_103, %mul3A_110 : i32
    %mul3A_112 = arith.constant 16 : i32
    %mul3A_113 = arith.muli %mul3A_111, %mul3A_112 : i32
    %dma_start3A_114 = tpu.memref_slice %arg2[%mul3A_105] : memref<24576xi32, #tpu.memory_space<hbm>> -> memref<24xi32, #tpu.memory_space<hbm>>
    %dma_start3A_115 = tpu.memref_slice %arg2[%mul3A_105] : memref<24576xi32, #tpu.memory_space<hbm>> -> memref<24xi32, #tpu.memory_space<hbm>>
    tpu.enqueue_dma source(%dma_start3A_115 : memref<24xi32, #tpu.memory_space<hbm>>) target(%arg12 : memref<24xi32, #tpu.memory_space<vmem>>) target_semaphore(%arg25 : memref<!tpu.dma_semaphore, #tpu.memory_space<semaphore_mem>>)
    %dma_start3A_116 = tpu.memref_slice %arg3[%mul3A_109] : memref<327680xi32, #tpu.memory_space<hbm>> -> memref<320xi32, #tpu.memory_space<hbm>>
    %dma_start3A_117 = tpu.memref_slice %arg3[%mul3A_109] : memref<327680xi32, #tpu.memory_space<hbm>> -> memref<320xi32, #tpu.memory_space<hbm>>
    tpu.enqueue_dma source(%dma_start3A_117 : memref<320xi32, #tpu.memory_space<hbm>>) target(%arg13 : memref<320xi32, #tpu.memory_space<vmem>>) target_semaphore(%arg25 : memref<!tpu.dma_semaphore, #tpu.memory_space<semaphore_mem>>)
    %dma_start3A_118 = tpu.memref_slice %arg4[%mul3A_113] : memref<327680xi32, #tpu.memory_space<hbm>> -> memref<320xi32, #tpu.memory_space<hbm>>
    %dma_start3A_119 = tpu.memref_slice %arg4[%mul3A_113] : memref<327680xi32, #tpu.memory_space<hbm>> -> memref<320xi32, #tpu.memory_space<hbm>>
    tpu.enqueue_dma source(%dma_start3A_119 : memref<320xi32, #tpu.memory_space<hbm>>) target(%arg14 : memref<320xi32, #tpu.memory_space<vmem>>) target_semaphore(%arg25 : memref<!tpu.dma_semaphore, #tpu.memory_space<semaphore_mem>>)
    %scan3A = arith.constant 0 : i32
    %scan3A_120 = arith.constant 0 : i32
    %scan3A_121 = arith.constant 0 : i32
    %scan3A_122 = arith.constant 0 : i32
    %scan3A_123 = arith.constant 16 : i32
    %scan3A_124 = arith.addi %scan3A_122, %scan3A_123 : i32
    %scan3A_125 = arith.constant 1 : i32
    scf.for %scan3A_127 = %scan3A_122 to %scan3A_124 step %scan3A_125  : i32 {
      %mul3A_128 = arith.constant 2 : i32
      %mul3A_129 = arith.muli %mul3A_128, %scan3A_127 : i32
      %add3A_130 = arith.addi %mul3A_2, %mul3A_129 : i32
      %add3A_131 = arith.constant 1 : i32
      %add3A_132 = arith.addi %add3A_130, %add3A_131 : i32
      %mul3A_133 = arith.constant 24 : i32
      %mul3A_134 = arith.muli %add3A_132, %mul3A_133 : i32
      %mul3A_135 = arith.constant 20 : i32
      %mul3A_136 = arith.muli %add3A_132, %mul3A_135 : i32
      %mul3A_137 = arith.constant 16 : i32
      %mul3A_138 = arith.muli %mul3A_136, %mul3A_137 : i32
      %mul3A_139 = arith.constant 20 : i32
      %mul3A_140 = arith.muli %add3A_132, %mul3A_139 : i32
      %mul3A_141 = arith.constant 16 : i32
      %mul3A_142 = arith.muli %mul3A_140, %mul3A_141 : i32
      %dma_wait3A_143 = tpu.memref_slice %arg2[%mul3A_134] : memref<24576xi32, #tpu.memory_space<hbm>> -> memref<24xi32, #tpu.memory_space<hbm>>
      %dma_wait3A_144 = tpu.memref_slice %arg2[%mul3A_134] : memref<24576xi32, #tpu.memory_space<hbm>> -> memref<24xi32, #tpu.memory_space<hbm>>
      tpu.wait_dma2 semaphore(%arg25 : memref<!tpu.dma_semaphore, #tpu.memory_space<semaphore_mem>>) src(%dma_wait3A_144 : memref<24xi32, #tpu.memory_space<hbm>>) dst(%arg12 : memref<24xi32, #tpu.memory_space<vmem>>)
      %dma_wait3A_145 = tpu.memref_slice %arg3[%mul3A_138] : memref<327680xi32, #tpu.memory_space<hbm>> -> memref<320xi32, #tpu.memory_space<hbm>>
      %dma_wait3A_146 = tpu.memref_slice %arg3[%mul3A_138] : memref<327680xi32, #tpu.memory_space<hbm>> -> memref<320xi32, #tpu.memory_space<hbm>>
      tpu.wait_dma2 semaphore(%arg25 : memref<!tpu.dma_semaphore, #tpu.memory_space<semaphore_mem>>) src(%dma_wait3A_146 : memref<320xi32, #tpu.memory_space<hbm>>) dst(%arg13 : memref<320xi32, #tpu.memory_space<vmem>>)
      %dma_wait3A_147 = tpu.memref_slice %arg4[%mul3A_142] : memref<327680xi32, #tpu.memory_space<hbm>> -> memref<320xi32, #tpu.memory_space<hbm>>
      %dma_wait3A_148 = tpu.memref_slice %arg4[%mul3A_142] : memref<327680xi32, #tpu.memory_space<hbm>> -> memref<320xi32, #tpu.memory_space<hbm>>
      tpu.wait_dma2 semaphore(%arg25 : memref<!tpu.dma_semaphore, #tpu.memory_space<semaphore_mem>>) src(%dma_wait3A_148 : memref<320xi32, #tpu.memory_space<hbm>>) dst(%arg14 : memref<320xi32, #tpu.memory_space<vmem>>)
      %dma_start3A_149 = arith.constant 0 : i32
      %dma_start3A_150 = arith.constant 0 : i32
      %dma_start3A_151 = tpu.memref_slice %arg19[%dma_start3A_149, %dma_start3A_150] : memref<320x128xf32, #tpu.memory_space<vmem>> -> memref<128x128xf32, #tpu.memory_space<vmem>>
      %dma_start3A_152 = arith.constant 0 : i32
      %dma_start3A_153 = tpu.memref_slice %arg13[%dma_start3A_152] : memref<320xi32, #tpu.memory_space<vmem>> -> memref<128xi32, #tpu.memory_space<vmem>>
      %dma_start3A_154 = arith.constant 0 : i32
      %dma_start3A_155 = arith.constant 0 : i32
      %dma_start3A_156 = tpu.memref_slice %arg5[%dma_start3A_154, %dma_start3A_155] : memref<5000x128xf32, #tpu.memory_space<hbm>> -> memref<5000x128xf32, #tpu.memory_space<hbm>>
      tpu.enqueue_indirect_dma source(%dma_start3A_156 : memref<5000x128xf32, #tpu.memory_space<hbm>>) target(%dma_start3A_151 : memref<128x128xf32, #tpu.memory_space<vmem>>) offsets(%dma_start3A_153 : memref<128xi32, #tpu.memory_space<vmem>>) semaphore(%arg27 : memref<!tpu.dma_semaphore, #tpu.memory_space<semaphore_mem>>)
      %dma_start3A_157 = arith.constant 128 : i32
      %dma_start3A_158 = arith.constant 0 : i32
      %dma_start3A_159 = tpu.memref_slice %arg19[%dma_start3A_157, %dma_start3A_158] : memref<320x128xf32, #tpu.memory_space<vmem>> -> memref<128x128xf32, #tpu.memory_space<vmem>>
      %dma_start3A_160 = arith.constant 128 : i32
      %dma_start3A_161 = tpu.memref_slice %arg13[%dma_start3A_160] : memref<320xi32, #tpu.memory_space<vmem>> -> memref<128xi32, #tpu.memory_space<vmem>>
      %dma_start3A_162 = arith.constant 0 : i32
      %dma_start3A_163 = arith.constant 0 : i32
      %dma_start3A_164 = tpu.memref_slice %arg5[%dma_start3A_162, %dma_start3A_163] : memref<5000x128xf32, #tpu.memory_space<hbm>> -> memref<5000x128xf32, #tpu.memory_space<hbm>>
      tpu.enqueue_indirect_dma source(%dma_start3A_164 : memref<5000x128xf32, #tpu.memory_space<hbm>>) target(%dma_start3A_159 : memref<128x128xf32, #tpu.memory_space<vmem>>) offsets(%dma_start3A_161 : memref<128xi32, #tpu.memory_space<vmem>>) semaphore(%arg27 : memref<!tpu.dma_semaphore, #tpu.memory_space<semaphore_mem>>)
      %dma_start3A_165 = arith.constant 256 : i32
      %dma_start3A_166 = arith.constant 0 : i32
      %dma_start3A_167 = tpu.memref_slice %arg19[%dma_start3A_165, %dma_start3A_166] : memref<320x128xf32, #tpu.memory_space<vmem>> -> memref<64x128xf32, #tpu.memory_space<vmem>>
      %dma_start3A_168 = arith.constant 256 : i32
      %dma_start3A_169 = tpu.memref_slice %arg13[%dma_start3A_168] : memref<320xi32, #tpu.memory_space<vmem>> -> memref<64xi32, #tpu.memory_space<vmem>>
      %dma_start3A_170 = arith.constant 0 : i32
      %dma_start3A_171 = arith.constant 0 : i32
      %dma_start3A_172 = tpu.memref_slice %arg5[%dma_start3A_170, %dma_start3A_171] : memref<5000x128xf32, #tpu.memory_space<hbm>> -> memref<5000x128xf32, #tpu.memory_space<hbm>>
      tpu.enqueue_indirect_dma source(%dma_start3A_172 : memref<5000x128xf32, #tpu.memory_space<hbm>>) target(%dma_start3A_167 : memref<64x128xf32, #tpu.memory_space<vmem>>) offsets(%dma_start3A_169 : memref<64xi32, #tpu.memory_space<vmem>>) semaphore(%arg27 : memref<!tpu.dma_semaphore, #tpu.memory_space<semaphore_mem>>)
      %dma_start3A_173 = arith.constant 0 : i32
      %dma_start3A_174 = tpu.memref_slice %arg21[%dma_start3A_173] : memref<384xf32, #tpu.memory_space<vmem>> -> memref<128xf32, #tpu.memory_space<vmem>>
      %dma_start3A_175 = arith.constant 0 : i32
      %dma_start3A_176 = tpu.memref_slice %arg14[%dma_start3A_175] : memref<320xi32, #tpu.memory_space<vmem>> -> memref<128xi32, #tpu.memory_space<vmem>>
      %dma_start3A_177 = arith.constant 0 : i32
      %dma_start3A_178 = tpu.memref_slice %arg6[%scan3A_120, %dma_start3A_177] : memref<1x24995001xf32, #tpu.memory_space<hbm>> -> memref<1x24995001xf32, #tpu.memory_space<hbm>>
      %dma_start3A_179 = tpu.memref_squeeze %dma_start3A_178 : memref<1x24995001xf32, #tpu.memory_space<hbm>> -> memref<24995001xf32, #tpu.memory_space<hbm>>
      %dma_start3A_180 = arith.constant 0 : i32
      %dma_start3A_181 = tpu.memref_slice %dma_start3A_179[%dma_start3A_180] : memref<24995001xf32, #tpu.memory_space<hbm>> -> memref<24995001xf32, #tpu.memory_space<hbm>>
      tpu.enqueue_indirect_dma source(%dma_start3A_181 : memref<24995001xf32, #tpu.memory_space<hbm>>) target(%dma_start3A_174 : memref<128xf32, #tpu.memory_space<vmem>>) offsets(%dma_start3A_176 : memref<128xi32, #tpu.memory_space<vmem>>) semaphore(%arg27 : memref<!tpu.dma_semaphore, #tpu.memory_space<semaphore_mem>>)
      %dma_start3A_182 = arith.constant 128 : i32
      %dma_start3A_183 = tpu.memref_slice %arg21[%dma_start3A_182] : memref<384xf32, #tpu.memory_space<vmem>> -> memref<128xf32, #tpu.memory_space<vmem>>
      %dma_start3A_184 = arith.constant 128 : i32
      %dma_start3A_185 = tpu.memref_slice %arg14[%dma_start3A_184] : memref<320xi32, #tpu.memory_space<vmem>> -> memref<128xi32, #tpu.memory_space<vmem>>
      %dma_start3A_186 = arith.constant 0 : i32
      %dma_start3A_187 = tpu.memref_slice %arg6[%scan3A_120, %dma_start3A_186] : memref<1x24995001xf32, #tpu.memory_space<hbm>> -> memref<1x24995001xf32, #tpu.memory_space<hbm>>
      %dma_start3A_188 = tpu.memref_squeeze %dma_start3A_187 : memref<1x24995001xf32, #tpu.memory_space<hbm>> -> memref<24995001xf32, #tpu.memory_space<hbm>>
      %dma_start3A_189 = arith.constant 0 : i32
      %dma_start3A_190 = tpu.memref_slice %dma_start3A_188[%dma_start3A_189] : memref<24995001xf32, #tpu.memory_space<hbm>> -> memref<24995001xf32, #tpu.memory_space<hbm>>
      tpu.enqueue_indirect_dma source(%dma_start3A_190 : memref<24995001xf32, #tpu.memory_space<hbm>>) target(%dma_start3A_183 : memref<128xf32, #tpu.memory_space<vmem>>) offsets(%dma_start3A_185 : memref<128xi32, #tpu.memory_space<vmem>>) semaphore(%arg27 : memref<!tpu.dma_semaphore, #tpu.memory_space<semaphore_mem>>)
      %dma_start3A_191 = arith.constant 256 : i32
      %dma_start3A_192 = tpu.memref_slice %arg21[%dma_start3A_191] : memref<384xf32, #tpu.memory_space<vmem>> -> memref<64xf32, #tpu.memory_space<vmem>>
      %dma_start3A_193 = arith.constant 256 : i32
      %dma_start3A_194 = tpu.memref_slice %arg14[%dma_start3A_193] : memref<320xi32, #tpu.memory_space<vmem>> -> memref<64xi32, #tpu.memory_space<vmem>>
      %dma_start3A_195 = arith.constant 0 : i32
      %dma_start3A_196 = tpu.memref_slice %arg6[%scan3A_120, %dma_start3A_195] : memref<1x24995001xf32, #tpu.memory_space<hbm>> -> memref<1x24995001xf32, #tpu.memory_space<hbm>>
      %dma_start3A_197 = tpu.memref_squeeze %dma_start3A_196 : memref<1x24995001xf32, #tpu.memory_space<hbm>> -> memref<24995001xf32, #tpu.memory_space<hbm>>
      %dma_start3A_198 = arith.constant 0 : i32
      %dma_start3A_199 = tpu.memref_slice %dma_start3A_197[%dma_start3A_198] : memref<24995001xf32, #tpu.memory_space<hbm>> -> memref<24995001xf32, #tpu.memory_space<hbm>>
      tpu.enqueue_indirect_dma source(%dma_start3A_199 : memref<24995001xf32, #tpu.memory_space<hbm>>) target(%dma_start3A_192 : memref<64xf32, #tpu.memory_space<vmem>>) offsets(%dma_start3A_194 : memref<64xi32, #tpu.memory_space<vmem>>) semaphore(%arg27 : memref<!tpu.dma_semaphore, #tpu.memory_space<semaphore_mem>>)
      %dma_start3A_200 = arith.constant 0 : i32
      %dma_start3A_201 = tpu.memref_slice %arg12[%dma_start3A_200] : memref<24xi32, #tpu.memory_space<vmem>> -> memref<20xi32, #tpu.memory_space<vmem>>
      %dma_start3A_202 = arith.constant 0 : i32
      %dma_start3A_203 = arith.constant 0 : i32
      %dma_start3A_204 = tpu.memref_slice %arg5[%dma_start3A_202, %dma_start3A_203] : memref<5000x128xf32, #tpu.memory_space<hbm>> -> memref<5000x128xf32, #tpu.memory_space<hbm>>
      tpu.enqueue_indirect_dma source(%dma_start3A_204 : memref<5000x128xf32, #tpu.memory_space<hbm>>) target(%arg20 : memref<20x128xf32, #tpu.memory_space<vmem>>) offsets(%dma_start3A_201 : memref<20xi32, #tpu.memory_space<vmem>>) semaphore(%arg27 : memref<!tpu.dma_semaphore, #tpu.memory_space<semaphore_mem>>)
      %dma_start3A_205 = arith.constant 0 : i32
      %dma_start3A_206 = tpu.memref_slice %arg22[%dma_start3A_205] : memref<128xf32, #tpu.memory_space<vmem>> -> memref<20xf32, #tpu.memory_space<vmem>>
      %dma_start3A_207 = arith.constant 0 : i32
      %dma_start3A_208 = tpu.memref_slice %arg12[%dma_start3A_207] : memref<24xi32, #tpu.memory_space<vmem>> -> memref<20xi32, #tpu.memory_space<vmem>>
      %dma_start3A_209 = arith.constant 0 : i32
      %dma_start3A_210 = tpu.memref_slice %arg7[%scan3A_121, %dma_start3A_209] : memref<1x5000xf32, #tpu.memory_space<hbm>> -> memref<1x5000xf32, #tpu.memory_space<hbm>>
      %dma_start3A_211 = tpu.memref_squeeze %dma_start3A_210 : memref<1x5000xf32, #tpu.memory_space<hbm>> -> memref<5000xf32, #tpu.memory_space<hbm>>
      %dma_start3A_212 = arith.constant 0 : i32
      %dma_start3A_213 = tpu.memref_slice %dma_start3A_211[%dma_start3A_212] : memref<5000xf32, #tpu.memory_space<hbm>> -> memref<5000xf32, #tpu.memory_space<hbm>>
      tpu.enqueue_indirect_dma source(%dma_start3A_213 : memref<5000xf32, #tpu.memory_space<hbm>>) target(%dma_start3A_206 : memref<20xf32, #tpu.memory_space<vmem>>) offsets(%dma_start3A_208 : memref<20xi32, #tpu.memory_space<vmem>>) semaphore(%arg27 : memref<!tpu.dma_semaphore, #tpu.memory_space<semaphore_mem>>)
      %dma_wait3A_214 = arith.constant 0 : i32
      %dma_wait3A_215 = arith.constant 0 : i32
      %dma_wait3A_216 = tpu.memref_slice %arg15[%dma_wait3A_214, %dma_wait3A_215] : memref<320x128xf32, #tpu.memory_space<vmem>> -> memref<128x128xf32, #tpu.memory_space<vmem>>
      %dma_wait3A_217 = arith.constant 0 : i32
      %dma_wait3A_218 = tpu.memref_slice %arg10[%dma_wait3A_217] : memref<320xi32, #tpu.memory_space<vmem>> -> memref<128xi32, #tpu.memory_space<vmem>>
      %dma_wait3A_219 = arith.constant 0 : i32
      %dma_wait3A_220 = arith.constant 0 : i32
      %dma_wait3A_221 = tpu.memref_slice %arg5[%dma_wait3A_219, %dma_wait3A_220] : memref<5000x128xf32, #tpu.memory_space<hbm>> -> memref<5000x128xf32, #tpu.memory_space<hbm>>
      tpu.wait_indirect_dma semaphore(%arg26 : memref<!tpu.dma_semaphore, #tpu.memory_space<semaphore_mem>>) src(%dma_wait3A_221 : memref<5000x128xf32, #tpu.memory_space<hbm>>) dst(%dma_wait3A_216 : memref<128x128xf32, #tpu.memory_space<vmem>>)
      %dma_wait3A_222 = arith.constant 128 : i32
      %dma_wait3A_223 = arith.constant 0 : i32
      %dma_wait3A_224 = tpu.memref_slice %arg15[%dma_wait3A_222, %dma_wait3A_223] : memref<320x128xf32, #tpu.memory_space<vmem>> -> memref<128x128xf32, #tpu.memory_space<vmem>>
      %dma_wait3A_225 = arith.constant 128 : i32
      %dma_wait3A_226 = tpu.memref_slice %arg10[%dma_wait3A_225] : memref<320xi32, #tpu.memory_space<vmem>> -> memref<128xi32, #tpu.memory_space<vmem>>
      %dma_wait3A_227 = arith.constant 0 : i32
      %dma_wait3A_228 = arith.constant 0 : i32
      %dma_wait3A_229 = tpu.memref_slice %arg5[%dma_wait3A_227, %dma_wait3A_228] : memref<5000x128xf32, #tpu.memory_space<hbm>> -> memref<5000x128xf32, #tpu.memory_space<hbm>>
      tpu.wait_indirect_dma semaphore(%arg26 : memref<!tpu.dma_semaphore, #tpu.memory_space<semaphore_mem>>) src(%dma_wait3A_229 : memref<5000x128xf32, #tpu.memory_space<hbm>>) dst(%dma_wait3A_224 : memref<128x128xf32, #tpu.memory_space<vmem>>)
      %dma_wait3A_230 = arith.constant 256 : i32
      %dma_wait3A_231 = arith.constant 0 : i32
      %dma_wait3A_232 = tpu.memref_slice %arg15[%dma_wait3A_230, %dma_wait3A_231] : memref<320x128xf32, #tpu.memory_space<vmem>> -> memref<64x128xf32, #tpu.memory_space<vmem>>
      %dma_wait3A_233 = arith.constant 256 : i32
      %dma_wait3A_234 = tpu.memref_slice %arg10[%dma_wait3A_233] : memref<320xi32, #tpu.memory_space<vmem>> -> memref<64xi32, #tpu.memory_space<vmem>>
      %dma_wait3A_235 = arith.constant 0 : i32
      %dma_wait3A_236 = arith.constant 0 : i32
      %dma_wait3A_237 = tpu.memref_slice %arg5[%dma_wait3A_235, %dma_wait3A_236] : memref<5000x128xf32, #tpu.memory_space<hbm>> -> memref<5000x128xf32, #tpu.memory_space<hbm>>
      tpu.wait_indirect_dma semaphore(%arg26 : memref<!tpu.dma_semaphore, #tpu.memory_space<semaphore_mem>>) src(%dma_wait3A_237 : memref<5000x128xf32, #tpu.memory_space<hbm>>) dst(%dma_wait3A_232 : memref<64x128xf32, #tpu.memory_space<vmem>>)
      %dma_wait3A_238 = arith.constant 0 : i32
      %dma_wait3A_239 = tpu.memref_slice %arg17[%dma_wait3A_238] : memref<384xf32, #tpu.memory_space<vmem>> -> memref<128xf32, #tpu.memory_space<vmem>>
      %dma_wait3A_240 = arith.constant 0 : i32
      %dma_wait3A_241 = tpu.memref_slice %arg11[%dma_wait3A_240] : memref<320xi32, #tpu.memory_space<vmem>> -> memref<128xi32, #tpu.memory_space<vmem>>
      %dma_wait3A_242 = arith.constant 0 : i32
      %dma_wait3A_243 = tpu.memref_slice %arg6[%scan3A_120, %dma_wait3A_242] : memref<1x24995001xf32, #tpu.memory_space<hbm>> -> memref<1x24995001xf32, #tpu.memory_space<hbm>>
      %dma_wait3A_244 = tpu.memref_squeeze %dma_wait3A_243 : memref<1x24995001xf32, #tpu.memory_space<hbm>> -> memref<24995001xf32, #tpu.memory_space<hbm>>
      %dma_wait3A_245 = arith.constant 0 : i32
      %dma_wait3A_246 = tpu.memref_slice %dma_wait3A_244[%dma_wait3A_245] : memref<24995001xf32, #tpu.memory_space<hbm>> -> memref<24995001xf32, #tpu.memory_space<hbm>>
      tpu.wait_indirect_dma semaphore(%arg26 : memref<!tpu.dma_semaphore, #tpu.memory_space<semaphore_mem>>) src(%dma_wait3A_246 : memref<24995001xf32, #tpu.memory_space<hbm>>) dst(%dma_wait3A_239 : memref<128xf32, #tpu.memory_space<vmem>>)
      %dma_wait3A_247 = arith.constant 128 : i32
      %dma_wait3A_248 = tpu.memref_slice %arg17[%dma_wait3A_247] : memref<384xf32, #tpu.memory_space<vmem>> -> memref<128xf32, #tpu.memory_space<vmem>>
      %dma_wait3A_249 = arith.constant 128 : i32
      %dma_wait3A_250 = tpu.memref_slice %arg11[%dma_wait3A_249] : memref<320xi32, #tpu.memory_space<vmem>> -> memref<128xi32, #tpu.memory_space<vmem>>
      %dma_wait3A_251 = arith.constant 0 : i32
      %dma_wait3A_252 = tpu.memref_slice %arg6[%scan3A_120, %dma_wait3A_251] : memref<1x24995001xf32, #tpu.memory_space<hbm>> -> memref<1x24995001xf32, #tpu.memory_space<hbm>>
      %dma_wait3A_253 = tpu.memref_squeeze %dma_wait3A_252 : memref<1x24995001xf32, #tpu.memory_space<hbm>> -> memref<24995001xf32, #tpu.memory_space<hbm>>
      %dma_wait3A_254 = arith.constant 0 : i32
      %dma_wait3A_255 = tpu.memref_slice %dma_wait3A_253[%dma_wait3A_254] : memref<24995001xf32, #tpu.memory_space<hbm>> -> memref<24995001xf32, #tpu.memory_space<hbm>>
      tpu.wait_indirect_dma semaphore(%arg26 : memref<!tpu.dma_semaphore, #tpu.memory_space<semaphore_mem>>) src(%dma_wait3A_255 : memref<24995001xf32, #tpu.memory_space<hbm>>) dst(%dma_wait3A_248 : memref<128xf32, #tpu.memory_space<vmem>>)
      %dma_wait3A_256 = arith.constant 256 : i32
      %dma_wait3A_257 = tpu.memref_slice %arg17[%dma_wait3A_256] : memref<384xf32, #tpu.memory_space<vmem>> -> memref<64xf32, #tpu.memory_space<vmem>>
      %dma_wait3A_258 = arith.constant 256 : i32
      %dma_wait3A_259 = tpu.memref_slice %arg11[%dma_wait3A_258] : memref<320xi32, #tpu.memory_space<vmem>> -> memref<64xi32, #tpu.memory_space<vmem>>
      %dma_wait3A_260 = arith.constant 0 : i32
      %dma_wait3A_261 = tpu.memref_slice %arg6[%scan3A_120, %dma_wait3A_260] : memref<1x24995001xf32, #tpu.memory_space<hbm>> -> memref<1x24995001xf32, #tpu.memory_space<hbm>>
      %dma_wait3A_262 = tpu.memref_squeeze %dma_wait3A_261 : memref<1x24995001xf32, #tpu.memory_space<hbm>> -> memref<24995001xf32, #tpu.memory_space<hbm>>
      %dma_wait3A_263 = arith.constant 0 : i32
      %dma_wait3A_264 = tpu.memref_slice %dma_wait3A_262[%dma_wait3A_263] : memref<24995001xf32, #tpu.memory_space<hbm>> -> memref<24995001xf32, #tpu.memory_space<hbm>>
      tpu.wait_indirect_dma semaphore(%arg26 : memref<!tpu.dma_semaphore, #tpu.memory_space<semaphore_mem>>) src(%dma_wait3A_264 : memref<24995001xf32, #tpu.memory_space<hbm>>) dst(%dma_wait3A_257 : memref<64xf32, #tpu.memory_space<vmem>>)
      %dma_wait3A_265 = arith.constant 0 : i32
      %dma_wait3A_266 = tpu.memref_slice %arg9[%dma_wait3A_265] : memref<24xi32, #tpu.memory_space<vmem>> -> memref<20xi32, #tpu.memory_space<vmem>>
      %dma_wait3A_267 = arith.constant 0 : i32
      %dma_wait3A_268 = arith.constant 0 : i32
      %dma_wait3A_269 = tpu.memref_slice %arg5[%dma_wait3A_267, %dma_wait3A_268] : memref<5000x128xf32, #tpu.memory_space<hbm>> -> memref<5000x128xf32, #tpu.memory_space<hbm>>
      tpu.wait_indirect_dma semaphore(%arg26 : memref<!tpu.dma_semaphore, #tpu.memory_space<semaphore_mem>>) src(%dma_wait3A_269 : memref<5000x128xf32, #tpu.memory_space<hbm>>) dst(%arg16 : memref<20x128xf32, #tpu.memory_space<vmem>>)
      %dma_wait3A_270 = arith.constant 0 : i32
      %dma_wait3A_271 = tpu.memref_slice %arg18[%dma_wait3A_270] : memref<128xf32, #tpu.memory_space<vmem>> -> memref<20xf32, #tpu.memory_space<vmem>>
      %dma_wait3A_272 = arith.constant 0 : i32
      %dma_wait3A_273 = tpu.memref_slice %arg9[%dma_wait3A_272] : memref<24xi32, #tpu.memory_space<vmem>> -> memref<20xi32, #tpu.memory_space<vmem>>
      %dma_wait3A_274 = arith.constant 0 : i32
      %dma_wait3A_275 = tpu.memref_slice %arg7[%scan3A_121, %dma_wait3A_274] : memref<1x5000xf32, #tpu.memory_space<hbm>> -> memref<1x5000xf32, #tpu.memory_space<hbm>>
      %dma_wait3A_276 = tpu.memref_squeeze %dma_wait3A_275 : memref<1x5000xf32, #tpu.memory_space<hbm>> -> memref<5000xf32, #tpu.memory_space<hbm>>
      %dma_wait3A_277 = arith.constant 0 : i32
      %dma_wait3A_278 = tpu.memref_slice %dma_wait3A_276[%dma_wait3A_277] : memref<5000xf32, #tpu.memory_space<hbm>> -> memref<5000xf32, #tpu.memory_space<hbm>>
      tpu.wait_indirect_dma semaphore(%arg26 : memref<!tpu.dma_semaphore, #tpu.memory_space<semaphore_mem>>) src(%dma_wait3A_278 : memref<5000xf32, #tpu.memory_space<hbm>>) dst(%dma_wait3A_271 : memref<20xf32, #tpu.memory_space<vmem>>)
      %lt3A = arith.constant 15 : i32
      %lt3A_279 = arith.cmpi slt, %scan3A_127, %lt3A : i32
      %convert_element_type3A = arith.extui %lt3A_279 : i1 to i32
      %cond3A = arith.constant 0 : i32
      %cond3A_280 = arith.cmpi ne, %convert_element_type3A, %cond3A : i32
      scf.if %cond3A_280 {
        %add3A_461 = arith.constant 2 : i32
        %add3A_462 = arith.addi %add3A_130, %add3A_461 : i32
        %mul3A_463 = arith.constant 24 : i32
        %mul3A_464 = arith.muli %add3A_462, %mul3A_463 : i32
        %mul3A_465 = arith.constant 20 : i32
        %mul3A_466 = arith.muli %add3A_462, %mul3A_465 : i32
        %mul3A_467 = arith.constant 16 : i32
        %mul3A_468 = arith.muli %mul3A_466, %mul3A_467 : i32
        %mul3A_469 = arith.constant 20 : i32
        %mul3A_470 = arith.muli %add3A_462, %mul3A_469 : i32
        %mul3A_471 = arith.constant 16 : i32
        %mul3A_472 = arith.muli %mul3A_470, %mul3A_471 : i32
        %dma_start3A_473 = tpu.memref_slice %arg2[%mul3A_464] : memref<24576xi32, #tpu.memory_space<hbm>> -> memref<24xi32, #tpu.memory_space<hbm>>
        %dma_start3A_474 = tpu.memref_slice %arg2[%mul3A_464] : memref<24576xi32, #tpu.memory_space<hbm>> -> memref<24xi32, #tpu.memory_space<hbm>>
        tpu.enqueue_dma source(%dma_start3A_474 : memref<24xi32, #tpu.memory_space<hbm>>) target(%arg9 : memref<24xi32, #tpu.memory_space<vmem>>) target_semaphore(%arg24 : memref<!tpu.dma_semaphore, #tpu.memory_space<semaphore_mem>>)
        %dma_start3A_475 = tpu.memref_slice %arg3[%mul3A_468] : memref<327680xi32, #tpu.memory_space<hbm>> -> memref<320xi32, #tpu.memory_space<hbm>>
        %dma_start3A_476 = tpu.memref_slice %arg3[%mul3A_468] : memref<327680xi32, #tpu.memory_space<hbm>> -> memref<320xi32, #tpu.memory_space<hbm>>
        tpu.enqueue_dma source(%dma_start3A_476 : memref<320xi32, #tpu.memory_space<hbm>>) target(%arg10 : memref<320xi32, #tpu.memory_space<vmem>>) target_semaphore(%arg24 : memref<!tpu.dma_semaphore, #tpu.memory_space<semaphore_mem>>)
        %dma_start3A_477 = tpu.memref_slice %arg4[%mul3A_472] : memref<327680xi32, #tpu.memory_space<hbm>> -> memref<320xi32, #tpu.memory_space<hbm>>
        %dma_start3A_478 = tpu.memref_slice %arg4[%mul3A_472] : memref<327680xi32, #tpu.memory_space<hbm>> -> memref<320xi32, #tpu.memory_space<hbm>>
        tpu.enqueue_dma source(%dma_start3A_478 : memref<320xi32, #tpu.memory_space<hbm>>) target(%arg11 : memref<320xi32, #tpu.memory_space<vmem>>) target_semaphore(%arg24 : memref<!tpu.dma_semaphore, #tpu.memory_space<semaphore_mem>>)
      } else {
      }
      %broadcast_in_dim3A = arith.constant 0.000000e+00 : f32
      %broadcast_in_dim3A_281 = vector.broadcast %broadcast_in_dim3A : f32 to vector<16xf32>
      %broadcast_in_dim3A_282 = arith.constant 0.000000e+00 : f32
      %broadcast_in_dim3A_283 = vector.broadcast %broadcast_in_dim3A_282 : f32 to vector<16xf32>
      %broadcast_in_dim3A_284 = arith.constant 0.000000e+00 : f32
      %broadcast_in_dim3A_285 = vector.broadcast %broadcast_in_dim3A_284 : f32 to vector<16xf32>
      %broadcast_in_dim3A_286 = arith.constant 0.000000e+00 : f32
      %broadcast_in_dim3A_287 = vector.broadcast %broadcast_in_dim3A_286 : f32 to vector<16xf32>
      %broadcast_in_dim3A_288 = arith.constant 0.000000e+00 : f32
      %broadcast_in_dim3A_289 = vector.broadcast %broadcast_in_dim3A_288 : f32 to vector<16xf32>
      %broadcast_in_dim3A_290 = arith.constant 0.000000e+00 : f32
      %broadcast_in_dim3A_291 = vector.broadcast %broadcast_in_dim3A_290 : f32 to vector<16xf32>
      %broadcast_in_dim3A_292 = arith.constant 0.000000e+00 : f32
      %broadcast_in_dim3A_293 = vector.broadcast %broadcast_in_dim3A_292 : f32 to vector<16xf32>
      %broadcast_in_dim3A_294 = arith.constant 0.000000e+00 : f32
      %broadcast_in_dim3A_295 = vector.broadcast %broadcast_in_dim3A_294 : f32 to vector<16xf32>
      %scan3A_296 = arith.constant 0 : i32
      %scan3A_297 = arith.constant 20 : i32
      %scan3A_298 = arith.addi %scan3A_296, %scan3A_297 : i32
      %scan3A_299 = arith.constant 1 : i32
      %scan3A_300:8 = scf.for %scan3A_461 = %scan3A_296 to %scan3A_298 step %scan3A_299 iter_args(%scan3A_462 = %broadcast_in_dim3A_281, %scan3A_463 = %broadcast_in_dim3A_283, %scan3A_464 = %broadcast_in_dim3A_285, %scan3A_465 = %broadcast_in_dim3A_287, %scan3A_466 = %broadcast_in_dim3A_289, %scan3A_467 = %broadcast_in_dim3A_291, %scan3A_468 = %broadcast_in_dim3A_293, %scan3A_469 = %broadcast_in_dim3A_295) -> (vector<16xf32>, vector<16xf32>, vector<16xf32>, vector<16xf32>, vector<16xf32>, vector<16xf32>, vector<16xf32>, vector<16xf32>)  : i32 {
        %mul3A_470 = arith.constant 16 : i32
        %mul3A_471 = arith.muli %scan3A_461, %mul3A_470 : i32
        %get3A = arith.index_cast %mul3A_471 : i32 to index
        %get3A_472 = tpu.vector_load %arg17[%get3A] {strides = array<i32>} : memref<384xf32, #tpu.memory_space<vmem>>, vector<16xf32>,
        %get3A_473 = vector.shape_cast %get3A_472 : vector<16xf32> to vector<16xf32>
        %get3A_474 = arith.index_cast %scan3A_461 : i32 to index
        %get3A_475 = tpu.vector_load %arg18[%get3A_474] {strides = array<i32>} : memref<128xf32, #tpu.memory_space<vmem>>, vector<16xf32>,
        %get3A_476 = vector.shape_cast %get3A_475 : vector<16xf32> to vector<16xf32>
        %broadcast_in_dim3A_477 = arith.constant 0 : i32
        %broadcast_in_dim3A_478 = vector.broadcast %broadcast_in_dim3A_477 : i32 to vector<16xi32>
        %reshape3A = vector.shape_cast %broadcast_in_dim3A_478 : vector<16xi32> to vector<16x1xi32>
        %gather3A = vector.shape_cast %reshape3A : vector<16x1xi32> to vector<16xi32>
        %gather3A_479 = tpu.dynamic_gather %get3A_476[%gather3A] in [0] : vector<16xf32>, vector<16xi32> -> vector<16xf32>
        %broadcast_in_dim3A_480 = arith.constant 0 : i32
        %broadcast_in_dim3A_481 = vector.broadcast %broadcast_in_dim3A_480 : i32 to vector<16xi32>
        %reshape3A_482 = vector.shape_cast %broadcast_in_dim3A_481 : vector<16xi32> to vector<16x1xi32>
        %gather3A_483 = vector.shape_cast %reshape3A_482 : vector<16x1xi32> to vector<16xi32>
        %gather3A_484 = tpu.dynamic_gather %get3A_473[%gather3A_483] in [0] : vector<16xf32>, vector<16xi32> -> vector<16xf32>
        %get3A_485 = arith.index_cast %mul3A_471 : i32 to index
        %get3A_486 = arith.constant 0 : index
        %get3A_487 = tpu.vector_load %arg15[%get3A_485, %get3A_486] {strides = array<i32>} : memref<320x128xf32, #tpu.memory_space<vmem>>, vector<1x16xf32>,
        %get3A_488 = vector.shape_cast %get3A_487 : vector<1x16xf32> to vector<16xf32>
        %mul3A_489 = arith.mulf %gather3A_484, %get3A_488 : vector<16xf32>
        %get3A_490 = arith.index_cast %mul3A_471 : i32 to index
        %get3A_491 = arith.constant 16 : index
        %get3A_492 = tpu.vector_load %arg15[%get3A_490, %get3A_491] {strides = array<i32>} : memref<320x128xf32, #tpu.memory_space<vmem>>, vector<1x16xf32>,
        %get3A_493 = vector.shape_cast %get3A_492 : vector<1x16xf32> to vector<16xf32>
        %mul3A_494 = arith.mulf %gather3A_484, %get3A_493 : vector<16xf32>
        %get3A_495 = arith.index_cast %mul3A_471 : i32 to index
        %get3A_496 = arith.constant 32 : index
        %get3A_497 = tpu.vector_load %arg15[%get3A_495, %get3A_496] {strides = array<i32>} : memref<320x128xf32, #tpu.memory_space<vmem>>, vector<1x16xf32>,
        %get3A_498 = vector.shape_cast %get3A_497 : vector<1x16xf32> to vector<16xf32>
        %mul3A_499 = arith.mulf %gather3A_484, %get3A_498 : vector<16xf32>
        %get3A_500 = arith.index_cast %mul3A_471 : i32 to index
        %get3A_501 = arith.constant 48 : index
        %get3A_502 = tpu.vector_load %arg15[%get3A_500, %get3A_501] {strides = array<i32>} : memref<320x128xf32, #tpu.memory_space<vmem>>, vector<1x16xf32>,
        %get3A_503 = vector.shape_cast %get3A_502 : vector<1x16xf32> to vector<16xf32>
        %mul3A_504 = arith.mulf %gather3A_484, %get3A_503 : vector<16xf32>
        %get3A_505 = arith.index_cast %mul3A_471 : i32 to index
        %get3A_506 = arith.constant 64 : index
        %get3A_507 = tpu.vector_load %arg15[%get3A_505, %get3A_506] {strides = array<i32>} : memref<320x128xf32, #tpu.memory_space<vmem>>, vector<1x16xf32>,
        %get3A_508 = vector.shape_cast %get3A_507 : vector<1x16xf32> to vector<16xf32>
        %mul3A_509 = arith.mulf %gather3A_484, %get3A_508 : vector<16xf32>
        %get3A_510 = arith.index_cast %mul3A_471 : i32 to index
        %get3A_511 = arith.constant 80 : index
        %get3A_512 = tpu.vector_load %arg15[%get3A_510, %get3A_511] {strides = array<i32>} : memref<320x128xf32, #tpu.memory_space<vmem>>, vector<1x16xf32>,
        %get3A_513 = vector.shape_cast %get3A_512 : vector<1x16xf32> to vector<16xf32>
        %mul3A_514 = arith.mulf %gather3A_484, %get3A_513 : vector<16xf32>
        %get3A_515 = arith.index_cast %mul3A_471 : i32 to index
        %get3A_516 = arith.constant 96 : index
        %get3A_517 = tpu.vector_load %arg15[%get3A_515, %get3A_516] {strides = array<i32>} : memref<320x128xf32, #tpu.memory_space<vmem>>, vector<1x16xf32>,
        %get3A_518 = vector.shape_cast %get3A_517 : vector<1x16xf32> to vector<16xf32>
        %mul3A_519 = arith.mulf %gather3A_484, %get3A_518 : vector<16xf32>
        %get3A_520 = arith.index_cast %mul3A_471 : i32 to index
        %get3A_521 = arith.constant 112 : index
        %get3A_522 = tpu.vector_load %arg15[%get3A_520, %get3A_521] {strides = array<i32>} : memref<320x128xf32, #tpu.memory_space<vmem>>, vector<1x16xf32>,
        %get3A_523 = vector.shape_cast %get3A_522 : vector<1x16xf32> to vector<16xf32>
        %mul3A_524 = arith.mulf %gather3A_484, %get3A_523 : vector<16xf32>
        %broadcast_in_dim3A_525 = arith.constant 1 : i32
        %broadcast_in_dim3A_526 = vector.broadcast %broadcast_in_dim3A_525 : i32 to vector<16xi32>
        %reshape3A_527 = vector.shape_cast %broadcast_in_dim3A_526 : vector<16xi32> to vector<16x1xi32>
        %gather3A_528 = vector.shape_cast %reshape3A_527 : vector<16x1xi32> to vector<16xi32>
        %gather3A_529 = tpu.dynamic_gather %get3A_473[%gather3A_528] in [0] : vector<16xf32>, vector<16xi32> -> vector<16xf32>
        %add3A_530 = arith.constant 1 : i32
        %add3A_531 = arith.addi %mul3A_471, %add3A_530 : i32
        %get3A_532 = arith.index_cast %add3A_531 : i32 to index
        %get3A_533 = arith.constant 0 : index
        %get3A_534 = tpu.vector_load %arg15[%get3A_532, %get3A_533] {strides = array<i32>} : memref<320x128xf32, #tpu.memory_space<vmem>>, vector<1x16xf32>,
        %get3A_535 = vector.shape_cast %get3A_534 : vector<1x16xf32> to vector<16xf32>
        %mul3A_536 = arith.mulf %gather3A_529, %get3A_535 : vector<16xf32>
        %max3A = arith.maximumf %mul3A_489, %mul3A_536 : vector<16xf32>
        %add3A_537 = arith.constant 1 : i32
        %add3A_538 = arith.addi %mul3A_471, %add3A_537 : i32
        %get3A_539 = arith.index_cast %add3A_538 : i32 to index
        %get3A_540 = arith.constant 16 : index
        %get3A_541 = tpu.vector_load %arg15[%get3A_539, %get3A_540] {strides = array<i32>} : memref<320x128xf32, #tpu.memory_space<vmem>>, vector<1x16xf32>,
        %get3A_542 = vector.shape_cast %get3A_541 : vector<1x16xf32> to vector<16xf32>
        %mul3A_543 = arith.mulf %gather3A_529, %get3A_542 : vector<16xf32>
        %max3A_544 = arith.maximumf %mul3A_494, %mul3A_543 : vector<16xf32>
        %add3A_545 = arith.constant 1 : i32
        %add3A_546 = arith.addi %mul3A_471, %add3A_545 : i32
        %get3A_547 = arith.index_cast %add3A_546 : i32 to index
        %get3A_548 = arith.constant 32 : index
        %get3A_549 = tpu.vector_load %arg15[%get3A_547, %get3A_548] {strides = array<i32>} : memref<320x128xf32, #tpu.memory_space<vmem>>, vector<1x16xf32>,
        %get3A_550 = vector.shape_cast %get3A_549 : vector<1x16xf32> to vector<16xf32>
        %mul3A_551 = arith.mulf %gather3A_529, %get3A_550 : vector<16xf32>
        %max3A_552 = arith.maximumf %mul3A_499, %mul3A_551 : vector<16xf32>
        %add3A_553 = arith.constant 1 : i32
        %add3A_554 = arith.addi %mul3A_471, %add3A_553 : i32
        %get3A_555 = arith.index_cast %add3A_554 : i32 to index
        %get3A_556 = arith.constant 48 : index
        %get3A_557 = tpu.vector_load %arg15[%get3A_555, %get3A_556] {strides = array<i32>} : memref<320x128xf32, #tpu.memory_space<vmem>>, vector<1x16xf32>,
        %get3A_558 = vector.shape_cast %get3A_557 : vector<1x16xf32> to vector<16xf32>
        %mul3A_559 = arith.mulf %gather3A_529, %get3A_558 : vector<16xf32>
        %max3A_560 = arith.maximumf %mul3A_504, %mul3A_559 : vector<16xf32>
        %add3A_561 = arith.constant 1 : i32
        %add3A_562 = arith.addi %mul3A_471, %add3A_561 : i32
        %get3A_563 = arith.index_cast %add3A_562 : i32 to index
        %get3A_564 = arith.constant 64 : index
        %get3A_565 = tpu.vector_load %arg15[%get3A_563, %get3A_564] {strides = array<i32>} : memref<320x128xf32, #tpu.memory_space<vmem>>, vector<1x16xf32>,
        %get3A_566 = vector.shape_cast %get3A_565 : vector<1x16xf32> to vector<16xf32>
        %mul3A_567 = arith.mulf %gather3A_529, %get3A_566 : vector<16xf32>
        %max3A_568 = arith.maximumf %mul3A_509, %mul3A_567 : vector<16xf32>
        %add3A_569 = arith.constant 1 : i32
        %add3A_570 = arith.addi %mul3A_471, %add3A_569 : i32
        %get3A_571 = arith.index_cast %add3A_570 : i32 to index
        %get3A_572 = arith.constant 80 : index
        %get3A_573 = tpu.vector_load %arg15[%get3A_571, %get3A_572] {strides = array<i32>} : memref<320x128xf32, #tpu.memory_space<vmem>>, vector<1x16xf32>,
        %get3A_574 = vector.shape_cast %get3A_573 : vector<1x16xf32> to vector<16xf32>
        %mul3A_575 = arith.mulf %gather3A_529, %get3A_574 : vector<16xf32>
        %max3A_576 = arith.maximumf %mul3A_514, %mul3A_575 : vector<16xf32>
        %add3A_577 = arith.constant 1 : i32
        %add3A_578 = arith.addi %mul3A_471, %add3A_577 : i32
        %get3A_579 = arith.index_cast %add3A_578 : i32 to index
        %get3A_580 = arith.constant 96 : index
        %get3A_581 = tpu.vector_load %arg15[%get3A_579, %get3A_580] {strides = array<i32>} : memref<320x128xf32, #tpu.memory_space<vmem>>, vector<1x16xf32>,
        %get3A_582 = vector.shape_cast %get3A_581 : vector<1x16xf32> to vector<16xf32>
        %mul3A_583 = arith.mulf %gather3A_529, %get3A_582 : vector<16xf32>
        %max3A_584 = arith.maximumf %mul3A_519, %mul3A_583 : vector<16xf32>
        %add3A_585 = arith.constant 1 : i32
        %add3A_586 = arith.addi %mul3A_471, %add3A_585 : i32
        %get3A_587 = arith.index_cast %add3A_586 : i32 to index
        %get3A_588 = arith.constant 112 : index
        %get3A_589 = tpu.vector_load %arg15[%get3A_587, %get3A_588] {strides = array<i32>} : memref<320x128xf32, #tpu.memory_space<vmem>>, vector<1x16xf32>,
        %get3A_590 = vector.shape_cast %get3A_589 : vector<1x16xf32> to vector<16xf32>
        %mul3A_591 = arith.mulf %gather3A_529, %get3A_590 : vector<16xf32>
        %max3A_592 = arith.maximumf %mul3A_524, %mul3A_591 : vector<16xf32>
        %broadcast_in_dim3A_593 = arith.constant 2 : i32
        %broadcast_in_dim3A_594 = vector.broadcast %broadcast_in_dim3A_593 : i32 to vector<16xi32>
        %reshape3A_595 = vector.shape_cast %broadcast_in_dim3A_594 : vector<16xi32> to vector<16x1xi32>
        %gather3A_596 = vector.shape_cast %reshape3A_595 : vector<16x1xi32> to vector<16xi32>
        %gather3A_597 = tpu.dynamic_gather %get3A_473[%gather3A_596] in [0] : vector<16xf32>, vector<16xi32> -> vector<16xf32>
        %add3A_598 = arith.constant 2 : i32
        %add3A_599 = arith.addi %mul3A_471, %add3A_598 : i32
        %get3A_600 = arith.index_cast %add3A_599 : i32 to index
        %get3A_601 = arith.constant 0 : index
        %get3A_602 = tpu.vector_load %arg15[%get3A_600, %get3A_601] {strides = array<i32>} : memref<320x128xf32, #tpu.memory_space<vmem>>, vector<1x16xf32>,
        %get3A_603 = vector.shape_cast %get3A_602 : vector<1x16xf32> to vector<16xf32>
        %mul3A_604 = arith.mulf %gather3A_597, %get3A_603 : vector<16xf32>
        %max3A_605 = arith.maximumf %max3A, %mul3A_604 : vector<16xf32>
        %add3A_606 = arith.constant 2 : i32
        %add3A_607 = arith.addi %mul3A_471, %add3A_606 : i32
        %get3A_608 = arith.index_cast %add3A_607 : i32 to index
        %get3A_609 = arith.constant 16 : index
        %get3A_610 = tpu.vector_load %arg15[%get3A_608, %get3A_609] {strides = array<i32>} : memref<320x128xf32, #tpu.memory_space<vmem>>, vector<1x16xf32>,
        %get3A_611 = vector.shape_cast %get3A_610 : vector<1x16xf32> to vector<16xf32>
        %mul3A_612 = arith.mulf %gather3A_597, %get3A_611 : vector<16xf32>
        %max3A_613 = arith.maximumf %max3A_544, %mul3A_612 : vector<16xf32>
        %add3A_614 = arith.constant 2 : i32
        %add3A_615 = arith.addi %mul3A_471, %add3A_614 : i32
        %get3A_616 = arith.index_cast %add3A_615 : i32 to index
        %get3A_617 = arith.constant 32 : index
        %get3A_618 = tpu.vector_load %arg15[%get3A_616, %get3A_617] {strides = array<i32>} : memref<320x128xf32, #tpu.memory_space<vmem>>, vector<1x16xf32>,
        %get3A_619 = vector.shape_cast %get3A_618 : vector<1x16xf32> to vector<16xf32>
        %mul3A_620 = arith.mulf %gather3A_597, %get3A_619 : vector<16xf32>
        %max3A_621 = arith.maximumf %max3A_552, %mul3A_620 : vector<16xf32>
        %add3A_622 = arith.constant 2 : i32
        %add3A_623 = arith.addi %mul3A_471, %add3A_622 : i32
        %get3A_624 = arith.index_cast %add3A_623 : i32 to index
        %get3A_625 = arith.constant 48 : index
        %get3A_626 = tpu.vector_load %arg15[%get3A_624, %get3A_625] {strides = array<i32>} : memref<320x128xf32, #tpu.memory_space<vmem>>, vector<1x16xf32>,
        %get3A_627 = vector.shape_cast %get3A_626 : vector<1x16xf32> to vector<16xf32>
        %mul3A_628 = arith.mulf %gather3A_597, %get3A_627 : vector<16xf32>
        %max3A_629 = arith.maximumf %max3A_560, %mul3A_628 : vector<16xf32>
        %add3A_630 = arith.constant 2 : i32
        %add3A_631 = arith.addi %mul3A_471, %add3A_630 : i32
        %get3A_632 = arith.index_cast %add3A_631 : i32 to index
        %get3A_633 = arith.constant 64 : index
        %get3A_634 = tpu.vector_load %arg15[%get3A_632, %get3A_633] {strides = array<i32>} : memref<320x128xf32, #tpu.memory_space<vmem>>, vector<1x16xf32>,
        %get3A_635 = vector.shape_cast %get3A_634 : vector<1x16xf32> to vector<16xf32>
        %mul3A_636 = arith.mulf %gather3A_597, %get3A_635 : vector<16xf32>
        %max3A_637 = arith.maximumf %max3A_568, %mul3A_636 : vector<16xf32>
        %add3A_638 = arith.constant 2 : i32
        %add3A_639 = arith.addi %mul3A_471, %add3A_638 : i32
        %get3A_640 = arith.index_cast %add3A_639 : i32 to index
        %get3A_641 = arith.constant 80 : index
        %get3A_642 = tpu.vector_load %arg15[%get3A_640, %get3A_641] {strides = array<i32>} : memref<320x128xf32, #tpu.memory_space<vmem>>, vector<1x16xf32>,
        %get3A_643 = vector.shape_cast %get3A_642 : vector<1x16xf32> to vector<16xf32>
        %mul3A_644 = arith.mulf %gather3A_597, %get3A_643 : vector<16xf32>
        %max3A_645 = arith.maximumf %max3A_576, %mul3A_644 : vector<16xf32>
        %add3A_646 = arith.constant 2 : i32
        %add3A_647 = arith.addi %mul3A_471, %add3A_646 : i32
        %get3A_648 = arith.index_cast %add3A_647 : i32 to index
        %get3A_649 = arith.constant 96 : index
        %get3A_650 = tpu.vector_load %arg15[%get3A_648, %get3A_649] {strides = array<i32>} : memref<320x128xf32, #tpu.memory_space<vmem>>, vector<1x16xf32>,
        %get3A_651 = vector.shape_cast %get3A_650 : vector<1x16xf32> to vector<16xf32>
        %mul3A_652 = arith.mulf %gather3A_597, %get3A_651 : vector<16xf32>
        %max3A_653 = arith.maximumf %max3A_584, %mul3A_652 : vector<16xf32>
        %add3A_654 = arith.constant 2 : i32
        %add3A_655 = arith.addi %mul3A_471, %add3A_654 : i32
        %get3A_656 = arith.index_cast %add3A_655 : i32 to index
        %get3A_657 = arith.constant 112 : index
        %get3A_658 = tpu.vector_load %arg15[%get3A_656, %get3A_657] {strides = array<i32>} : memref<320x128xf32, #tpu.memory_space<vmem>>, vector<1x16xf32>,
        %get3A_659 = vector.shape_cast %get3A_658 : vector<1x16xf32> to vector<16xf32>
        %mul3A_660 = arith.mulf %gather3A_597, %get3A_659 : vector<16xf32>
        %max3A_661 = arith.maximumf %max3A_592, %mul3A_660 : vector<16xf32>
        %broadcast_in_dim3A_662 = arith.constant 3 : i32
        %broadcast_in_dim3A_663 = vector.broadcast %broadcast_in_dim3A_662 : i32 to vector<16xi32>
        %reshape3A_664 = vector.shape_cast %broadcast_in_dim3A_663 : vector<16xi32> to vector<16x1xi32>
        %gather3A_665 = vector.shape_cast %reshape3A_664 : vector<16x1xi32> to vector<16xi32>
        %gather3A_666 = tpu.dynamic_gather %get3A_473[%gather3A_665] in [0] : vector<16xf32>, vector<16xi32> -> vector<16xf32>
        %add3A_667 = arith.constant 3 : i32
        %add3A_668 = arith.addi %mul3A_471, %add3A_667 : i32
        %get3A_669 = arith.index_cast %add3A_668 : i32 to index
        %get3A_670 = arith.constant 0 : index
        %get3A_671 = tpu.vector_load %arg15[%get3A_669, %get3A_670] {strides = array<i32>} : memref<320x128xf32, #tpu.memory_space<vmem>>, vector<1x16xf32>,
        %get3A_672 = vector.shape_cast %get3A_671 : vector<1x16xf32> to vector<16xf32>
        %mul3A_673 = arith.mulf %gather3A_666, %get3A_672 : vector<16xf32>
        %max3A_674 = arith.maximumf %max3A_605, %mul3A_673 : vector<16xf32>
        %add3A_675 = arith.constant 3 : i32
        %add3A_676 = arith.addi %mul3A_471, %add3A_675 : i32
        %get3A_677 = arith.index_cast %add3A_676 : i32 to index
        %get3A_678 = arith.constant 16 : index
        %get3A_679 = tpu.vector_load %arg15[%get3A_677, %get3A_678] {strides = array<i32>} : memref<320x128xf32, #tpu.memory_space<vmem>>, vector<1x16xf32>,
        %get3A_680 = vector.shape_cast %get3A_679 : vector<1x16xf32> to vector<16xf32>
        %mul3A_681 = arith.mulf %gather3A_666, %get3A_680 : vector<16xf32>
        %max3A_682 = arith.maximumf %max3A_613, %mul3A_681 : vector<16xf32>
        %add3A_683 = arith.constant 3 : i32
        %add3A_684 = arith.addi %mul3A_471, %add3A_683 : i32
        %get3A_685 = arith.index_cast %add3A_684 : i32 to index
        %get3A_686 = arith.constant 32 : index
        %get3A_687 = tpu.vector_load %arg15[%get3A_685, %get3A_686] {strides = array<i32>} : memref<320x128xf32, #tpu.memory_space<vmem>>, vector<1x16xf32>,
        %get3A_688 = vector.shape_cast %get3A_687 : vector<1x16xf32> to vector<16xf32>
        %mul3A_689 = arith.mulf %gather3A_666, %get3A_688 : vector<16xf32>
        %max3A_690 = arith.maximumf %max3A_621, %mul3A_689 : vector<16xf32>
        %add3A_691 = arith.constant 3 : i32
        %add3A_692 = arith.addi %mul3A_471, %add3A_691 : i32
        %get3A_693 = arith.index_cast %add3A_692 : i32 to index
        %get3A_694 = arith.constant 48 : index
        %get3A_695 = tpu.vector_load %arg15[%get3A_693, %get3A_694] {strides = array<i32>} : memref<320x128xf32, #tpu.memory_space<vmem>>, vector<1x16xf32>,
        %get3A_696 = vector.shape_cast %get3A_695 : vector<1x16xf32> to vector<16xf32>
        %mul3A_697 = arith.mulf %gather3A_666, %get3A_696 : vector<16xf32>
        %max3A_698 = arith.maximumf %max3A_629, %mul3A_697 : vector<16xf32>
        %add3A_699 = arith.constant 3 : i32
        %add3A_700 = arith.addi %mul3A_471, %add3A_699 : i32
        %get3A_701 = arith.index_cast %add3A_700 : i32 to index
        %get3A_702 = arith.constant 64 : index
        %get3A_703 = tpu.vector_load %arg15[%get3A_701, %get3A_702] {strides = array<i32>} : memref<320x128xf32, #tpu.memory_space<vmem>>, vector<1x16xf32>,
        %get3A_704 = vector.shape_cast %get3A_703 : vector<1x16xf32> to vector<16xf32>
        %mul3A_705 = arith.mulf %gather3A_666, %get3A_704 : vector<16xf32>
        %max3A_706 = arith.maximumf %max3A_637, %mul3A_705 : vector<16xf32>
        %add3A_707 = arith.constant 3 : i32
        %add3A_708 = arith.addi %mul3A_471, %add3A_707 : i32
        %get3A_709 = arith.index_cast %add3A_708 : i32 to index
        %get3A_710 = arith.constant 80 : index
        %get3A_711 = tpu.vector_load %arg15[%get3A_709, %get3A_710] {strides = array<i32>} : memref<320x128xf32, #tpu.memory_space<vmem>>, vector<1x16xf32>,
        %get3A_712 = vector.shape_cast %get3A_711 : vector<1x16xf32> to vector<16xf32>
        %mul3A_713 = arith.mulf %gather3A_666, %get3A_712 : vector<16xf32>
        %max3A_714 = arith.maximumf %max3A_645, %mul3A_713 : vector<16xf32>
        %add3A_715 = arith.constant 3 : i32
        %add3A_716 = arith.addi %mul3A_471, %add3A_715 : i32
        %get3A_717 = arith.index_cast %add3A_716 : i32 to index
        %get3A_718 = arith.constant 96 : index
        %get3A_719 = tpu.vector_load %arg15[%get3A_717, %get3A_718] {strides = array<i32>} : memref<320x128xf32, #tpu.memory_space<vmem>>, vector<1x16xf32>,
        %get3A_720 = vector.shape_cast %get3A_719 : vector<1x16xf32> to vector<16xf32>
        %mul3A_721 = arith.mulf %gather3A_666, %get3A_720 : vector<16xf32>
        %max3A_722 = arith.maximumf %max3A_653, %mul3A_721 : vector<16xf32>
        %add3A_723 = arith.constant 3 : i32
        %add3A_724 = arith.addi %mul3A_471, %add3A_723 : i32
        %get3A_725 = arith.index_cast %add3A_724 : i32 to index
        %get3A_726 = arith.constant 112 : index
        %get3A_727 = tpu.vector_load %arg15[%get3A_725, %get3A_726] {strides = array<i32>} : memref<320x128xf32, #tpu.memory_space<vmem>>, vector<1x16xf32>,
        %get3A_728 = vector.shape_cast %get3A_727 : vector<1x16xf32> to vector<16xf32>
        %mul3A_729 = arith.mulf %gather3A_666, %get3A_728 : vector<16xf32>
        %max3A_730 = arith.maximumf %max3A_661, %mul3A_729 : vector<16xf32>
        %broadcast_in_dim3A_731 = arith.constant 4 : i32
        %broadcast_in_dim3A_732 = vector.broadcast %broadcast_in_dim3A_731 : i32 to vector<16xi32>
        %reshape3A_733 = vector.shape_cast %broadcast_in_dim3A_732 : vector<16xi32> to vector<16x1xi32>
        %gather3A_734 = vector.shape_cast %reshape3A_733 : vector<16x1xi32> to vector<16xi32>
        %gather3A_735 = tpu.dynamic_gather %get3A_473[%gather3A_734] in [0] : vector<16xf32>, vector<16xi32> -> vector<16xf32>
        %add3A_736 = arith.constant 4 : i32
        %add3A_737 = arith.addi %mul3A_471, %add3A_736 : i32
        %get3A_738 = arith.index_cast %add3A_737 : i32 to index
        %get3A_739 = arith.constant 0 : index
        %get3A_740 = tpu.vector_load %arg15[%get3A_738, %get3A_739] {strides = array<i32>} : memref<320x128xf32, #tpu.memory_space<vmem>>, vector<1x16xf32>,
        %get3A_741 = vector.shape_cast %get3A_740 : vector<1x16xf32> to vector<16xf32>
        %mul3A_742 = arith.mulf %gather3A_735, %get3A_741 : vector<16xf32>
        %max3A_743 = arith.maximumf %max3A_674, %mul3A_742 : vector<16xf32>
        %add3A_744 = arith.constant 4 : i32
        %add3A_745 = arith.addi %mul3A_471, %add3A_744 : i32
        %get3A_746 = arith.index_cast %add3A_745 : i32 to index
        %get3A_747 = arith.constant 16 : index
        %get3A_748 = tpu.vector_load %arg15[%get3A_746, %get3A_747] {strides = array<i32>} : memref<320x128xf32, #tpu.memory_space<vmem>>, vector<1x16xf32>,
        %get3A_749 = vector.shape_cast %get3A_748 : vector<1x16xf32> to vector<16xf32>
        %mul3A_750 = arith.mulf %gather3A_735, %get3A_749 : vector<16xf32>
        %max3A_751 = arith.maximumf %max3A_682, %mul3A_750 : vector<16xf32>
        %add3A_752 = arith.constant 4 : i32
        %add3A_753 = arith.addi %mul3A_471, %add3A_752 : i32
        %get3A_754 = arith.index_cast %add3A_753 : i32 to index
        %get3A_755 = arith.constant 32 : index
        %get3A_756 = tpu.vector_load %arg15[%get3A_754, %get3A_755] {strides = array<i32>} : memref<320x128xf32, #tpu.memory_space<vmem>>, vector<1x16xf32>,
        %get3A_757 = vector.shape_cast %get3A_756 : vector<1x16xf32> to vector<16xf32>
        %mul3A_758 = arith.mulf %gather3A_735, %get3A_757 : vector<16xf32>
        %max3A_759 = arith.maximumf %max3A_690, %mul3A_758 : vector<16xf32>
        %add3A_760 = arith.constant 4 : i32
        %add3A_761 = arith.addi %mul3A_471, %add3A_760 : i32
        %get3A_762 = arith.index_cast %add3A_761 : i32 to index
        %get3A_763 = arith.constant 48 : index
        %get3A_764 = tpu.vector_load %arg15[%get3A_762, %get3A_763] {strides = array<i32>} : memref<320x128xf32, #tpu.memory_space<vmem>>, vector<1x16xf32>,
        %get3A_765 = vector.shape_cast %get3A_764 : vector<1x16xf32> to vector<16xf32>
        %mul3A_766 = arith.mulf %gather3A_735, %get3A_765 : vector<16xf32>
        %max3A_767 = arith.maximumf %max3A_698, %mul3A_766 : vector<16xf32>
        %add3A_768 = arith.constant 4 : i32
        %add3A_769 = arith.addi %mul3A_471, %add3A_768 : i32
        %get3A_770 = arith.index_cast %add3A_769 : i32 to index
        %get3A_771 = arith.constant 64 : index
        %get3A_772 = tpu.vector_load %arg15[%get3A_770, %get3A_771] {strides = array<i32>} : memref<320x128xf32, #tpu.memory_space<vmem>>, vector<1x16xf32>,
        %get3A_773 = vector.shape_cast %get3A_772 : vector<1x16xf32> to vector<16xf32>
        %mul3A_774 = arith.mulf %gather3A_735, %get3A_773 : vector<16xf32>
        %max3A_775 = arith.maximumf %max3A_706, %mul3A_774 : vector<16xf32>
        %add3A_776 = arith.constant 4 : i32
        %add3A_777 = arith.addi %mul3A_471, %add3A_776 : i32
        %get3A_778 = arith.index_cast %add3A_777 : i32 to index
        %get3A_779 = arith.constant 80 : index
        %get3A_780 = tpu.vector_load %arg15[%get3A_778, %get3A_779] {strides = array<i32>} : memref<320x128xf32, #tpu.memory_space<vmem>>, vector<1x16xf32>,
        %get3A_781 = vector.shape_cast %get3A_780 : vector<1x16xf32> to vector<16xf32>
        %mul3A_782 = arith.mulf %gather3A_735, %get3A_781 : vector<16xf32>
        %max3A_783 = arith.maximumf %max3A_714, %mul3A_782 : vector<16xf32>
        %add3A_784 = arith.constant 4 : i32
        %add3A_785 = arith.addi %mul3A_471, %add3A_784 : i32
        %get3A_786 = arith.index_cast %add3A_785 : i32 to index
        %get3A_787 = arith.constant 96 : index
        %get3A_788 = tpu.vector_load %arg15[%get3A_786, %get3A_787] {strides = array<i32>} : memref<320x128xf32, #tpu.memory_space<vmem>>, vector<1x16xf32>,
        %get3A_789 = vector.shape_cast %get3A_788 : vector<1x16xf32> to vector<16xf32>
        %mul3A_790 = arith.mulf %gather3A_735, %get3A_789 : vector<16xf32>
        %max3A_791 = arith.maximumf %max3A_722, %mul3A_790 : vector<16xf32>
        %add3A_792 = arith.constant 4 : i32
        %add3A_793 = arith.addi %mul3A_471, %add3A_792 : i32
        %get3A_794 = arith.index_cast %add3A_793 : i32 to index
        %get3A_795 = arith.constant 112 : index
        %get3A_796 = tpu.vector_load %arg15[%get3A_794, %get3A_795] {strides = array<i32>} : memref<320x128xf32, #tpu.memory_space<vmem>>, vector<1x16xf32>,
        %get3A_797 = vector.shape_cast %get3A_796 : vector<1x16xf32> to vector<16xf32>
        %mul3A_798 = arith.mulf %gather3A_735, %get3A_797 : vector<16xf32>
        %max3A_799 = arith.maximumf %max3A_730, %mul3A_798 : vector<16xf32>
        %broadcast_in_dim3A_800 = arith.constant 5 : i32
        %broadcast_in_dim3A_801 = vector.broadcast %broadcast_in_dim3A_800 : i32 to vector<16xi32>
        %reshape3A_802 = vector.shape_cast %broadcast_in_dim3A_801 : vector<16xi32> to vector<16x1xi32>
        %gather3A_803 = vector.shape_cast %reshape3A_802 : vector<16x1xi32> to vector<16xi32>
        %gather3A_804 = tpu.dynamic_gather %get3A_473[%gather3A_803] in [0] : vector<16xf32>, vector<16xi32> -> vector<16xf32>
        %add3A_805 = arith.constant 5 : i32
        %add3A_806 = arith.addi %mul3A_471, %add3A_805 : i32
        %get3A_807 = arith.index_cast %add3A_806 : i32 to index
        %get3A_808 = arith.constant 0 : index
        %get3A_809 = tpu.vector_load %arg15[%get3A_807, %get3A_808] {strides = array<i32>} : memref<320x128xf32, #tpu.memory_space<vmem>>, vector<1x16xf32>,
        %get3A_810 = vector.shape_cast %get3A_809 : vector<1x16xf32> to vector<16xf32>
        %mul3A_811 = arith.mulf %gather3A_804, %get3A_810 : vector<16xf32>
        %max3A_812 = arith.maximumf %max3A_743, %mul3A_811 : vector<16xf32>
        %add3A_813 = arith.constant 5 : i32
        %add3A_814 = arith.addi %mul3A_471, %add3A_813 : i32
        %get3A_815 = arith.index_cast %add3A_814 : i32 to index
        %get3A_816 = arith.constant 16 : index
        %get3A_817 = tpu.vector_load %arg15[%get3A_815, %get3A_816] {strides = array<i32>} : memref<320x128xf32, #tpu.memory_space<vmem>>, vector<1x16xf32>,
        %get3A_818 = vector.shape_cast %get3A_817 : vector<1x16xf32> to vector<16xf32>
        %mul3A_819 = arith.mulf %gather3A_804, %get3A_818 : vector<16xf32>
        %max3A_820 = arith.maximumf %max3A_751, %mul3A_819 : vector<16xf32>
        %add3A_821 = arith.constant 5 : i32
        %add3A_822 = arith.addi %mul3A_471, %add3A_821 : i32
        %get3A_823 = arith.index_cast %add3A_822 : i32 to index
        %get3A_824 = arith.constant 32 : index
        %get3A_825 = tpu.vector_load %arg15[%get3A_823, %get3A_824] {strides = array<i32>} : memref<320x128xf32, #tpu.memory_space<vmem>>, vector<1x16xf32>,
        %get3A_826 = vector.shape_cast %get3A_825 : vector<1x16xf32> to vector<16xf32>
        %mul3A_827 = arith.mulf %gather3A_804, %get3A_826 : vector<16xf32>
        %max3A_828 = arith.maximumf %max3A_759, %mul3A_827 : vector<16xf32>
        %add3A_829 = arith.constant 5 : i32
        %add3A_830 = arith.addi %mul3A_471, %add3A_829 : i32
        %get3A_831 = arith.index_cast %add3A_830 : i32 to index
        %get3A_832 = arith.constant 48 : index
        %get3A_833 = tpu.vector_load %arg15[%get3A_831, %get3A_832] {strides = array<i32>} : memref<320x128xf32, #tpu.memory_space<vmem>>, vector<1x16xf32>,
        %get3A_834 = vector.shape_cast %get3A_833 : vector<1x16xf32> to vector<16xf32>
        %mul3A_835 = arith.mulf %gather3A_804, %get3A_834 : vector<16xf32>
        %max3A_836 = arith.maximumf %max3A_767, %mul3A_835 : vector<16xf32>
        %add3A_837 = arith.constant 5 : i32
        %add3A_838 = arith.addi %mul3A_471, %add3A_837 : i32
        %get3A_839 = arith.index_cast %add3A_838 : i32 to index
        %get3A_840 = arith.constant 64 : index
        %get3A_841 = tpu.vector_load %arg15[%get3A_839, %get3A_840] {strides = array<i32>} : memref<320x128xf32, #tpu.memory_space<vmem>>, vector<1x16xf32>,
        %get3A_842 = vector.shape_cast %get3A_841 : vector<1x16xf32> to vector<16xf32>
        %mul3A_843 = arith.mulf %gather3A_804, %get3A_842 : vector<16xf32>
        %max3A_844 = arith.maximumf %max3A_775, %mul3A_843 : vector<16xf32>
        %add3A_845 = arith.constant 5 : i32
        %add3A_846 = arith.addi %mul3A_471, %add3A_845 : i32
        %get3A_847 = arith.index_cast %add3A_846 : i32 to index
        %get3A_848 = arith.constant 80 : index
        %get3A_849 = tpu.vector_load %arg15[%get3A_847, %get3A_848] {strides = array<i32>} : memref<320x128xf32, #tpu.memory_space<vmem>>, vector<1x16xf32>,
        %get3A_850 = vector.shape_cast %get3A_849 : vector<1x16xf32> to vector<16xf32>
        %mul3A_851 = arith.mulf %gather3A_804, %get3A_850 : vector<16xf32>
        %max3A_852 = arith.maximumf %max3A_783, %mul3A_851 : vector<16xf32>
        %add3A_853 = arith.constant 5 : i32
        %add3A_854 = arith.addi %mul3A_471, %add3A_853 : i32
        %get3A_855 = arith.index_cast %add3A_854 : i32 to index
        %get3A_856 = arith.constant 96 : index
        %get3A_857 = tpu.vector_load %arg15[%get3A_855, %get3A_856] {strides = array<i32>} : memref<320x128xf32, #tpu.memory_space<vmem>>, vector<1x16xf32>,
        %get3A_858 = vector.shape_cast %get3A_857 : vector<1x16xf32> to vector<16xf32>
        %mul3A_859 = arith.mulf %gather3A_804, %get3A_858 : vector<16xf32>
        %max3A_860 = arith.maximumf %max3A_791, %mul3A_859 : vector<16xf32>
        %add3A_861 = arith.constant 5 : i32
        %add3A_862 = arith.addi %mul3A_471, %add3A_861 : i32
        %get3A_863 = arith.index_cast %add3A_862 : i32 to index
        %get3A_864 = arith.constant 112 : index
        %get3A_865 = tpu.vector_load %arg15[%get3A_863, %get3A_864] {strides = array<i32>} : memref<320x128xf32, #tpu.memory_space<vmem>>, vector<1x16xf32>,
        %get3A_866 = vector.shape_cast %get3A_865 : vector<1x16xf32> to vector<16xf32>
        %mul3A_867 = arith.mulf %gather3A_804, %get3A_866 : vector<16xf32>
        %max3A_868 = arith.maximumf %max3A_799, %mul3A_867 : vector<16xf32>
        %broadcast_in_dim3A_869 = arith.constant 6 : i32
        %broadcast_in_dim3A_870 = vector.broadcast %broadcast_in_dim3A_869 : i32 to vector<16xi32>
        %reshape3A_871 = vector.shape_cast %broadcast_in_dim3A_870 : vector<16xi32> to vector<16x1xi32>
        %gather3A_872 = vector.shape_cast %reshape3A_871 : vector<16x1xi32> to vector<16xi32>
        %gather3A_873 = tpu.dynamic_gather %get3A_473[%gather3A_872] in [0] : vector<16xf32>, vector<16xi32> -> vector<16xf32>
        %add3A_874 = arith.constant 6 : i32
        %add3A_875 = arith.addi %mul3A_471, %add3A_874 : i32
        %get3A_876 = arith.index_cast %add3A_875 : i32 to index
        %get3A_877 = arith.constant 0 : index
        %get3A_878 = tpu.vector_load %arg15[%get3A_876, %get3A_877] {strides = array<i32>} : memref<320x128xf32, #tpu.memory_space<vmem>>, vector<1x16xf32>,
        %get3A_879 = vector.shape_cast %get3A_878 : vector<1x16xf32> to vector<16xf32>
        %mul3A_880 = arith.mulf %gather3A_873, %get3A_879 : vector<16xf32>
        %max3A_881 = arith.maximumf %max3A_812, %mul3A_880 : vector<16xf32>
        %add3A_882 = arith.constant 6 : i32
        %add3A_883 = arith.addi %mul3A_471, %add3A_882 : i32
        %get3A_884 = arith.index_cast %add3A_883 : i32 to index
        %get3A_885 = arith.constant 16 : index
        %get3A_886 = tpu.vector_load %arg15[%get3A_884, %get3A_885] {strides = array<i32>} : memref<320x128xf32, #tpu.memory_space<vmem>>, vector<1x16xf32>,
        %get3A_887 = vector.shape_cast %get3A_886 : vector<1x16xf32> to vector<16xf32>
        %mul3A_888 = arith.mulf %gather3A_873, %get3A_887 : vector<16xf32>
        %max3A_889 = arith.maximumf %max3A_820, %mul3A_888 : vector<16xf32>
        %add3A_890 = arith.constant 6 : i32
        %add3A_891 = arith.addi %mul3A_471, %add3A_890 : i32
        %get3A_892 = arith.index_cast %add3A_891 : i32 to index
        %get3A_893 = arith.constant 32 : index
        %get3A_894 = tpu.vector_load %arg15[%get3A_892, %get3A_893] {strides = array<i32>} : memref<320x128xf32, #tpu.memory_space<vmem>>, vector<1x16xf32>,
        %get3A_895 = vector.shape_cast %get3A_894 : vector<1x16xf32> to vector<16xf32>
        %mul3A_896 = arith.mulf %gather3A_873, %get3A_895 : vector<16xf32>
        %max3A_897 = arith.maximumf %max3A_828, %mul3A_896 : vector<16xf32>
        %add3A_898 = arith.constant 6 : i32
        %add3A_899 = arith.addi %mul3A_471, %add3A_898 : i32
        %get3A_900 = arith.index_cast %add3A_899 : i32 to index
        %get3A_901 = arith.constant 48 : index
        %get3A_902 = tpu.vector_load %arg15[%get3A_900, %get3A_901] {strides = array<i32>} : memref<320x128xf32, #tpu.memory_space<vmem>>, vector<1x16xf32>,
        %get3A_903 = vector.shape_cast %get3A_902 : vector<1x16xf32> to vector<16xf32>
        %mul3A_904 = arith.mulf %gather3A_873, %get3A_903 : vector<16xf32>
        %max3A_905 = arith.maximumf %max3A_836, %mul3A_904 : vector<16xf32>
        %add3A_906 = arith.constant 6 : i32
        %add3A_907 = arith.addi %mul3A_471, %add3A_906 : i32
        %get3A_908 = arith.index_cast %add3A_907 : i32 to index
        %get3A_909 = arith.constant 64 : index
        %get3A_910 = tpu.vector_load %arg15[%get3A_908, %get3A_909] {strides = array<i32>} : memref<320x128xf32, #tpu.memory_space<vmem>>, vector<1x16xf32>,
        %get3A_911 = vector.shape_cast %get3A_910 : vector<1x16xf32> to vector<16xf32>
        %mul3A_912 = arith.mulf %gather3A_873, %get3A_911 : vector<16xf32>
        %max3A_913 = arith.maximumf %max3A_844, %mul3A_912 : vector<16xf32>
        %add3A_914 = arith.constant 6 : i32
        %add3A_915 = arith.addi %mul3A_471, %add3A_914 : i32
        %get3A_916 = arith.index_cast %add3A_915 : i32 to index
        %get3A_917 = arith.constant 80 : index
        %get3A_918 = tpu.vector_load %arg15[%get3A_916, %get3A_917] {strides = array<i32>} : memref<320x128xf32, #tpu.memory_space<vmem>>, vector<1x16xf32>,
        %get3A_919 = vector.shape_cast %get3A_918 : vector<1x16xf32> to vector<16xf32>
        %mul3A_920 = arith.mulf %gather3A_873, %get3A_919 : vector<16xf32>
        %max3A_921 = arith.maximumf %max3A_852, %mul3A_920 : vector<16xf32>
        %add3A_922 = arith.constant 6 : i32
        %add3A_923 = arith.addi %mul3A_471, %add3A_922 : i32
        %get3A_924 = arith.index_cast %add3A_923 : i32 to index
        %get3A_925 = arith.constant 96 : index
        %get3A_926 = tpu.vector_load %arg15[%get3A_924, %get3A_925] {strides = array<i32>} : memref<320x128xf32, #tpu.memory_space<vmem>>, vector<1x16xf32>,
        %get3A_927 = vector.shape_cast %get3A_926 : vector<1x16xf32> to vector<16xf32>
        %mul3A_928 = arith.mulf %gather3A_873, %get3A_927 : vector<16xf32>
        %max3A_929 = arith.maximumf %max3A_860, %mul3A_928 : vector<16xf32>
        %add3A_930 = arith.constant 6 : i32
        %add3A_931 = arith.addi %mul3A_471, %add3A_930 : i32
        %get3A_932 = arith.index_cast %add3A_931 : i32 to index
        %get3A_933 = arith.constant 112 : index
        %get3A_934 = tpu.vector_load %arg15[%get3A_932, %get3A_933] {strides = array<i32>} : memref<320x128xf32, #tpu.memory_space<vmem>>, vector<1x16xf32>,
        %get3A_935 = vector.shape_cast %get3A_934 : vector<1x16xf32> to vector<16xf32>
        %mul3A_936 = arith.mulf %gather3A_873, %get3A_935 : vector<16xf32>
        %max3A_937 = arith.maximumf %max3A_868, %mul3A_936 : vector<16xf32>
        %broadcast_in_dim3A_938 = arith.constant 7 : i32
        %broadcast_in_dim3A_939 = vector.broadcast %broadcast_in_dim3A_938 : i32 to vector<16xi32>
        %reshape3A_940 = vector.shape_cast %broadcast_in_dim3A_939 : vector<16xi32> to vector<16x1xi32>
        %gather3A_941 = vector.shape_cast %reshape3A_940 : vector<16x1xi32> to vector<16xi32>
        %gather3A_942 = tpu.dynamic_gather %get3A_473[%gather3A_941] in [0] : vector<16xf32>, vector<16xi32> -> vector<16xf32>
        %add3A_943 = arith.constant 7 : i32
        %add3A_944 = arith.addi %mul3A_471, %add3A_943 : i32
        %get3A_945 = arith.index_cast %add3A_944 : i32 to index
        %get3A_946 = arith.constant 0 : index
        %get3A_947 = tpu.vector_load %arg15[%get3A_945, %get3A_946] {strides = array<i32>} : memref<320x128xf32, #tpu.memory_space<vmem>>, vector<1x16xf32>,
        %get3A_948 = vector.shape_cast %get3A_947 : vector<1x16xf32> to vector<16xf32>
        %mul3A_949 = arith.mulf %gather3A_942, %get3A_948 : vector<16xf32>
        %max3A_950 = arith.maximumf %max3A_881, %mul3A_949 : vector<16xf32>
        %add3A_951 = arith.constant 7 : i32
        %add3A_952 = arith.addi %mul3A_471, %add3A_951 : i32
        %get3A_953 = arith.index_cast %add3A_952 : i32 to index
        %get3A_954 = arith.constant 16 : index
        %get3A_955 = tpu.vector_load %arg15[%get3A_953, %get3A_954] {strides = array<i32>} : memref<320x128xf32, #tpu.memory_space<vmem>>, vector<1x16xf32>,
        %get3A_956 = vector.shape_cast %get3A_955 : vector<1x16xf32> to vector<16xf32>
        %mul3A_957 = arith.mulf %gather3A_942, %get3A_956 : vector<16xf32>
        %max3A_958 = arith.maximumf %max3A_889, %mul3A_957 : vector<16xf32>
        %add3A_959 = arith.constant 7 : i32
        %add3A_960 = arith.addi %mul3A_471, %add3A_959 : i32
        %get3A_961 = arith.index_cast %add3A_960 : i32 to index
        %get3A_962 = arith.constant 32 : index
        %get3A_963 = tpu.vector_load %arg15[%get3A_961, %get3A_962] {strides = array<i32>} : memref<320x128xf32, #tpu.memory_space<vmem>>, vector<1x16xf32>,
        %get3A_964 = vector.shape_cast %get3A_963 : vector<1x16xf32> to vector<16xf32>
        %mul3A_965 = arith.mulf %gather3A_942, %get3A_964 : vector<16xf32>
        %max3A_966 = arith.maximumf %max3A_897, %mul3A_965 : vector<16xf32>
        %add3A_967 = arith.constant 7 : i32
        %add3A_968 = arith.addi %mul3A_471, %add3A_967 : i32
        %get3A_969 = arith.index_cast %add3A_968 : i32 to index
        %get3A_970 = arith.constant 48 : index
        %get3A_971 = tpu.vector_load %arg15[%get3A_969, %get3A_970] {strides = array<i32>} : memref<320x128xf32, #tpu.memory_space<vmem>>, vector<1x16xf32>,
        %get3A_972 = vector.shape_cast %get3A_971 : vector<1x16xf32> to vector<16xf32>
        %mul3A_973 = arith.mulf %gather3A_942, %get3A_972 : vector<16xf32>
        %max3A_974 = arith.maximumf %max3A_905, %mul3A_973 : vector<16xf32>
        %add3A_975 = arith.constant 7 : i32
        %add3A_976 = arith.addi %mul3A_471, %add3A_975 : i32
        %get3A_977 = arith.index_cast %add3A_976 : i32 to index
        %get3A_978 = arith.constant 64 : index
        %get3A_979 = tpu.vector_load %arg15[%get3A_977, %get3A_978] {strides = array<i32>} : memref<320x128xf32, #tpu.memory_space<vmem>>, vector<1x16xf32>,
        %get3A_980 = vector.shape_cast %get3A_979 : vector<1x16xf32> to vector<16xf32>
        %mul3A_981 = arith.mulf %gather3A_942, %get3A_980 : vector<16xf32>
        %max3A_982 = arith.maximumf %max3A_913, %mul3A_981 : vector<16xf32>
        %add3A_983 = arith.constant 7 : i32
        %add3A_984 = arith.addi %mul3A_471, %add3A_983 : i32
        %get3A_985 = arith.index_cast %add3A_984 : i32 to index
        %get3A_986 = arith.constant 80 : index
        %get3A_987 = tpu.vector_load %arg15[%get3A_985, %get3A_986] {strides = array<i32>} : memref<320x128xf32, #tpu.memory_space<vmem>>, vector<1x16xf32>,
        %get3A_988 = vector.shape_cast %get3A_987 : vector<1x16xf32> to vector<16xf32>
        %mul3A_989 = arith.mulf %gather3A_942, %get3A_988 : vector<16xf32>
        %max3A_990 = arith.maximumf %max3A_921, %mul3A_989 : vector<16xf32>
        %add3A_991 = arith.constant 7 : i32
        %add3A_992 = arith.addi %mul3A_471, %add3A_991 : i32
        %get3A_993 = arith.index_cast %add3A_992 : i32 to index
        %get3A_994 = arith.constant 96 : index
        %get3A_995 = tpu.vector_load %arg15[%get3A_993, %get3A_994] {strides = array<i32>} : memref<320x128xf32, #tpu.memory_space<vmem>>, vector<1x16xf32>,
        %get3A_996 = vector.shape_cast %get3A_995 : vector<1x16xf32> to vector<16xf32>
        %mul3A_997 = arith.mulf %gather3A_942, %get3A_996 : vector<16xf32>
        %max3A_998 = arith.maximumf %max3A_929, %mul3A_997 : vector<16xf32>
        %add3A_999 = arith.constant 7 : i32
        %add3A_1000 = arith.addi %mul3A_471, %add3A_999 : i32
        %get3A_1001 = arith.index_cast %add3A_1000 : i32 to index
        %get3A_1002 = arith.constant 112 : index
        %get3A_1003 = tpu.vector_load %arg15[%get3A_1001, %get3A_1002] {strides = array<i32>} : memref<320x128xf32, #tpu.memory_space<vmem>>, vector<1x16xf32>,
        %get3A_1004 = vector.shape_cast %get3A_1003 : vector<1x16xf32> to vector<16xf32>
        %mul3A_1005 = arith.mulf %gather3A_942, %get3A_1004 : vector<16xf32>
        %max3A_1006 = arith.maximumf %max3A_937, %mul3A_1005 : vector<16xf32>
        %broadcast_in_dim3A_1007 = arith.constant 8 : i32
        %broadcast_in_dim3A_1008 = vector.broadcast %broadcast_in_dim3A_1007 : i32 to vector<16xi32>
        %reshape3A_1009 = vector.shape_cast %broadcast_in_dim3A_1008 : vector<16xi32> to vector<16x1xi32>
        %gather3A_1010 = vector.shape_cast %reshape3A_1009 : vector<16x1xi32> to vector<16xi32>
        %gather3A_1011 = tpu.dynamic_gather %get3A_473[%gather3A_1010] in [0] : vector<16xf32>, vector<16xi32> -> vector<16xf32>
        %add3A_1012 = arith.constant 8 : i32
        %add3A_1013 = arith.addi %mul3A_471, %add3A_1012 : i32
        %get3A_1014 = arith.index_cast %add3A_1013 : i32 to index
        %get3A_1015 = arith.constant 0 : index
        %get3A_1016 = tpu.vector_load %arg15[%get3A_1014, %get3A_1015] {strides = array<i32>} : memref<320x128xf32, #tpu.memory_space<vmem>>, vector<1x16xf32>,
        %get3A_1017 = vector.shape_cast %get3A_1016 : vector<1x16xf32> to vector<16xf32>
        %mul3A_1018 = arith.mulf %gather3A_1011, %get3A_1017 : vector<16xf32>
        %max3A_1019 = arith.maximumf %max3A_950, %mul3A_1018 : vector<16xf32>
        %add3A_1020 = arith.constant 8 : i32
        %add3A_1021 = arith.addi %mul3A_471, %add3A_1020 : i32
        %get3A_1022 = arith.index_cast %add3A_1021 : i32 to index
        %get3A_1023 = arith.constant 16 : index
        %get3A_1024 = tpu.vector_load %arg15[%get3A_1022, %get3A_1023] {strides = array<i32>} : memref<320x128xf32, #tpu.memory_space<vmem>>, vector<1x16xf32>,
        %get3A_1025 = vector.shape_cast %get3A_1024 : vector<1x16xf32> to vector<16xf32>
        %mul3A_1026 = arith.mulf %gather3A_1011, %get3A_1025 : vector<16xf32>
        %max3A_1027 = arith.maximumf %max3A_958, %mul3A_1026 : vector<16xf32>
        %add3A_1028 = arith.constant 8 : i32
        %add3A_1029 = arith.addi %mul3A_471, %add3A_1028 : i32
        %get3A_1030 = arith.index_cast %add3A_1029 : i32 to index
        %get3A_1031 = arith.constant 32 : index
        %get3A_1032 = tpu.vector_load %arg15[%get3A_1030, %get3A_1031] {strides = array<i32>} : memref<320x128xf32, #tpu.memory_space<vmem>>, vector<1x16xf32>,
        %get3A_1033 = vector.shape_cast %get3A_1032 : vector<1x16xf32> to vector<16xf32>
        %mul3A_1034 = arith.mulf %gather3A_1011, %get3A_1033 : vector<16xf32>
        %max3A_1035 = arith.maximumf %max3A_966, %mul3A_1034 : vector<16xf32>
        %add3A_1036 = arith.constant 8 : i32
        %add3A_1037 = arith.addi %mul3A_471, %add3A_1036 : i32
        %get3A_1038 = arith.index_cast %add3A_1037 : i32 to index
        %get3A_1039 = arith.constant 48 : index
        %get3A_1040 = tpu.vector_load %arg15[%get3A_1038, %get3A_1039] {strides = array<i32>} : memref<320x128xf32, #tpu.memory_space<vmem>>, vector<1x16xf32>,
        %get3A_1041 = vector.shape_cast %get3A_1040 : vector<1x16xf32> to vector<16xf32>
        %mul3A_1042 = arith.mulf %gather3A_1011, %get3A_1041 : vector<16xf32>
        %max3A_1043 = arith.maximumf %max3A_974, %mul3A_1042 : vector<16xf32>
        %add3A_1044 = arith.constant 8 : i32
        %add3A_1045 = arith.addi %mul3A_471, %add3A_1044 : i32
        %get3A_1046 = arith.index_cast %add3A_1045 : i32 to index
        %get3A_1047 = arith.constant 64 : index
        %get3A_1048 = tpu.vector_load %arg15[%get3A_1046, %get3A_1047] {strides = array<i32>} : memref<320x128xf32, #tpu.memory_space<vmem>>, vector<1x16xf32>,
        %get3A_1049 = vector.shape_cast %get3A_1048 : vector<1x16xf32> to vector<16xf32>
        %mul3A_1050 = arith.mulf %gather3A_1011, %get3A_1049 : vector<16xf32>
        %max3A_1051 = arith.maximumf %max3A_982, %mul3A_1050 : vector<16xf32>
        %add3A_1052 = arith.constant 8 : i32
        %add3A_1053 = arith.addi %mul3A_471, %add3A_1052 : i32
        %get3A_1054 = arith.index_cast %add3A_1053 : i32 to index
        %get3A_1055 = arith.constant 80 : index
        %get3A_1056 = tpu.vector_load %arg15[%get3A_1054, %get3A_1055] {strides = array<i32>} : memref<320x128xf32, #tpu.memory_space<vmem>>, vector<1x16xf32>,
        %get3A_1057 = vector.shape_cast %get3A_1056 : vector<1x16xf32> to vector<16xf32>
        %mul3A_1058 = arith.mulf %gather3A_1011, %get3A_1057 : vector<16xf32>
        %max3A_1059 = arith.maximumf %max3A_990, %mul3A_1058 : vector<16xf32>
        %add3A_1060 = arith.constant 8 : i32
        %add3A_1061 = arith.addi %mul3A_471, %add3A_1060 : i32
        %get3A_1062 = arith.index_cast %add3A_1061 : i32 to index
        %get3A_1063 = arith.constant 96 : index
        %get3A_1064 = tpu.vector_load %arg15[%get3A_1062, %get3A_1063] {strides = array<i32>} : memref<320x128xf32, #tpu.memory_space<vmem>>, vector<1x16xf32>,
        %get3A_1065 = vector.shape_cast %get3A_1064 : vector<1x16xf32> to vector<16xf32>
        %mul3A_1066 = arith.mulf %gather3A_1011, %get3A_1065 : vector<16xf32>
        %max3A_1067 = arith.maximumf %max3A_998, %mul3A_1066 : vector<16xf32>
        %add3A_1068 = arith.constant 8 : i32
        %add3A_1069 = arith.addi %mul3A_471, %add3A_1068 : i32
        %get3A_1070 = arith.index_cast %add3A_1069 : i32 to index
        %get3A_1071 = arith.constant 112 : index
        %get3A_1072 = tpu.vector_load %arg15[%get3A_1070, %get3A_1071] {strides = array<i32>} : memref<320x128xf32, #tpu.memory_space<vmem>>, vector<1x16xf32>,
        %get3A_1073 = vector.shape_cast %get3A_1072 : vector<1x16xf32> to vector<16xf32>
        %mul3A_1074 = arith.mulf %gather3A_1011, %get3A_1073 : vector<16xf32>
        %max3A_1075 = arith.maximumf %max3A_1006, %mul3A_1074 : vector<16xf32>
        %broadcast_in_dim3A_1076 = arith.constant 9 : i32
        %broadcast_in_dim3A_1077 = vector.broadcast %broadcast_in_dim3A_1076 : i32 to vector<16xi32>
        %reshape3A_1078 = vector.shape_cast %broadcast_in_dim3A_1077 : vector<16xi32> to vector<16x1xi32>
        %gather3A_1079 = vector.shape_cast %reshape3A_1078 : vector<16x1xi32> to vector<16xi32>
        %gather3A_1080 = tpu.dynamic_gather %get3A_473[%gather3A_1079] in [0] : vector<16xf32>, vector<16xi32> -> vector<16xf32>
        %add3A_1081 = arith.constant 9 : i32
        %add3A_1082 = arith.addi %mul3A_471, %add3A_1081 : i32
        %get3A_1083 = arith.index_cast %add3A_1082 : i32 to index
        %get3A_1084 = arith.constant 0 : index
        %get3A_1085 = tpu.vector_load %arg15[%get3A_1083, %get3A_1084] {strides = array<i32>} : memref<320x128xf32, #tpu.memory_space<vmem>>, vector<1x16xf32>,
        %get3A_1086 = vector.shape_cast %get3A_1085 : vector<1x16xf32> to vector<16xf32>
        %mul3A_1087 = arith.mulf %gather3A_1080, %get3A_1086 : vector<16xf32>
        %max3A_1088 = arith.maximumf %max3A_1019, %mul3A_1087 : vector<16xf32>
        %add3A_1089 = arith.constant 9 : i32
        %add3A_1090 = arith.addi %mul3A_471, %add3A_1089 : i32
        %get3A_1091 = arith.index_cast %add3A_1090 : i32 to index
        %get3A_1092 = arith.constant 16 : index
        %get3A_1093 = tpu.vector_load %arg15[%get3A_1091, %get3A_1092] {strides = array<i32>} : memref<320x128xf32, #tpu.memory_space<vmem>>, vector<1x16xf32>,
        %get3A_1094 = vector.shape_cast %get3A_1093 : vector<1x16xf32> to vector<16xf32>
        %mul3A_1095 = arith.mulf %gather3A_1080, %get3A_1094 : vector<16xf32>
        %max3A_1096 = arith.maximumf %max3A_1027, %mul3A_1095 : vector<16xf32>
        %add3A_1097 = arith.constant 9 : i32
        %add3A_1098 = arith.addi %mul3A_471, %add3A_1097 : i32
        %get3A_1099 = arith.index_cast %add3A_1098 : i32 to index
        %get3A_1100 = arith.constant 32 : index
        %get3A_1101 = tpu.vector_load %arg15[%get3A_1099, %get3A_1100] {strides = array<i32>} : memref<320x128xf32, #tpu.memory_space<vmem>>, vector<1x16xf32>,
        %get3A_1102 = vector.shape_cast %get3A_1101 : vector<1x16xf32> to vector<16xf32>
        %mul3A_1103 = arith.mulf %gather3A_1080, %get3A_1102 : vector<16xf32>
        %max3A_1104 = arith.maximumf %max3A_1035, %mul3A_1103 : vector<16xf32>
        %add3A_1105 = arith.constant 9 : i32
        %add3A_1106 = arith.addi %mul3A_471, %add3A_1105 : i32
        %get3A_1107 = arith.index_cast %add3A_1106 : i32 to index
        %get3A_1108 = arith.constant 48 : index
        %get3A_1109 = tpu.vector_load %arg15[%get3A_1107, %get3A_1108] {strides = array<i32>} : memref<320x128xf32, #tpu.memory_space<vmem>>, vector<1x16xf32>,
        %get3A_1110 = vector.shape_cast %get3A_1109 : vector<1x16xf32> to vector<16xf32>
        %mul3A_1111 = arith.mulf %gather3A_1080, %get3A_1110 : vector<16xf32>
        %max3A_1112 = arith.maximumf %max3A_1043, %mul3A_1111 : vector<16xf32>
        %add3A_1113 = arith.constant 9 : i32
        %add3A_1114 = arith.addi %mul3A_471, %add3A_1113 : i32
        %get3A_1115 = arith.index_cast %add3A_1114 : i32 to index
        %get3A_1116 = arith.constant 64 : index
        %get3A_1117 = tpu.vector_load %arg15[%get3A_1115, %get3A_1116] {strides = array<i32>} : memref<320x128xf32, #tpu.memory_space<vmem>>, vector<1x16xf32>,
        %get3A_1118 = vector.shape_cast %get3A_1117 : vector<1x16xf32> to vector<16xf32>
        %mul3A_1119 = arith.mulf %gather3A_1080, %get3A_1118 : vector<16xf32>
        %max3A_1120 = arith.maximumf %max3A_1051, %mul3A_1119 : vector<16xf32>
        %add3A_1121 = arith.constant 9 : i32
        %add3A_1122 = arith.addi %mul3A_471, %add3A_1121 : i32
        %get3A_1123 = arith.index_cast %add3A_1122 : i32 to index
        %get3A_1124 = arith.constant 80 : index
        %get3A_1125 = tpu.vector_load %arg15[%get3A_1123, %get3A_1124] {strides = array<i32>} : memref<320x128xf32, #tpu.memory_space<vmem>>, vector<1x16xf32>,
        %get3A_1126 = vector.shape_cast %get3A_1125 : vector<1x16xf32> to vector<16xf32>
        %mul3A_1127 = arith.mulf %gather3A_1080, %get3A_1126 : vector<16xf32>
        %max3A_1128 = arith.maximumf %max3A_1059, %mul3A_1127 : vector<16xf32>
        %add3A_1129 = arith.constant 9 : i32
        %add3A_1130 = arith.addi %mul3A_471, %add3A_1129 : i32
        %get3A_1131 = arith.index_cast %add3A_1130 : i32 to index
        %get3A_1132 = arith.constant 96 : index
        %get3A_1133 = tpu.vector_load %arg15[%get3A_1131, %get3A_1132] {strides = array<i32>} : memref<320x128xf32, #tpu.memory_space<vmem>>, vector<1x16xf32>,
        %get3A_1134 = vector.shape_cast %get3A_1133 : vector<1x16xf32> to vector<16xf32>
        %mul3A_1135 = arith.mulf %gather3A_1080, %get3A_1134 : vector<16xf32>
        %max3A_1136 = arith.maximumf %max3A_1067, %mul3A_1135 : vector<16xf32>
        %add3A_1137 = arith.constant 9 : i32
        %add3A_1138 = arith.addi %mul3A_471, %add3A_1137 : i32
        %get3A_1139 = arith.index_cast %add3A_1138 : i32 to index
        %get3A_1140 = arith.constant 112 : index
        %get3A_1141 = tpu.vector_load %arg15[%get3A_1139, %get3A_1140] {strides = array<i32>} : memref<320x128xf32, #tpu.memory_space<vmem>>, vector<1x16xf32>,
        %get3A_1142 = vector.shape_cast %get3A_1141 : vector<1x16xf32> to vector<16xf32>
        %mul3A_1143 = arith.mulf %gather3A_1080, %get3A_1142 : vector<16xf32>
        %max3A_1144 = arith.maximumf %max3A_1075, %mul3A_1143 : vector<16xf32>
        %broadcast_in_dim3A_1145 = arith.constant 10 : i32
        %broadcast_in_dim3A_1146 = vector.broadcast %broadcast_in_dim3A_1145 : i32 to vector<16xi32>
        %reshape3A_1147 = vector.shape_cast %broadcast_in_dim3A_1146 : vector<16xi32> to vector<16x1xi32>
        %gather3A_1148 = vector.shape_cast %reshape3A_1147 : vector<16x1xi32> to vector<16xi32>
        %gather3A_1149 = tpu.dynamic_gather %get3A_473[%gather3A_1148] in [0] : vector<16xf32>, vector<16xi32> -> vector<16xf32>
        %add3A_1150 = arith.constant 10 : i32
        %add3A_1151 = arith.addi %mul3A_471, %add3A_1150 : i32
        %get3A_1152 = arith.index_cast %add3A_1151 : i32 to index
        %get3A_1153 = arith.constant 0 : index
        %get3A_1154 = tpu.vector_load %arg15[%get3A_1152, %get3A_1153] {strides = array<i32>} : memref<320x128xf32, #tpu.memory_space<vmem>>, vector<1x16xf32>,
        %get3A_1155 = vector.shape_cast %get3A_1154 : vector<1x16xf32> to vector<16xf32>
        %mul3A_1156 = arith.mulf %gather3A_1149, %get3A_1155 : vector<16xf32>
        %max3A_1157 = arith.maximumf %max3A_1088, %mul3A_1156 : vector<16xf32>
        %add3A_1158 = arith.constant 10 : i32
        %add3A_1159 = arith.addi %mul3A_471, %add3A_1158 : i32
        %get3A_1160 = arith.index_cast %add3A_1159 : i32 to index
        %get3A_1161 = arith.constant 16 : index
        %get3A_1162 = tpu.vector_load %arg15[%get3A_1160, %get3A_1161] {strides = array<i32>} : memref<320x128xf32, #tpu.memory_space<vmem>>, vector<1x16xf32>,
        %get3A_1163 = vector.shape_cast %get3A_1162 : vector<1x16xf32> to vector<16xf32>
        %mul3A_1164 = arith.mulf %gather3A_1149, %get3A_1163 : vector<16xf32>
        %max3A_1165 = arith.maximumf %max3A_1096, %mul3A_1164 : vector<16xf32>
        %add3A_1166 = arith.constant 10 : i32
        %add3A_1167 = arith.addi %mul3A_471, %add3A_1166 : i32
        %get3A_1168 = arith.index_cast %add3A_1167 : i32 to index
        %get3A_1169 = arith.constant 32 : index
        %get3A_1170 = tpu.vector_load %arg15[%get3A_1168, %get3A_1169] {strides = array<i32>} : memref<320x128xf32, #tpu.memory_space<vmem>>, vector<1x16xf32>,
        %get3A_1171 = vector.shape_cast %get3A_1170 : vector<1x16xf32> to vector<16xf32>
        %mul3A_1172 = arith.mulf %gather3A_1149, %get3A_1171 : vector<16xf32>
        %max3A_1173 = arith.maximumf %max3A_1104, %mul3A_1172 : vector<16xf32>
        %add3A_1174 = arith.constant 10 : i32
        %add3A_1175 = arith.addi %mul3A_471, %add3A_1174 : i32
        %get3A_1176 = arith.index_cast %add3A_1175 : i32 to index
        %get3A_1177 = arith.constant 48 : index
        %get3A_1178 = tpu.vector_load %arg15[%get3A_1176, %get3A_1177] {strides = array<i32>} : memref<320x128xf32, #tpu.memory_space<vmem>>, vector<1x16xf32>,
        %get3A_1179 = vector.shape_cast %get3A_1178 : vector<1x16xf32> to vector<16xf32>
        %mul3A_1180 = arith.mulf %gather3A_1149, %get3A_1179 : vector<16xf32>
        %max3A_1181 = arith.maximumf %max3A_1112, %mul3A_1180 : vector<16xf32>
        %add3A_1182 = arith.constant 10 : i32
        %add3A_1183 = arith.addi %mul3A_471, %add3A_1182 : i32
        %get3A_1184 = arith.index_cast %add3A_1183 : i32 to index
        %get3A_1185 = arith.constant 64 : index
        %get3A_1186 = tpu.vector_load %arg15[%get3A_1184, %get3A_1185] {strides = array<i32>} : memref<320x128xf32, #tpu.memory_space<vmem>>, vector<1x16xf32>,
        %get3A_1187 = vector.shape_cast %get3A_1186 : vector<1x16xf32> to vector<16xf32>
        %mul3A_1188 = arith.mulf %gather3A_1149, %get3A_1187 : vector<16xf32>
        %max3A_1189 = arith.maximumf %max3A_1120, %mul3A_1188 : vector<16xf32>
        %add3A_1190 = arith.constant 10 : i32
        %add3A_1191 = arith.addi %mul3A_471, %add3A_1190 : i32
        %get3A_1192 = arith.index_cast %add3A_1191 : i32 to index
        %get3A_1193 = arith.constant 80 : index
        %get3A_1194 = tpu.vector_load %arg15[%get3A_1192, %get3A_1193] {strides = array<i32>} : memref<320x128xf32, #tpu.memory_space<vmem>>, vector<1x16xf32>,
        %get3A_1195 = vector.shape_cast %get3A_1194 : vector<1x16xf32> to vector<16xf32>
        %mul3A_1196 = arith.mulf %gather3A_1149, %get3A_1195 : vector<16xf32>
        %max3A_1197 = arith.maximumf %max3A_1128, %mul3A_1196 : vector<16xf32>
        %add3A_1198 = arith.constant 10 : i32
        %add3A_1199 = arith.addi %mul3A_471, %add3A_1198 : i32
        %get3A_1200 = arith.index_cast %add3A_1199 : i32 to index
        %get3A_1201 = arith.constant 96 : index
        %get3A_1202 = tpu.vector_load %arg15[%get3A_1200, %get3A_1201] {strides = array<i32>} : memref<320x128xf32, #tpu.memory_space<vmem>>, vector<1x16xf32>,
        %get3A_1203 = vector.shape_cast %get3A_1202 : vector<1x16xf32> to vector<16xf32>
        %mul3A_1204 = arith.mulf %gather3A_1149, %get3A_1203 : vector<16xf32>
        %max3A_1205 = arith.maximumf %max3A_1136, %mul3A_1204 : vector<16xf32>
        %add3A_1206 = arith.constant 10 : i32
        %add3A_1207 = arith.addi %mul3A_471, %add3A_1206 : i32
        %get3A_1208 = arith.index_cast %add3A_1207 : i32 to index
        %get3A_1209 = arith.constant 112 : index
        %get3A_1210 = tpu.vector_load %arg15[%get3A_1208, %get3A_1209] {strides = array<i32>} : memref<320x128xf32, #tpu.memory_space<vmem>>, vector<1x16xf32>,
        %get3A_1211 = vector.shape_cast %get3A_1210 : vector<1x16xf32> to vector<16xf32>
        %mul3A_1212 = arith.mulf %gather3A_1149, %get3A_1211 : vector<16xf32>
        %max3A_1213 = arith.maximumf %max3A_1144, %mul3A_1212 : vector<16xf32>
        %broadcast_in_dim3A_1214 = arith.constant 11 : i32
        %broadcast_in_dim3A_1215 = vector.broadcast %broadcast_in_dim3A_1214 : i32 to vector<16xi32>
        %reshape3A_1216 = vector.shape_cast %broadcast_in_dim3A_1215 : vector<16xi32> to vector<16x1xi32>
        %gather3A_1217 = vector.shape_cast %reshape3A_1216 : vector<16x1xi32> to vector<16xi32>
        %gather3A_1218 = tpu.dynamic_gather %get3A_473[%gather3A_1217] in [0] : vector<16xf32>, vector<16xi32> -> vector<16xf32>
        %add3A_1219 = arith.constant 11 : i32
        %add3A_1220 = arith.addi %mul3A_471, %add3A_1219 : i32
        %get3A_1221 = arith.index_cast %add3A_1220 : i32 to index
        %get3A_1222 = arith.constant 0 : index
        %get3A_1223 = tpu.vector_load %arg15[%get3A_1221, %get3A_1222] {strides = array<i32>} : memref<320x128xf32, #tpu.memory_space<vmem>>, vector<1x16xf32>,
        %get3A_1224 = vector.shape_cast %get3A_1223 : vector<1x16xf32> to vector<16xf32>
        %mul3A_1225 = arith.mulf %gather3A_1218, %get3A_1224 : vector<16xf32>
        %max3A_1226 = arith.maximumf %max3A_1157, %mul3A_1225 : vector<16xf32>
        %add3A_1227 = arith.constant 11 : i32
        %add3A_1228 = arith.addi %mul3A_471, %add3A_1227 : i32
        %get3A_1229 = arith.index_cast %add3A_1228 : i32 to index
        %get3A_1230 = arith.constant 16 : index
        %get3A_1231 = tpu.vector_load %arg15[%get3A_1229, %get3A_1230] {strides = array<i32>} : memref<320x128xf32, #tpu.memory_space<vmem>>, vector<1x16xf32>,
        %get3A_1232 = vector.shape_cast %get3A_1231 : vector<1x16xf32> to vector<16xf32>
        %mul3A_1233 = arith.mulf %gather3A_1218, %get3A_1232 : vector<16xf32>
        %max3A_1234 = arith.maximumf %max3A_1165, %mul3A_1233 : vector<16xf32>
        %add3A_1235 = arith.constant 11 : i32
        %add3A_1236 = arith.addi %mul3A_471, %add3A_1235 : i32
        %get3A_1237 = arith.index_cast %add3A_1236 : i32 to index
        %get3A_1238 = arith.constant 32 : index
        %get3A_1239 = tpu.vector_load %arg15[%get3A_1237, %get3A_1238] {strides = array<i32>} : memref<320x128xf32, #tpu.memory_space<vmem>>, vector<1x16xf32>,
        %get3A_1240 = vector.shape_cast %get3A_1239 : vector<1x16xf32> to vector<16xf32>
        %mul3A_1241 = arith.mulf %gather3A_1218, %get3A_1240 : vector<16xf32>
        %max3A_1242 = arith.maximumf %max3A_1173, %mul3A_1241 : vector<16xf32>
        %add3A_1243 = arith.constant 11 : i32
        %add3A_1244 = arith.addi %mul3A_471, %add3A_1243 : i32
        %get3A_1245 = arith.index_cast %add3A_1244 : i32 to index
        %get3A_1246 = arith.constant 48 : index
        %get3A_1247 = tpu.vector_load %arg15[%get3A_1245, %get3A_1246] {strides = array<i32>} : memref<320x128xf32, #tpu.memory_space<vmem>>, vector<1x16xf32>,
        %get3A_1248 = vector.shape_cast %get3A_1247 : vector<1x16xf32> to vector<16xf32>
        %mul3A_1249 = arith.mulf %gather3A_1218, %get3A_1248 : vector<16xf32>
        %max3A_1250 = arith.maximumf %max3A_1181, %mul3A_1249 : vector<16xf32>
        %add3A_1251 = arith.constant 11 : i32
        %add3A_1252 = arith.addi %mul3A_471, %add3A_1251 : i32
        %get3A_1253 = arith.index_cast %add3A_1252 : i32 to index
        %get3A_1254 = arith.constant 64 : index
        %get3A_1255 = tpu.vector_load %arg15[%get3A_1253, %get3A_1254] {strides = array<i32>} : memref<320x128xf32, #tpu.memory_space<vmem>>, vector<1x16xf32>,
        %get3A_1256 = vector.shape_cast %get3A_1255 : vector<1x16xf32> to vector<16xf32>
        %mul3A_1257 = arith.mulf %gather3A_1218, %get3A_1256 : vector<16xf32>
        %max3A_1258 = arith.maximumf %max3A_1189, %mul3A_1257 : vector<16xf32>
        %add3A_1259 = arith.constant 11 : i32
        %add3A_1260 = arith.addi %mul3A_471, %add3A_1259 : i32
        %get3A_1261 = arith.index_cast %add3A_1260 : i32 to index
        %get3A_1262 = arith.constant 80 : index
        %get3A_1263 = tpu.vector_load %arg15[%get3A_1261, %get3A_1262] {strides = array<i32>} : memref<320x128xf32, #tpu.memory_space<vmem>>, vector<1x16xf32>,
        %get3A_1264 = vector.shape_cast %get3A_1263 : vector<1x16xf32> to vector<16xf32>
        %mul3A_1265 = arith.mulf %gather3A_1218, %get3A_1264 : vector<16xf32>
        %max3A_1266 = arith.maximumf %max3A_1197, %mul3A_1265 : vector<16xf32>
        %add3A_1267 = arith.constant 11 : i32
        %add3A_1268 = arith.addi %mul3A_471, %add3A_1267 : i32
        %get3A_1269 = arith.index_cast %add3A_1268 : i32 to index
        %get3A_1270 = arith.constant 96 : index
        %get3A_1271 = tpu.vector_load %arg15[%get3A_1269, %get3A_1270] {strides = array<i32>} : memref<320x128xf32, #tpu.memory_space<vmem>>, vector<1x16xf32>,
        %get3A_1272 = vector.shape_cast %get3A_1271 : vector<1x16xf32> to vector<16xf32>
        %mul3A_1273 = arith.mulf %gather3A_1218, %get3A_1272 : vector<16xf32>
        %max3A_1274 = arith.maximumf %max3A_1205, %mul3A_1273 : vector<16xf32>
        %add3A_1275 = arith.constant 11 : i32
        %add3A_1276 = arith.addi %mul3A_471, %add3A_1275 : i32
        %get3A_1277 = arith.index_cast %add3A_1276 : i32 to index
        %get3A_1278 = arith.constant 112 : index
        %get3A_1279 = tpu.vector_load %arg15[%get3A_1277, %get3A_1278] {strides = array<i32>} : memref<320x128xf32, #tpu.memory_space<vmem>>, vector<1x16xf32>,
        %get3A_1280 = vector.shape_cast %get3A_1279 : vector<1x16xf32> to vector<16xf32>
        %mul3A_1281 = arith.mulf %gather3A_1218, %get3A_1280 : vector<16xf32>
        %max3A_1282 = arith.maximumf %max3A_1213, %mul3A_1281 : vector<16xf32>
        %broadcast_in_dim3A_1283 = arith.constant 12 : i32
        %broadcast_in_dim3A_1284 = vector.broadcast %broadcast_in_dim3A_1283 : i32 to vector<16xi32>
        %reshape3A_1285 = vector.shape_cast %broadcast_in_dim3A_1284 : vector<16xi32> to vector<16x1xi32>
        %gather3A_1286 = vector.shape_cast %reshape3A_1285 : vector<16x1xi32> to vector<16xi32>
        %gather3A_1287 = tpu.dynamic_gather %get3A_473[%gather3A_1286] in [0] : vector<16xf32>, vector<16xi32> -> vector<16xf32>
        %add3A_1288 = arith.constant 12 : i32
        %add3A_1289 = arith.addi %mul3A_471, %add3A_1288 : i32
        %get3A_1290 = arith.index_cast %add3A_1289 : i32 to index
        %get3A_1291 = arith.constant 0 : index
        %get3A_1292 = tpu.vector_load %arg15[%get3A_1290, %get3A_1291] {strides = array<i32>} : memref<320x128xf32, #tpu.memory_space<vmem>>, vector<1x16xf32>,
        %get3A_1293 = vector.shape_cast %get3A_1292 : vector<1x16xf32> to vector<16xf32>
        %mul3A_1294 = arith.mulf %gather3A_1287, %get3A_1293 : vector<16xf32>
        %max3A_1295 = arith.maximumf %max3A_1226, %mul3A_1294 : vector<16xf32>
        %add3A_1296 = arith.constant 12 : i32
        %add3A_1297 = arith.addi %mul3A_471, %add3A_1296 : i32
        %get3A_1298 = arith.index_cast %add3A_1297 : i32 to index
        %get3A_1299 = arith.constant 16 : index
        %get3A_1300 = tpu.vector_load %arg15[%get3A_1298, %get3A_1299] {strides = array<i32>} : memref<320x128xf32, #tpu.memory_space<vmem>>, vector<1x16xf32>,
        %get3A_1301 = vector.shape_cast %get3A_1300 : vector<1x16xf32> to vector<16xf32>
        %mul3A_1302 = arith.mulf %gather3A_1287, %get3A_1301 : vector<16xf32>
        %max3A_1303 = arith.maximumf %max3A_1234, %mul3A_1302 : vector<16xf32>
        %add3A_1304 = arith.constant 12 : i32
        %add3A_1305 = arith.addi %mul3A_471, %add3A_1304 : i32
        %get3A_1306 = arith.index_cast %add3A_1305 : i32 to index
        %get3A_1307 = arith.constant 32 : index
        %get3A_1308 = tpu.vector_load %arg15[%get3A_1306, %get3A_1307] {strides = array<i32>} : memref<320x128xf32, #tpu.memory_space<vmem>>, vector<1x16xf32>,
        %get3A_1309 = vector.shape_cast %get3A_1308 : vector<1x16xf32> to vector<16xf32>
        %mul3A_1310 = arith.mulf %gather3A_1287, %get3A_1309 : vector<16xf32>
        %max3A_1311 = arith.maximumf %max3A_1242, %mul3A_1310 : vector<16xf32>
        %add3A_1312 = arith.constant 12 : i32
        %add3A_1313 = arith.addi %mul3A_471, %add3A_1312 : i32
        %get3A_1314 = arith.index_cast %add3A_1313 : i32 to index
        %get3A_1315 = arith.constant 48 : index
        %get3A_1316 = tpu.vector_load %arg15[%get3A_1314, %get3A_1315] {strides = array<i32>} : memref<320x128xf32, #tpu.memory_space<vmem>>, vector<1x16xf32>,
        %get3A_1317 = vector.shape_cast %get3A_1316 : vector<1x16xf32> to vector<16xf32>
        %mul3A_1318 = arith.mulf %gather3A_1287, %get3A_1317 : vector<16xf32>
        %max3A_1319 = arith.maximumf %max3A_1250, %mul3A_1318 : vector<16xf32>
        %add3A_1320 = arith.constant 12 : i32
        %add3A_1321 = arith.addi %mul3A_471, %add3A_1320 : i32
        %get3A_1322 = arith.index_cast %add3A_1321 : i32 to index
        %get3A_1323 = arith.constant 64 : index
        %get3A_1324 = tpu.vector_load %arg15[%get3A_1322, %get3A_1323] {strides = array<i32>} : memref<320x128xf32, #tpu.memory_space<vmem>>, vector<1x16xf32>,
        %get3A_1325 = vector.shape_cast %get3A_1324 : vector<1x16xf32> to vector<16xf32>
        %mul3A_1326 = arith.mulf %gather3A_1287, %get3A_1325 : vector<16xf32>
        %max3A_1327 = arith.maximumf %max3A_1258, %mul3A_1326 : vector<16xf32>
        %add3A_1328 = arith.constant 12 : i32
        %add3A_1329 = arith.addi %mul3A_471, %add3A_1328 : i32
        %get3A_1330 = arith.index_cast %add3A_1329 : i32 to index
        %get3A_1331 = arith.constant 80 : index
        %get3A_1332 = tpu.vector_load %arg15[%get3A_1330, %get3A_1331] {strides = array<i32>} : memref<320x128xf32, #tpu.memory_space<vmem>>, vector<1x16xf32>,
        %get3A_1333 = vector.shape_cast %get3A_1332 : vector<1x16xf32> to vector<16xf32>
        %mul3A_1334 = arith.mulf %gather3A_1287, %get3A_1333 : vector<16xf32>
        %max3A_1335 = arith.maximumf %max3A_1266, %mul3A_1334 : vector<16xf32>
        %add3A_1336 = arith.constant 12 : i32
        %add3A_1337 = arith.addi %mul3A_471, %add3A_1336 : i32
        %get3A_1338 = arith.index_cast %add3A_1337 : i32 to index
        %get3A_1339 = arith.constant 96 : index
        %get3A_1340 = tpu.vector_load %arg15[%get3A_1338, %get3A_1339] {strides = array<i32>} : memref<320x128xf32, #tpu.memory_space<vmem>>, vector<1x16xf32>,
        %get3A_1341 = vector.shape_cast %get3A_1340 : vector<1x16xf32> to vector<16xf32>
        %mul3A_1342 = arith.mulf %gather3A_1287, %get3A_1341 : vector<16xf32>
        %max3A_1343 = arith.maximumf %max3A_1274, %mul3A_1342 : vector<16xf32>
        %add3A_1344 = arith.constant 12 : i32
        %add3A_1345 = arith.addi %mul3A_471, %add3A_1344 : i32
        %get3A_1346 = arith.index_cast %add3A_1345 : i32 to index
        %get3A_1347 = arith.constant 112 : index
        %get3A_1348 = tpu.vector_load %arg15[%get3A_1346, %get3A_1347] {strides = array<i32>} : memref<320x128xf32, #tpu.memory_space<vmem>>, vector<1x16xf32>,
        %get3A_1349 = vector.shape_cast %get3A_1348 : vector<1x16xf32> to vector<16xf32>
        %mul3A_1350 = arith.mulf %gather3A_1287, %get3A_1349 : vector<16xf32>
        %max3A_1351 = arith.maximumf %max3A_1282, %mul3A_1350 : vector<16xf32>
        %broadcast_in_dim3A_1352 = arith.constant 13 : i32
        %broadcast_in_dim3A_1353 = vector.broadcast %broadcast_in_dim3A_1352 : i32 to vector<16xi32>
        %reshape3A_1354 = vector.shape_cast %broadcast_in_dim3A_1353 : vector<16xi32> to vector<16x1xi32>
        %gather3A_1355 = vector.shape_cast %reshape3A_1354 : vector<16x1xi32> to vector<16xi32>
        %gather3A_1356 = tpu.dynamic_gather %get3A_473[%gather3A_1355] in [0] : vector<16xf32>, vector<16xi32> -> vector<16xf32>
        %add3A_1357 = arith.constant 13 : i32
        %add3A_1358 = arith.addi %mul3A_471, %add3A_1357 : i32
        %get3A_1359 = arith.index_cast %add3A_1358 : i32 to index
        %get3A_1360 = arith.constant 0 : index
        %get3A_1361 = tpu.vector_load %arg15[%get3A_1359, %get3A_1360] {strides = array<i32>} : memref<320x128xf32, #tpu.memory_space<vmem>>, vector<1x16xf32>,
        %get3A_1362 = vector.shape_cast %get3A_1361 : vector<1x16xf32> to vector<16xf32>
        %mul3A_1363 = arith.mulf %gather3A_1356, %get3A_1362 : vector<16xf32>
        %max3A_1364 = arith.maximumf %max3A_1295, %mul3A_1363 : vector<16xf32>
        %add3A_1365 = arith.constant 13 : i32
        %add3A_1366 = arith.addi %mul3A_471, %add3A_1365 : i32
        %get3A_1367 = arith.index_cast %add3A_1366 : i32 to index
        %get3A_1368 = arith.constant 16 : index
        %get3A_1369 = tpu.vector_load %arg15[%get3A_1367, %get3A_1368] {strides = array<i32>} : memref<320x128xf32, #tpu.memory_space<vmem>>, vector<1x16xf32>,
        %get3A_1370 = vector.shape_cast %get3A_1369 : vector<1x16xf32> to vector<16xf32>
        %mul3A_1371 = arith.mulf %gather3A_1356, %get3A_1370 : vector<16xf32>
        %max3A_1372 = arith.maximumf %max3A_1303, %mul3A_1371 : vector<16xf32>
        %add3A_1373 = arith.constant 13 : i32
        %add3A_1374 = arith.addi %mul3A_471, %add3A_1373 : i32
        %get3A_1375 = arith.index_cast %add3A_1374 : i32 to index
        %get3A_1376 = arith.constant 32 : index
        %get3A_1377 = tpu.vector_load %arg15[%get3A_1375, %get3A_1376] {strides = array<i32>} : memref<320x128xf32, #tpu.memory_space<vmem>>, vector<1x16xf32>,
        %get3A_1378 = vector.shape_cast %get3A_1377 : vector<1x16xf32> to vector<16xf32>
        %mul3A_1379 = arith.mulf %gather3A_1356, %get3A_1378 : vector<16xf32>
        %max3A_1380 = arith.maximumf %max3A_1311, %mul3A_1379 : vector<16xf32>
        %add3A_1381 = arith.constant 13 : i32
        %add3A_1382 = arith.addi %mul3A_471, %add3A_1381 : i32
        %get3A_1383 = arith.index_cast %add3A_1382 : i32 to index
        %get3A_1384 = arith.constant 48 : index
        %get3A_1385 = tpu.vector_load %arg15[%get3A_1383, %get3A_1384] {strides = array<i32>} : memref<320x128xf32, #tpu.memory_space<vmem>>, vector<1x16xf32>,
        %get3A_1386 = vector.shape_cast %get3A_1385 : vector<1x16xf32> to vector<16xf32>
        %mul3A_1387 = arith.mulf %gather3A_1356, %get3A_1386 : vector<16xf32>
        %max3A_1388 = arith.maximumf %max3A_1319, %mul3A_1387 : vector<16xf32>
        %add3A_1389 = arith.constant 13 : i32
        %add3A_1390 = arith.addi %mul3A_471, %add3A_1389 : i32
        %get3A_1391 = arith.index_cast %add3A_1390 : i32 to index
        %get3A_1392 = arith.constant 64 : index
        %get3A_1393 = tpu.vector_load %arg15[%get3A_1391, %get3A_1392] {strides = array<i32>} : memref<320x128xf32, #tpu.memory_space<vmem>>, vector<1x16xf32>,
        %get3A_1394 = vector.shape_cast %get3A_1393 : vector<1x16xf32> to vector<16xf32>
        %mul3A_1395 = arith.mulf %gather3A_1356, %get3A_1394 : vector<16xf32>
        %max3A_1396 = arith.maximumf %max3A_1327, %mul3A_1395 : vector<16xf32>
        %add3A_1397 = arith.constant 13 : i32
        %add3A_1398 = arith.addi %mul3A_471, %add3A_1397 : i32
        %get3A_1399 = arith.index_cast %add3A_1398 : i32 to index
        %get3A_1400 = arith.constant 80 : index
        %get3A_1401 = tpu.vector_load %arg15[%get3A_1399, %get3A_1400] {strides = array<i32>} : memref<320x128xf32, #tpu.memory_space<vmem>>, vector<1x16xf32>,
        %get3A_1402 = vector.shape_cast %get3A_1401 : vector<1x16xf32> to vector<16xf32>
        %mul3A_1403 = arith.mulf %gather3A_1356, %get3A_1402 : vector<16xf32>
        %max3A_1404 = arith.maximumf %max3A_1335, %mul3A_1403 : vector<16xf32>
        %add3A_1405 = arith.constant 13 : i32
        %add3A_1406 = arith.addi %mul3A_471, %add3A_1405 : i32
        %get3A_1407 = arith.index_cast %add3A_1406 : i32 to index
        %get3A_1408 = arith.constant 96 : index
        %get3A_1409 = tpu.vector_load %arg15[%get3A_1407, %get3A_1408] {strides = array<i32>} : memref<320x128xf32, #tpu.memory_space<vmem>>, vector<1x16xf32>,
        %get3A_1410 = vector.shape_cast %get3A_1409 : vector<1x16xf32> to vector<16xf32>
        %mul3A_1411 = arith.mulf %gather3A_1356, %get3A_1410 : vector<16xf32>
        %max3A_1412 = arith.maximumf %max3A_1343, %mul3A_1411 : vector<16xf32>
        %add3A_1413 = arith.constant 13 : i32
        %add3A_1414 = arith.addi %mul3A_471, %add3A_1413 : i32
        %get3A_1415 = arith.index_cast %add3A_1414 : i32 to index
        %get3A_1416 = arith.constant 112 : index
        %get3A_1417 = tpu.vector_load %arg15[%get3A_1415, %get3A_1416] {strides = array<i32>} : memref<320x128xf32, #tpu.memory_space<vmem>>, vector<1x16xf32>,
        %get3A_1418 = vector.shape_cast %get3A_1417 : vector<1x16xf32> to vector<16xf32>
        %mul3A_1419 = arith.mulf %gather3A_1356, %get3A_1418 : vector<16xf32>
        %max3A_1420 = arith.maximumf %max3A_1351, %mul3A_1419 : vector<16xf32>
        %broadcast_in_dim3A_1421 = arith.constant 14 : i32
        %broadcast_in_dim3A_1422 = vector.broadcast %broadcast_in_dim3A_1421 : i32 to vector<16xi32>
        %reshape3A_1423 = vector.shape_cast %broadcast_in_dim3A_1422 : vector<16xi32> to vector<16x1xi32>
        %gather3A_1424 = vector.shape_cast %reshape3A_1423 : vector<16x1xi32> to vector<16xi32>
        %gather3A_1425 = tpu.dynamic_gather %get3A_473[%gather3A_1424] in [0] : vector<16xf32>, vector<16xi32> -> vector<16xf32>
        %add3A_1426 = arith.constant 14 : i32
        %add3A_1427 = arith.addi %mul3A_471, %add3A_1426 : i32
        %get3A_1428 = arith.index_cast %add3A_1427 : i32 to index
        %get3A_1429 = arith.constant 0 : index
        %get3A_1430 = tpu.vector_load %arg15[%get3A_1428, %get3A_1429] {strides = array<i32>} : memref<320x128xf32, #tpu.memory_space<vmem>>, vector<1x16xf32>,
        %get3A_1431 = vector.shape_cast %get3A_1430 : vector<1x16xf32> to vector<16xf32>
        %mul3A_1432 = arith.mulf %gather3A_1425, %get3A_1431 : vector<16xf32>
        %max3A_1433 = arith.maximumf %max3A_1364, %mul3A_1432 : vector<16xf32>
        %add3A_1434 = arith.constant 14 : i32
        %add3A_1435 = arith.addi %mul3A_471, %add3A_1434 : i32
        %get3A_1436 = arith.index_cast %add3A_1435 : i32 to index
        %get3A_1437 = arith.constant 16 : index
        %get3A_1438 = tpu.vector_load %arg15[%get3A_1436, %get3A_1437] {strides = array<i32>} : memref<320x128xf32, #tpu.memory_space<vmem>>, vector<1x16xf32>,
        %get3A_1439 = vector.shape_cast %get3A_1438 : vector<1x16xf32> to vector<16xf32>
        %mul3A_1440 = arith.mulf %gather3A_1425, %get3A_1439 : vector<16xf32>
        %max3A_1441 = arith.maximumf %max3A_1372, %mul3A_1440 : vector<16xf32>
        %add3A_1442 = arith.constant 14 : i32
        %add3A_1443 = arith.addi %mul3A_471, %add3A_1442 : i32
        %get3A_1444 = arith.index_cast %add3A_1443 : i32 to index
        %get3A_1445 = arith.constant 32 : index
        %get3A_1446 = tpu.vector_load %arg15[%get3A_1444, %get3A_1445] {strides = array<i32>} : memref<320x128xf32, #tpu.memory_space<vmem>>, vector<1x16xf32>,
        %get3A_1447 = vector.shape_cast %get3A_1446 : vector<1x16xf32> to vector<16xf32>
        %mul3A_1448 = arith.mulf %gather3A_1425, %get3A_1447 : vector<16xf32>
        %max3A_1449 = arith.maximumf %max3A_1380, %mul3A_1448 : vector<16xf32>
        %add3A_1450 = arith.constant 14 : i32
        %add3A_1451 = arith.addi %mul3A_471, %add3A_1450 : i32
        %get3A_1452 = arith.index_cast %add3A_1451 : i32 to index
        %get3A_1453 = arith.constant 48 : index
        %get3A_1454 = tpu.vector_load %arg15[%get3A_1452, %get3A_1453] {strides = array<i32>} : memref<320x128xf32, #tpu.memory_space<vmem>>, vector<1x16xf32>,
        %get3A_1455 = vector.shape_cast %get3A_1454 : vector<1x16xf32> to vector<16xf32>
        %mul3A_1456 = arith.mulf %gather3A_1425, %get3A_1455 : vector<16xf32>
        %max3A_1457 = arith.maximumf %max3A_1388, %mul3A_1456 : vector<16xf32>
        %add3A_1458 = arith.constant 14 : i32
        %add3A_1459 = arith.addi %mul3A_471, %add3A_1458 : i32
        %get3A_1460 = arith.index_cast %add3A_1459 : i32 to index
        %get3A_1461 = arith.constant 64 : index
        %get3A_1462 = tpu.vector_load %arg15[%get3A_1460, %get3A_1461] {strides = array<i32>} : memref<320x128xf32, #tpu.memory_space<vmem>>, vector<1x16xf32>,
        %get3A_1463 = vector.shape_cast %get3A_1462 : vector<1x16xf32> to vector<16xf32>
        %mul3A_1464 = arith.mulf %gather3A_1425, %get3A_1463 : vector<16xf32>
        %max3A_1465 = arith.maximumf %max3A_1396, %mul3A_1464 : vector<16xf32>
        %add3A_1466 = arith.constant 14 : i32
        %add3A_1467 = arith.addi %mul3A_471, %add3A_1466 : i32
        %get3A_1468 = arith.index_cast %add3A_1467 : i32 to index
        %get3A_1469 = arith.constant 80 : index
        %get3A_1470 = tpu.vector_load %arg15[%get3A_1468, %get3A_1469] {strides = array<i32>} : memref<320x128xf32, #tpu.memory_space<vmem>>, vector<1x16xf32>,
        %get3A_1471 = vector.shape_cast %get3A_1470 : vector<1x16xf32> to vector<16xf32>
        %mul3A_1472 = arith.mulf %gather3A_1425, %get3A_1471 : vector<16xf32>
        %max3A_1473 = arith.maximumf %max3A_1404, %mul3A_1472 : vector<16xf32>
        %add3A_1474 = arith.constant 14 : i32
        %add3A_1475 = arith.addi %mul3A_471, %add3A_1474 : i32
        %get3A_1476 = arith.index_cast %add3A_1475 : i32 to index
        %get3A_1477 = arith.constant 96 : index
        %get3A_1478 = tpu.vector_load %arg15[%get3A_1476, %get3A_1477] {strides = array<i32>} : memref<320x128xf32, #tpu.memory_space<vmem>>, vector<1x16xf32>,
        %get3A_1479 = vector.shape_cast %get3A_1478 : vector<1x16xf32> to vector<16xf32>
        %mul3A_1480 = arith.mulf %gather3A_1425, %get3A_1479 : vector<16xf32>
        %max3A_1481 = arith.maximumf %max3A_1412, %mul3A_1480 : vector<16xf32>
        %add3A_1482 = arith.constant 14 : i32
        %add3A_1483 = arith.addi %mul3A_471, %add3A_1482 : i32
        %get3A_1484 = arith.index_cast %add3A_1483 : i32 to index
        %get3A_1485 = arith.constant 112 : index
        %get3A_1486 = tpu.vector_load %arg15[%get3A_1484, %get3A_1485] {strides = array<i32>} : memref<320x128xf32, #tpu.memory_space<vmem>>, vector<1x16xf32>,
        %get3A_1487 = vector.shape_cast %get3A_1486 : vector<1x16xf32> to vector<16xf32>
        %mul3A_1488 = arith.mulf %gather3A_1425, %get3A_1487 : vector<16xf32>
        %max3A_1489 = arith.maximumf %max3A_1420, %mul3A_1488 : vector<16xf32>
        %broadcast_in_dim3A_1490 = arith.constant 15 : i32
        %broadcast_in_dim3A_1491 = vector.broadcast %broadcast_in_dim3A_1490 : i32 to vector<16xi32>
        %reshape3A_1492 = vector.shape_cast %broadcast_in_dim3A_1491 : vector<16xi32> to vector<16x1xi32>
        %gather3A_1493 = vector.shape_cast %reshape3A_1492 : vector<16x1xi32> to vector<16xi32>
        %gather3A_1494 = tpu.dynamic_gather %get3A_473[%gather3A_1493] in [0] : vector<16xf32>, vector<16xi32> -> vector<16xf32>
        %add3A_1495 = arith.constant 15 : i32
        %add3A_1496 = arith.addi %mul3A_471, %add3A_1495 : i32
        %get3A_1497 = arith.index_cast %add3A_1496 : i32 to index
        %get3A_1498 = arith.constant 0 : index
        %get3A_1499 = tpu.vector_load %arg15[%get3A_1497, %get3A_1498] {strides = array<i32>} : memref<320x128xf32, #tpu.memory_space<vmem>>, vector<1x16xf32>,
        %get3A_1500 = vector.shape_cast %get3A_1499 : vector<1x16xf32> to vector<16xf32>
        %mul3A_1501 = arith.mulf %gather3A_1494, %get3A_1500 : vector<16xf32>
        %max3A_1502 = arith.maximumf %max3A_1433, %mul3A_1501 : vector<16xf32>
        %add3A_1503 = arith.constant 15 : i32
        %add3A_1504 = arith.addi %mul3A_471, %add3A_1503 : i32
        %get3A_1505 = arith.index_cast %add3A_1504 : i32 to index
        %get3A_1506 = arith.constant 16 : index
        %get3A_1507 = tpu.vector_load %arg15[%get3A_1505, %get3A_1506] {strides = array<i32>} : memref<320x128xf32, #tpu.memory_space<vmem>>, vector<1x16xf32>,
        %get3A_1508 = vector.shape_cast %get3A_1507 : vector<1x16xf32> to vector<16xf32>
        %mul3A_1509 = arith.mulf %gather3A_1494, %get3A_1508 : vector<16xf32>
        %max3A_1510 = arith.maximumf %max3A_1441, %mul3A_1509 : vector<16xf32>
        %add3A_1511 = arith.constant 15 : i32
        %add3A_1512 = arith.addi %mul3A_471, %add3A_1511 : i32
        %get3A_1513 = arith.index_cast %add3A_1512 : i32 to index
        %get3A_1514 = arith.constant 32 : index
        %get3A_1515 = tpu.vector_load %arg15[%get3A_1513, %get3A_1514] {strides = array<i32>} : memref<320x128xf32, #tpu.memory_space<vmem>>, vector<1x16xf32>,
        %get3A_1516 = vector.shape_cast %get3A_1515 : vector<1x16xf32> to vector<16xf32>
        %mul3A_1517 = arith.mulf %gather3A_1494, %get3A_1516 : vector<16xf32>
        %max3A_1518 = arith.maximumf %max3A_1449, %mul3A_1517 : vector<16xf32>
        %add3A_1519 = arith.constant 15 : i32
        %add3A_1520 = arith.addi %mul3A_471, %add3A_1519 : i32
        %get3A_1521 = arith.index_cast %add3A_1520 : i32 to index
        %get3A_1522 = arith.constant 48 : index
        %get3A_1523 = tpu.vector_load %arg15[%get3A_1521, %get3A_1522] {strides = array<i32>} : memref<320x128xf32, #tpu.memory_space<vmem>>, vector<1x16xf32>,
        %get3A_1524 = vector.shape_cast %get3A_1523 : vector<1x16xf32> to vector<16xf32>
        %mul3A_1525 = arith.mulf %gather3A_1494, %get3A_1524 : vector<16xf32>
        %max3A_1526 = arith.maximumf %max3A_1457, %mul3A_1525 : vector<16xf32>
        %add3A_1527 = arith.constant 15 : i32
        %add3A_1528 = arith.addi %mul3A_471, %add3A_1527 : i32
        %get3A_1529 = arith.index_cast %add3A_1528 : i32 to index
        %get3A_1530 = arith.constant 64 : index
        %get3A_1531 = tpu.vector_load %arg15[%get3A_1529, %get3A_1530] {strides = array<i32>} : memref<320x128xf32, #tpu.memory_space<vmem>>, vector<1x16xf32>,
        %get3A_1532 = vector.shape_cast %get3A_1531 : vector<1x16xf32> to vector<16xf32>
        %mul3A_1533 = arith.mulf %gather3A_1494, %get3A_1532 : vector<16xf32>
        %max3A_1534 = arith.maximumf %max3A_1465, %mul3A_1533 : vector<16xf32>
        %add3A_1535 = arith.constant 15 : i32
        %add3A_1536 = arith.addi %mul3A_471, %add3A_1535 : i32
        %get3A_1537 = arith.index_cast %add3A_1536 : i32 to index
        %get3A_1538 = arith.constant 80 : index
        %get3A_1539 = tpu.vector_load %arg15[%get3A_1537, %get3A_1538] {strides = array<i32>} : memref<320x128xf32, #tpu.memory_space<vmem>>, vector<1x16xf32>,
        %get3A_1540 = vector.shape_cast %get3A_1539 : vector<1x16xf32> to vector<16xf32>
        %mul3A_1541 = arith.mulf %gather3A_1494, %get3A_1540 : vector<16xf32>
        %max3A_1542 = arith.maximumf %max3A_1473, %mul3A_1541 : vector<16xf32>
        %add3A_1543 = arith.constant 15 : i32
        %add3A_1544 = arith.addi %mul3A_471, %add3A_1543 : i32
        %get3A_1545 = arith.index_cast %add3A_1544 : i32 to index
        %get3A_1546 = arith.constant 96 : index
        %get3A_1547 = tpu.vector_load %arg15[%get3A_1545, %get3A_1546] {strides = array<i32>} : memref<320x128xf32, #tpu.memory_space<vmem>>, vector<1x16xf32>,
        %get3A_1548 = vector.shape_cast %get3A_1547 : vector<1x16xf32> to vector<16xf32>
        %mul3A_1549 = arith.mulf %gather3A_1494, %get3A_1548 : vector<16xf32>
        %max3A_1550 = arith.maximumf %max3A_1481, %mul3A_1549 : vector<16xf32>
        %add3A_1551 = arith.constant 15 : i32
        %add3A_1552 = arith.addi %mul3A_471, %add3A_1551 : i32
        %get3A_1553 = arith.index_cast %add3A_1552 : i32 to index
        %get3A_1554 = arith.constant 112 : index
        %get3A_1555 = tpu.vector_load %arg15[%get3A_1553, %get3A_1554] {strides = array<i32>} : memref<320x128xf32, #tpu.memory_space<vmem>>, vector<1x16xf32>,
        %get3A_1556 = vector.shape_cast %get3A_1555 : vector<1x16xf32> to vector<16xf32>
        %mul3A_1557 = arith.mulf %gather3A_1494, %get3A_1556 : vector<16xf32>
        %max3A_1558 = arith.maximumf %max3A_1489, %mul3A_1557 : vector<16xf32>
        %get3A_1559 = arith.index_cast %scan3A_461 : i32 to index
        %get3A_1560 = arith.constant 0 : index
        %get3A_1561 = tpu.vector_load %arg16[%get3A_1559, %get3A_1560] {strides = array<i32>} : memref<20x128xf32, #tpu.memory_space<vmem>>, vector<1x16xf32>,
        %get3A_1562 = vector.shape_cast %get3A_1561 : vector<1x16xf32> to vector<16xf32>
        %sub3A = arith.constant 1.000000e+00 : f32
        %sub3A_1563 = vector.broadcast %sub3A : f32 to vector<16xf32>
        %sub3A_1564 = arith.subf %sub3A_1563, %gather3A_479 : vector<16xf32>
        %mul3A_1565 = arith.mulf %sub3A_1564, %max3A_1502 : vector<16xf32>
        %mul3A_1566 = arith.mulf %gather3A_479, %get3A_1562 : vector<16xf32>
        %add3A_1567 = arith.addf %mul3A_1565, %mul3A_1566 : vector<16xf32>
        %add3A_1568 = arith.addf %scan3A_462, %add3A_1567 : vector<16xf32>
        %get3A_1569 = arith.index_cast %scan3A_461 : i32 to index
        %get3A_1570 = arith.constant 16 : index
        %get3A_1571 = tpu.vector_load %arg16[%get3A_1569, %get3A_1570] {strides = array<i32>} : memref<20x128xf32, #tpu.memory_space<vmem>>, vector<1x16xf32>,
        %get3A_1572 = vector.shape_cast %get3A_1571 : vector<1x16xf32> to vector<16xf32>
        %sub3A_1573 = arith.constant 1.000000e+00 : f32
        %sub3A_1574 = vector.broadcast %sub3A_1573 : f32 to vector<16xf32>
        %sub3A_1575 = arith.subf %sub3A_1574, %gather3A_479 : vector<16xf32>
        %mul3A_1576 = arith.mulf %sub3A_1575, %max3A_1510 : vector<16xf32>
        %mul3A_1577 = arith.mulf %gather3A_479, %get3A_1572 : vector<16xf32>
        %add3A_1578 = arith.addf %mul3A_1576, %mul3A_1577 : vector<16xf32>
        %add3A_1579 = arith.addf %scan3A_463, %add3A_1578 : vector<16xf32>
        %get3A_1580 = arith.index_cast %scan3A_461 : i32 to index
        %get3A_1581 = arith.constant 32 : index
        %get3A_1582 = tpu.vector_load %arg16[%get3A_1580, %get3A_1581] {strides = array<i32>} : memref<20x128xf32, #tpu.memory_space<vmem>>, vector<1x16xf32>,
        %get3A_1583 = vector.shape_cast %get3A_1582 : vector<1x16xf32> to vector<16xf32>
        %sub3A_1584 = arith.constant 1.000000e+00 : f32
        %sub3A_1585 = vector.broadcast %sub3A_1584 : f32 to vector<16xf32>
        %sub3A_1586 = arith.subf %sub3A_1585, %gather3A_479 : vector<16xf32>
        %mul3A_1587 = arith.mulf %sub3A_1586, %max3A_1518 : vector<16xf32>
        %mul3A_1588 = arith.mulf %gather3A_479, %get3A_1583 : vector<16xf32>
        %add3A_1589 = arith.addf %mul3A_1587, %mul3A_1588 : vector<16xf32>
        %add3A_1590 = arith.addf %scan3A_464, %add3A_1589 : vector<16xf32>
        %get3A_1591 = arith.index_cast %scan3A_461 : i32 to index
        %get3A_1592 = arith.constant 48 : index
        %get3A_1593 = tpu.vector_load %arg16[%get3A_1591, %get3A_1592] {strides = array<i32>} : memref<20x128xf32, #tpu.memory_space<vmem>>, vector<1x16xf32>,
        %get3A_1594 = vector.shape_cast %get3A_1593 : vector<1x16xf32> to vector<16xf32>
        %sub3A_1595 = arith.constant 1.000000e+00 : f32
        %sub3A_1596 = vector.broadcast %sub3A_1595 : f32 to vector<16xf32>
        %sub3A_1597 = arith.subf %sub3A_1596, %gather3A_479 : vector<16xf32>
        %mul3A_1598 = arith.mulf %sub3A_1597, %max3A_1526 : vector<16xf32>
        %mul3A_1599 = arith.mulf %gather3A_479, %get3A_1594 : vector<16xf32>
        %add3A_1600 = arith.addf %mul3A_1598, %mul3A_1599 : vector<16xf32>
        %add3A_1601 = arith.addf %scan3A_465, %add3A_1600 : vector<16xf32>
        %get3A_1602 = arith.index_cast %scan3A_461 : i32 to index
        %get3A_1603 = arith.constant 64 : index
        %get3A_1604 = tpu.vector_load %arg16[%get3A_1602, %get3A_1603] {strides = array<i32>} : memref<20x128xf32, #tpu.memory_space<vmem>>, vector<1x16xf32>,
        %get3A_1605 = vector.shape_cast %get3A_1604 : vector<1x16xf32> to vector<16xf32>
        %sub3A_1606 = arith.constant 1.000000e+00 : f32
        %sub3A_1607 = vector.broadcast %sub3A_1606 : f32 to vector<16xf32>
        %sub3A_1608 = arith.subf %sub3A_1607, %gather3A_479 : vector<16xf32>
        %mul3A_1609 = arith.mulf %sub3A_1608, %max3A_1534 : vector<16xf32>
        %mul3A_1610 = arith.mulf %gather3A_479, %get3A_1605 : vector<16xf32>
        %add3A_1611 = arith.addf %mul3A_1609, %mul3A_1610 : vector<16xf32>
        %add3A_1612 = arith.addf %scan3A_466, %add3A_1611 : vector<16xf32>
        %get3A_1613 = arith.index_cast %scan3A_461 : i32 to index
        %get3A_1614 = arith.constant 80 : index
        %get3A_1615 = tpu.vector_load %arg16[%get3A_1613, %get3A_1614] {strides = array<i32>} : memref<20x128xf32, #tpu.memory_space<vmem>>, vector<1x16xf32>,
        %get3A_1616 = vector.shape_cast %get3A_1615 : vector<1x16xf32> to vector<16xf32>
        %sub3A_1617 = arith.constant 1.000000e+00 : f32
        %sub3A_1618 = vector.broadcast %sub3A_1617 : f32 to vector<16xf32>
        %sub3A_1619 = arith.subf %sub3A_1618, %gather3A_479 : vector<16xf32>
        %mul3A_1620 = arith.mulf %sub3A_1619, %max3A_1542 : vector<16xf32>
        %mul3A_1621 = arith.mulf %gather3A_479, %get3A_1616 : vector<16xf32>
        %add3A_1622 = arith.addf %mul3A_1620, %mul3A_1621 : vector<16xf32>
        %add3A_1623 = arith.addf %scan3A_467, %add3A_1622 : vector<16xf32>
        %get3A_1624 = arith.index_cast %scan3A_461 : i32 to index
        %get3A_1625 = arith.constant 96 : index
        %get3A_1626 = tpu.vector_load %arg16[%get3A_1624, %get3A_1625] {strides = array<i32>} : memref<20x128xf32, #tpu.memory_space<vmem>>, vector<1x16xf32>,
        %get3A_1627 = vector.shape_cast %get3A_1626 : vector<1x16xf32> to vector<16xf32>
        %sub3A_1628 = arith.constant 1.000000e+00 : f32
        %sub3A_1629 = vector.broadcast %sub3A_1628 : f32 to vector<16xf32>
        %sub3A_1630 = arith.subf %sub3A_1629, %gather3A_479 : vector<16xf32>
        %mul3A_1631 = arith.mulf %sub3A_1630, %max3A_1550 : vector<16xf32>
        %mul3A_1632 = arith.mulf %gather3A_479, %get3A_1627 : vector<16xf32>
        %add3A_1633 = arith.addf %mul3A_1631, %mul3A_1632 : vector<16xf32>
        %add3A_1634 = arith.addf %scan3A_468, %add3A_1633 : vector<16xf32>
        %get3A_1635 = arith.index_cast %scan3A_461 : i32 to index
        %get3A_1636 = arith.constant 112 : index
        %get3A_1637 = tpu.vector_load %arg16[%get3A_1635, %get3A_1636] {strides = array<i32>} : memref<20x128xf32, #tpu.memory_space<vmem>>, vector<1x16xf32>,
        %get3A_1638 = vector.shape_cast %get3A_1637 : vector<1x16xf32> to vector<16xf32>
        %sub3A_1639 = arith.constant 1.000000e+00 : f32
        %sub3A_1640 = vector.broadcast %sub3A_1639 : f32 to vector<16xf32>
        %sub3A_1641 = arith.subf %sub3A_1640, %gather3A_479 : vector<16xf32>
        %mul3A_1642 = arith.mulf %sub3A_1641, %max3A_1558 : vector<16xf32>
        %mul3A_1643 = arith.mulf %gather3A_479, %get3A_1638 : vector<16xf32>
        %add3A_1644 = arith.addf %mul3A_1642, %mul3A_1643 : vector<16xf32>
        %add3A_1645 = arith.addf %scan3A_469, %add3A_1644 : vector<16xf32>
        scf.yield %add3A_1568, %add3A_1579, %add3A_1590, %add3A_1601, %add3A_1612, %add3A_1623, %add3A_1634, %add3A_1645 : vector<16xf32>, vector<16xf32>, vector<16xf32>, vector<16xf32>, vector<16xf32>, vector<16xf32>, vector<16xf32>, vector<16xf32>
      }
      %scan3A_301 = arith.constant 20 : i32
      %swap3A = arith.constant 0 : index
      %swap3A_302 = tpu.vector_load %arg23[%swap3A] {strides = array<i32>} : memref<128xf32, #tpu.memory_space<vmem>>, vector<16xf32>,
      %swap3A_303 = vector.shape_cast %swap3A_302 : vector<16xf32> to vector<16xf32>
      %swap3A_304 = vector.shape_cast %scan3A_300#0 : vector<16xf32> to vector<16xf32>
      tpu.vector_store %arg23[%swap3A], %swap3A_304 {strides = array<i32>} : memref<128xf32, #tpu.memory_space<vmem>>, vector<16xf32>,
      %swap3A_305 = arith.constant 16 : index
      %swap3A_306 = tpu.vector_load %arg23[%swap3A_305] {strides = array<i32>} : memref<128xf32, #tpu.memory_space<vmem>>, vector<16xf32>,
      %swap3A_307 = vector.shape_cast %swap3A_306 : vector<16xf32> to vector<16xf32>
      %swap3A_308 = vector.shape_cast %scan3A_300#1 : vector<16xf32> to vector<16xf32>
      tpu.vector_store %arg23[%swap3A_305], %swap3A_308 {strides = array<i32>} : memref<128xf32, #tpu.memory_space<vmem>>, vector<16xf32>,
      %swap3A_309 = arith.constant 32 : index
      %swap3A_310 = tpu.vector_load %arg23[%swap3A_309] {strides = array<i32>} : memref<128xf32, #tpu.memory_space<vmem>>, vector<16xf32>,
      %swap3A_311 = vector.shape_cast %swap3A_310 : vector<16xf32> to vector<16xf32>
      %swap3A_312 = vector.shape_cast %scan3A_300#2 : vector<16xf32> to vector<16xf32>
      tpu.vector_store %arg23[%swap3A_309], %swap3A_312 {strides = array<i32>} : memref<128xf32, #tpu.memory_space<vmem>>, vector<16xf32>,
      %swap3A_313 = arith.constant 48 : index
      %swap3A_314 = tpu.vector_load %arg23[%swap3A_313] {strides = array<i32>} : memref<128xf32, #tpu.memory_space<vmem>>, vector<16xf32>,
      %swap3A_315 = vector.shape_cast %swap3A_314 : vector<16xf32> to vector<16xf32>
      %swap3A_316 = vector.shape_cast %scan3A_300#3 : vector<16xf32> to vector<16xf32>
      tpu.vector_store %arg23[%swap3A_313], %swap3A_316 {strides = array<i32>} : memref<128xf32, #tpu.memory_space<vmem>>, vector<16xf32>,
      %swap3A_317 = arith.constant 64 : index
      %swap3A_318 = tpu.vector_load %arg23[%swap3A_317] {strides = array<i32>} : memref<128xf32, #tpu.memory_space<vmem>>, vector<16xf32>,
      %swap3A_319 = vector.shape_cast %swap3A_318 : vector<16xf32> to vector<16xf32>
      %swap3A_320 = vector.shape_cast %scan3A_300#4 : vector<16xf32> to vector<16xf32>
      tpu.vector_store %arg23[%swap3A_317], %swap3A_320 {strides = array<i32>} : memref<128xf32, #tpu.memory_space<vmem>>, vector<16xf32>,
      %swap3A_321 = arith.constant 80 : index
      %swap3A_322 = tpu.vector_load %arg23[%swap3A_321] {strides = array<i32>} : memref<128xf32, #tpu.memory_space<vmem>>, vector<16xf32>,
      %swap3A_323 = vector.shape_cast %swap3A_322 : vector<16xf32> to vector<16xf32>
      %swap3A_324 = vector.shape_cast %scan3A_300#5 : vector<16xf32> to vector<16xf32>
      tpu.vector_store %arg23[%swap3A_321], %swap3A_324 {strides = array<i32>} : memref<128xf32, #tpu.memory_space<vmem>>, vector<16xf32>,
      %swap3A_325 = arith.constant 96 : index
      %swap3A_326 = tpu.vector_load %arg23[%swap3A_325] {strides = array<i32>} : memref<128xf32, #tpu.memory_space<vmem>>, vector<16xf32>,
      %swap3A_327 = vector.shape_cast %swap3A_326 : vector<16xf32> to vector<16xf32>
      %swap3A_328 = vector.shape_cast %scan3A_300#6 : vector<16xf32> to vector<16xf32>
      tpu.vector_store %arg23[%swap3A_325], %swap3A_328 {strides = array<i32>} : memref<128xf32, #tpu.memory_space<vmem>>, vector<16xf32>,
      %swap3A_329 = arith.constant 112 : index
      %swap3A_330 = tpu.vector_load %arg23[%swap3A_329] {strides = array<i32>} : memref<128xf32, #tpu.memory_space<vmem>>, vector<16xf32>,
      %swap3A_331 = vector.shape_cast %swap3A_330 : vector<16xf32> to vector<16xf32>
      %swap3A_332 = vector.shape_cast %scan3A_300#7 : vector<16xf32> to vector<16xf32>
      tpu.vector_store %arg23[%swap3A_329], %swap3A_332 {strides = array<i32>} : memref<128xf32, #tpu.memory_space<vmem>>, vector<16xf32>,
      %mul3A_333 = arith.constant 128 : i32
      %mul3A_334 = arith.muli %add3A_130, %mul3A_333 : i32
      "tpu.region"() ({
        %run_scoped3A = tpu.sem_alloc : memref<!tpu.dma_semaphore, #tpu.memory_space<semaphore_mem>>
        %dma_start3A_461 = tpu.memref_slice %arg8[%mul3A_334] : memref<131072xf32, #tpu.memory_space<hbm>> -> memref<128xf32, #tpu.memory_space<hbm>>
        %dma_start3A_462 = tpu.memref_slice %arg8[%mul3A_334] : memref<131072xf32, #tpu.memory_space<hbm>> -> memref<128xf32, #tpu.memory_space<hbm>>
        tpu.enqueue_dma source(%arg23 : memref<128xf32, #tpu.memory_space<vmem>>) target(%dma_start3A_462 : memref<128xf32, #tpu.memory_space<hbm>>) target_semaphore(%run_scoped3A : memref<!tpu.dma_semaphore, #tpu.memory_space<semaphore_mem>>)
        %dma_wait3A_463 = tpu.memref_slice %arg8[%mul3A_334] : memref<131072xf32, #tpu.memory_space<hbm>> -> memref<128xf32, #tpu.memory_space<hbm>>
        %dma_wait3A_464 = tpu.memref_slice %arg8[%mul3A_334] : memref<131072xf32, #tpu.memory_space<hbm>> -> memref<128xf32, #tpu.memory_space<hbm>>
        tpu.wait_dma2 semaphore(%run_scoped3A : memref<!tpu.dma_semaphore, #tpu.memory_space<semaphore_mem>>) src(%arg23 : memref<128xf32, #tpu.memory_space<vmem>>) dst(%dma_wait3A_464 : memref<128xf32, #tpu.memory_space<hbm>>)
        tpu.yield
      }) : () -> ()
      %dma_wait3A_335 = arith.constant 0 : i32
      %dma_wait3A_336 = arith.constant 0 : i32
      %dma_wait3A_337 = tpu.memref_slice %arg19[%dma_wait3A_335, %dma_wait3A_336] : memref<320x128xf32, #tpu.memory_space<vmem>> -> memref<128x128xf32, #tpu.memory_space<vmem>>
      %dma_wait3A_338 = arith.constant 0 : i32
      %dma_wait3A_339 = tpu.memref_slice %arg13[%dma_wait3A_338] : memref<320xi32, #tpu.memory_space<vmem>> -> memref<128xi32, #tpu.memory_space<vmem>>
      %dma_wait3A_340 = arith.constant 0 : i32
      %dma_wait3A_341 = arith.constant 0 : i32
      %dma_wait3A_342 = tpu.memref_slice %arg5[%dma_wait3A_340, %dma_wait3A_341] : memref<5000x128xf32, #tpu.memory_space<hbm>> -> memref<5000x128xf32, #tpu.memory_space<hbm>>
      tpu.wait_indirect_dma semaphore(%arg27 : memref<!tpu.dma_semaphore, #tpu.memory_space<semaphore_mem>>) src(%dma_wait3A_342 : memref<5000x128xf32, #tpu.memory_space<hbm>>) dst(%dma_wait3A_337 : memref<128x128xf32, #tpu.memory_space<vmem>>)
      %dma_wait3A_343 = arith.constant 128 : i32
      %dma_wait3A_344 = arith.constant 0 : i32
      %dma_wait3A_345 = tpu.memref_slice %arg19[%dma_wait3A_343, %dma_wait3A_344] : memref<320x128xf32, #tpu.memory_space<vmem>> -> memref<128x128xf32, #tpu.memory_space<vmem>>
      %dma_wait3A_346 = arith.constant 128 : i32
      %dma_wait3A_347 = tpu.memref_slice %arg13[%dma_wait3A_346] : memref<320xi32, #tpu.memory_space<vmem>> -> memref<128xi32, #tpu.memory_space<vmem>>
      %dma_wait3A_348 = arith.constant 0 : i32
      %dma_wait3A_349 = arith.constant 0 : i32
      %dma_wait3A_350 = tpu.memref_slice %arg5[%dma_wait3A_348, %dma_wait3A_349] : memref<5000x128xf32, #tpu.memory_space<hbm>> -> memref<5000x128xf32, #tpu.memory_space<hbm>>
      tpu.wait_indirect_dma semaphore(%arg27 : memref<!tpu.dma_semaphore, #tpu.memory_space<semaphore_mem>>) src(%dma_wait3A_350 : memref<5000x128xf32, #tpu.memory_space<hbm>>) dst(%dma_wait3A_345 : memref<128x128xf32, #tpu.memory_space<vmem>>)
      %dma_wait3A_351 = arith.constant 256 : i32
      %dma_wait3A_352 = arith.constant 0 : i32
      %dma_wait3A_353 = tpu.memref_slice %arg19[%dma_wait3A_351, %dma_wait3A_352] : memref<320x128xf32, #tpu.memory_space<vmem>> -> memref<64x128xf32, #tpu.memory_space<vmem>>
      %dma_wait3A_354 = arith.constant 256 : i32
      %dma_wait3A_355 = tpu.memref_slice %arg13[%dma_wait3A_354] : memref<320xi32, #tpu.memory_space<vmem>> -> memref<64xi32, #tpu.memory_space<vmem>>
      %dma_wait3A_356 = arith.constant 0 : i32
      %dma_wait3A_357 = arith.constant 0 : i32
      %dma_wait3A_358 = tpu.memref_slice %arg5[%dma_wait3A_356, %dma_wait3A_357] : memref<5000x128xf32, #tpu.memory_space<hbm>> -> memref<5000x128xf32, #tpu.memory_space<hbm>>
      tpu.wait_indirect_dma semaphore(%arg27 : memref<!tpu.dma_semaphore, #tpu.memory_space<semaphore_mem>>) src(%dma_wait3A_358 : memref<5000x128xf32, #tpu.memory_space<hbm>>) dst(%dma_wait3A_353 : memref<64x128xf32, #tpu.memory_space<vmem>>)
      %dma_wait3A_359 = arith.constant 0 : i32
      %dma_wait3A_360 = tpu.memref_slice %arg21[%dma_wait3A_359] : memref<384xf32, #tpu.memory_space<vmem>> -> memref<128xf32, #tpu.memory_space<vmem>>
      %dma_wait3A_361 = arith.constant 0 : i32
      %dma_wait3A_362 = tpu.memref_slice %arg14[%dma_wait3A_361] : memref<320xi32, #tpu.memory_space<vmem>> -> memref<128xi32, #tpu.memory_space<vmem>>
      %dma_wait3A_363 = arith.constant 0 : i32
      %dma_wait3A_364 = tpu.memref_slice %arg6[%scan3A_120, %dma_wait3A_363] : memref<1x24995001xf32, #tpu.memory_space<hbm>> -> memref<1x24995001xf32, #tpu.memory_space<hbm>>
      %dma_wait3A_365 = tpu.memref_squeeze %dma_wait3A_364 : memref<1x24995001xf32, #tpu.memory_space<hbm>> -> memref<24995001xf32, #tpu.memory_space<hbm>>
      %dma_wait3A_366 = arith.constant 0 : i32
      %dma_wait3A_367 = tpu.memref_slice %dma_wait3A_365[%dma_wait3A_366] : memref<24995001xf32, #tpu.memory_space<hbm>> -> memref<24995001xf32, #tpu.memory_space<hbm>>
      tpu.wait_indirect_dma semaphore(%arg27 : memref<!tpu.dma_semaphore, #tpu.memory_space<semaphore_mem>>) src(%dma_wait3A_367 : memref<24995001xf32, #tpu.memory_space<hbm>>) dst(%dma_wait3A_360 : memref<128xf32, #tpu.memory_space<vmem>>)
      %dma_wait3A_368 = arith.constant 128 : i32
      %dma_wait3A_369 = tpu.memref_slice %arg21[%dma_wait3A_368] : memref<384xf32, #tpu.memory_space<vmem>> -> memref<128xf32, #tpu.memory_space<vmem>>
      %dma_wait3A_370 = arith.constant 128 : i32
      %dma_wait3A_371 = tpu.memref_slice %arg14[%dma_wait3A_370] : memref<320xi32, #tpu.memory_space<vmem>> -> memref<128xi32, #tpu.memory_space<vmem>>
      %dma_wait3A_372 = arith.constant 0 : i32
      %dma_wait3A_373 = tpu.memref_slice %arg6[%scan3A_120, %dma_wait3A_372] : memref<1x24995001xf32, #tpu.memory_space<hbm>> -> memref<1x24995001xf32, #tpu.memory_space<hbm>>
      %dma_wait3A_374 = tpu.memref_squeeze %dma_wait3A_373 : memref<1x24995001xf32, #tpu.memory_space<hbm>> -> memref<24995001xf32, #tpu.memory_space<hbm>>
      %dma_wait3A_375 = arith.constant 0 : i32
      %dma_wait3A_376 = tpu.memref_slice %dma_wait3A_374[%dma_wait3A_375] : memref<24995001xf32, #tpu.memory_space<hbm>> -> memref<24995001xf32, #tpu.memory_space<hbm>>
      tpu.wait_indirect_dma semaphore(%arg27 : memref<!tpu.dma_semaphore, #tpu.memory_space<semaphore_mem>>) src(%dma_wait3A_376 : memref<24995001xf32, #tpu.memory_space<hbm>>) dst(%dma_wait3A_369 : memref<128xf32, #tpu.memory_space<vmem>>)
      %dma_wait3A_377 = arith.constant 256 : i32
      %dma_wait3A_378 = tpu.memref_slice %arg21[%dma_wait3A_377] : memref<384xf32, #tpu.memory_space<vmem>> -> memref<64xf32, #tpu.memory_space<vmem>>
      %dma_wait3A_379 = arith.constant 256 : i32
      %dma_wait3A_380 = tpu.memref_slice %arg14[%dma_wait3A_379] : memref<320xi32, #tpu.memory_space<vmem>> -> memref<64xi32, #tpu.memory_space<vmem>>
      %dma_wait3A_381 = arith.constant 0 : i32
      %dma_wait3A_382 = tpu.memref_slice %arg6[%scan3A_120, %dma_wait3A_381] : memref<1x24995001xf32, #tpu.memory_space<hbm>> -> memref<1x24995001xf32, #tpu.memory_space<hbm>>
      %dma_wait3A_383 = tpu.memref_squeeze %dma_wait3A_382 : memref<1x24995001xf32, #tpu.memory_space<hbm>> -> memref<24995001xf32, #tpu.memory_space<hbm>>
      %dma_wait3A_384 = arith.constant 0 : i32
      %dma_wait3A_385 = tpu.memref_slice %dma_wait3A_383[%dma_wait3A_384] : memref<24995001xf32, #tpu.memory_space<hbm>> -> memref<24995001xf32, #tpu.memory_space<hbm>>
      tpu.wait_indirect_dma semaphore(%arg27 : memref<!tpu.dma_semaphore, #tpu.memory_space<semaphore_mem>>) src(%dma_wait3A_385 : memref<24995001xf32, #tpu.memory_space<hbm>>) dst(%dma_wait3A_378 : memref<64xf32, #tpu.memory_space<vmem>>)
      %dma_wait3A_386 = arith.constant 0 : i32
      %dma_wait3A_387 = tpu.memref_slice %arg12[%dma_wait3A_386] : memref<24xi32, #tpu.memory_space<vmem>> -> memref<20xi32, #tpu.memory_space<vmem>>
      %dma_wait3A_388 = arith.constant 0 : i32
      %dma_wait3A_389 = arith.constant 0 : i32
      %dma_wait3A_390 = tpu.memref_slice %arg5[%dma_wait3A_388, %dma_wait3A_389] : memref<5000x128xf32, #tpu.memory_space<hbm>> -> memref<5000x128xf32, #tpu.memory_space<hbm>>
      tpu.wait_indirect_dma semaphore(%arg27 : memref<!tpu.dma_semaphore, #tpu.memory_space<semaphore_mem>>) src(%dma_wait3A_390 : memref<5000x128xf32, #tpu.memory_space<hbm>>) dst(%arg20 : memref<20x128xf32, #tpu.memory_space<vmem>>)
      %dma_wait3A_391 = arith.constant 0 : i32
      %dma_wait3A_392 = tpu.memref_slice %arg22[%dma_wait3A_391] : memref<128xf32, #tpu.memory_space<vmem>> -> memref<20xf32, #tpu.memory_space<vmem>>
      %dma_wait3A_393 = arith.constant 0 : i32
      %dma_wait3A_394 = tpu.memref_slice %arg12[%dma_wait3A_393] : memref<24xi32, #tpu.memory_space<vmem>> -> memref<20xi32, #tpu.memory_space<vmem>>
      %dma_wait3A_395 = arith.constant 0 : i32
      %dma_wait3A_396 = tpu.memref_slice %arg7[%scan3A_121, %dma_wait3A_395] : memref<1x5000xf32, #tpu.memory_space<hbm>> -> memref<1x5000xf32, #tpu.memory_space<hbm>>
      %dma_wait3A_397 = tpu.memref_squeeze %dma_wait3A_396 : memref<1x5000xf32, #tpu.memory_space<hbm>> -> memref<5000xf32, #tpu.memory_space<hbm>>
      %dma_wait3A_398 = arith.constant 0 : i32
      %dma_wait3A_399 = tpu.memref_slice %dma_wait3A_397[%dma_wait3A_398] : memref<5000xf32, #tpu.memory_space<hbm>> -> memref<5000xf32, #tpu.memory_space<hbm>>
      tpu.wait_indirect_dma semaphore(%arg27 : memref<!tpu.dma_semaphore, #tpu.memory_space<semaphore_mem>>) src(%dma_wait3A_399 : memref<5000xf32, #tpu.memory_space<hbm>>) dst(%dma_wait3A_392 : memref<20xf32, #tpu.memory_space<vmem>>)
      %lt3A_400 = arith.constant 15 : i32
      %lt3A_401 = arith.cmpi slt, %scan3A_127, %lt3A_400 : i32
      %convert_element_type3A_402 = arith.extui %lt3A_401 : i1 to i32
      %cond3A_403 = arith.constant 0 : i32
      %cond3A_404 = arith.cmpi ne, %convert_element_type3A_402, %cond3A_403 : i32
      scf.if %cond3A_404 {
        %add3A_461 = arith.constant 2 : i32
        %add3A_462 = arith.addi %add3A_132, %add3A_461 : i32
        %mul3A_463 = arith.constant 24 : i32
        %mul3A_464 = arith.muli %add3A_462, %mul3A_463 : i32
        %mul3A_465 = arith.constant 20 : i32
        %mul3A_466 = arith.muli %add3A_462, %mul3A_465 : i32
        %mul3A_467 = arith.constant 16 : i32
        %mul3A_468 = arith.muli %mul3A_466, %mul3A_467 : i32
        %mul3A_469 = arith.constant 20 : i32
        %mul3A_470 = arith.muli %add3A_462, %mul3A_469 : i32
        %mul3A_471 = arith.constant 16 : i32
        %mul3A_472 = arith.muli %mul3A_470, %mul3A_471 : i32
        %dma_start3A_473 = tpu.memref_slice %arg2[%mul3A_464] : memref<24576xi32, #tpu.memory_space<hbm>> -> memref<24xi32, #tpu.memory_space<hbm>>
        %dma_start3A_474 = tpu.memref_slice %arg2[%mul3A_464] : memref<24576xi32, #tpu.memory_space<hbm>> -> memref<24xi32, #tpu.memory_space<hbm>>
        tpu.enqueue_dma source(%dma_start3A_474 : memref<24xi32, #tpu.memory_space<hbm>>) target(%arg12 : memref<24xi32, #tpu.memory_space<vmem>>) target_semaphore(%arg25 : memref<!tpu.dma_semaphore, #tpu.memory_space<semaphore_mem>>)
        %dma_start3A_475 = tpu.memref_slice %arg3[%mul3A_468] : memref<327680xi32, #tpu.memory_space<hbm>> -> memref<320xi32, #tpu.memory_space<hbm>>
        %dma_start3A_476 = tpu.memref_slice %arg3[%mul3A_468] : memref<327680xi32, #tpu.memory_space<hbm>> -> memref<320xi32, #tpu.memory_space<hbm>>
        tpu.enqueue_dma source(%dma_start3A_476 : memref<320xi32, #tpu.memory_space<hbm>>) target(%arg13 : memref<320xi32, #tpu.memory_space<vmem>>) target_semaphore(%arg25 : memref<!tpu.dma_semaphore, #tpu.memory_space<semaphore_mem>>)
        %dma_start3A_477 = tpu.memref_slice %arg4[%mul3A_472] : memref<327680xi32, #tpu.memory_space<hbm>> -> memref<320xi32, #tpu.memory_space<hbm>>
        %dma_start3A_478 = tpu.memref_slice %arg4[%mul3A_472] : memref<327680xi32, #tpu.memory_space<hbm>> -> memref<320xi32, #tpu.memory_space<hbm>>
        tpu.enqueue_dma source(%dma_start3A_478 : memref<320xi32, #tpu.memory_space<hbm>>) target(%arg14 : memref<320xi32, #tpu.memory_space<vmem>>) target_semaphore(%arg25 : memref<!tpu.dma_semaphore, #tpu.memory_space<semaphore_mem>>)
        %add3A_479 = arith.constant 2 : i32
        %add3A_480 = arith.addi %add3A_130, %add3A_479 : i32
        %mul3A_481 = arith.constant 24 : i32
        %mul3A_482 = arith.muli %add3A_480, %mul3A_481 : i32
        %mul3A_483 = arith.constant 20 : i32
        %mul3A_484 = arith.muli %add3A_480, %mul3A_483 : i32
        %mul3A_485 = arith.constant 16 : i32
        %mul3A_486 = arith.muli %mul3A_484, %mul3A_485 : i32
        %mul3A_487 = arith.constant 20 : i32
        %mul3A_488 = arith.muli %add3A_480, %mul3A_487 : i32
        %mul3A_489 = arith.constant 16 : i32
        %mul3A_490 = arith.muli %mul3A_488, %mul3A_489 : i32
        %dma_wait3A_491 = tpu.memref_slice %arg2[%mul3A_482] : memref<24576xi32, #tpu.memory_space<hbm>> -> memref<24xi32, #tpu.memory_space<hbm>>
        %dma_wait3A_492 = tpu.memref_slice %arg2[%mul3A_482] : memref<24576xi32, #tpu.memory_space<hbm>> -> memref<24xi32, #tpu.memory_space<hbm>>
        tpu.wait_dma2 semaphore(%arg24 : memref<!tpu.dma_semaphore, #tpu.memory_space<semaphore_mem>>) src(%dma_wait3A_492 : memref<24xi32, #tpu.memory_space<hbm>>) dst(%arg9 : memref<24xi32, #tpu.memory_space<vmem>>)
        %dma_wait3A_493 = tpu.memref_slice %arg3[%mul3A_486] : memref<327680xi32, #tpu.memory_space<hbm>> -> memref<320xi32, #tpu.memory_space<hbm>>
        %dma_wait3A_494 = tpu.memref_slice %arg3[%mul3A_486] : memref<327680xi32, #tpu.memory_space<hbm>> -> memref<320xi32, #tpu.memory_space<hbm>>
        tpu.wait_dma2 semaphore(%arg24 : memref<!tpu.dma_semaphore, #tpu.memory_space<semaphore_mem>>) src(%dma_wait3A_494 : memref<320xi32, #tpu.memory_space<hbm>>) dst(%arg10 : memref<320xi32, #tpu.memory_space<vmem>>)
        %dma_wait3A_495 = tpu.memref_slice %arg4[%mul3A_490] : memref<327680xi32, #tpu.memory_space<hbm>> -> memref<320xi32, #tpu.memory_space<hbm>>
        %dma_wait3A_496 = tpu.memref_slice %arg4[%mul3A_490] : memref<327680xi32, #tpu.memory_space<hbm>> -> memref<320xi32, #tpu.memory_space<hbm>>
        tpu.wait_dma2 semaphore(%arg24 : memref<!tpu.dma_semaphore, #tpu.memory_space<semaphore_mem>>) src(%dma_wait3A_496 : memref<320xi32, #tpu.memory_space<hbm>>) dst(%arg11 : memref<320xi32, #tpu.memory_space<vmem>>)
        %dma_start3A_497 = arith.constant 0 : i32
        %dma_start3A_498 = arith.constant 0 : i32
        %dma_start3A_499 = tpu.memref_slice %arg15[%dma_start3A_497, %dma_start3A_498] : memref<320x128xf32, #tpu.memory_space<vmem>> -> memref<128x128xf32, #tpu.memory_space<vmem>>
        %dma_start3A_500 = arith.constant 0 : i32
        %dma_start3A_501 = tpu.memref_slice %arg10[%dma_start3A_500] : memref<320xi32, #tpu.memory_space<vmem>> -> memref<128xi32, #tpu.memory_space<vmem>>
        %dma_start3A_502 = arith.constant 0 : i32
        %dma_start3A_503 = arith.constant 0 : i32
        %dma_start3A_504 = tpu.memref_slice %arg5[%dma_start3A_502, %dma_start3A_503] : memref<5000x128xf32, #tpu.memory_space<hbm>> -> memref<5000x128xf32, #tpu.memory_space<hbm>>
        tpu.enqueue_indirect_dma source(%dma_start3A_504 : memref<5000x128xf32, #tpu.memory_space<hbm>>) target(%dma_start3A_499 : memref<128x128xf32, #tpu.memory_space<vmem>>) offsets(%dma_start3A_501 : memref<128xi32, #tpu.memory_space<vmem>>) semaphore(%arg26 : memref<!tpu.dma_semaphore, #tpu.memory_space<semaphore_mem>>)
        %dma_start3A_505 = arith.constant 128 : i32
        %dma_start3A_506 = arith.constant 0 : i32
        %dma_start3A_507 = tpu.memref_slice %arg15[%dma_start3A_505, %dma_start3A_506] : memref<320x128xf32, #tpu.memory_space<vmem>> -> memref<128x128xf32, #tpu.memory_space<vmem>>
        %dma_start3A_508 = arith.constant 128 : i32
        %dma_start3A_509 = tpu.memref_slice %arg10[%dma_start3A_508] : memref<320xi32, #tpu.memory_space<vmem>> -> memref<128xi32, #tpu.memory_space<vmem>>
        %dma_start3A_510 = arith.constant 0 : i32
        %dma_start3A_511 = arith.constant 0 : i32
        %dma_start3A_512 = tpu.memref_slice %arg5[%dma_start3A_510, %dma_start3A_511] : memref<5000x128xf32, #tpu.memory_space<hbm>> -> memref<5000x128xf32, #tpu.memory_space<hbm>>
        tpu.enqueue_indirect_dma source(%dma_start3A_512 : memref<5000x128xf32, #tpu.memory_space<hbm>>) target(%dma_start3A_507 : memref<128x128xf32, #tpu.memory_space<vmem>>) offsets(%dma_start3A_509 : memref<128xi32, #tpu.memory_space<vmem>>) semaphore(%arg26 : memref<!tpu.dma_semaphore, #tpu.memory_space<semaphore_mem>>)
        %dma_start3A_513 = arith.constant 256 : i32
        %dma_start3A_514 = arith.constant 0 : i32
        %dma_start3A_515 = tpu.memref_slice %arg15[%dma_start3A_513, %dma_start3A_514] : memref<320x128xf32, #tpu.memory_space<vmem>> -> memref<64x128xf32, #tpu.memory_space<vmem>>
        %dma_start3A_516 = arith.constant 256 : i32
        %dma_start3A_517 = tpu.memref_slice %arg10[%dma_start3A_516] : memref<320xi32, #tpu.memory_space<vmem>> -> memref<64xi32, #tpu.memory_space<vmem>>
        %dma_start3A_518 = arith.constant 0 : i32
        %dma_start3A_519 = arith.constant 0 : i32
        %dma_start3A_520 = tpu.memref_slice %arg5[%dma_start3A_518, %dma_start3A_519] : memref<5000x128xf32, #tpu.memory_space<hbm>> -> memref<5000x128xf32, #tpu.memory_space<hbm>>
        tpu.enqueue_indirect_dma source(%dma_start3A_520 : memref<5000x128xf32, #tpu.memory_space<hbm>>) target(%dma_start3A_515 : memref<64x128xf32, #tpu.memory_space<vmem>>) offsets(%dma_start3A_517 : memref<64xi32, #tpu.memory_space<vmem>>) semaphore(%arg26 : memref<!tpu.dma_semaphore, #tpu.memory_space<semaphore_mem>>)
        %dma_start3A_521 = arith.constant 0 : i32
        %dma_start3A_522 = tpu.memref_slice %arg17[%dma_start3A_521] : memref<384xf32, #tpu.memory_space<vmem>> -> memref<128xf32, #tpu.memory_space<vmem>>
        %dma_start3A_523 = arith.constant 0 : i32
        %dma_start3A_524 = tpu.memref_slice %arg11[%dma_start3A_523] : memref<320xi32, #tpu.memory_space<vmem>> -> memref<128xi32, #tpu.memory_space<vmem>>
        %dma_start3A_525 = arith.constant 0 : i32
        %dma_start3A_526 = tpu.memref_slice %arg6[%scan3A_120, %dma_start3A_525] : memref<1x24995001xf32, #tpu.memory_space<hbm>> -> memref<1x24995001xf32, #tpu.memory_space<hbm>>
        %dma_start3A_527 = tpu.memref_squeeze %dma_start3A_526 : memref<1x24995001xf32, #tpu.memory_space<hbm>> -> memref<24995001xf32, #tpu.memory_space<hbm>>
        %dma_start3A_528 = arith.constant 0 : i32
        %dma_start3A_529 = tpu.memref_slice %dma_start3A_527[%dma_start3A_528] : memref<24995001xf32, #tpu.memory_space<hbm>> -> memref<24995001xf32, #tpu.memory_space<hbm>>
        tpu.enqueue_indirect_dma source(%dma_start3A_529 : memref<24995001xf32, #tpu.memory_space<hbm>>) target(%dma_start3A_522 : memref<128xf32, #tpu.memory_space<vmem>>) offsets(%dma_start3A_524 : memref<128xi32, #tpu.memory_space<vmem>>) semaphore(%arg26 : memref<!tpu.dma_semaphore, #tpu.memory_space<semaphore_mem>>)
        %dma_start3A_530 = arith.constant 128 : i32
        %dma_start3A_531 = tpu.memref_slice %arg17[%dma_start3A_530] : memref<384xf32, #tpu.memory_space<vmem>> -> memref<128xf32, #tpu.memory_space<vmem>>
        %dma_start3A_532 = arith.constant 128 : i32
        %dma_start3A_533 = tpu.memref_slice %arg11[%dma_start3A_532] : memref<320xi32, #tpu.memory_space<vmem>> -> memref<128xi32, #tpu.memory_space<vmem>>
        %dma_start3A_534 = arith.constant 0 : i32
        %dma_start3A_535 = tpu.memref_slice %arg6[%scan3A_120, %dma_start3A_534] : memref<1x24995001xf32, #tpu.memory_space<hbm>> -> memref<1x24995001xf32, #tpu.memory_space<hbm>>
        %dma_start3A_536 = tpu.memref_squeeze %dma_start3A_535 : memref<1x24995001xf32, #tpu.memory_space<hbm>> -> memref<24995001xf32, #tpu.memory_space<hbm>>
        %dma_start3A_537 = arith.constant 0 : i32
        %dma_start3A_538 = tpu.memref_slice %dma_start3A_536[%dma_start3A_537] : memref<24995001xf32, #tpu.memory_space<hbm>> -> memref<24995001xf32, #tpu.memory_space<hbm>>
        tpu.enqueue_indirect_dma source(%dma_start3A_538 : memref<24995001xf32, #tpu.memory_space<hbm>>) target(%dma_start3A_531 : memref<128xf32, #tpu.memory_space<vmem>>) offsets(%dma_start3A_533 : memref<128xi32, #tpu.memory_space<vmem>>) semaphore(%arg26 : memref<!tpu.dma_semaphore, #tpu.memory_space<semaphore_mem>>)
        %dma_start3A_539 = arith.constant 256 : i32
        %dma_start3A_540 = tpu.memref_slice %arg17[%dma_start3A_539] : memref<384xf32, #tpu.memory_space<vmem>> -> memref<64xf32, #tpu.memory_space<vmem>>
        %dma_start3A_541 = arith.constant 256 : i32
        %dma_start3A_542 = tpu.memref_slice %arg11[%dma_start3A_541] : memref<320xi32, #tpu.memory_space<vmem>> -> memref<64xi32, #tpu.memory_space<vmem>>
        %dma_start3A_543 = arith.constant 0 : i32
        %dma_start3A_544 = tpu.memref_slice %arg6[%scan3A_120, %dma_start3A_543] : memref<1x24995001xf32, #tpu.memory_space<hbm>> -> memref<1x24995001xf32, #tpu.memory_space<hbm>>
        %dma_start3A_545 = tpu.memref_squeeze %dma_start3A_544 : memref<1x24995001xf32, #tpu.memory_space<hbm>> -> memref<24995001xf32, #tpu.memory_space<hbm>>
        %dma_start3A_546 = arith.constant 0 : i32
        %dma_start3A_547 = tpu.memref_slice %dma_start3A_545[%dma_start3A_546] : memref<24995001xf32, #tpu.memory_space<hbm>> -> memref<24995001xf32, #tpu.memory_space<hbm>>
        tpu.enqueue_indirect_dma source(%dma_start3A_547 : memref<24995001xf32, #tpu.memory_space<hbm>>) target(%dma_start3A_540 : memref<64xf32, #tpu.memory_space<vmem>>) offsets(%dma_start3A_542 : memref<64xi32, #tpu.memory_space<vmem>>) semaphore(%arg26 : memref<!tpu.dma_semaphore, #tpu.memory_space<semaphore_mem>>)
        %dma_start3A_548 = arith.constant 0 : i32
        %dma_start3A_549 = tpu.memref_slice %arg9[%dma_start3A_548] : memref<24xi32, #tpu.memory_space<vmem>> -> memref<20xi32, #tpu.memory_space<vmem>>
        %dma_start3A_550 = arith.constant 0 : i32
        %dma_start3A_551 = arith.constant 0 : i32
        %dma_start3A_552 = tpu.memref_slice %arg5[%dma_start3A_550, %dma_start3A_551] : memref<5000x128xf32, #tpu.memory_space<hbm>> -> memref<5000x128xf32, #tpu.memory_space<hbm>>
        tpu.enqueue_indirect_dma source(%dma_start3A_552 : memref<5000x128xf32, #tpu.memory_space<hbm>>) target(%arg16 : memref<20x128xf32, #tpu.memory_space<vmem>>) offsets(%dma_start3A_549 : memref<20xi32, #tpu.memory_space<vmem>>) semaphore(%arg26 : memref<!tpu.dma_semaphore, #tpu.memory_space<semaphore_mem>>)
        %dma_start3A_553 = arith.constant 0 : i32
        %dma_start3A_554 = tpu.memref_slice %arg18[%dma_start3A_553] : memref<128xf32, #tpu.memory_space<vmem>> -> memref<20xf32, #tpu.memory_space<vmem>>
        %dma_start3A_555 = arith.constant 0 : i32
        %dma_start3A_556 = tpu.memref_slice %arg9[%dma_start3A_555] : memref<24xi32, #tpu.memory_space<vmem>> -> memref<20xi32, #tpu.memory_space<vmem>>
        %dma_start3A_557 = arith.constant 0 : i32
        %dma_start3A_558 = tpu.memref_slice %arg7[%scan3A_121, %dma_start3A_557] : memref<1x5000xf32, #tpu.memory_space<hbm>> -> memref<1x5000xf32, #tpu.memory_space<hbm>>
        %dma_start3A_559 = tpu.memref_squeeze %dma_start3A_558 : memref<1x5000xf32, #tpu.memory_space<hbm>> -> memref<5000xf32, #tpu.memory_space<hbm>>
        %dma_start3A_560 = arith.constant 0 : i32
        %dma_start3A_561 = tpu.memref_slice %dma_start3A_559[%dma_start3A_560] : memref<5000xf32, #tpu.memory_space<hbm>> -> memref<5000xf32, #tpu.memory_space<hbm>>
        tpu.enqueue_indirect_dma source(%dma_start3A_561 : memref<5000xf32, #tpu.memory_space<hbm>>) target(%dma_start3A_554 : memref<20xf32, #tpu.memory_space<vmem>>) offsets(%dma_start3A_556 : memref<20xi32, #tpu.memory_space<vmem>>) semaphore(%arg26 : memref<!tpu.dma_semaphore, #tpu.memory_space<semaphore_mem>>)
      } else {
      }
      %broadcast_in_dim3A_405 = arith.constant 0.000000e+00 : f32
      %broadcast_in_dim3A_406 = vector.broadcast %broadcast_in_dim3A_405 : f32 to vector<16xf32>
      %broadcast_in_dim3A_407 = arith.constant 0.000000e+00 : f32
      %broadcast_in_dim3A_408 = vector.broadcast %broadcast_in_dim3A_407 : f32 to vector<16xf32>
      %broadcast_in_dim3A_409 = arith.constant 0.000000e+00 : f32
      %broadcast_in_dim3A_410 = vector.broadcast %broadcast_in_dim3A_409 : f32 to vector<16xf32>
      %broadcast_in_dim3A_411 = arith.constant 0.000000e+00 : f32
      %broadcast_in_dim3A_412 = vector.broadcast %broadcast_in_dim3A_411 : f32 to vector<16xf32>
      %broadcast_in_dim3A_413 = arith.constant 0.000000e+00 : f32
      %broadcast_in_dim3A_414 = vector.broadcast %broadcast_in_dim3A_413 : f32 to vector<16xf32>
      %broadcast_in_dim3A_415 = arith.constant 0.000000e+00 : f32
      %broadcast_in_dim3A_416 = vector.broadcast %broadcast_in_dim3A_415 : f32 to vector<16xf32>
      %broadcast_in_dim3A_417 = arith.constant 0.000000e+00 : f32
      %broadcast_in_dim3A_418 = vector.broadcast %broadcast_in_dim3A_417 : f32 to vector<16xf32>
      %broadcast_in_dim3A_419 = arith.constant 0.000000e+00 : f32
      %broadcast_in_dim3A_420 = vector.broadcast %broadcast_in_dim3A_419 : f32 to vector<16xf32>
      %scan3A_421 = arith.constant 0 : i32
      %scan3A_422 = arith.constant 20 : i32
      %scan3A_423 = arith.addi %scan3A_421, %scan3A_422 : i32
      %scan3A_424 = arith.constant 1 : i32
      %scan3A_425:8 = scf.for %scan3A_461 = %scan3A_421 to %scan3A_423 step %scan3A_424 iter_args(%scan3A_462 = %broadcast_in_dim3A_406, %scan3A_463 = %broadcast_in_dim3A_408, %scan3A_464 = %broadcast_in_dim3A_410, %scan3A_465 = %broadcast_in_dim3A_412, %scan3A_466 = %broadcast_in_dim3A_414, %scan3A_467 = %broadcast_in_dim3A_416, %scan3A_468 = %broadcast_in_dim3A_418, %scan3A_469 = %broadcast_in_dim3A_420) -> (vector<16xf32>, vector<16xf32>, vector<16xf32>, vector<16xf32>, vector<16xf32>, vector<16xf32>, vector<16xf32>, vector<16xf32>)  : i32 {
        %mul3A_470 = arith.constant 16 : i32
        %mul3A_471 = arith.muli %scan3A_461, %mul3A_470 : i32
        %get3A = arith.index_cast %mul3A_471 : i32 to index
        %get3A_472 = tpu.vector_load %arg21[%get3A] {strides = array<i32>} : memref<384xf32, #tpu.memory_space<vmem>>, vector<16xf32>,
        %get3A_473 = vector.shape_cast %get3A_472 : vector<16xf32> to vector<16xf32>
        %get3A_474 = arith.index_cast %scan3A_461 : i32 to index
        %get3A_475 = tpu.vector_load %arg22[%get3A_474] {strides = array<i32>} : memref<128xf32, #tpu.memory_space<vmem>>, vector<16xf32>,
        %get3A_476 = vector.shape_cast %get3A_475 : vector<16xf32> to vector<16xf32>
        %broadcast_in_dim3A_477 = arith.constant 0 : i32
        %broadcast_in_dim3A_478 = vector.broadcast %broadcast_in_dim3A_477 : i32 to vector<16xi32>
        %reshape3A = vector.shape_cast %broadcast_in_dim3A_478 : vector<16xi32> to vector<16x1xi32>
        %gather3A = vector.shape_cast %reshape3A : vector<16x1xi32> to vector<16xi32>
        %gather3A_479 = tpu.dynamic_gather %get3A_476[%gather3A] in [0] : vector<16xf32>, vector<16xi32> -> vector<16xf32>
        %broadcast_in_dim3A_480 = arith.constant 0 : i32
        %broadcast_in_dim3A_481 = vector.broadcast %broadcast_in_dim3A_480 : i32 to vector<16xi32>
        %reshape3A_482 = vector.shape_cast %broadcast_in_dim3A_481 : vector<16xi32> to vector<16x1xi32>
        %gather3A_483 = vector.shape_cast %reshape3A_482 : vector<16x1xi32> to vector<16xi32>
        %gather3A_484 = tpu.dynamic_gather %get3A_473[%gather3A_483] in [0] : vector<16xf32>, vector<16xi32> -> vector<16xf32>
        %get3A_485 = arith.index_cast %mul3A_471 : i32 to index
        %get3A_486 = arith.constant 0 : index
        %get3A_487 = tpu.vector_load %arg19[%get3A_485, %get3A_486] {strides = array<i32>} : memref<320x128xf32, #tpu.memory_space<vmem>>, vector<1x16xf32>,
        %get3A_488 = vector.shape_cast %get3A_487 : vector<1x16xf32> to vector<16xf32>
        %mul3A_489 = arith.mulf %gather3A_484, %get3A_488 : vector<16xf32>
        %get3A_490 = arith.index_cast %mul3A_471 : i32 to index
        %get3A_491 = arith.constant 16 : index
        %get3A_492 = tpu.vector_load %arg19[%get3A_490, %get3A_491] {strides = array<i32>} : memref<320x128xf32, #tpu.memory_space<vmem>>, vector<1x16xf32>,
        %get3A_493 = vector.shape_cast %get3A_492 : vector<1x16xf32> to vector<16xf32>
        %mul3A_494 = arith.mulf %gather3A_484, %get3A_493 : vector<16xf32>
        %get3A_495 = arith.index_cast %mul3A_471 : i32 to index
        %get3A_496 = arith.constant 32 : index
        %get3A_497 = tpu.vector_load %arg19[%get3A_495, %get3A_496] {strides = array<i32>} : memref<320x128xf32, #tpu.memory_space<vmem>>, vector<1x16xf32>,
        %get3A_498 = vector.shape_cast %get3A_497 : vector<1x16xf32> to vector<16xf32>
        %mul3A_499 = arith.mulf %gather3A_484, %get3A_498 : vector<16xf32>
        %get3A_500 = arith.index_cast %mul3A_471 : i32 to index
        %get3A_501 = arith.constant 48 : index
        %get3A_502 = tpu.vector_load %arg19[%get3A_500, %get3A_501] {strides = array<i32>} : memref<320x128xf32, #tpu.memory_space<vmem>>, vector<1x16xf32>,
        %get3A_503 = vector.shape_cast %get3A_502 : vector<1x16xf32> to vector<16xf32>
        %mul3A_504 = arith.mulf %gather3A_484, %get3A_503 : vector<16xf32>
        %get3A_505 = arith.index_cast %mul3A_471 : i32 to index
        %get3A_506 = arith.constant 64 : index
        %get3A_507 = tpu.vector_load %arg19[%get3A_505, %get3A_506] {strides = array<i32>} : memref<320x128xf32, #tpu.memory_space<vmem>>, vector<1x16xf32>,
        %get3A_508 = vector.shape_cast %get3A_507 : vector<1x16xf32> to vector<16xf32>
        %mul3A_509 = arith.mulf %gather3A_484, %get3A_508 : vector<16xf32>
        %get3A_510 = arith.index_cast %mul3A_471 : i32 to index
        %get3A_511 = arith.constant 80 : index
        %get3A_512 = tpu.vector_load %arg19[%get3A_510, %get3A_511] {strides = array<i32>} : memref<320x128xf32, #tpu.memory_space<vmem>>, vector<1x16xf32>,
        %get3A_513 = vector.shape_cast %get3A_512 : vector<1x16xf32> to vector<16xf32>
        %mul3A_514 = arith.mulf %gather3A_484, %get3A_513 : vector<16xf32>
        %get3A_515 = arith.index_cast %mul3A_471 : i32 to index
        %get3A_516 = arith.constant 96 : index
        %get3A_517 = tpu.vector_load %arg19[%get3A_515, %get3A_516] {strides = array<i32>} : memref<320x128xf32, #tpu.memory_space<vmem>>, vector<1x16xf32>,
        %get3A_518 = vector.shape_cast %get3A_517 : vector<1x16xf32> to vector<16xf32>
        %mul3A_519 = arith.mulf %gather3A_484, %get3A_518 : vector<16xf32>
        %get3A_520 = arith.index_cast %mul3A_471 : i32 to index
        %get3A_521 = arith.constant 112 : index
        %get3A_522 = tpu.vector_load %arg19[%get3A_520, %get3A_521] {strides = array<i32>} : memref<320x128xf32, #tpu.memory_space<vmem>>, vector<1x16xf32>,
        %get3A_523 = vector.shape_cast %get3A_522 : vector<1x16xf32> to vector<16xf32>
        %mul3A_524 = arith.mulf %gather3A_484, %get3A_523 : vector<16xf32>
        %broadcast_in_dim3A_525 = arith.constant 1 : i32
        %broadcast_in_dim3A_526 = vector.broadcast %broadcast_in_dim3A_525 : i32 to vector<16xi32>
        %reshape3A_527 = vector.shape_cast %broadcast_in_dim3A_526 : vector<16xi32> to vector<16x1xi32>
        %gather3A_528 = vector.shape_cast %reshape3A_527 : vector<16x1xi32> to vector<16xi32>
        %gather3A_529 = tpu.dynamic_gather %get3A_473[%gather3A_528] in [0] : vector<16xf32>, vector<16xi32> -> vector<16xf32>
        %add3A_530 = arith.constant 1 : i32
        %add3A_531 = arith.addi %mul3A_471, %add3A_530 : i32
        %get3A_532 = arith.index_cast %add3A_531 : i32 to index
        %get3A_533 = arith.constant 0 : index
        %get3A_534 = tpu.vector_load %arg19[%get3A_532, %get3A_533] {strides = array<i32>} : memref<320x128xf32, #tpu.memory_space<vmem>>, vector<1x16xf32>,
        %get3A_535 = vector.shape_cast %get3A_534 : vector<1x16xf32> to vector<16xf32>
        %mul3A_536 = arith.mulf %gather3A_529, %get3A_535 : vector<16xf32>
        %max3A = arith.maximumf %mul3A_489, %mul3A_536 : vector<16xf32>
        %add3A_537 = arith.constant 1 : i32
        %add3A_538 = arith.addi %mul3A_471, %add3A_537 : i32
        %get3A_539 = arith.index_cast %add3A_538 : i32 to index
        %get3A_540 = arith.constant 16 : index
        %get3A_541 = tpu.vector_load %arg19[%get3A_539, %get3A_540] {strides = array<i32>} : memref<320x128xf32, #tpu.memory_space<vmem>>, vector<1x16xf32>,
        %get3A_542 = vector.shape_cast %get3A_541 : vector<1x16xf32> to vector<16xf32>
        %mul3A_543 = arith.mulf %gather3A_529, %get3A_542 : vector<16xf32>
        %max3A_544 = arith.maximumf %mul3A_494, %mul3A_543 : vector<16xf32>
        %add3A_545 = arith.constant 1 : i32
        %add3A_546 = arith.addi %mul3A_471, %add3A_545 : i32
        %get3A_547 = arith.index_cast %add3A_546 : i32 to index
        %get3A_548 = arith.constant 32 : index
        %get3A_549 = tpu.vector_load %arg19[%get3A_547, %get3A_548] {strides = array<i32>} : memref<320x128xf32, #tpu.memory_space<vmem>>, vector<1x16xf32>,
        %get3A_550 = vector.shape_cast %get3A_549 : vector<1x16xf32> to vector<16xf32>
        %mul3A_551 = arith.mulf %gather3A_529, %get3A_550 : vector<16xf32>
        %max3A_552 = arith.maximumf %mul3A_499, %mul3A_551 : vector<16xf32>
        %add3A_553 = arith.constant 1 : i32
        %add3A_554 = arith.addi %mul3A_471, %add3A_553 : i32
        %get3A_555 = arith.index_cast %add3A_554 : i32 to index
        %get3A_556 = arith.constant 48 : index
        %get3A_557 = tpu.vector_load %arg19[%get3A_555, %get3A_556] {strides = array<i32>} : memref<320x128xf32, #tpu.memory_space<vmem>>, vector<1x16xf32>,
        %get3A_558 = vector.shape_cast %get3A_557 : vector<1x16xf32> to vector<16xf32>
        %mul3A_559 = arith.mulf %gather3A_529, %get3A_558 : vector<16xf32>
        %max3A_560 = arith.maximumf %mul3A_504, %mul3A_559 : vector<16xf32>
        %add3A_561 = arith.constant 1 : i32
        %add3A_562 = arith.addi %mul3A_471, %add3A_561 : i32
        %get3A_563 = arith.index_cast %add3A_562 : i32 to index
        %get3A_564 = arith.constant 64 : index
        %get3A_565 = tpu.vector_load %arg19[%get3A_563, %get3A_564] {strides = array<i32>} : memref<320x128xf32, #tpu.memory_space<vmem>>, vector<1x16xf32>,
        %get3A_566 = vector.shape_cast %get3A_565 : vector<1x16xf32> to vector<16xf32>
        %mul3A_567 = arith.mulf %gather3A_529, %get3A_566 : vector<16xf32>
        %max3A_568 = arith.maximumf %mul3A_509, %mul3A_567 : vector<16xf32>
        %add3A_569 = arith.constant 1 : i32
        %add3A_570 = arith.addi %mul3A_471, %add3A_569 : i32
        %get3A_571 = arith.index_cast %add3A_570 : i32 to index
        %get3A_572 = arith.constant 80 : index
        %get3A_573 = tpu.vector_load %arg19[%get3A_571, %get3A_572] {strides = array<i32>} : memref<320x128xf32, #tpu.memory_space<vmem>>, vector<1x16xf32>,
        %get3A_574 = vector.shape_cast %get3A_573 : vector<1x16xf32> to vector<16xf32>
        %mul3A_575 = arith.mulf %gather3A_529, %get3A_574 : vector<16xf32>
        %max3A_576 = arith.maximumf %mul3A_514, %mul3A_575 : vector<16xf32>
        %add3A_577 = arith.constant 1 : i32
        %add3A_578 = arith.addi %mul3A_471, %add3A_577 : i32
        %get3A_579 = arith.index_cast %add3A_578 : i32 to index
        %get3A_580 = arith.constant 96 : index
        %get3A_581 = tpu.vector_load %arg19[%get3A_579, %get3A_580] {strides = array<i32>} : memref<320x128xf32, #tpu.memory_space<vmem>>, vector<1x16xf32>,
        %get3A_582 = vector.shape_cast %get3A_581 : vector<1x16xf32> to vector<16xf32>
        %mul3A_583 = arith.mulf %gather3A_529, %get3A_582 : vector<16xf32>
        %max3A_584 = arith.maximumf %mul3A_519, %mul3A_583 : vector<16xf32>
        %add3A_585 = arith.constant 1 : i32
        %add3A_586 = arith.addi %mul3A_471, %add3A_585 : i32
        %get3A_587 = arith.index_cast %add3A_586 : i32 to index
        %get3A_588 = arith.constant 112 : index
        %get3A_589 = tpu.vector_load %arg19[%get3A_587, %get3A_588] {strides = array<i32>} : memref<320x128xf32, #tpu.memory_space<vmem>>, vector<1x16xf32>,
        %get3A_590 = vector.shape_cast %get3A_589 : vector<1x16xf32> to vector<16xf32>
        %mul3A_591 = arith.mulf %gather3A_529, %get3A_590 : vector<16xf32>
        %max3A_592 = arith.maximumf %mul3A_524, %mul3A_591 : vector<16xf32>
        %broadcast_in_dim3A_593 = arith.constant 2 : i32
        %broadcast_in_dim3A_594 = vector.broadcast %broadcast_in_dim3A_593 : i32 to vector<16xi32>
        %reshape3A_595 = vector.shape_cast %broadcast_in_dim3A_594 : vector<16xi32> to vector<16x1xi32>
        %gather3A_596 = vector.shape_cast %reshape3A_595 : vector<16x1xi32> to vector<16xi32>
        %gather3A_597 = tpu.dynamic_gather %get3A_473[%gather3A_596] in [0] : vector<16xf32>, vector<16xi32> -> vector<16xf32>
        %add3A_598 = arith.constant 2 : i32
        %add3A_599 = arith.addi %mul3A_471, %add3A_598 : i32
        %get3A_600 = arith.index_cast %add3A_599 : i32 to index
        %get3A_601 = arith.constant 0 : index
        %get3A_602 = tpu.vector_load %arg19[%get3A_600, %get3A_601] {strides = array<i32>} : memref<320x128xf32, #tpu.memory_space<vmem>>, vector<1x16xf32>,
        %get3A_603 = vector.shape_cast %get3A_602 : vector<1x16xf32> to vector<16xf32>
        %mul3A_604 = arith.mulf %gather3A_597, %get3A_603 : vector<16xf32>
        %max3A_605 = arith.maximumf %max3A, %mul3A_604 : vector<16xf32>
        %add3A_606 = arith.constant 2 : i32
        %add3A_607 = arith.addi %mul3A_471, %add3A_606 : i32
        %get3A_608 = arith.index_cast %add3A_607 : i32 to index
        %get3A_609 = arith.constant 16 : index
        %get3A_610 = tpu.vector_load %arg19[%get3A_608, %get3A_609] {strides = array<i32>} : memref<320x128xf32, #tpu.memory_space<vmem>>, vector<1x16xf32>,
        %get3A_611 = vector.shape_cast %get3A_610 : vector<1x16xf32> to vector<16xf32>
        %mul3A_612 = arith.mulf %gather3A_597, %get3A_611 : vector<16xf32>
        %max3A_613 = arith.maximumf %max3A_544, %mul3A_612 : vector<16xf32>
        %add3A_614 = arith.constant 2 : i32
        %add3A_615 = arith.addi %mul3A_471, %add3A_614 : i32
        %get3A_616 = arith.index_cast %add3A_615 : i32 to index
        %get3A_617 = arith.constant 32 : index
        %get3A_618 = tpu.vector_load %arg19[%get3A_616, %get3A_617] {strides = array<i32>} : memref<320x128xf32, #tpu.memory_space<vmem>>, vector<1x16xf32>,
        %get3A_619 = vector.shape_cast %get3A_618 : vector<1x16xf32> to vector<16xf32>
        %mul3A_620 = arith.mulf %gather3A_597, %get3A_619 : vector<16xf32>
        %max3A_621 = arith.maximumf %max3A_552, %mul3A_620 : vector<16xf32>
        %add3A_622 = arith.constant 2 : i32
        %add3A_623 = arith.addi %mul3A_471, %add3A_622 : i32
        %get3A_624 = arith.index_cast %add3A_623 : i32 to index
        %get3A_625 = arith.constant 48 : index
        %get3A_626 = tpu.vector_load %arg19[%get3A_624, %get3A_625] {strides = array<i32>} : memref<320x128xf32, #tpu.memory_space<vmem>>, vector<1x16xf32>,
        %get3A_627 = vector.shape_cast %get3A_626 : vector<1x16xf32> to vector<16xf32>
        %mul3A_628 = arith.mulf %gather3A_597, %get3A_627 : vector<16xf32>
        %max3A_629 = arith.maximumf %max3A_560, %mul3A_628 : vector<16xf32>
        %add3A_630 = arith.constant 2 : i32
        %add3A_631 = arith.addi %mul3A_471, %add3A_630 : i32
        %get3A_632 = arith.index_cast %add3A_631 : i32 to index
        %get3A_633 = arith.constant 64 : index
        %get3A_634 = tpu.vector_load %arg19[%get3A_632, %get3A_633] {strides = array<i32>} : memref<320x128xf32, #tpu.memory_space<vmem>>, vector<1x16xf32>,
        %get3A_635 = vector.shape_cast %get3A_634 : vector<1x16xf32> to vector<16xf32>
        %mul3A_636 = arith.mulf %gather3A_597, %get3A_635 : vector<16xf32>
        %max3A_637 = arith.maximumf %max3A_568, %mul3A_636 : vector<16xf32>
        %add3A_638 = arith.constant 2 : i32
        %add3A_639 = arith.addi %mul3A_471, %add3A_638 : i32
        %get3A_640 = arith.index_cast %add3A_639 : i32 to index
        %get3A_641 = arith.constant 80 : index
        %get3A_642 = tpu.vector_load %arg19[%get3A_640, %get3A_641] {strides = array<i32>} : memref<320x128xf32, #tpu.memory_space<vmem>>, vector<1x16xf32>,
        %get3A_643 = vector.shape_cast %get3A_642 : vector<1x16xf32> to vector<16xf32>
        %mul3A_644 = arith.mulf %gather3A_597, %get3A_643 : vector<16xf32>
        %max3A_645 = arith.maximumf %max3A_576, %mul3A_644 : vector<16xf32>
        %add3A_646 = arith.constant 2 : i32
        %add3A_647 = arith.addi %mul3A_471, %add3A_646 : i32
        %get3A_648 = arith.index_cast %add3A_647 : i32 to index
        %get3A_649 = arith.constant 96 : index
        %get3A_650 = tpu.vector_load %arg19[%get3A_648, %get3A_649] {strides = array<i32>} : memref<320x128xf32, #tpu.memory_space<vmem>>, vector<1x16xf32>,
        %get3A_651 = vector.shape_cast %get3A_650 : vector<1x16xf32> to vector<16xf32>
        %mul3A_652 = arith.mulf %gather3A_597, %get3A_651 : vector<16xf32>
        %max3A_653 = arith.maximumf %max3A_584, %mul3A_652 : vector<16xf32>
        %add3A_654 = arith.constant 2 : i32
        %add3A_655 = arith.addi %mul3A_471, %add3A_654 : i32
        %get3A_656 = arith.index_cast %add3A_655 : i32 to index
        %get3A_657 = arith.constant 112 : index
        %get3A_658 = tpu.vector_load %arg19[%get3A_656, %get3A_657] {strides = array<i32>} : memref<320x128xf32, #tpu.memory_space<vmem>>, vector<1x16xf32>,
        %get3A_659 = vector.shape_cast %get3A_658 : vector<1x16xf32> to vector<16xf32>
        %mul3A_660 = arith.mulf %gather3A_597, %get3A_659 : vector<16xf32>
        %max3A_661 = arith.maximumf %max3A_592, %mul3A_660 : vector<16xf32>
        %broadcast_in_dim3A_662 = arith.constant 3 : i32
        %broadcast_in_dim3A_663 = vector.broadcast %broadcast_in_dim3A_662 : i32 to vector<16xi32>
        %reshape3A_664 = vector.shape_cast %broadcast_in_dim3A_663 : vector<16xi32> to vector<16x1xi32>
        %gather3A_665 = vector.shape_cast %reshape3A_664 : vector<16x1xi32> to vector<16xi32>
        %gather3A_666 = tpu.dynamic_gather %get3A_473[%gather3A_665] in [0] : vector<16xf32>, vector<16xi32> -> vector<16xf32>
        %add3A_667 = arith.constant 3 : i32
        %add3A_668 = arith.addi %mul3A_471, %add3A_667 : i32
        %get3A_669 = arith.index_cast %add3A_668 : i32 to index
        %get3A_670 = arith.constant 0 : index
        %get3A_671 = tpu.vector_load %arg19[%get3A_669, %get3A_670] {strides = array<i32>} : memref<320x128xf32, #tpu.memory_space<vmem>>, vector<1x16xf32>,
        %get3A_672 = vector.shape_cast %get3A_671 : vector<1x16xf32> to vector<16xf32>
        %mul3A_673 = arith.mulf %gather3A_666, %get3A_672 : vector<16xf32>
        %max3A_674 = arith.maximumf %max3A_605, %mul3A_673 : vector<16xf32>
        %add3A_675 = arith.constant 3 : i32
        %add3A_676 = arith.addi %mul3A_471, %add3A_675 : i32
        %get3A_677 = arith.index_cast %add3A_676 : i32 to index
        %get3A_678 = arith.constant 16 : index
        %get3A_679 = tpu.vector_load %arg19[%get3A_677, %get3A_678] {strides = array<i32>} : memref<320x128xf32, #tpu.memory_space<vmem>>, vector<1x16xf32>,
        %get3A_680 = vector.shape_cast %get3A_679 : vector<1x16xf32> to vector<16xf32>
        %mul3A_681 = arith.mulf %gather3A_666, %get3A_680 : vector<16xf32>
        %max3A_682 = arith.maximumf %max3A_613, %mul3A_681 : vector<16xf32>
        %add3A_683 = arith.constant 3 : i32
        %add3A_684 = arith.addi %mul3A_471, %add3A_683 : i32
        %get3A_685 = arith.index_cast %add3A_684 : i32 to index
        %get3A_686 = arith.constant 32 : index
        %get3A_687 = tpu.vector_load %arg19[%get3A_685, %get3A_686] {strides = array<i32>} : memref<320x128xf32, #tpu.memory_space<vmem>>, vector<1x16xf32>,
        %get3A_688 = vector.shape_cast %get3A_687 : vector<1x16xf32> to vector<16xf32>
        %mul3A_689 = arith.mulf %gather3A_666, %get3A_688 : vector<16xf32>
        %max3A_690 = arith.maximumf %max3A_621, %mul3A_689 : vector<16xf32>
        %add3A_691 = arith.constant 3 : i32
        %add3A_692 = arith.addi %mul3A_471, %add3A_691 : i32
        %get3A_693 = arith.index_cast %add3A_692 : i32 to index
        %get3A_694 = arith.constant 48 : index
        %get3A_695 = tpu.vector_load %arg19[%get3A_693, %get3A_694] {strides = array<i32>} : memref<320x128xf32, #tpu.memory_space<vmem>>, vector<1x16xf32>,
        %get3A_696 = vector.shape_cast %get3A_695 : vector<1x16xf32> to vector<16xf32>
        %mul3A_697 = arith.mulf %gather3A_666, %get3A_696 : vector<16xf32>
        %max3A_698 = arith.maximumf %max3A_629, %mul3A_697 : vector<16xf32>
        %add3A_699 = arith.constant 3 : i32
        %add3A_700 = arith.addi %mul3A_471, %add3A_699 : i32
        %get3A_701 = arith.index_cast %add3A_700 : i32 to index
        %get3A_702 = arith.constant 64 : index
        %get3A_703 = tpu.vector_load %arg19[%get3A_701, %get3A_702] {strides = array<i32>} : memref<320x128xf32, #tpu.memory_space<vmem>>, vector<1x16xf32>,
        %get3A_704 = vector.shape_cast %get3A_703 : vector<1x16xf32> to vector<16xf32>
        %mul3A_705 = arith.mulf %gather3A_666, %get3A_704 : vector<16xf32>
        %max3A_706 = arith.maximumf %max3A_637, %mul3A_705 : vector<16xf32>
        %add3A_707 = arith.constant 3 : i32
        %add3A_708 = arith.addi %mul3A_471, %add3A_707 : i32
        %get3A_709 = arith.index_cast %add3A_708 : i32 to index
        %get3A_710 = arith.constant 80 : index
        %get3A_711 = tpu.vector_load %arg19[%get3A_709, %get3A_710] {strides = array<i32>} : memref<320x128xf32, #tpu.memory_space<vmem>>, vector<1x16xf32>,
        %get3A_712 = vector.shape_cast %get3A_711 : vector<1x16xf32> to vector<16xf32>
        %mul3A_713 = arith.mulf %gather3A_666, %get3A_712 : vector<16xf32>
        %max3A_714 = arith.maximumf %max3A_645, %mul3A_713 : vector<16xf32>
        %add3A_715 = arith.constant 3 : i32
        %add3A_716 = arith.addi %mul3A_471, %add3A_715 : i32
        %get3A_717 = arith.index_cast %add3A_716 : i32 to index
        %get3A_718 = arith.constant 96 : index
        %get3A_719 = tpu.vector_load %arg19[%get3A_717, %get3A_718] {strides = array<i32>} : memref<320x128xf32, #tpu.memory_space<vmem>>, vector<1x16xf32>,
        %get3A_720 = vector.shape_cast %get3A_719 : vector<1x16xf32> to vector<16xf32>
        %mul3A_721 = arith.mulf %gather3A_666, %get3A_720 : vector<16xf32>
        %max3A_722 = arith.maximumf %max3A_653, %mul3A_721 : vector<16xf32>
        %add3A_723 = arith.constant 3 : i32
        %add3A_724 = arith.addi %mul3A_471, %add3A_723 : i32
        %get3A_725 = arith.index_cast %add3A_724 : i32 to index
        %get3A_726 = arith.constant 112 : index
        %get3A_727 = tpu.vector_load %arg19[%get3A_725, %get3A_726] {strides = array<i32>} : memref<320x128xf32, #tpu.memory_space<vmem>>, vector<1x16xf32>,
        %get3A_728 = vector.shape_cast %get3A_727 : vector<1x16xf32> to vector<16xf32>
        %mul3A_729 = arith.mulf %gather3A_666, %get3A_728 : vector<16xf32>
        %max3A_730 = arith.maximumf %max3A_661, %mul3A_729 : vector<16xf32>
        %broadcast_in_dim3A_731 = arith.constant 4 : i32
        %broadcast_in_dim3A_732 = vector.broadcast %broadcast_in_dim3A_731 : i32 to vector<16xi32>
        %reshape3A_733 = vector.shape_cast %broadcast_in_dim3A_732 : vector<16xi32> to vector<16x1xi32>
        %gather3A_734 = vector.shape_cast %reshape3A_733 : vector<16x1xi32> to vector<16xi32>
        %gather3A_735 = tpu.dynamic_gather %get3A_473[%gather3A_734] in [0] : vector<16xf32>, vector<16xi32> -> vector<16xf32>
        %add3A_736 = arith.constant 4 : i32
        %add3A_737 = arith.addi %mul3A_471, %add3A_736 : i32
        %get3A_738 = arith.index_cast %add3A_737 : i32 to index
        %get3A_739 = arith.constant 0 : index
        %get3A_740 = tpu.vector_load %arg19[%get3A_738, %get3A_739] {strides = array<i32>} : memref<320x128xf32, #tpu.memory_space<vmem>>, vector<1x16xf32>,
        %get3A_741 = vector.shape_cast %get3A_740 : vector<1x16xf32> to vector<16xf32>
        %mul3A_742 = arith.mulf %gather3A_735, %get3A_741 : vector<16xf32>
        %max3A_743 = arith.maximumf %max3A_674, %mul3A_742 : vector<16xf32>
        %add3A_744 = arith.constant 4 : i32
        %add3A_745 = arith.addi %mul3A_471, %add3A_744 : i32
        %get3A_746 = arith.index_cast %add3A_745 : i32 to index
        %get3A_747 = arith.constant 16 : index
        %get3A_748 = tpu.vector_load %arg19[%get3A_746, %get3A_747] {strides = array<i32>} : memref<320x128xf32, #tpu.memory_space<vmem>>, vector<1x16xf32>,
        %get3A_749 = vector.shape_cast %get3A_748 : vector<1x16xf32> to vector<16xf32>
        %mul3A_750 = arith.mulf %gather3A_735, %get3A_749 : vector<16xf32>
        %max3A_751 = arith.maximumf %max3A_682, %mul3A_750 : vector<16xf32>
        %add3A_752 = arith.constant 4 : i32
        %add3A_753 = arith.addi %mul3A_471, %add3A_752 : i32
        %get3A_754 = arith.index_cast %add3A_753 : i32 to index
        %get3A_755 = arith.constant 32 : index
        %get3A_756 = tpu.vector_load %arg19[%get3A_754, %get3A_755] {strides = array<i32>} : memref<320x128xf32, #tpu.memory_space<vmem>>, vector<1x16xf32>,
        %get3A_757 = vector.shape_cast %get3A_756 : vector<1x16xf32> to vector<16xf32>
        %mul3A_758 = arith.mulf %gather3A_735, %get3A_757 : vector<16xf32>
        %max3A_759 = arith.maximumf %max3A_690, %mul3A_758 : vector<16xf32>
        %add3A_760 = arith.constant 4 : i32
        %add3A_761 = arith.addi %mul3A_471, %add3A_760 : i32
        %get3A_762 = arith.index_cast %add3A_761 : i32 to index
        %get3A_763 = arith.constant 48 : index
        %get3A_764 = tpu.vector_load %arg19[%get3A_762, %get3A_763] {strides = array<i32>} : memref<320x128xf32, #tpu.memory_space<vmem>>, vector<1x16xf32>,
        %get3A_765 = vector.shape_cast %get3A_764 : vector<1x16xf32> to vector<16xf32>
        %mul3A_766 = arith.mulf %gather3A_735, %get3A_765 : vector<16xf32>
        %max3A_767 = arith.maximumf %max3A_698, %mul3A_766 : vector<16xf32>
        %add3A_768 = arith.constant 4 : i32
        %add3A_769 = arith.addi %mul3A_471, %add3A_768 : i32
        %get3A_770 = arith.index_cast %add3A_769 : i32 to index
        %get3A_771 = arith.constant 64 : index
        %get3A_772 = tpu.vector_load %arg19[%get3A_770, %get3A_771] {strides = array<i32>} : memref<320x128xf32, #tpu.memory_space<vmem>>, vector<1x16xf32>,
        %get3A_773 = vector.shape_cast %get3A_772 : vector<1x16xf32> to vector<16xf32>
        %mul3A_774 = arith.mulf %gather3A_735, %get3A_773 : vector<16xf32>
        %max3A_775 = arith.maximumf %max3A_706, %mul3A_774 : vector<16xf32>
        %add3A_776 = arith.constant 4 : i32
        %add3A_777 = arith.addi %mul3A_471, %add3A_776 : i32
        %get3A_778 = arith.index_cast %add3A_777 : i32 to index
        %get3A_779 = arith.constant 80 : index
        %get3A_780 = tpu.vector_load %arg19[%get3A_778, %get3A_779] {strides = array<i32>} : memref<320x128xf32, #tpu.memory_space<vmem>>, vector<1x16xf32>,
        %get3A_781 = vector.shape_cast %get3A_780 : vector<1x16xf32> to vector<16xf32>
        %mul3A_782 = arith.mulf %gather3A_735, %get3A_781 : vector<16xf32>
        %max3A_783 = arith.maximumf %max3A_714, %mul3A_782 : vector<16xf32>
        %add3A_784 = arith.constant 4 : i32
        %add3A_785 = arith.addi %mul3A_471, %add3A_784 : i32
        %get3A_786 = arith.index_cast %add3A_785 : i32 to index
        %get3A_787 = arith.constant 96 : index
        %get3A_788 = tpu.vector_load %arg19[%get3A_786, %get3A_787] {strides = array<i32>} : memref<320x128xf32, #tpu.memory_space<vmem>>, vector<1x16xf32>,
        %get3A_789 = vector.shape_cast %get3A_788 : vector<1x16xf32> to vector<16xf32>
        %mul3A_790 = arith.mulf %gather3A_735, %get3A_789 : vector<16xf32>
        %max3A_791 = arith.maximumf %max3A_722, %mul3A_790 : vector<16xf32>
        %add3A_792 = arith.constant 4 : i32
        %add3A_793 = arith.addi %mul3A_471, %add3A_792 : i32
        %get3A_794 = arith.index_cast %add3A_793 : i32 to index
        %get3A_795 = arith.constant 112 : index
        %get3A_796 = tpu.vector_load %arg19[%get3A_794, %get3A_795] {strides = array<i32>} : memref<320x128xf32, #tpu.memory_space<vmem>>, vector<1x16xf32>,
        %get3A_797 = vector.shape_cast %get3A_796 : vector<1x16xf32> to vector<16xf32>
        %mul3A_798 = arith.mulf %gather3A_735, %get3A_797 : vector<16xf32>
        %max3A_799 = arith.maximumf %max3A_730, %mul3A_798 : vector<16xf32>
        %broadcast_in_dim3A_800 = arith.constant 5 : i32
        %broadcast_in_dim3A_801 = vector.broadcast %broadcast_in_dim3A_800 : i32 to vector<16xi32>
        %reshape3A_802 = vector.shape_cast %broadcast_in_dim3A_801 : vector<16xi32> to vector<16x1xi32>
        %gather3A_803 = vector.shape_cast %reshape3A_802 : vector<16x1xi32> to vector<16xi32>
        %gather3A_804 = tpu.dynamic_gather %get3A_473[%gather3A_803] in [0] : vector<16xf32>, vector<16xi32> -> vector<16xf32>
        %add3A_805 = arith.constant 5 : i32
        %add3A_806 = arith.addi %mul3A_471, %add3A_805 : i32
        %get3A_807 = arith.index_cast %add3A_806 : i32 to index
        %get3A_808 = arith.constant 0 : index
        %get3A_809 = tpu.vector_load %arg19[%get3A_807, %get3A_808] {strides = array<i32>} : memref<320x128xf32, #tpu.memory_space<vmem>>, vector<1x16xf32>,
        %get3A_810 = vector.shape_cast %get3A_809 : vector<1x16xf32> to vector<16xf32>
        %mul3A_811 = arith.mulf %gather3A_804, %get3A_810 : vector<16xf32>
        %max3A_812 = arith.maximumf %max3A_743, %mul3A_811 : vector<16xf32>
        %add3A_813 = arith.constant 5 : i32
        %add3A_814 = arith.addi %mul3A_471, %add3A_813 : i32
        %get3A_815 = arith.index_cast %add3A_814 : i32 to index
        %get3A_816 = arith.constant 16 : index
        %get3A_817 = tpu.vector_load %arg19[%get3A_815, %get3A_816] {strides = array<i32>} : memref<320x128xf32, #tpu.memory_space<vmem>>, vector<1x16xf32>,
        %get3A_818 = vector.shape_cast %get3A_817 : vector<1x16xf32> to vector<16xf32>
        %mul3A_819 = arith.mulf %gather3A_804, %get3A_818 : vector<16xf32>
        %max3A_820 = arith.maximumf %max3A_751, %mul3A_819 : vector<16xf32>
        %add3A_821 = arith.constant 5 : i32
        %add3A_822 = arith.addi %mul3A_471, %add3A_821 : i32
        %get3A_823 = arith.index_cast %add3A_822 : i32 to index
        %get3A_824 = arith.constant 32 : index
        %get3A_825 = tpu.vector_load %arg19[%get3A_823, %get3A_824] {strides = array<i32>} : memref<320x128xf32, #tpu.memory_space<vmem>>, vector<1x16xf32>,
        %get3A_826 = vector.shape_cast %get3A_825 : vector<1x16xf32> to vector<16xf32>
        %mul3A_827 = arith.mulf %gather3A_804, %get3A_826 : vector<16xf32>
        %max3A_828 = arith.maximumf %max3A_759, %mul3A_827 : vector<16xf32>
        %add3A_829 = arith.constant 5 : i32
        %add3A_830 = arith.addi %mul3A_471, %add3A_829 : i32
        %get3A_831 = arith.index_cast %add3A_830 : i32 to index
        %get3A_832 = arith.constant 48 : index
        %get3A_833 = tpu.vector_load %arg19[%get3A_831, %get3A_832] {strides = array<i32>} : memref<320x128xf32, #tpu.memory_space<vmem>>, vector<1x16xf32>,
        %get3A_834 = vector.shape_cast %get3A_833 : vector<1x16xf32> to vector<16xf32>
        %mul3A_835 = arith.mulf %gather3A_804, %get3A_834 : vector<16xf32>
        %max3A_836 = arith.maximumf %max3A_767, %mul3A_835 : vector<16xf32>
        %add3A_837 = arith.constant 5 : i32
        %add3A_838 = arith.addi %mul3A_471, %add3A_837 : i32
        %get3A_839 = arith.index_cast %add3A_838 : i32 to index
        %get3A_840 = arith.constant 64 : index
        %get3A_841 = tpu.vector_load %arg19[%get3A_839, %get3A_840] {strides = array<i32>} : memref<320x128xf32, #tpu.memory_space<vmem>>, vector<1x16xf32>,
        %get3A_842 = vector.shape_cast %get3A_841 : vector<1x16xf32> to vector<16xf32>
        %mul3A_843 = arith.mulf %gather3A_804, %get3A_842 : vector<16xf32>
        %max3A_844 = arith.maximumf %max3A_775, %mul3A_843 : vector<16xf32>
        %add3A_845 = arith.constant 5 : i32
        %add3A_846 = arith.addi %mul3A_471, %add3A_845 : i32
        %get3A_847 = arith.index_cast %add3A_846 : i32 to index
        %get3A_848 = arith.constant 80 : index
        %get3A_849 = tpu.vector_load %arg19[%get3A_847, %get3A_848] {strides = array<i32>} : memref<320x128xf32, #tpu.memory_space<vmem>>, vector<1x16xf32>,
        %get3A_850 = vector.shape_cast %get3A_849 : vector<1x16xf32> to vector<16xf32>
        %mul3A_851 = arith.mulf %gather3A_804, %get3A_850 : vector<16xf32>
        %max3A_852 = arith.maximumf %max3A_783, %mul3A_851 : vector<16xf32>
        %add3A_853 = arith.constant 5 : i32
        %add3A_854 = arith.addi %mul3A_471, %add3A_853 : i32
        %get3A_855 = arith.index_cast %add3A_854 : i32 to index
        %get3A_856 = arith.constant 96 : index
        %get3A_857 = tpu.vector_load %arg19[%get3A_855, %get3A_856] {strides = array<i32>} : memref<320x128xf32, #tpu.memory_space<vmem>>, vector<1x16xf32>,
        %get3A_858 = vector.shape_cast %get3A_857 : vector<1x16xf32> to vector<16xf32>
        %mul3A_859 = arith.mulf %gather3A_804, %get3A_858 : vector<16xf32>
        %max3A_860 = arith.maximumf %max3A_791, %mul3A_859 : vector<16xf32>
        %add3A_861 = arith.constant 5 : i32
        %add3A_862 = arith.addi %mul3A_471, %add3A_861 : i32
        %get3A_863 = arith.index_cast %add3A_862 : i32 to index
        %get3A_864 = arith.constant 112 : index
        %get3A_865 = tpu.vector_load %arg19[%get3A_863, %get3A_864] {strides = array<i32>} : memref<320x128xf32, #tpu.memory_space<vmem>>, vector<1x16xf32>,
        %get3A_866 = vector.shape_cast %get3A_865 : vector<1x16xf32> to vector<16xf32>
        %mul3A_867 = arith.mulf %gather3A_804, %get3A_866 : vector<16xf32>
        %max3A_868 = arith.maximumf %max3A_799, %mul3A_867 : vector<16xf32>
        %broadcast_in_dim3A_869 = arith.constant 6 : i32
        %broadcast_in_dim3A_870 = vector.broadcast %broadcast_in_dim3A_869 : i32 to vector<16xi32>
        %reshape3A_871 = vector.shape_cast %broadcast_in_dim3A_870 : vector<16xi32> to vector<16x1xi32>
        %gather3A_872 = vector.shape_cast %reshape3A_871 : vector<16x1xi32> to vector<16xi32>
        %gather3A_873 = tpu.dynamic_gather %get3A_473[%gather3A_872] in [0] : vector<16xf32>, vector<16xi32> -> vector<16xf32>
        %add3A_874 = arith.constant 6 : i32
        %add3A_875 = arith.addi %mul3A_471, %add3A_874 : i32
        %get3A_876 = arith.index_cast %add3A_875 : i32 to index
        %get3A_877 = arith.constant 0 : index
        %get3A_878 = tpu.vector_load %arg19[%get3A_876, %get3A_877] {strides = array<i32>} : memref<320x128xf32, #tpu.memory_space<vmem>>, vector<1x16xf32>,
        %get3A_879 = vector.shape_cast %get3A_878 : vector<1x16xf32> to vector<16xf32>
        %mul3A_880 = arith.mulf %gather3A_873, %get3A_879 : vector<16xf32>
        %max3A_881 = arith.maximumf %max3A_812, %mul3A_880 : vector<16xf32>
        %add3A_882 = arith.constant 6 : i32
        %add3A_883 = arith.addi %mul3A_471, %add3A_882 : i32
        %get3A_884 = arith.index_cast %add3A_883 : i32 to index
        %get3A_885 = arith.constant 16 : index
        %get3A_886 = tpu.vector_load %arg19[%get3A_884, %get3A_885] {strides = array<i32>} : memref<320x128xf32, #tpu.memory_space<vmem>>, vector<1x16xf32>,
        %get3A_887 = vector.shape_cast %get3A_886 : vector<1x16xf32> to vector<16xf32>
        %mul3A_888 = arith.mulf %gather3A_873, %get3A_887 : vector<16xf32>
        %max3A_889 = arith.maximumf %max3A_820, %mul3A_888 : vector<16xf32>
        %add3A_890 = arith.constant 6 : i32
        %add3A_891 = arith.addi %mul3A_471, %add3A_890 : i32
        %get3A_892 = arith.index_cast %add3A_891 : i32 to index
        %get3A_893 = arith.constant 32 : index
        %get3A_894 = tpu.vector_load %arg19[%get3A_892, %get3A_893] {strides = array<i32>} : memref<320x128xf32, #tpu.memory_space<vmem>>, vector<1x16xf32>,
        %get3A_895 = vector.shape_cast %get3A_894 : vector<1x16xf32> to vector<16xf32>
        %mul3A_896 = arith.mulf %gather3A_873, %get3A_895 : vector<16xf32>
        %max3A_897 = arith.maximumf %max3A_828, %mul3A_896 : vector<16xf32>
        %add3A_898 = arith.constant 6 : i32
        %add3A_899 = arith.addi %mul3A_471, %add3A_898 : i32
        %get3A_900 = arith.index_cast %add3A_899 : i32 to index
        %get3A_901 = arith.constant 48 : index
        %get3A_902 = tpu.vector_load %arg19[%get3A_900, %get3A_901] {strides = array<i32>} : memref<320x128xf32, #tpu.memory_space<vmem>>, vector<1x16xf32>,
        %get3A_903 = vector.shape_cast %get3A_902 : vector<1x16xf32> to vector<16xf32>
        %mul3A_904 = arith.mulf %gather3A_873, %get3A_903 : vector<16xf32>
        %max3A_905 = arith.maximumf %max3A_836, %mul3A_904 : vector<16xf32>
        %add3A_906 = arith.constant 6 : i32
        %add3A_907 = arith.addi %mul3A_471, %add3A_906 : i32
        %get3A_908 = arith.index_cast %add3A_907 : i32 to index
        %get3A_909 = arith.constant 64 : index
        %get3A_910 = tpu.vector_load %arg19[%get3A_908, %get3A_909] {strides = array<i32>} : memref<320x128xf32, #tpu.memory_space<vmem>>, vector<1x16xf32>,
        %get3A_911 = vector.shape_cast %get3A_910 : vector<1x16xf32> to vector<16xf32>
        %mul3A_912 = arith.mulf %gather3A_873, %get3A_911 : vector<16xf32>
        %max3A_913 = arith.maximumf %max3A_844, %mul3A_912 : vector<16xf32>
        %add3A_914 = arith.constant 6 : i32
        %add3A_915 = arith.addi %mul3A_471, %add3A_914 : i32
        %get3A_916 = arith.index_cast %add3A_915 : i32 to index
        %get3A_917 = arith.constant 80 : index
        %get3A_918 = tpu.vector_load %arg19[%get3A_916, %get3A_917] {strides = array<i32>} : memref<320x128xf32, #tpu.memory_space<vmem>>, vector<1x16xf32>,
        %get3A_919 = vector.shape_cast %get3A_918 : vector<1x16xf32> to vector<16xf32>
        %mul3A_920 = arith.mulf %gather3A_873, %get3A_919 : vector<16xf32>
        %max3A_921 = arith.maximumf %max3A_852, %mul3A_920 : vector<16xf32>
        %add3A_922 = arith.constant 6 : i32
        %add3A_923 = arith.addi %mul3A_471, %add3A_922 : i32
        %get3A_924 = arith.index_cast %add3A_923 : i32 to index
        %get3A_925 = arith.constant 96 : index
        %get3A_926 = tpu.vector_load %arg19[%get3A_924, %get3A_925] {strides = array<i32>} : memref<320x128xf32, #tpu.memory_space<vmem>>, vector<1x16xf32>,
        %get3A_927 = vector.shape_cast %get3A_926 : vector<1x16xf32> to vector<16xf32>
        %mul3A_928 = arith.mulf %gather3A_873, %get3A_927 : vector<16xf32>
        %max3A_929 = arith.maximumf %max3A_860, %mul3A_928 : vector<16xf32>
        %add3A_930 = arith.constant 6 : i32
        %add3A_931 = arith.addi %mul3A_471, %add3A_930 : i32
        %get3A_932 = arith.index_cast %add3A_931 : i32 to index
        %get3A_933 = arith.constant 112 : index
        %get3A_934 = tpu.vector_load %arg19[%get3A_932, %get3A_933] {strides = array<i32>} : memref<320x128xf32, #tpu.memory_space<vmem>>, vector<1x16xf32>,
        %get3A_935 = vector.shape_cast %get3A_934 : vector<1x16xf32> to vector<16xf32>
        %mul3A_936 = arith.mulf %gather3A_873, %get3A_935 : vector<16xf32>
        %max3A_937 = arith.maximumf %max3A_868, %mul3A_936 : vector<16xf32>
        %broadcast_in_dim3A_938 = arith.constant 7 : i32
        %broadcast_in_dim3A_939 = vector.broadcast %broadcast_in_dim3A_938 : i32 to vector<16xi32>
        %reshape3A_940 = vector.shape_cast %broadcast_in_dim3A_939 : vector<16xi32> to vector<16x1xi32>
        %gather3A_941 = vector.shape_cast %reshape3A_940 : vector<16x1xi32> to vector<16xi32>
        %gather3A_942 = tpu.dynamic_gather %get3A_473[%gather3A_941] in [0] : vector<16xf32>, vector<16xi32> -> vector<16xf32>
        %add3A_943 = arith.constant 7 : i32
        %add3A_944 = arith.addi %mul3A_471, %add3A_943 : i32
        %get3A_945 = arith.index_cast %add3A_944 : i32 to index
        %get3A_946 = arith.constant 0 : index
        %get3A_947 = tpu.vector_load %arg19[%get3A_945, %get3A_946] {strides = array<i32>} : memref<320x128xf32, #tpu.memory_space<vmem>>, vector<1x16xf32>,
        %get3A_948 = vector.shape_cast %get3A_947 : vector<1x16xf32> to vector<16xf32>
        %mul3A_949 = arith.mulf %gather3A_942, %get3A_948 : vector<16xf32>
        %max3A_950 = arith.maximumf %max3A_881, %mul3A_949 : vector<16xf32>
        %add3A_951 = arith.constant 7 : i32
        %add3A_952 = arith.addi %mul3A_471, %add3A_951 : i32
        %get3A_953 = arith.index_cast %add3A_952 : i32 to index
        %get3A_954 = arith.constant 16 : index
        %get3A_955 = tpu.vector_load %arg19[%get3A_953, %get3A_954] {strides = array<i32>} : memref<320x128xf32, #tpu.memory_space<vmem>>, vector<1x16xf32>,
        %get3A_956 = vector.shape_cast %get3A_955 : vector<1x16xf32> to vector<16xf32>
        %mul3A_957 = arith.mulf %gather3A_942, %get3A_956 : vector<16xf32>
        %max3A_958 = arith.maximumf %max3A_889, %mul3A_957 : vector<16xf32>
        %add3A_959 = arith.constant 7 : i32
        %add3A_960 = arith.addi %mul3A_471, %add3A_959 : i32
        %get3A_961 = arith.index_cast %add3A_960 : i32 to index
        %get3A_962 = arith.constant 32 : index
        %get3A_963 = tpu.vector_load %arg19[%get3A_961, %get3A_962] {strides = array<i32>} : memref<320x128xf32, #tpu.memory_space<vmem>>, vector<1x16xf32>,
        %get3A_964 = vector.shape_cast %get3A_963 : vector<1x16xf32> to vector<16xf32>
        %mul3A_965 = arith.mulf %gather3A_942, %get3A_964 : vector<16xf32>
        %max3A_966 = arith.maximumf %max3A_897, %mul3A_965 : vector<16xf32>
        %add3A_967 = arith.constant 7 : i32
        %add3A_968 = arith.addi %mul3A_471, %add3A_967 : i32
        %get3A_969 = arith.index_cast %add3A_968 : i32 to index
        %get3A_970 = arith.constant 48 : index
        %get3A_971 = tpu.vector_load %arg19[%get3A_969, %get3A_970] {strides = array<i32>} : memref<320x128xf32, #tpu.memory_space<vmem>>, vector<1x16xf32>,
        %get3A_972 = vector.shape_cast %get3A_971 : vector<1x16xf32> to vector<16xf32>
        %mul3A_973 = arith.mulf %gather3A_942, %get3A_972 : vector<16xf32>
        %max3A_974 = arith.maximumf %max3A_905, %mul3A_973 : vector<16xf32>
        %add3A_975 = arith.constant 7 : i32
        %add3A_976 = arith.addi %mul3A_471, %add3A_975 : i32
        %get3A_977 = arith.index_cast %add3A_976 : i32 to index
        %get3A_978 = arith.constant 64 : index
        %get3A_979 = tpu.vector_load %arg19[%get3A_977, %get3A_978] {strides = array<i32>} : memref<320x128xf32, #tpu.memory_space<vmem>>, vector<1x16xf32>,
        %get3A_980 = vector.shape_cast %get3A_979 : vector<1x16xf32> to vector<16xf32>
        %mul3A_981 = arith.mulf %gather3A_942, %get3A_980 : vector<16xf32>
        %max3A_982 = arith.maximumf %max3A_913, %mul3A_981 : vector<16xf32>
        %add3A_983 = arith.constant 7 : i32
        %add3A_984 = arith.addi %mul3A_471, %add3A_983 : i32
        %get3A_985 = arith.index_cast %add3A_984 : i32 to index
        %get3A_986 = arith.constant 80 : index
        %get3A_987 = tpu.vector_load %arg19[%get3A_985, %get3A_986] {strides = array<i32>} : memref<320x128xf32, #tpu.memory_space<vmem>>, vector<1x16xf32>,
        %get3A_988 = vector.shape_cast %get3A_987 : vector<1x16xf32> to vector<16xf32>
        %mul3A_989 = arith.mulf %gather3A_942, %get3A_988 : vector<16xf32>
        %max3A_990 = arith.maximumf %max3A_921, %mul3A_989 : vector<16xf32>
        %add3A_991 = arith.constant 7 : i32
        %add3A_992 = arith.addi %mul3A_471, %add3A_991 : i32
        %get3A_993 = arith.index_cast %add3A_992 : i32 to index
        %get3A_994 = arith.constant 96 : index
        %get3A_995 = tpu.vector_load %arg19[%get3A_993, %get3A_994] {strides = array<i32>} : memref<320x128xf32, #tpu.memory_space<vmem>>, vector<1x16xf32>,
        %get3A_996 = vector.shape_cast %get3A_995 : vector<1x16xf32> to vector<16xf32>
        %mul3A_997 = arith.mulf %gather3A_942, %get3A_996 : vector<16xf32>
        %max3A_998 = arith.maximumf %max3A_929, %mul3A_997 : vector<16xf32>
        %add3A_999 = arith.constant 7 : i32
        %add3A_1000 = arith.addi %mul3A_471, %add3A_999 : i32
        %get3A_1001 = arith.index_cast %add3A_1000 : i32 to index
        %get3A_1002 = arith.constant 112 : index
        %get3A_1003 = tpu.vector_load %arg19[%get3A_1001, %get3A_1002] {strides = array<i32>} : memref<320x128xf32, #tpu.memory_space<vmem>>, vector<1x16xf32>,
        %get3A_1004 = vector.shape_cast %get3A_1003 : vector<1x16xf32> to vector<16xf32>
        %mul3A_1005 = arith.mulf %gather3A_942, %get3A_1004 : vector<16xf32>
        %max3A_1006 = arith.maximumf %max3A_937, %mul3A_1005 : vector<16xf32>
        %broadcast_in_dim3A_1007 = arith.constant 8 : i32
        %broadcast_in_dim3A_1008 = vector.broadcast %broadcast_in_dim3A_1007 : i32 to vector<16xi32>
        %reshape3A_1009 = vector.shape_cast %broadcast_in_dim3A_1008 : vector<16xi32> to vector<16x1xi32>
        %gather3A_1010 = vector.shape_cast %reshape3A_1009 : vector<16x1xi32> to vector<16xi32>
        %gather3A_1011 = tpu.dynamic_gather %get3A_473[%gather3A_1010] in [0] : vector<16xf32>, vector<16xi32> -> vector<16xf32>
        %add3A_1012 = arith.constant 8 : i32
        %add3A_1013 = arith.addi %mul3A_471, %add3A_1012 : i32
        %get3A_1014 = arith.index_cast %add3A_1013 : i32 to index
        %get3A_1015 = arith.constant 0 : index
        %get3A_1016 = tpu.vector_load %arg19[%get3A_1014, %get3A_1015] {strides = array<i32>} : memref<320x128xf32, #tpu.memory_space<vmem>>, vector<1x16xf32>,
        %get3A_1017 = vector.shape_cast %get3A_1016 : vector<1x16xf32> to vector<16xf32>
        %mul3A_1018 = arith.mulf %gather3A_1011, %get3A_1017 : vector<16xf32>
        %max3A_1019 = arith.maximumf %max3A_950, %mul3A_1018 : vector<16xf32>
        %add3A_1020 = arith.constant 8 : i32
        %add3A_1021 = arith.addi %mul3A_471, %add3A_1020 : i32
        %get3A_1022 = arith.index_cast %add3A_1021 : i32 to index
        %get3A_1023 = arith.constant 16 : index
        %get3A_1024 = tpu.vector_load %arg19[%get3A_1022, %get3A_1023] {strides = array<i32>} : memref<320x128xf32, #tpu.memory_space<vmem>>, vector<1x16xf32>,
        %get3A_1025 = vector.shape_cast %get3A_1024 : vector<1x16xf32> to vector<16xf32>
        %mul3A_1026 = arith.mulf %gather3A_1011, %get3A_1025 : vector<16xf32>
        %max3A_1027 = arith.maximumf %max3A_958, %mul3A_1026 : vector<16xf32>
        %add3A_1028 = arith.constant 8 : i32
        %add3A_1029 = arith.addi %mul3A_471, %add3A_1028 : i32
        %get3A_1030 = arith.index_cast %add3A_1029 : i32 to index
        %get3A_1031 = arith.constant 32 : index
        %get3A_1032 = tpu.vector_load %arg19[%get3A_1030, %get3A_1031] {strides = array<i32>} : memref<320x128xf32, #tpu.memory_space<vmem>>, vector<1x16xf32>,
        %get3A_1033 = vector.shape_cast %get3A_1032 : vector<1x16xf32> to vector<16xf32>
        %mul3A_1034 = arith.mulf %gather3A_1011, %get3A_1033 : vector<16xf32>
        %max3A_1035 = arith.maximumf %max3A_966, %mul3A_1034 : vector<16xf32>
        %add3A_1036 = arith.constant 8 : i32
        %add3A_1037 = arith.addi %mul3A_471, %add3A_1036 : i32
        %get3A_1038 = arith.index_cast %add3A_1037 : i32 to index
        %get3A_1039 = arith.constant 48 : index
        %get3A_1040 = tpu.vector_load %arg19[%get3A_1038, %get3A_1039] {strides = array<i32>} : memref<320x128xf32, #tpu.memory_space<vmem>>, vector<1x16xf32>,
        %get3A_1041 = vector.shape_cast %get3A_1040 : vector<1x16xf32> to vector<16xf32>
        %mul3A_1042 = arith.mulf %gather3A_1011, %get3A_1041 : vector<16xf32>
        %max3A_1043 = arith.maximumf %max3A_974, %mul3A_1042 : vector<16xf32>
        %add3A_1044 = arith.constant 8 : i32
        %add3A_1045 = arith.addi %mul3A_471, %add3A_1044 : i32
        %get3A_1046 = arith.index_cast %add3A_1045 : i32 to index
        %get3A_1047 = arith.constant 64 : index
        %get3A_1048 = tpu.vector_load %arg19[%get3A_1046, %get3A_1047] {strides = array<i32>} : memref<320x128xf32, #tpu.memory_space<vmem>>, vector<1x16xf32>,
        %get3A_1049 = vector.shape_cast %get3A_1048 : vector<1x16xf32> to vector<16xf32>
        %mul3A_1050 = arith.mulf %gather3A_1011, %get3A_1049 : vector<16xf32>
        %max3A_1051 = arith.maximumf %max3A_982, %mul3A_1050 : vector<16xf32>
        %add3A_1052 = arith.constant 8 : i32
        %add3A_1053 = arith.addi %mul3A_471, %add3A_1052 : i32
        %get3A_1054 = arith.index_cast %add3A_1053 : i32 to index
        %get3A_1055 = arith.constant 80 : index
        %get3A_1056 = tpu.vector_load %arg19[%get3A_1054, %get3A_1055] {strides = array<i32>} : memref<320x128xf32, #tpu.memory_space<vmem>>, vector<1x16xf32>,
        %get3A_1057 = vector.shape_cast %get3A_1056 : vector<1x16xf32> to vector<16xf32>
        %mul3A_1058 = arith.mulf %gather3A_1011, %get3A_1057 : vector<16xf32>
        %max3A_1059 = arith.maximumf %max3A_990, %mul3A_1058 : vector<16xf32>
        %add3A_1060 = arith.constant 8 : i32
        %add3A_1061 = arith.addi %mul3A_471, %add3A_1060 : i32
        %get3A_1062 = arith.index_cast %add3A_1061 : i32 to index
        %get3A_1063 = arith.constant 96 : index
        %get3A_1064 = tpu.vector_load %arg19[%get3A_1062, %get3A_1063] {strides = array<i32>} : memref<320x128xf32, #tpu.memory_space<vmem>>, vector<1x16xf32>,
        %get3A_1065 = vector.shape_cast %get3A_1064 : vector<1x16xf32> to vector<16xf32>
        %mul3A_1066 = arith.mulf %gather3A_1011, %get3A_1065 : vector<16xf32>
        %max3A_1067 = arith.maximumf %max3A_998, %mul3A_1066 : vector<16xf32>
        %add3A_1068 = arith.constant 8 : i32
        %add3A_1069 = arith.addi %mul3A_471, %add3A_1068 : i32
        %get3A_1070 = arith.index_cast %add3A_1069 : i32 to index
        %get3A_1071 = arith.constant 112 : index
        %get3A_1072 = tpu.vector_load %arg19[%get3A_1070, %get3A_1071] {strides = array<i32>} : memref<320x128xf32, #tpu.memory_space<vmem>>, vector<1x16xf32>,
        %get3A_1073 = vector.shape_cast %get3A_1072 : vector<1x16xf32> to vector<16xf32>
        %mul3A_1074 = arith.mulf %gather3A_1011, %get3A_1073 : vector<16xf32>
        %max3A_1075 = arith.maximumf %max3A_1006, %mul3A_1074 : vector<16xf32>
        %broadcast_in_dim3A_1076 = arith.constant 9 : i32
        %broadcast_in_dim3A_1077 = vector.broadcast %broadcast_in_dim3A_1076 : i32 to vector<16xi32>
        %reshape3A_1078 = vector.shape_cast %broadcast_in_dim3A_1077 : vector<16xi32> to vector<16x1xi32>
        %gather3A_1079 = vector.shape_cast %reshape3A_1078 : vector<16x1xi32> to vector<16xi32>
        %gather3A_1080 = tpu.dynamic_gather %get3A_473[%gather3A_1079] in [0] : vector<16xf32>, vector<16xi32> -> vector<16xf32>
        %add3A_1081 = arith.constant 9 : i32
        %add3A_1082 = arith.addi %mul3A_471, %add3A_1081 : i32
        %get3A_1083 = arith.index_cast %add3A_1082 : i32 to index
        %get3A_1084 = arith.constant 0 : index
        %get3A_1085 = tpu.vector_load %arg19[%get3A_1083, %get3A_1084] {strides = array<i32>} : memref<320x128xf32, #tpu.memory_space<vmem>>, vector<1x16xf32>,
        %get3A_1086 = vector.shape_cast %get3A_1085 : vector<1x16xf32> to vector<16xf32>
        %mul3A_1087 = arith.mulf %gather3A_1080, %get3A_1086 : vector<16xf32>
        %max3A_1088 = arith.maximumf %max3A_1019, %mul3A_1087 : vector<16xf32>
        %add3A_1089 = arith.constant 9 : i32
        %add3A_1090 = arith.addi %mul3A_471, %add3A_1089 : i32
        %get3A_1091 = arith.index_cast %add3A_1090 : i32 to index
        %get3A_1092 = arith.constant 16 : index
        %get3A_1093 = tpu.vector_load %arg19[%get3A_1091, %get3A_1092] {strides = array<i32>} : memref<320x128xf32, #tpu.memory_space<vmem>>, vector<1x16xf32>,
        %get3A_1094 = vector.shape_cast %get3A_1093 : vector<1x16xf32> to vector<16xf32>
        %mul3A_1095 = arith.mulf %gather3A_1080, %get3A_1094 : vector<16xf32>
        %max3A_1096 = arith.maximumf %max3A_1027, %mul3A_1095 : vector<16xf32>
        %add3A_1097 = arith.constant 9 : i32
        %add3A_1098 = arith.addi %mul3A_471, %add3A_1097 : i32
        %get3A_1099 = arith.index_cast %add3A_1098 : i32 to index
        %get3A_1100 = arith.constant 32 : index
        %get3A_1101 = tpu.vector_load %arg19[%get3A_1099, %get3A_1100] {strides = array<i32>} : memref<320x128xf32, #tpu.memory_space<vmem>>, vector<1x16xf32>,
        %get3A_1102 = vector.shape_cast %get3A_1101 : vector<1x16xf32> to vector<16xf32>
        %mul3A_1103 = arith.mulf %gather3A_1080, %get3A_1102 : vector<16xf32>
        %max3A_1104 = arith.maximumf %max3A_1035, %mul3A_1103 : vector<16xf32>
        %add3A_1105 = arith.constant 9 : i32
        %add3A_1106 = arith.addi %mul3A_471, %add3A_1105 : i32
        %get3A_1107 = arith.index_cast %add3A_1106 : i32 to index
        %get3A_1108 = arith.constant 48 : index
        %get3A_1109 = tpu.vector_load %arg19[%get3A_1107, %get3A_1108] {strides = array<i32>} : memref<320x128xf32, #tpu.memory_space<vmem>>, vector<1x16xf32>,
        %get3A_1110 = vector.shape_cast %get3A_1109 : vector<1x16xf32> to vector<16xf32>
        %mul3A_1111 = arith.mulf %gather3A_1080, %get3A_1110 : vector<16xf32>
        %max3A_1112 = arith.maximumf %max3A_1043, %mul3A_1111 : vector<16xf32>
        %add3A_1113 = arith.constant 9 : i32
        %add3A_1114 = arith.addi %mul3A_471, %add3A_1113 : i32
        %get3A_1115 = arith.index_cast %add3A_1114 : i32 to index
        %get3A_1116 = arith.constant 64 : index
        %get3A_1117 = tpu.vector_load %arg19[%get3A_1115, %get3A_1116] {strides = array<i32>} : memref<320x128xf32, #tpu.memory_space<vmem>>, vector<1x16xf32>,
        %get3A_1118 = vector.shape_cast %get3A_1117 : vector<1x16xf32> to vector<16xf32>
        %mul3A_1119 = arith.mulf %gather3A_1080, %get3A_1118 : vector<16xf32>
        %max3A_1120 = arith.maximumf %max3A_1051, %mul3A_1119 : vector<16xf32>
        %add3A_1121 = arith.constant 9 : i32
        %add3A_1122 = arith.addi %mul3A_471, %add3A_1121 : i32
        %get3A_1123 = arith.index_cast %add3A_1122 : i32 to index
        %get3A_1124 = arith.constant 80 : index
        %get3A_1125 = tpu.vector_load %arg19[%get3A_1123, %get3A_1124] {strides = array<i32>} : memref<320x128xf32, #tpu.memory_space<vmem>>, vector<1x16xf32>,
        %get3A_1126 = vector.shape_cast %get3A_1125 : vector<1x16xf32> to vector<16xf32>
        %mul3A_1127 = arith.mulf %gather3A_1080, %get3A_1126 : vector<16xf32>
        %max3A_1128 = arith.maximumf %max3A_1059, %mul3A_1127 : vector<16xf32>
        %add3A_1129 = arith.constant 9 : i32
        %add3A_1130 = arith.addi %mul3A_471, %add3A_1129 : i32
        %get3A_1131 = arith.index_cast %add3A_1130 : i32 to index
        %get3A_1132 = arith.constant 96 : index
        %get3A_1133 = tpu.vector_load %arg19[%get3A_1131, %get3A_1132] {strides = array<i32>} : memref<320x128xf32, #tpu.memory_space<vmem>>, vector<1x16xf32>,
        %get3A_1134 = vector.shape_cast %get3A_1133 : vector<1x16xf32> to vector<16xf32>
        %mul3A_1135 = arith.mulf %gather3A_1080, %get3A_1134 : vector<16xf32>
        %max3A_1136 = arith.maximumf %max3A_1067, %mul3A_1135 : vector<16xf32>
        %add3A_1137 = arith.constant 9 : i32
        %add3A_1138 = arith.addi %mul3A_471, %add3A_1137 : i32
        %get3A_1139 = arith.index_cast %add3A_1138 : i32 to index
        %get3A_1140 = arith.constant 112 : index
        %get3A_1141 = tpu.vector_load %arg19[%get3A_1139, %get3A_1140] {strides = array<i32>} : memref<320x128xf32, #tpu.memory_space<vmem>>, vector<1x16xf32>,
        %get3A_1142 = vector.shape_cast %get3A_1141 : vector<1x16xf32> to vector<16xf32>
        %mul3A_1143 = arith.mulf %gather3A_1080, %get3A_1142 : vector<16xf32>
        %max3A_1144 = arith.maximumf %max3A_1075, %mul3A_1143 : vector<16xf32>
        %broadcast_in_dim3A_1145 = arith.constant 10 : i32
        %broadcast_in_dim3A_1146 = vector.broadcast %broadcast_in_dim3A_1145 : i32 to vector<16xi32>
        %reshape3A_1147 = vector.shape_cast %broadcast_in_dim3A_1146 : vector<16xi32> to vector<16x1xi32>
        %gather3A_1148 = vector.shape_cast %reshape3A_1147 : vector<16x1xi32> to vector<16xi32>
        %gather3A_1149 = tpu.dynamic_gather %get3A_473[%gather3A_1148] in [0] : vector<16xf32>, vector<16xi32> -> vector<16xf32>
        %add3A_1150 = arith.constant 10 : i32
        %add3A_1151 = arith.addi %mul3A_471, %add3A_1150 : i32
        %get3A_1152 = arith.index_cast %add3A_1151 : i32 to index
        %get3A_1153 = arith.constant 0 : index
        %get3A_1154 = tpu.vector_load %arg19[%get3A_1152, %get3A_1153] {strides = array<i32>} : memref<320x128xf32, #tpu.memory_space<vmem>>, vector<1x16xf32>,
        %get3A_1155 = vector.shape_cast %get3A_1154 : vector<1x16xf32> to vector<16xf32>
        %mul3A_1156 = arith.mulf %gather3A_1149, %get3A_1155 : vector<16xf32>
        %max3A_1157 = arith.maximumf %max3A_1088, %mul3A_1156 : vector<16xf32>
        %add3A_1158 = arith.constant 10 : i32
        %add3A_1159 = arith.addi %mul3A_471, %add3A_1158 : i32
        %get3A_1160 = arith.index_cast %add3A_1159 : i32 to index
        %get3A_1161 = arith.constant 16 : index
        %get3A_1162 = tpu.vector_load %arg19[%get3A_1160, %get3A_1161] {strides = array<i32>} : memref<320x128xf32, #tpu.memory_space<vmem>>, vector<1x16xf32>,
        %get3A_1163 = vector.shape_cast %get3A_1162 : vector<1x16xf32> to vector<16xf32>
        %mul3A_1164 = arith.mulf %gather3A_1149, %get3A_1163 : vector<16xf32>
        %max3A_1165 = arith.maximumf %max3A_1096, %mul3A_1164 : vector<16xf32>
        %add3A_1166 = arith.constant 10 : i32
        %add3A_1167 = arith.addi %mul3A_471, %add3A_1166 : i32
        %get3A_1168 = arith.index_cast %add3A_1167 : i32 to index
        %get3A_1169 = arith.constant 32 : index
        %get3A_1170 = tpu.vector_load %arg19[%get3A_1168, %get3A_1169] {strides = array<i32>} : memref<320x128xf32, #tpu.memory_space<vmem>>, vector<1x16xf32>,
        %get3A_1171 = vector.shape_cast %get3A_1170 : vector<1x16xf32> to vector<16xf32>
        %mul3A_1172 = arith.mulf %gather3A_1149, %get3A_1171 : vector<16xf32>
        %max3A_1173 = arith.maximumf %max3A_1104, %mul3A_1172 : vector<16xf32>
        %add3A_1174 = arith.constant 10 : i32
        %add3A_1175 = arith.addi %mul3A_471, %add3A_1174 : i32
        %get3A_1176 = arith.index_cast %add3A_1175 : i32 to index
        %get3A_1177 = arith.constant 48 : index
        %get3A_1178 = tpu.vector_load %arg19[%get3A_1176, %get3A_1177] {strides = array<i32>} : memref<320x128xf32, #tpu.memory_space<vmem>>, vector<1x16xf32>,
        %get3A_1179 = vector.shape_cast %get3A_1178 : vector<1x16xf32> to vector<16xf32>
        %mul3A_1180 = arith.mulf %gather3A_1149, %get3A_1179 : vector<16xf32>
        %max3A_1181 = arith.maximumf %max3A_1112, %mul3A_1180 : vector<16xf32>
        %add3A_1182 = arith.constant 10 : i32
        %add3A_1183 = arith.addi %mul3A_471, %add3A_1182 : i32
        %get3A_1184 = arith.index_cast %add3A_1183 : i32 to index
        %get3A_1185 = arith.constant 64 : index
        %get3A_1186 = tpu.vector_load %arg19[%get3A_1184, %get3A_1185] {strides = array<i32>} : memref<320x128xf32, #tpu.memory_space<vmem>>, vector<1x16xf32>,
        %get3A_1187 = vector.shape_cast %get3A_1186 : vector<1x16xf32> to vector<16xf32>
        %mul3A_1188 = arith.mulf %gather3A_1149, %get3A_1187 : vector<16xf32>
        %max3A_1189 = arith.maximumf %max3A_1120, %mul3A_1188 : vector<16xf32>
        %add3A_1190 = arith.constant 10 : i32
        %add3A_1191 = arith.addi %mul3A_471, %add3A_1190 : i32
        %get3A_1192 = arith.index_cast %add3A_1191 : i32 to index
        %get3A_1193 = arith.constant 80 : index
        %get3A_1194 = tpu.vector_load %arg19[%get3A_1192, %get3A_1193] {strides = array<i32>} : memref<320x128xf32, #tpu.memory_space<vmem>>, vector<1x16xf32>,
        %get3A_1195 = vector.shape_cast %get3A_1194 : vector<1x16xf32> to vector<16xf32>
        %mul3A_1196 = arith.mulf %gather3A_1149, %get3A_1195 : vector<16xf32>
        %max3A_1197 = arith.maximumf %max3A_1128, %mul3A_1196 : vector<16xf32>
        %add3A_1198 = arith.constant 10 : i32
        %add3A_1199 = arith.addi %mul3A_471, %add3A_1198 : i32
        %get3A_1200 = arith.index_cast %add3A_1199 : i32 to index
        %get3A_1201 = arith.constant 96 : index
        %get3A_1202 = tpu.vector_load %arg19[%get3A_1200, %get3A_1201] {strides = array<i32>} : memref<320x128xf32, #tpu.memory_space<vmem>>, vector<1x16xf32>,
        %get3A_1203 = vector.shape_cast %get3A_1202 : vector<1x16xf32> to vector<16xf32>
        %mul3A_1204 = arith.mulf %gather3A_1149, %get3A_1203 : vector<16xf32>
        %max3A_1205 = arith.maximumf %max3A_1136, %mul3A_1204 : vector<16xf32>
        %add3A_1206 = arith.constant 10 : i32
        %add3A_1207 = arith.addi %mul3A_471, %add3A_1206 : i32
        %get3A_1208 = arith.index_cast %add3A_1207 : i32 to index
        %get3A_1209 = arith.constant 112 : index
        %get3A_1210 = tpu.vector_load %arg19[%get3A_1208, %get3A_1209] {strides = array<i32>} : memref<320x128xf32, #tpu.memory_space<vmem>>, vector<1x16xf32>,
        %get3A_1211 = vector.shape_cast %get3A_1210 : vector<1x16xf32> to vector<16xf32>
        %mul3A_1212 = arith.mulf %gather3A_1149, %get3A_1211 : vector<16xf32>
        %max3A_1213 = arith.maximumf %max3A_1144, %mul3A_1212 : vector<16xf32>
        %broadcast_in_dim3A_1214 = arith.constant 11 : i32
        %broadcast_in_dim3A_1215 = vector.broadcast %broadcast_in_dim3A_1214 : i32 to vector<16xi32>
        %reshape3A_1216 = vector.shape_cast %broadcast_in_dim3A_1215 : vector<16xi32> to vector<16x1xi32>
        %gather3A_1217 = vector.shape_cast %reshape3A_1216 : vector<16x1xi32> to vector<16xi32>
        %gather3A_1218 = tpu.dynamic_gather %get3A_473[%gather3A_1217] in [0] : vector<16xf32>, vector<16xi32> -> vector<16xf32>
        %add3A_1219 = arith.constant 11 : i32
        %add3A_1220 = arith.addi %mul3A_471, %add3A_1219 : i32
        %get3A_1221 = arith.index_cast %add3A_1220 : i32 to index
        %get3A_1222 = arith.constant 0 : index
        %get3A_1223 = tpu.vector_load %arg19[%get3A_1221, %get3A_1222] {strides = array<i32>} : memref<320x128xf32, #tpu.memory_space<vmem>>, vector<1x16xf32>,
        %get3A_1224 = vector.shape_cast %get3A_1223 : vector<1x16xf32> to vector<16xf32>
        %mul3A_1225 = arith.mulf %gather3A_1218, %get3A_1224 : vector<16xf32>
        %max3A_1226 = arith.maximumf %max3A_1157, %mul3A_1225 : vector<16xf32>
        %add3A_1227 = arith.constant 11 : i32
        %add3A_1228 = arith.addi %mul3A_471, %add3A_1227 : i32
        %get3A_1229 = arith.index_cast %add3A_1228 : i32 to index
        %get3A_1230 = arith.constant 16 : index
        %get3A_1231 = tpu.vector_load %arg19[%get3A_1229, %get3A_1230] {strides = array<i32>} : memref<320x128xf32, #tpu.memory_space<vmem>>, vector<1x16xf32>,
        %get3A_1232 = vector.shape_cast %get3A_1231 : vector<1x16xf32> to vector<16xf32>
        %mul3A_1233 = arith.mulf %gather3A_1218, %get3A_1232 : vector<16xf32>
        %max3A_1234 = arith.maximumf %max3A_1165, %mul3A_1233 : vector<16xf32>
        %add3A_1235 = arith.constant 11 : i32
        %add3A_1236 = arith.addi %mul3A_471, %add3A_1235 : i32
        %get3A_1237 = arith.index_cast %add3A_1236 : i32 to index
        %get3A_1238 = arith.constant 32 : index
        %get3A_1239 = tpu.vector_load %arg19[%get3A_1237, %get3A_1238] {strides = array<i32>} : memref<320x128xf32, #tpu.memory_space<vmem>>, vector<1x16xf32>,
        %get3A_1240 = vector.shape_cast %get3A_1239 : vector<1x16xf32> to vector<16xf32>
        %mul3A_1241 = arith.mulf %gather3A_1218, %get3A_1240 : vector<16xf32>
        %max3A_1242 = arith.maximumf %max3A_1173, %mul3A_1241 : vector<16xf32>
        %add3A_1243 = arith.constant 11 : i32
        %add3A_1244 = arith.addi %mul3A_471, %add3A_1243 : i32
        %get3A_1245 = arith.index_cast %add3A_1244 : i32 to index
        %get3A_1246 = arith.constant 48 : index
        %get3A_1247 = tpu.vector_load %arg19[%get3A_1245, %get3A_1246] {strides = array<i32>} : memref<320x128xf32, #tpu.memory_space<vmem>>, vector<1x16xf32>,
        %get3A_1248 = vector.shape_cast %get3A_1247 : vector<1x16xf32> to vector<16xf32>
        %mul3A_1249 = arith.mulf %gather3A_1218, %get3A_1248 : vector<16xf32>
        %max3A_1250 = arith.maximumf %max3A_1181, %mul3A_1249 : vector<16xf32>
        %add3A_1251 = arith.constant 11 : i32
        %add3A_1252 = arith.addi %mul3A_471, %add3A_1251 : i32
        %get3A_1253 = arith.index_cast %add3A_1252 : i32 to index
        %get3A_1254 = arith.constant 64 : index
        %get3A_1255 = tpu.vector_load %arg19[%get3A_1253, %get3A_1254] {strides = array<i32>} : memref<320x128xf32, #tpu.memory_space<vmem>>, vector<1x16xf32>,
        %get3A_1256 = vector.shape_cast %get3A_1255 : vector<1x16xf32> to vector<16xf32>
        %mul3A_1257 = arith.mulf %gather3A_1218, %get3A_1256 : vector<16xf32>
        %max3A_1258 = arith.maximumf %max3A_1189, %mul3A_1257 : vector<16xf32>
        %add3A_1259 = arith.constant 11 : i32
        %add3A_1260 = arith.addi %mul3A_471, %add3A_1259 : i32
        %get3A_1261 = arith.index_cast %add3A_1260 : i32 to index
        %get3A_1262 = arith.constant 80 : index
        %get3A_1263 = tpu.vector_load %arg19[%get3A_1261, %get3A_1262] {strides = array<i32>} : memref<320x128xf32, #tpu.memory_space<vmem>>, vector<1x16xf32>,
        %get3A_1264 = vector.shape_cast %get3A_1263 : vector<1x16xf32> to vector<16xf32>
        %mul3A_1265 = arith.mulf %gather3A_1218, %get3A_1264 : vector<16xf32>
        %max3A_1266 = arith.maximumf %max3A_1197, %mul3A_1265 : vector<16xf32>
        %add3A_1267 = arith.constant 11 : i32
        %add3A_1268 = arith.addi %mul3A_471, %add3A_1267 : i32
        %get3A_1269 = arith.index_cast %add3A_1268 : i32 to index
        %get3A_1270 = arith.constant 96 : index
        %get3A_1271 = tpu.vector_load %arg19[%get3A_1269, %get3A_1270] {strides = array<i32>} : memref<320x128xf32, #tpu.memory_space<vmem>>, vector<1x16xf32>,
        %get3A_1272 = vector.shape_cast %get3A_1271 : vector<1x16xf32> to vector<16xf32>
        %mul3A_1273 = arith.mulf %gather3A_1218, %get3A_1272 : vector<16xf32>
        %max3A_1274 = arith.maximumf %max3A_1205, %mul3A_1273 : vector<16xf32>
        %add3A_1275 = arith.constant 11 : i32
        %add3A_1276 = arith.addi %mul3A_471, %add3A_1275 : i32
        %get3A_1277 = arith.index_cast %add3A_1276 : i32 to index
        %get3A_1278 = arith.constant 112 : index
        %get3A_1279 = tpu.vector_load %arg19[%get3A_1277, %get3A_1278] {strides = array<i32>} : memref<320x128xf32, #tpu.memory_space<vmem>>, vector<1x16xf32>,
        %get3A_1280 = vector.shape_cast %get3A_1279 : vector<1x16xf32> to vector<16xf32>
        %mul3A_1281 = arith.mulf %gather3A_1218, %get3A_1280 : vector<16xf32>
        %max3A_1282 = arith.maximumf %max3A_1213, %mul3A_1281 : vector<16xf32>
        %broadcast_in_dim3A_1283 = arith.constant 12 : i32
        %broadcast_in_dim3A_1284 = vector.broadcast %broadcast_in_dim3A_1283 : i32 to vector<16xi32>
        %reshape3A_1285 = vector.shape_cast %broadcast_in_dim3A_1284 : vector<16xi32> to vector<16x1xi32>
        %gather3A_1286 = vector.shape_cast %reshape3A_1285 : vector<16x1xi32> to vector<16xi32>
        %gather3A_1287 = tpu.dynamic_gather %get3A_473[%gather3A_1286] in [0] : vector<16xf32>, vector<16xi32> -> vector<16xf32>
        %add3A_1288 = arith.constant 12 : i32
        %add3A_1289 = arith.addi %mul3A_471, %add3A_1288 : i32
        %get3A_1290 = arith.index_cast %add3A_1289 : i32 to index
        %get3A_1291 = arith.constant 0 : index
        %get3A_1292 = tpu.vector_load %arg19[%get3A_1290, %get3A_1291] {strides = array<i32>} : memref<320x128xf32, #tpu.memory_space<vmem>>, vector<1x16xf32>,
        %get3A_1293 = vector.shape_cast %get3A_1292 : vector<1x16xf32> to vector<16xf32>
        %mul3A_1294 = arith.mulf %gather3A_1287, %get3A_1293 : vector<16xf32>
        %max3A_1295 = arith.maximumf %max3A_1226, %mul3A_1294 : vector<16xf32>
        %add3A_1296 = arith.constant 12 : i32
        %add3A_1297 = arith.addi %mul3A_471, %add3A_1296 : i32
        %get3A_1298 = arith.index_cast %add3A_1297 : i32 to index
        %get3A_1299 = arith.constant 16 : index
        %get3A_1300 = tpu.vector_load %arg19[%get3A_1298, %get3A_1299] {strides = array<i32>} : memref<320x128xf32, #tpu.memory_space<vmem>>, vector<1x16xf32>,
        %get3A_1301 = vector.shape_cast %get3A_1300 : vector<1x16xf32> to vector<16xf32>
        %mul3A_1302 = arith.mulf %gather3A_1287, %get3A_1301 : vector<16xf32>
        %max3A_1303 = arith.maximumf %max3A_1234, %mul3A_1302 : vector<16xf32>
        %add3A_1304 = arith.constant 12 : i32
        %add3A_1305 = arith.addi %mul3A_471, %add3A_1304 : i32
        %get3A_1306 = arith.index_cast %add3A_1305 : i32 to index
        %get3A_1307 = arith.constant 32 : index
        %get3A_1308 = tpu.vector_load %arg19[%get3A_1306, %get3A_1307] {strides = array<i32>} : memref<320x128xf32, #tpu.memory_space<vmem>>, vector<1x16xf32>,
        %get3A_1309 = vector.shape_cast %get3A_1308 : vector<1x16xf32> to vector<16xf32>
        %mul3A_1310 = arith.mulf %gather3A_1287, %get3A_1309 : vector<16xf32>
        %max3A_1311 = arith.maximumf %max3A_1242, %mul3A_1310 : vector<16xf32>
        %add3A_1312 = arith.constant 12 : i32
        %add3A_1313 = arith.addi %mul3A_471, %add3A_1312 : i32
        %get3A_1314 = arith.index_cast %add3A_1313 : i32 to index
        %get3A_1315 = arith.constant 48 : index
        %get3A_1316 = tpu.vector_load %arg19[%get3A_1314, %get3A_1315] {strides = array<i32>} : memref<320x128xf32, #tpu.memory_space<vmem>>, vector<1x16xf32>,
        %get3A_1317 = vector.shape_cast %get3A_1316 : vector<1x16xf32> to vector<16xf32>
        %mul3A_1318 = arith.mulf %gather3A_1287, %get3A_1317 : vector<16xf32>
        %max3A_1319 = arith.maximumf %max3A_1250, %mul3A_1318 : vector<16xf32>
        %add3A_1320 = arith.constant 12 : i32
        %add3A_1321 = arith.addi %mul3A_471, %add3A_1320 : i32
        %get3A_1322 = arith.index_cast %add3A_1321 : i32 to index
        %get3A_1323 = arith.constant 64 : index
        %get3A_1324 = tpu.vector_load %arg19[%get3A_1322, %get3A_1323] {strides = array<i32>} : memref<320x128xf32, #tpu.memory_space<vmem>>, vector<1x16xf32>,
        %get3A_1325 = vector.shape_cast %get3A_1324 : vector<1x16xf32> to vector<16xf32>
        %mul3A_1326 = arith.mulf %gather3A_1287, %get3A_1325 : vector<16xf32>
        %max3A_1327 = arith.maximumf %max3A_1258, %mul3A_1326 : vector<16xf32>
        %add3A_1328 = arith.constant 12 : i32
        %add3A_1329 = arith.addi %mul3A_471, %add3A_1328 : i32
        %get3A_1330 = arith.index_cast %add3A_1329 : i32 to index
        %get3A_1331 = arith.constant 80 : index
        %get3A_1332 = tpu.vector_load %arg19[%get3A_1330, %get3A_1331] {strides = array<i32>} : memref<320x128xf32, #tpu.memory_space<vmem>>, vector<1x16xf32>,
        %get3A_1333 = vector.shape_cast %get3A_1332 : vector<1x16xf32> to vector<16xf32>
        %mul3A_1334 = arith.mulf %gather3A_1287, %get3A_1333 : vector<16xf32>
        %max3A_1335 = arith.maximumf %max3A_1266, %mul3A_1334 : vector<16xf32>
        %add3A_1336 = arith.constant 12 : i32
        %add3A_1337 = arith.addi %mul3A_471, %add3A_1336 : i32
        %get3A_1338 = arith.index_cast %add3A_1337 : i32 to index
        %get3A_1339 = arith.constant 96 : index
        %get3A_1340 = tpu.vector_load %arg19[%get3A_1338, %get3A_1339] {strides = array<i32>} : memref<320x128xf32, #tpu.memory_space<vmem>>, vector<1x16xf32>,
        %get3A_1341 = vector.shape_cast %get3A_1340 : vector<1x16xf32> to vector<16xf32>
        %mul3A_1342 = arith.mulf %gather3A_1287, %get3A_1341 : vector<16xf32>
        %max3A_1343 = arith.maximumf %max3A_1274, %mul3A_1342 : vector<16xf32>
        %add3A_1344 = arith.constant 12 : i32
        %add3A_1345 = arith.addi %mul3A_471, %add3A_1344 : i32
        %get3A_1346 = arith.index_cast %add3A_1345 : i32 to index
        %get3A_1347 = arith.constant 112 : index
        %get3A_1348 = tpu.vector_load %arg19[%get3A_1346, %get3A_1347] {strides = array<i32>} : memref<320x128xf32, #tpu.memory_space<vmem>>, vector<1x16xf32>,
        %get3A_1349 = vector.shape_cast %get3A_1348 : vector<1x16xf32> to vector<16xf32>
        %mul3A_1350 = arith.mulf %gather3A_1287, %get3A_1349 : vector<16xf32>
        %max3A_1351 = arith.maximumf %max3A_1282, %mul3A_1350 : vector<16xf32>
        %broadcast_in_dim3A_1352 = arith.constant 13 : i32
        %broadcast_in_dim3A_1353 = vector.broadcast %broadcast_in_dim3A_1352 : i32 to vector<16xi32>
        %reshape3A_1354 = vector.shape_cast %broadcast_in_dim3A_1353 : vector<16xi32> to vector<16x1xi32>
        %gather3A_1355 = vector.shape_cast %reshape3A_1354 : vector<16x1xi32> to vector<16xi32>
        %gather3A_1356 = tpu.dynamic_gather %get3A_473[%gather3A_1355] in [0] : vector<16xf32>, vector<16xi32> -> vector<16xf32>
        %add3A_1357 = arith.constant 13 : i32
        %add3A_1358 = arith.addi %mul3A_471, %add3A_1357 : i32
        %get3A_1359 = arith.index_cast %add3A_1358 : i32 to index
        %get3A_1360 = arith.constant 0 : index
        %get3A_1361 = tpu.vector_load %arg19[%get3A_1359, %get3A_1360] {strides = array<i32>} : memref<320x128xf32, #tpu.memory_space<vmem>>, vector<1x16xf32>,
        %get3A_1362 = vector.shape_cast %get3A_1361 : vector<1x16xf32> to vector<16xf32>
        %mul3A_1363 = arith.mulf %gather3A_1356, %get3A_1362 : vector<16xf32>
        %max3A_1364 = arith.maximumf %max3A_1295, %mul3A_1363 : vector<16xf32>
        %add3A_1365 = arith.constant 13 : i32
        %add3A_1366 = arith.addi %mul3A_471, %add3A_1365 : i32
        %get3A_1367 = arith.index_cast %add3A_1366 : i32 to index
        %get3A_1368 = arith.constant 16 : index
        %get3A_1369 = tpu.vector_load %arg19[%get3A_1367, %get3A_1368] {strides = array<i32>} : memref<320x128xf32, #tpu.memory_space<vmem>>, vector<1x16xf32>,
        %get3A_1370 = vector.shape_cast %get3A_1369 : vector<1x16xf32> to vector<16xf32>
        %mul3A_1371 = arith.mulf %gather3A_1356, %get3A_1370 : vector<16xf32>
        %max3A_1372 = arith.maximumf %max3A_1303, %mul3A_1371 : vector<16xf32>
        %add3A_1373 = arith.constant 13 : i32
        %add3A_1374 = arith.addi %mul3A_471, %add3A_1373 : i32
        %get3A_1375 = arith.index_cast %add3A_1374 : i32 to index
        %get3A_1376 = arith.constant 32 : index
        %get3A_1377 = tpu.vector_load %arg19[%get3A_1375, %get3A_1376] {strides = array<i32>} : memref<320x128xf32, #tpu.memory_space<vmem>>, vector<1x16xf32>,
        %get3A_1378 = vector.shape_cast %get3A_1377 : vector<1x16xf32> to vector<16xf32>
        %mul3A_1379 = arith.mulf %gather3A_1356, %get3A_1378 : vector<16xf32>
        %max3A_1380 = arith.maximumf %max3A_1311, %mul3A_1379 : vector<16xf32>
        %add3A_1381 = arith.constant 13 : i32
        %add3A_1382 = arith.addi %mul3A_471, %add3A_1381 : i32
        %get3A_1383 = arith.index_cast %add3A_1382 : i32 to index
        %get3A_1384 = arith.constant 48 : index
        %get3A_1385 = tpu.vector_load %arg19[%get3A_1383, %get3A_1384] {strides = array<i32>} : memref<320x128xf32, #tpu.memory_space<vmem>>, vector<1x16xf32>,
        %get3A_1386 = vector.shape_cast %get3A_1385 : vector<1x16xf32> to vector<16xf32>
        %mul3A_1387 = arith.mulf %gather3A_1356, %get3A_1386 : vector<16xf32>
        %max3A_1388 = arith.maximumf %max3A_1319, %mul3A_1387 : vector<16xf32>
        %add3A_1389 = arith.constant 13 : i32
        %add3A_1390 = arith.addi %mul3A_471, %add3A_1389 : i32
        %get3A_1391 = arith.index_cast %add3A_1390 : i32 to index
        %get3A_1392 = arith.constant 64 : index
        %get3A_1393 = tpu.vector_load %arg19[%get3A_1391, %get3A_1392] {strides = array<i32>} : memref<320x128xf32, #tpu.memory_space<vmem>>, vector<1x16xf32>,
        %get3A_1394 = vector.shape_cast %get3A_1393 : vector<1x16xf32> to vector<16xf32>
        %mul3A_1395 = arith.mulf %gather3A_1356, %get3A_1394 : vector<16xf32>
        %max3A_1396 = arith.maximumf %max3A_1327, %mul3A_1395 : vector<16xf32>
        %add3A_1397 = arith.constant 13 : i32
        %add3A_1398 = arith.addi %mul3A_471, %add3A_1397 : i32
        %get3A_1399 = arith.index_cast %add3A_1398 : i32 to index
        %get3A_1400 = arith.constant 80 : index
        %get3A_1401 = tpu.vector_load %arg19[%get3A_1399, %get3A_1400] {strides = array<i32>} : memref<320x128xf32, #tpu.memory_space<vmem>>, vector<1x16xf32>,
        %get3A_1402 = vector.shape_cast %get3A_1401 : vector<1x16xf32> to vector<16xf32>
        %mul3A_1403 = arith.mulf %gather3A_1356, %get3A_1402 : vector<16xf32>
        %max3A_1404 = arith.maximumf %max3A_1335, %mul3A_1403 : vector<16xf32>
        %add3A_1405 = arith.constant 13 : i32
        %add3A_1406 = arith.addi %mul3A_471, %add3A_1405 : i32
        %get3A_1407 = arith.index_cast %add3A_1406 : i32 to index
        %get3A_1408 = arith.constant 96 : index
        %get3A_1409 = tpu.vector_load %arg19[%get3A_1407, %get3A_1408] {strides = array<i32>} : memref<320x128xf32, #tpu.memory_space<vmem>>, vector<1x16xf32>,
        %get3A_1410 = vector.shape_cast %get3A_1409 : vector<1x16xf32> to vector<16xf32>
        %mul3A_1411 = arith.mulf %gather3A_1356, %get3A_1410 : vector<16xf32>
        %max3A_1412 = arith.maximumf %max3A_1343, %mul3A_1411 : vector<16xf32>
        %add3A_1413 = arith.constant 13 : i32
        %add3A_1414 = arith.addi %mul3A_471, %add3A_1413 : i32
        %get3A_1415 = arith.index_cast %add3A_1414 : i32 to index
        %get3A_1416 = arith.constant 112 : index
        %get3A_1417 = tpu.vector_load %arg19[%get3A_1415, %get3A_1416] {strides = array<i32>} : memref<320x128xf32, #tpu.memory_space<vmem>>, vector<1x16xf32>,
        %get3A_1418 = vector.shape_cast %get3A_1417 : vector<1x16xf32> to vector<16xf32>
        %mul3A_1419 = arith.mulf %gather3A_1356, %get3A_1418 : vector<16xf32>
        %max3A_1420 = arith.maximumf %max3A_1351, %mul3A_1419 : vector<16xf32>
        %broadcast_in_dim3A_1421 = arith.constant 14 : i32
        %broadcast_in_dim3A_1422 = vector.broadcast %broadcast_in_dim3A_1421 : i32 to vector<16xi32>
        %reshape3A_1423 = vector.shape_cast %broadcast_in_dim3A_1422 : vector<16xi32> to vector<16x1xi32>
        %gather3A_1424 = vector.shape_cast %reshape3A_1423 : vector<16x1xi32> to vector<16xi32>
        %gather3A_1425 = tpu.dynamic_gather %get3A_473[%gather3A_1424] in [0] : vector<16xf32>, vector<16xi32> -> vector<16xf32>
        %add3A_1426 = arith.constant 14 : i32
        %add3A_1427 = arith.addi %mul3A_471, %add3A_1426 : i32
        %get3A_1428 = arith.index_cast %add3A_1427 : i32 to index
        %get3A_1429 = arith.constant 0 : index
        %get3A_1430 = tpu.vector_load %arg19[%get3A_1428, %get3A_1429] {strides = array<i32>} : memref<320x128xf32, #tpu.memory_space<vmem>>, vector<1x16xf32>,
        %get3A_1431 = vector.shape_cast %get3A_1430 : vector<1x16xf32> to vector<16xf32>
        %mul3A_1432 = arith.mulf %gather3A_1425, %get3A_1431 : vector<16xf32>
        %max3A_1433 = arith.maximumf %max3A_1364, %mul3A_1432 : vector<16xf32>
        %add3A_1434 = arith.constant 14 : i32
        %add3A_1435 = arith.addi %mul3A_471, %add3A_1434 : i32
        %get3A_1436 = arith.index_cast %add3A_1435 : i32 to index
        %get3A_1437 = arith.constant 16 : index
        %get3A_1438 = tpu.vector_load %arg19[%get3A_1436, %get3A_1437] {strides = array<i32>} : memref<320x128xf32, #tpu.memory_space<vmem>>, vector<1x16xf32>,
        %get3A_1439 = vector.shape_cast %get3A_1438 : vector<1x16xf32> to vector<16xf32>
        %mul3A_1440 = arith.mulf %gather3A_1425, %get3A_1439 : vector<16xf32>
        %max3A_1441 = arith.maximumf %max3A_1372, %mul3A_1440 : vector<16xf32>
        %add3A_1442 = arith.constant 14 : i32
        %add3A_1443 = arith.addi %mul3A_471, %add3A_1442 : i32
        %get3A_1444 = arith.index_cast %add3A_1443 : i32 to index
        %get3A_1445 = arith.constant 32 : index
        %get3A_1446 = tpu.vector_load %arg19[%get3A_1444, %get3A_1445] {strides = array<i32>} : memref<320x128xf32, #tpu.memory_space<vmem>>, vector<1x16xf32>,
        %get3A_1447 = vector.shape_cast %get3A_1446 : vector<1x16xf32> to vector<16xf32>
        %mul3A_1448 = arith.mulf %gather3A_1425, %get3A_1447 : vector<16xf32>
        %max3A_1449 = arith.maximumf %max3A_1380, %mul3A_1448 : vector<16xf32>
        %add3A_1450 = arith.constant 14 : i32
        %add3A_1451 = arith.addi %mul3A_471, %add3A_1450 : i32
        %get3A_1452 = arith.index_cast %add3A_1451 : i32 to index
        %get3A_1453 = arith.constant 48 : index
        %get3A_1454 = tpu.vector_load %arg19[%get3A_1452, %get3A_1453] {strides = array<i32>} : memref<320x128xf32, #tpu.memory_space<vmem>>, vector<1x16xf32>,
        %get3A_1455 = vector.shape_cast %get3A_1454 : vector<1x16xf32> to vector<16xf32>
        %mul3A_1456 = arith.mulf %gather3A_1425, %get3A_1455 : vector<16xf32>
        %max3A_1457 = arith.maximumf %max3A_1388, %mul3A_1456 : vector<16xf32>
        %add3A_1458 = arith.constant 14 : i32
        %add3A_1459 = arith.addi %mul3A_471, %add3A_1458 : i32
        %get3A_1460 = arith.index_cast %add3A_1459 : i32 to index
        %get3A_1461 = arith.constant 64 : index
        %get3A_1462 = tpu.vector_load %arg19[%get3A_1460, %get3A_1461] {strides = array<i32>} : memref<320x128xf32, #tpu.memory_space<vmem>>, vector<1x16xf32>,
        %get3A_1463 = vector.shape_cast %get3A_1462 : vector<1x16xf32> to vector<16xf32>
        %mul3A_1464 = arith.mulf %gather3A_1425, %get3A_1463 : vector<16xf32>
        %max3A_1465 = arith.maximumf %max3A_1396, %mul3A_1464 : vector<16xf32>
        %add3A_1466 = arith.constant 14 : i32
        %add3A_1467 = arith.addi %mul3A_471, %add3A_1466 : i32
        %get3A_1468 = arith.index_cast %add3A_1467 : i32 to index
        %get3A_1469 = arith.constant 80 : index
        %get3A_1470 = tpu.vector_load %arg19[%get3A_1468, %get3A_1469] {strides = array<i32>} : memref<320x128xf32, #tpu.memory_space<vmem>>, vector<1x16xf32>,
        %get3A_1471 = vector.shape_cast %get3A_1470 : vector<1x16xf32> to vector<16xf32>
        %mul3A_1472 = arith.mulf %gather3A_1425, %get3A_1471 : vector<16xf32>
        %max3A_1473 = arith.maximumf %max3A_1404, %mul3A_1472 : vector<16xf32>
        %add3A_1474 = arith.constant 14 : i32
        %add3A_1475 = arith.addi %mul3A_471, %add3A_1474 : i32
        %get3A_1476 = arith.index_cast %add3A_1475 : i32 to index
        %get3A_1477 = arith.constant 96 : index
        %get3A_1478 = tpu.vector_load %arg19[%get3A_1476, %get3A_1477] {strides = array<i32>} : memref<320x128xf32, #tpu.memory_space<vmem>>, vector<1x16xf32>,
        %get3A_1479 = vector.shape_cast %get3A_1478 : vector<1x16xf32> to vector<16xf32>
        %mul3A_1480 = arith.mulf %gather3A_1425, %get3A_1479 : vector<16xf32>
        %max3A_1481 = arith.maximumf %max3A_1412, %mul3A_1480 : vector<16xf32>
        %add3A_1482 = arith.constant 14 : i32
        %add3A_1483 = arith.addi %mul3A_471, %add3A_1482 : i32
        %get3A_1484 = arith.index_cast %add3A_1483 : i32 to index
        %get3A_1485 = arith.constant 112 : index
        %get3A_1486 = tpu.vector_load %arg19[%get3A_1484, %get3A_1485] {strides = array<i32>} : memref<320x128xf32, #tpu.memory_space<vmem>>, vector<1x16xf32>,
        %get3A_1487 = vector.shape_cast %get3A_1486 : vector<1x16xf32> to vector<16xf32>
        %mul3A_1488 = arith.mulf %gather3A_1425, %get3A_1487 : vector<16xf32>
        %max3A_1489 = arith.maximumf %max3A_1420, %mul3A_1488 : vector<16xf32>
        %broadcast_in_dim3A_1490 = arith.constant 15 : i32
        %broadcast_in_dim3A_1491 = vector.broadcast %broadcast_in_dim3A_1490 : i32 to vector<16xi32>
        %reshape3A_1492 = vector.shape_cast %broadcast_in_dim3A_1491 : vector<16xi32> to vector<16x1xi32>
        %gather3A_1493 = vector.shape_cast %reshape3A_1492 : vector<16x1xi32> to vector<16xi32>
        %gather3A_1494 = tpu.dynamic_gather %get3A_473[%gather3A_1493] in [0] : vector<16xf32>, vector<16xi32> -> vector<16xf32>
        %add3A_1495 = arith.constant 15 : i32
        %add3A_1496 = arith.addi %mul3A_471, %add3A_1495 : i32
        %get3A_1497 = arith.index_cast %add3A_1496 : i32 to index
        %get3A_1498 = arith.constant 0 : index
        %get3A_1499 = tpu.vector_load %arg19[%get3A_1497, %get3A_1498] {strides = array<i32>} : memref<320x128xf32, #tpu.memory_space<vmem>>, vector<1x16xf32>,
        %get3A_1500 = vector.shape_cast %get3A_1499 : vector<1x16xf32> to vector<16xf32>
        %mul3A_1501 = arith.mulf %gather3A_1494, %get3A_1500 : vector<16xf32>
        %max3A_1502 = arith.maximumf %max3A_1433, %mul3A_1501 : vector<16xf32>
        %add3A_1503 = arith.constant 15 : i32
        %add3A_1504 = arith.addi %mul3A_471, %add3A_1503 : i32
        %get3A_1505 = arith.index_cast %add3A_1504 : i32 to index
        %get3A_1506 = arith.constant 16 : index
        %get3A_1507 = tpu.vector_load %arg19[%get3A_1505, %get3A_1506] {strides = array<i32>} : memref<320x128xf32, #tpu.memory_space<vmem>>, vector<1x16xf32>,
        %get3A_1508 = vector.shape_cast %get3A_1507 : vector<1x16xf32> to vector<16xf32>
        %mul3A_1509 = arith.mulf %gather3A_1494, %get3A_1508 : vector<16xf32>
        %max3A_1510 = arith.maximumf %max3A_1441, %mul3A_1509 : vector<16xf32>
        %add3A_1511 = arith.constant 15 : i32
        %add3A_1512 = arith.addi %mul3A_471, %add3A_1511 : i32
        %get3A_1513 = arith.index_cast %add3A_1512 : i32 to index
        %get3A_1514 = arith.constant 32 : index
        %get3A_1515 = tpu.vector_load %arg19[%get3A_1513, %get3A_1514] {strides = array<i32>} : memref<320x128xf32, #tpu.memory_space<vmem>>, vector<1x16xf32>,
        %get3A_1516 = vector.shape_cast %get3A_1515 : vector<1x16xf32> to vector<16xf32>
        %mul3A_1517 = arith.mulf %gather3A_1494, %get3A_1516 : vector<16xf32>
        %max3A_1518 = arith.maximumf %max3A_1449, %mul3A_1517 : vector<16xf32>
        %add3A_1519 = arith.constant 15 : i32
        %add3A_1520 = arith.addi %mul3A_471, %add3A_1519 : i32
        %get3A_1521 = arith.index_cast %add3A_1520 : i32 to index
        %get3A_1522 = arith.constant 48 : index
        %get3A_1523 = tpu.vector_load %arg19[%get3A_1521, %get3A_1522] {strides = array<i32>} : memref<320x128xf32, #tpu.memory_space<vmem>>, vector<1x16xf32>,
        %get3A_1524 = vector.shape_cast %get3A_1523 : vector<1x16xf32> to vector<16xf32>
        %mul3A_1525 = arith.mulf %gather3A_1494, %get3A_1524 : vector<16xf32>
        %max3A_1526 = arith.maximumf %max3A_1457, %mul3A_1525 : vector<16xf32>
        %add3A_1527 = arith.constant 15 : i32
        %add3A_1528 = arith.addi %mul3A_471, %add3A_1527 : i32
        %get3A_1529 = arith.index_cast %add3A_1528 : i32 to index
        %get3A_1530 = arith.constant 64 : index
        %get3A_1531 = tpu.vector_load %arg19[%get3A_1529, %get3A_1530] {strides = array<i32>} : memref<320x128xf32, #tpu.memory_space<vmem>>, vector<1x16xf32>,
        %get3A_1532 = vector.shape_cast %get3A_1531 : vector<1x16xf32> to vector<16xf32>
        %mul3A_1533 = arith.mulf %gather3A_1494, %get3A_1532 : vector<16xf32>
        %max3A_1534 = arith.maximumf %max3A_1465, %mul3A_1533 : vector<16xf32>
        %add3A_1535 = arith.constant 15 : i32
        %add3A_1536 = arith.addi %mul3A_471, %add3A_1535 : i32
        %get3A_1537 = arith.index_cast %add3A_1536 : i32 to index
        %get3A_1538 = arith.constant 80 : index
        %get3A_1539 = tpu.vector_load %arg19[%get3A_1537, %get3A_1538] {strides = array<i32>} : memref<320x128xf32, #tpu.memory_space<vmem>>, vector<1x16xf32>,
        %get3A_1540 = vector.shape_cast %get3A_1539 : vector<1x16xf32> to vector<16xf32>
        %mul3A_1541 = arith.mulf %gather3A_1494, %get3A_1540 : vector<16xf32>
        %max3A_1542 = arith.maximumf %max3A_1473, %mul3A_1541 : vector<16xf32>
        %add3A_1543 = arith.constant 15 : i32
        %add3A_1544 = arith.addi %mul3A_471, %add3A_1543 : i32
        %get3A_1545 = arith.index_cast %add3A_1544 : i32 to index
        %get3A_1546 = arith.constant 96 : index
        %get3A_1547 = tpu.vector_load %arg19[%get3A_1545, %get3A_1546] {strides = array<i32>} : memref<320x128xf32, #tpu.memory_space<vmem>>, vector<1x16xf32>,
        %get3A_1548 = vector.shape_cast %get3A_1547 : vector<1x16xf32> to vector<16xf32>
        %mul3A_1549 = arith.mulf %gather3A_1494, %get3A_1548 : vector<16xf32>
        %max3A_1550 = arith.maximumf %max3A_1481, %mul3A_1549 : vector<16xf32>
        %add3A_1551 = arith.constant 15 : i32
        %add3A_1552 = arith.addi %mul3A_471, %add3A_1551 : i32
        %get3A_1553 = arith.index_cast %add3A_1552 : i32 to index
        %get3A_1554 = arith.constant 112 : index
        %get3A_1555 = tpu.vector_load %arg19[%get3A_1553, %get3A_1554] {strides = array<i32>} : memref<320x128xf32, #tpu.memory_space<vmem>>, vector<1x16xf32>,
        %get3A_1556 = vector.shape_cast %get3A_1555 : vector<1x16xf32> to vector<16xf32>
        %mul3A_1557 = arith.mulf %gather3A_1494, %get3A_1556 : vector<16xf32>
        %max3A_1558 = arith.maximumf %max3A_1489, %mul3A_1557 : vector<16xf32>
        %get3A_1559 = arith.index_cast %scan3A_461 : i32 to index
        %get3A_1560 = arith.constant 0 : index
        %get3A_1561 = tpu.vector_load %arg20[%get3A_1559, %get3A_1560] {strides = array<i32>} : memref<20x128xf32, #tpu.memory_space<vmem>>, vector<1x16xf32>,
        %get3A_1562 = vector.shape_cast %get3A_1561 : vector<1x16xf32> to vector<16xf32>
        %sub3A = arith.constant 1.000000e+00 : f32
        %sub3A_1563 = vector.broadcast %sub3A : f32 to vector<16xf32>
        %sub3A_1564 = arith.subf %sub3A_1563, %gather3A_479 : vector<16xf32>
        %mul3A_1565 = arith.mulf %sub3A_1564, %max3A_1502 : vector<16xf32>
        %mul3A_1566 = arith.mulf %gather3A_479, %get3A_1562 : vector<16xf32>
        %add3A_1567 = arith.addf %mul3A_1565, %mul3A_1566 : vector<16xf32>
        %add3A_1568 = arith.addf %scan3A_462, %add3A_1567 : vector<16xf32>
        %get3A_1569 = arith.index_cast %scan3A_461 : i32 to index
        %get3A_1570 = arith.constant 16 : index
        %get3A_1571 = tpu.vector_load %arg20[%get3A_1569, %get3A_1570] {strides = array<i32>} : memref<20x128xf32, #tpu.memory_space<vmem>>, vector<1x16xf32>,
        %get3A_1572 = vector.shape_cast %get3A_1571 : vector<1x16xf32> to vector<16xf32>
        %sub3A_1573 = arith.constant 1.000000e+00 : f32
        %sub3A_1574 = vector.broadcast %sub3A_1573 : f32 to vector<16xf32>
        %sub3A_1575 = arith.subf %sub3A_1574, %gather3A_479 : vector<16xf32>
        %mul3A_1576 = arith.mulf %sub3A_1575, %max3A_1510 : vector<16xf32>
        %mul3A_1577 = arith.mulf %gather3A_479, %get3A_1572 : vector<16xf32>
        %add3A_1578 = arith.addf %mul3A_1576, %mul3A_1577 : vector<16xf32>
        %add3A_1579 = arith.addf %scan3A_463, %add3A_1578 : vector<16xf32>
        %get3A_1580 = arith.index_cast %scan3A_461 : i32 to index
        %get3A_1581 = arith.constant 32 : index
        %get3A_1582 = tpu.vector_load %arg20[%get3A_1580, %get3A_1581] {strides = array<i32>} : memref<20x128xf32, #tpu.memory_space<vmem>>, vector<1x16xf32>,
        %get3A_1583 = vector.shape_cast %get3A_1582 : vector<1x16xf32> to vector<16xf32>
        %sub3A_1584 = arith.constant 1.000000e+00 : f32
        %sub3A_1585 = vector.broadcast %sub3A_1584 : f32 to vector<16xf32>
        %sub3A_1586 = arith.subf %sub3A_1585, %gather3A_479 : vector<16xf32>
        %mul3A_1587 = arith.mulf %sub3A_1586, %max3A_1518 : vector<16xf32>
        %mul3A_1588 = arith.mulf %gather3A_479, %get3A_1583 : vector<16xf32>
        %add3A_1589 = arith.addf %mul3A_1587, %mul3A_1588 : vector<16xf32>
        %add3A_1590 = arith.addf %scan3A_464, %add3A_1589 : vector<16xf32>
        %get3A_1591 = arith.index_cast %scan3A_461 : i32 to index
        %get3A_1592 = arith.constant 48 : index
        %get3A_1593 = tpu.vector_load %arg20[%get3A_1591, %get3A_1592] {strides = array<i32>} : memref<20x128xf32, #tpu.memory_space<vmem>>, vector<1x16xf32>,
        %get3A_1594 = vector.shape_cast %get3A_1593 : vector<1x16xf32> to vector<16xf32>
        %sub3A_1595 = arith.constant 1.000000e+00 : f32
        %sub3A_1596 = vector.broadcast %sub3A_1595 : f32 to vector<16xf32>
        %sub3A_1597 = arith.subf %sub3A_1596, %gather3A_479 : vector<16xf32>
        %mul3A_1598 = arith.mulf %sub3A_1597, %max3A_1526 : vector<16xf32>
        %mul3A_1599 = arith.mulf %gather3A_479, %get3A_1594 : vector<16xf32>
        %add3A_1600 = arith.addf %mul3A_1598, %mul3A_1599 : vector<16xf32>
        %add3A_1601 = arith.addf %scan3A_465, %add3A_1600 : vector<16xf32>
        %get3A_1602 = arith.index_cast %scan3A_461 : i32 to index
        %get3A_1603 = arith.constant 64 : index
        %get3A_1604 = tpu.vector_load %arg20[%get3A_1602, %get3A_1603] {strides = array<i32>} : memref<20x128xf32, #tpu.memory_space<vmem>>, vector<1x16xf32>,
        %get3A_1605 = vector.shape_cast %get3A_1604 : vector<1x16xf32> to vector<16xf32>
        %sub3A_1606 = arith.constant 1.000000e+00 : f32
        %sub3A_1607 = vector.broadcast %sub3A_1606 : f32 to vector<16xf32>
        %sub3A_1608 = arith.subf %sub3A_1607, %gather3A_479 : vector<16xf32>
        %mul3A_1609 = arith.mulf %sub3A_1608, %max3A_1534 : vector<16xf32>
        %mul3A_1610 = arith.mulf %gather3A_479, %get3A_1605 : vector<16xf32>
        %add3A_1611 = arith.addf %mul3A_1609, %mul3A_1610 : vector<16xf32>
        %add3A_1612 = arith.addf %scan3A_466, %add3A_1611 : vector<16xf32>
        %get3A_1613 = arith.index_cast %scan3A_461 : i32 to index
        %get3A_1614 = arith.constant 80 : index
        %get3A_1615 = tpu.vector_load %arg20[%get3A_1613, %get3A_1614] {strides = array<i32>} : memref<20x128xf32, #tpu.memory_space<vmem>>, vector<1x16xf32>,
        %get3A_1616 = vector.shape_cast %get3A_1615 : vector<1x16xf32> to vector<16xf32>
        %sub3A_1617 = arith.constant 1.000000e+00 : f32
        %sub3A_1618 = vector.broadcast %sub3A_1617 : f32 to vector<16xf32>
        %sub3A_1619 = arith.subf %sub3A_1618, %gather3A_479 : vector<16xf32>
        %mul3A_1620 = arith.mulf %sub3A_1619, %max3A_1542 : vector<16xf32>
        %mul3A_1621 = arith.mulf %gather3A_479, %get3A_1616 : vector<16xf32>
        %add3A_1622 = arith.addf %mul3A_1620, %mul3A_1621 : vector<16xf32>
        %add3A_1623 = arith.addf %scan3A_467, %add3A_1622 : vector<16xf32>
        %get3A_1624 = arith.index_cast %scan3A_461 : i32 to index
        %get3A_1625 = arith.constant 96 : index
        %get3A_1626 = tpu.vector_load %arg20[%get3A_1624, %get3A_1625] {strides = array<i32>} : memref<20x128xf32, #tpu.memory_space<vmem>>, vector<1x16xf32>,
        %get3A_1627 = vector.shape_cast %get3A_1626 : vector<1x16xf32> to vector<16xf32>
        %sub3A_1628 = arith.constant 1.000000e+00 : f32
        %sub3A_1629 = vector.broadcast %sub3A_1628 : f32 to vector<16xf32>
        %sub3A_1630 = arith.subf %sub3A_1629, %gather3A_479 : vector<16xf32>
        %mul3A_1631 = arith.mulf %sub3A_1630, %max3A_1550 : vector<16xf32>
        %mul3A_1632 = arith.mulf %gather3A_479, %get3A_1627 : vector<16xf32>
        %add3A_1633 = arith.addf %mul3A_1631, %mul3A_1632 : vector<16xf32>
        %add3A_1634 = arith.addf %scan3A_468, %add3A_1633 : vector<16xf32>
        %get3A_1635 = arith.index_cast %scan3A_461 : i32 to index
        %get3A_1636 = arith.constant 112 : index
        %get3A_1637 = tpu.vector_load %arg20[%get3A_1635, %get3A_1636] {strides = array<i32>} : memref<20x128xf32, #tpu.memory_space<vmem>>, vector<1x16xf32>,
        %get3A_1638 = vector.shape_cast %get3A_1637 : vector<1x16xf32> to vector<16xf32>
        %sub3A_1639 = arith.constant 1.000000e+00 : f32
        %sub3A_1640 = vector.broadcast %sub3A_1639 : f32 to vector<16xf32>
        %sub3A_1641 = arith.subf %sub3A_1640, %gather3A_479 : vector<16xf32>
        %mul3A_1642 = arith.mulf %sub3A_1641, %max3A_1558 : vector<16xf32>
        %mul3A_1643 = arith.mulf %gather3A_479, %get3A_1638 : vector<16xf32>
        %add3A_1644 = arith.addf %mul3A_1642, %mul3A_1643 : vector<16xf32>
        %add3A_1645 = arith.addf %scan3A_469, %add3A_1644 : vector<16xf32>
        scf.yield %add3A_1568, %add3A_1579, %add3A_1590, %add3A_1601, %add3A_1612, %add3A_1623, %add3A_1634, %add3A_1645 : vector<16xf32>, vector<16xf32>, vector<16xf32>, vector<16xf32>, vector<16xf32>, vector<16xf32>, vector<16xf32>, vector<16xf32>
      }
      %scan3A_426 = arith.constant 20 : i32
      %swap3A_427 = arith.constant 0 : index
      %swap3A_428 = tpu.vector_load %arg23[%swap3A_427] {strides = array<i32>} : memref<128xf32, #tpu.memory_space<vmem>>, vector<16xf32>,
      %swap3A_429 = vector.shape_cast %swap3A_428 : vector<16xf32> to vector<16xf32>
      %swap3A_430 = vector.shape_cast %scan3A_425#0 : vector<16xf32> to vector<16xf32>
      tpu.vector_store %arg23[%swap3A_427], %swap3A_430 {strides = array<i32>} : memref<128xf32, #tpu.memory_space<vmem>>, vector<16xf32>,
      %swap3A_431 = arith.constant 16 : index
      %swap3A_432 = tpu.vector_load %arg23[%swap3A_431] {strides = array<i32>} : memref<128xf32, #tpu.memory_space<vmem>>, vector<16xf32>,
      %swap3A_433 = vector.shape_cast %swap3A_432 : vector<16xf32> to vector<16xf32>
      %swap3A_434 = vector.shape_cast %scan3A_425#1 : vector<16xf32> to vector<16xf32>
      tpu.vector_store %arg23[%swap3A_431], %swap3A_434 {strides = array<i32>} : memref<128xf32, #tpu.memory_space<vmem>>, vector<16xf32>,
      %swap3A_435 = arith.constant 32 : index
      %swap3A_436 = tpu.vector_load %arg23[%swap3A_435] {strides = array<i32>} : memref<128xf32, #tpu.memory_space<vmem>>, vector<16xf32>,
      %swap3A_437 = vector.shape_cast %swap3A_436 : vector<16xf32> to vector<16xf32>
      %swap3A_438 = vector.shape_cast %scan3A_425#2 : vector<16xf32> to vector<16xf32>
      tpu.vector_store %arg23[%swap3A_435], %swap3A_438 {strides = array<i32>} : memref<128xf32, #tpu.memory_space<vmem>>, vector<16xf32>,
      %swap3A_439 = arith.constant 48 : index
      %swap3A_440 = tpu.vector_load %arg23[%swap3A_439] {strides = array<i32>} : memref<128xf32, #tpu.memory_space<vmem>>, vector<16xf32>,
      %swap3A_441 = vector.shape_cast %swap3A_440 : vector<16xf32> to vector<16xf32>
      %swap3A_442 = vector.shape_cast %scan3A_425#3 : vector<16xf32> to vector<16xf32>
      tpu.vector_store %arg23[%swap3A_439], %swap3A_442 {strides = array<i32>} : memref<128xf32, #tpu.memory_space<vmem>>, vector<16xf32>,
      %swap3A_443 = arith.constant 64 : index
      %swap3A_444 = tpu.vector_load %arg23[%swap3A_443] {strides = array<i32>} : memref<128xf32, #tpu.memory_space<vmem>>, vector<16xf32>,
      %swap3A_445 = vector.shape_cast %swap3A_444 : vector<16xf32> to vector<16xf32>
      %swap3A_446 = vector.shape_cast %scan3A_425#4 : vector<16xf32> to vector<16xf32>
      tpu.vector_store %arg23[%swap3A_443], %swap3A_446 {strides = array<i32>} : memref<128xf32, #tpu.memory_space<vmem>>, vector<16xf32>,
      %swap3A_447 = arith.constant 80 : index
      %swap3A_448 = tpu.vector_load %arg23[%swap3A_447] {strides = array<i32>} : memref<128xf32, #tpu.memory_space<vmem>>, vector<16xf32>,
      %swap3A_449 = vector.shape_cast %swap3A_448 : vector<16xf32> to vector<16xf32>
      %swap3A_450 = vector.shape_cast %scan3A_425#5 : vector<16xf32> to vector<16xf32>
      tpu.vector_store %arg23[%swap3A_447], %swap3A_450 {strides = array<i32>} : memref<128xf32, #tpu.memory_space<vmem>>, vector<16xf32>,
      %swap3A_451 = arith.constant 96 : index
      %swap3A_452 = tpu.vector_load %arg23[%swap3A_451] {strides = array<i32>} : memref<128xf32, #tpu.memory_space<vmem>>, vector<16xf32>,
      %swap3A_453 = vector.shape_cast %swap3A_452 : vector<16xf32> to vector<16xf32>
      %swap3A_454 = vector.shape_cast %scan3A_425#6 : vector<16xf32> to vector<16xf32>
      tpu.vector_store %arg23[%swap3A_451], %swap3A_454 {strides = array<i32>} : memref<128xf32, #tpu.memory_space<vmem>>, vector<16xf32>,
      %swap3A_455 = arith.constant 112 : index
      %swap3A_456 = tpu.vector_load %arg23[%swap3A_455] {strides = array<i32>} : memref<128xf32, #tpu.memory_space<vmem>>, vector<16xf32>,
      %swap3A_457 = vector.shape_cast %swap3A_456 : vector<16xf32> to vector<16xf32>
      %swap3A_458 = vector.shape_cast %scan3A_425#7 : vector<16xf32> to vector<16xf32>
      tpu.vector_store %arg23[%swap3A_455], %swap3A_458 {strides = array<i32>} : memref<128xf32, #tpu.memory_space<vmem>>, vector<16xf32>,
      %mul3A_459 = arith.constant 128 : i32
      %mul3A_460 = arith.muli %add3A_132, %mul3A_459 : i32
      "tpu.region"() ({
        %run_scoped3A = tpu.sem_alloc : memref<!tpu.dma_semaphore, #tpu.memory_space<semaphore_mem>>
        %dma_start3A_461 = tpu.memref_slice %arg8[%mul3A_460] : memref<131072xf32, #tpu.memory_space<hbm>> -> memref<128xf32, #tpu.memory_space<hbm>>
        %dma_start3A_462 = tpu.memref_slice %arg8[%mul3A_460] : memref<131072xf32, #tpu.memory_space<hbm>> -> memref<128xf32, #tpu.memory_space<hbm>>
        tpu.enqueue_dma source(%arg23 : memref<128xf32, #tpu.memory_space<vmem>>) target(%dma_start3A_462 : memref<128xf32, #tpu.memory_space<hbm>>) target_semaphore(%run_scoped3A : memref<!tpu.dma_semaphore, #tpu.memory_space<semaphore_mem>>)
        %dma_wait3A_463 = tpu.memref_slice %arg8[%mul3A_460] : memref<131072xf32, #tpu.memory_space<hbm>> -> memref<128xf32, #tpu.memory_space<hbm>>
        %dma_wait3A_464 = tpu.memref_slice %arg8[%mul3A_460] : memref<131072xf32, #tpu.memory_space<hbm>> -> memref<128xf32, #tpu.memory_space<hbm>>
        tpu.wait_dma2 semaphore(%run_scoped3A : memref<!tpu.dma_semaphore, #tpu.memory_space<semaphore_mem>>) src(%arg23 : memref<128xf32, #tpu.memory_space<vmem>>) dst(%dma_wait3A_464 : memref<128xf32, #tpu.memory_space<hbm>>)
        tpu.yield
      }) : () -> ()
    }
    %scan3A_126 = arith.constant 16 : i32
    return
  }
}

module attributes {stable_mosaic.version = 14 : i64} {
  func.func @_ln_body(%arg0: memref<5000x128xf32, #tpu.memory_space<vmem>>, %arg1: memref<1x128xf32, #tpu.memory_space<vmem>>, %arg2: memref<1x128xf32, #tpu.memory_space<vmem>>, %arg3: memref<5000x128xf32, #tpu.memory_space<vmem>>) attributes {dimension_semantics = [], scalar_prefetch = 0 : i64, scratch_operands = 0 : i64, tpu.core_type = #tpu.core_type<tc>} {
    %get3A = arith.constant 0 : index
    %get3A_0 = arith.constant 0 : index
    %get3A_1 = vector.load %arg0[%get3A, %get3A_0] : memref<5000x128xf32, #tpu.memory_space<vmem>>, vector<5000x128xf32>
    %reduce_sum3A = arith.constant dense<0.000000e+00> : vector<5000xf32>
    %reduce_sum3A_2 = vector.multi_reduction <add>, %get3A_1, %reduce_sum3A [1] : vector<5000x128xf32> to vector<5000xf32>
    %broadcast_in_dim3A = vector.shape_cast %reduce_sum3A_2 : vector<5000xf32> to vector<5000x1xf32>
    %div3A = arith.constant 1.280000e+02 : f32
    %div3A_3 = vector.broadcast %div3A : f32 to vector<5000x1xf32>
    %div3A_4 = arith.divf %broadcast_in_dim3A, %div3A_3 : vector<5000x1xf32>
    %sub3A = vector.broadcast %div3A_4 : vector<5000x1xf32> to vector<5000x128xf32>
    %sub3A_5 = arith.subf %get3A_1, %sub3A : vector<5000x128xf32>
    %integer_pow3A = arith.mulf %sub3A_5, %sub3A_5 : vector<5000x128xf32>
    %reduce_sum3A_6 = arith.constant dense<0.000000e+00> : vector<5000xf32>
    %reduce_sum3A_7 = vector.multi_reduction <add>, %integer_pow3A, %reduce_sum3A_6 [1] : vector<5000x128xf32> to vector<5000xf32>
    %broadcast_in_dim3A_8 = vector.shape_cast %reduce_sum3A_7 : vector<5000xf32> to vector<5000x1xf32>
    %div3A_9 = arith.constant 1.280000e+02 : f32
    %div3A_10 = vector.broadcast %div3A_9 : f32 to vector<5000x1xf32>
    %div3A_11 = arith.divf %broadcast_in_dim3A_8, %div3A_10 : vector<5000x1xf32>
    %sub3A_12 = vector.broadcast %div3A_4 : vector<5000x1xf32> to vector<5000x128xf32>
    %sub3A_13 = arith.subf %get3A_1, %sub3A_12 : vector<5000x128xf32>
    %add3A = arith.constant 9.99999974E-6 : f32
    %add3A_14 = vector.broadcast %add3A : f32 to vector<5000x1xf32>
    %add3A_15 = arith.addf %div3A_11, %add3A_14 : vector<5000x1xf32>
    %rsqrt3A = math.rsqrt %add3A_15 : vector<5000x1xf32>
    %mul3A = vector.broadcast %rsqrt3A : vector<5000x1xf32> to vector<5000x128xf32>
    %mul3A_16 = arith.mulf %sub3A_13, %mul3A : vector<5000x128xf32>
    %get3A_17 = arith.constant 0 : index
    %get3A_18 = arith.constant 0 : index
    %get3A_19 = vector.load %arg1[%get3A_17, %get3A_18] : memref<1x128xf32, #tpu.memory_space<vmem>>, vector<1x128xf32>
    %mul3A_20 = vector.broadcast %get3A_19 : vector<1x128xf32> to vector<5000x128xf32>
    %mul3A_21 = arith.mulf %mul3A_16, %mul3A_20 : vector<5000x128xf32>
    %get3A_22 = arith.constant 0 : index
    %get3A_23 = arith.constant 0 : index
    %get3A_24 = vector.load %arg2[%get3A_22, %get3A_23] : memref<1x128xf32, #tpu.memory_space<vmem>>, vector<1x128xf32>
    %add3A_25 = vector.broadcast %get3A_24 : vector<1x128xf32> to vector<5000x128xf32>
    %add3A_26 = arith.addf %mul3A_21, %add3A_25 : vector<5000x128xf32>
    %swap3A = arith.constant 0 : index
    %swap3A_27 = arith.constant 0 : index
    %swap3A_28 = vector.load %arg3[%swap3A, %swap3A_27] : memref<5000x128xf32, #tpu.memory_space<vmem>>, vector<5000x128xf32>
    tpu.vector_store %arg3[%swap3A, %swap3A_27], %add3A_26 {strides = array<i32>} : memref<5000x128xf32, #tpu.memory_space<vmem>>, vector<5000x128xf32>,
    return
  }
}

module attributes {stable_mosaic.version = 14 : i64} {
  func.func @_fc_body(%arg0: memref<1024x128xf32, #tpu.memory_space<vmem>>, %arg1: memref<50x128xf32, #tpu.memory_space<vmem>>, %arg2: memref<1x50xf32, #tpu.memory_space<vmem>>, %arg3: memref<1024x50xf32, #tpu.memory_space<vmem>>) attributes {dimension_semantics = [], scalar_prefetch = 0 : i64, scratch_operands = 0 : i64, tpu.core_type = #tpu.core_type<tc>} {
    %get3A = arith.constant 0 : index
    %get3A_0 = arith.constant 0 : index
    %get3A_1 = vector.load %arg0[%get3A, %get3A_0] : memref<1024x128xf32, #tpu.memory_space<vmem>>, vector<1024x128xf32>
    %get3A_2 = arith.constant 0 : index
    %get3A_3 = arith.constant 0 : index
    %get3A_4 = vector.load %arg1[%get3A_2, %get3A_3] : memref<50x128xf32, #tpu.memory_space<vmem>>, vector<50x128xf32>
    %dot_general3A = arith.constant dense<0.000000e+00> : vector<1024x50xf32>
    %dot_general3A_5 = tpu.matmul %get3A_1, %get3A_4, %dot_general3A {dimension_numbers = #tpu.dot_dimension_numbers<[1], [1], [0], [0], [0, 0, 1, 0], [], []>, transpose_lhs_hint = false} : vector<1024x128xf32>, vector<50x128xf32>, vector<1024x50xf32> -> vector<1024x50xf32>
    %get3A_6 = arith.constant 0 : index
    %get3A_7 = arith.constant 0 : index
    %get3A_8 = vector.load %arg2[%get3A_6, %get3A_7] : memref<1x50xf32, #tpu.memory_space<vmem>>, vector<1x50xf32>
    %add3A = vector.broadcast %get3A_8 : vector<1x50xf32> to vector<1024x50xf32>
    %add3A_9 = arith.addf %dot_general3A_5, %add3A : vector<1024x50xf32>
    %swap3A = arith.constant 0 : index
    %swap3A_10 = arith.constant 0 : index
    %swap3A_11 = vector.load %arg3[%swap3A, %swap3A_10] : memref<1024x50xf32, #tpu.memory_space<vmem>>, vector<1024x50xf32>
    tpu.vector_store %arg3[%swap3A, %swap3A_10], %add3A_9 {strides = array<i32>} : memref<1024x50xf32, #tpu.memory_space<vmem>>, vector<1024x50xf32>,
    return
  }
}

</mosaic_0001>

<sc_bundles>
// kernel: kernel.5.cloned.1.call-start
scs
__scs_entry_jumppad:
0x0: {  	(pc) =	sbr.rel $0x88, $3  }
0x1: {  	(tag) =	ssettag $0x0;
	lr =	simm.s32 $0x1  }
0x2: {  	[smem:$0x3F97] =	sst lr;
	_ =	strace $0xD0000000  }
0x3: {  	_ = 	snop  }
0x4: {  	_ = 	snop  }
0x5: {  	_ = 	snop  }
0x6: {  	_ = 	snop  }
0x7: {  	_ = 	snop  }
__scs_overlays_trampoline_lowered:
0x8: {  	[smem:$0x3FA6] =	sst s0  }
0x9: {  	[smem:$0x3FA7] =	sst s1  }
0xa: {  	[smem:$0x3FA8] =	sst s2  }
0xb: {  	[smem:$0x3FA9] =	sst s3  }
0xc: {  	[smem:$0x3FAA] =	sst s4  }
0xd: {  	[smem:$0x3FAB] =	sst s5  }
0xe: {  	[smem:$0x3FAC] =	sst s6  }
0xf: {  	[smem:$0x3FAD] =	sst s7  }
0x10: {  	[smem:$0x3FAE] =	sst s8  }
0x11: {  	[smem:$0x3FAF] =	sst s9;
	s0 =	simm.s32 @!p0 $0x0  }
0x12: {  	s1 =	sld [smem:$0x3F95];
	s0 =	simm.s32 @p0 $0x1  }
0x13: {  	[smem:$0x3FB0] =	sst s0;
	s0 =	simm.s32 @!p1 $0x0  }
0x14: {  	s2 =	sld [smem:$0x3F94];
	s0 =	simm.s32 @p1 $0x1  }
0x15: {  	[smem:$0x3FB1] =	sst s0;
	s0 =	simm.s32 @!p2 $0x0  }
0x16: {  	s3 =	sld [smem:$0x3FDB];
	s0 =	simm.s32 @p2 $0x1  }
0x17: {  	s4 =	simm.s32 $0x1BF5;
	[smem:$0x3FB3] =	sst s0  }
0x18: {  	s0 =	sld [smem:$0x3F96];
	_ =	swait.ge [sflag:s4], $0x0  }
0x19: {  	s7 =	sld [smem:$0x3F97]  }
0x1a: {  	s8 =	sadd.s32 $0xFFFFE003, lr  }
0x1b: {  	s9 =	sadd.s32 $0xFFFFFEF7, lr;
	s5 =	simm.s32 $0xFFFFFFFF;
	p2 =	slt.u32 s8, $0xFFFFF086  }
0x1c: {  	p1 =	slt.u32 s9, $0xF7A;
	s5 =	simm.s32 @!p2 $0x0  }
0x1d: {  	s5 =	simm.s32 @p1 $0x1;
	p0 =	seq.s32 s7, s2  }
0x1e: {  	s7 =	smul.u32 @!p0 $0xF7A, s2;
	p2 =	seq.s32 @!p0 s5, $0x0  }
0x1f: {  	s9 =	smul.u32 $0xF7A, s1;
	s8 =	simm.s32 @!p0 $0x1BF5;
	p2 =	por !p2, p0  }
0x20: {  	[sflag:s8] =	ssyncset.s32 @!p0 $0xFFFFF086;
	s6 =	sadd.s32 @!p0 s3, s7;
	s7 =	simm.s32 @!p0 $0x108  }
0x21: {  	s3 =	sadd.s32 s3, s9;
	s6 =	sadd.s32 @!p0 $0x88, s6;
	s7 =	simm.s32 @p2 $0x1082  }
0x22: {  	[simem:s7], [sflag:s8] =	dma.local @!p0 [hbm:s6], $0xF7A  }
0x23: {  	s9 =	sor.u32 $0xD0000000, s2;
	s6 =	simm.s32 $0x108;
	_ =	swait.ge @!p0 [sflag:s8], $0x0  }
0x24: {  	s3 =	sadd.s32 $0x88, s3;
	s6 =	simm.s32 @!p1 $0x1082;
	[sflag:s4] =	ssyncset.s32 $0xFFFFF086  }
0x25: {  	[simem:s6], [sflag:s4] =	dma.local [hbm:s3], $0xF7A  }
0x26: {  	[smem:$0x3F97] =	sst s1;
	(tag) =	ssettag s2;
	_ =	strace s9  }
0x27: {  	s1 =	sld [smem:$0x3FA7]  }
0x28: {  	s2 =	sld [smem:$0x3FA8]  }
0x29: {  	s4 =	sld [smem:$0x3FAA]  }
0x2a: {  	p0 =	seq.s32 s5, $0x0;
	s5 =	sld [smem:$0x3FAB]  }
0x2b: {  	s6 =	sld [smem:$0x3FAC]  }
0x2c: {  	s7 =	sld [smem:$0x3FAD]  }
0x2d: {  	s3 =	simm.s32 $0x108;
	s8 =	sld [smem:$0x3FAE]  }
0x2e: {  	s3 =	simm.s32 @!p0 $0x1082;
	s9 =	sld [smem:$0x3FAF]  }
0x2f: {  	lr =	sadd.s32 s0, s3;
	s0 =	sld [smem:$0x3FA6]  }
0x30: {  	s3 =	sld [smem:$0x3FA9]  }
0x31: {  	[smem:$0x3FB2] =	sst s10  }
0x32: {  	s10 =	sld [smem:$0x3FB0];
	_ =	sdelay $0x3  }
0x33: {  	p0 =	seq.s32 s10, $0x1;
	s10 =	sld [smem:$0x3FB2];
	_ =	sdelay $0x3  }
0x34: {  	[smem:$0x3FB2] =	sst s10  }
0x35: {  	s10 =	sld [smem:$0x3FB1];
	_ =	sdelay $0x3  }
0x36: {  	p1 =	seq.s32 s10, $0x1;
	s10 =	sld [smem:$0x3FB2];
	_ =	sdelay $0x3  }
0x37: {  	[smem:$0x3FB2] =	sst s10  }
0x38: {  	s10 =	sld [smem:$0x3FB3]  }
0x39: {  	_ = 	snop;
	(pc) =	sbr.ind lr, $3  }
0x3a: {  	_ = 	snop  }
0x3b: {  	_ = 	snop  }
0x3c: {  	p2 =	seq.s32 s10, $0x1;
	s10 =	sld [smem:$0x3FB2]  }
0x3d: {  	_ =	shalt  }
0x3e: {  	_ =	shalt  }
0x3f: {  	_ =	shalt  }
0x40: {  	_ =	shalt  }
0x41: {  	_ =	shalt  }
0x42: {  	_ =	shalt  }
0x43: {  	_ =	shalt  }
0x44: {  	_ =	shalt  }
0x45: {  	_ =	shalt  }
0x46: {  	_ =	shalt  }
0x47: {  	_ =	shalt  }
0x48: {  	_ =	shalt  }
0x49: {  	_ =	shalt  }
0x4a: {  	_ =	shalt  }
0x4b: {  	_ =	shalt  }
0x4c: {  	_ =	shalt  }
0x4d: {  	_ =	shalt  }
0x4e: {  	_ =	shalt  }
0x4f: {  	_ =	shalt  }
0x50: {  	_ =	shalt  }
0x51: {  	_ =	shalt  }
0x52: {  	_ =	shalt  }
0x53: {  	_ =	shalt  }
0x54: {  	_ =	shalt  }
0x55: {  	_ =	shalt  }
0x56: {  	_ =	shalt  }
0x57: {  	_ =	shalt  }
0x58: {  	_ =	shalt  }
0x59: {  	_ =	shalt  }
0x5a: {  	_ =	shalt  }
0x5b: {  	_ =	shalt  }
0x5c: {  	_ =	shalt  }
0x5d: {  	_ =	shalt  }
0x5e: {  	_ =	shalt  }
0x5f: {  	_ =	shalt  }
0x60: {  	_ =	shalt  }
0x61: {  	_ =	shalt  }
0x62: {  	_ =	shalt  }
0x63: {  	_ =	shalt  }
0x64: {  	_ =	shalt  }
0x65: {  	_ =	shalt  }
0x66: {  	_ =	shalt  }
0x67: {  	_ =	shalt  }
0x68: {  	_ =	shalt  }
0x69: {  	_ =	shalt  }
0x6a: {  	_ =	shalt  }
0x6b: {  	_ =	shalt  }
0x6c: {  	_ =	shalt  }
0x6d: {  	_ =	shalt  }
0x6e: {  	_ =	shalt  }
0x6f: {  	_ =	shalt  }
0x70: {  	_ =	shalt  }
0x71: {  	_ =	shalt  }
0x72: {  	_ =	shalt  }
0x73: {  	_ =	shalt  }
0x74: {  	_ =	shalt  }
0x75: {  	_ =	shalt  }
0x76: {  	_ =	shalt  }
0x77: {  	_ =	shalt  }
0x78: {  	_ =	shalt  }
0x79: {  	_ =	shalt  }
0x7a: {  	_ =	shalt  }
0x7b: {  	_ =	shalt  }
0x7c: {  	_ =	shalt  }
0x7d: {  	_ =	shalt  }
0x7e: {  	_ =	shalt  }
0x7f: {  	_ =	shalt  }
0x80: {  	_ =	shalt  }
0x81: {  	_ =	shalt  }
0x82: {  	_ =	shalt  }
0x83: {  	_ =	shalt  }
0x84: {  	_ =	shalt  }
0x85: {  	_ =	shalt  }
0x86: {  	_ =	shalt  }
0x87: {  	_ =	shalt  }
.Lfunc_end0:
.L_simem_size_0:
called_computation_lowered:
.L_overlay_start_0:
0x88: {  	s2 =	sld [smem:$0x3FD9]  }
0x89: {  	s3 =	sld [smem:$0x3FFE];
	_ =	sdelay $0x1  }
0x8a: {  	s1 =	srdreg.scid  }
0x8b: {  	s0 =	sand.u32 $0x1, s1  }
0x8c: {  	s17 =	sshll.u32 s0, $0xA;
	s2 =	sadd.s32 s3, s2  }
0x8d: {  	s2 =	sadd.s32 s2, s17  }
0x8e: {  	[smem:$0x3FBE] =	sst s2  }
0x8f: {  	_ = 	snop  }
0x90: {  	s2 =	sld [smem:$0x3FC5]  }
0x91: {  	s18 =	sld [smem:$0x3FC4]  }
0x92: {  	s4 =	sld [smem:$0x3FD0];
	(tm) =	ssettm $0x1  }
0x93: {  	s5 =	sld [smem:$0x3FFB];
	_ =	sdelay $0x3  }
0x94: {  	_ =	strace s5  }
0x95: {  	s5 =	sld [smem:$0x3FFC];
	_ =	sdelay $0x3  }
0x96: {  	_ =	strace s5  }
0x97: {  	s5 =	sld [smem:$0x3FFD];
	_ =	sdelay $0x3  }
0x98: {  	_ =	strace s5  }
0x99: {  	_ =	strace $0x8FFFFFFF  }
0x9a: {  	s19 =	sld [smem:$0x3FDB];
	_ =	sdelay $0x1  }
0x9b: {  	s6 =	simm.s32 $_scs_section_size  }
0x9c: {  	s7 =	simm.s32 $_size__tile_overlayer_lowered;
	s8 =	simm.s32 $_tile_overlayer_lowered  }
0x9d: {  	s22 =	simm.s32 $0x1BFF;
	s21 =	sshll.u32 s8, $0x1;
	s5 =	sadd.s32 s6, s19  }
0x9e: {  	s9 =	simm.s32 $0x0;
	s20 =	sshll.u32 s7, $0x1;
	s7 =	sadd.s32 s21, s5  }
0x9f: {  	[timem:s9], [sflag:s22] =	dma.local [hbm:s7], s20  }
0xa0: {  	_ =	swait.ge [sflag:s22], s20  }
0xa1: {  	s6 =	ssub.s32 $0x0, s20;
	[sflag:s22] =	ssyncset.done $0x0  }
0xa2: {  	[sflag:s22] =	ssyncadd.s32 s6;
	_ =	sdelay $0x1  }
0xa3: {  	s23 =	simm.s32 $0x1B8B  }
0xa4: {  	_ =	swait.ge [sflag:s23], $0x1  }
0xa5: {  	[sflag:s23] =	ssyncset.done $0x0  }
0xa6: {  	s25 =	simm.s32 $0x1B8E;
	s24 =	sld [smem:$0x3FFE];
	[sflag:s23] =	ssyncadd.s32 $0xFFFFFFFF  }
0xa7: {  	s26 =	simm.s32 $execute0_lowered;
	[smem:$0x3FD2] =	sst s25  }
0xa8: {  	s7 =	sshll.u32 s26, $0x1;
	_ =	strace $0x80000046;
	[dreg:$0x1] =	wrdreg $0xFFFFFFFF  }
0xa9: {  	s28 =	simm.s32 $_size_execute0_lowered;
	s5 =	sadd.s32 s5, s7;
	[dreg:$0x0] =	wrdreg $0x0  }
0xaa: {  	s7 =	sshll.u32 s28, $0x1;
	[dreg:$0x2] =	wrdreg s5  }
0xab: {  	[dreg:$0x3] =	wrdreg s7  }
0xac: {  	[dreg:$0x4] =	wrdreg $0xC0  }
0xad: {  	_ =	task [dreg:s9], $0x5FFFF  }
0xae: {  	[dreg:$0x1] =	wrdreg $0xFFFFFFFF  }
0xaf: {  	[dreg:$0x0] =	wrdreg $0x60  }
0xb0: {  	[dreg:$0x2] =	wrdreg s4  }
0xb1: {  	[dreg:$0x3] =	wrdreg s24  }
0xb2: {  	[dreg:$0x4] =	wrdreg s2  }
0xb3: {  	[dreg:$0x5] =	wrdreg s18  }
0xb4: {  	[dreg:$0x6] =	wrdreg $0x9  }
0xb5: {  	_ =	task.clear_ibuf [dreg:s9], $0x7FFFF;
	_ =	strace $0x90000046  }
0xb6: {  	s29 =	simm.s32 $0x9;
	_ =	strace $0x80000048  }
0xb7: {  	_ =	swait.ge [sflag:s29], $0x1  }
0xb8: {  	[sflag:s29] =	ssyncadd.s32 $0xFFFFFFFF  }
0xb9: {  	_ =	strace $0x90000048  }
0xba: {  	_ =	sfence  }
0xbb: {  	s30 =	sld [smem:$0x0];
	_ =	sdelay $0x2  }
0xbc: {  	s31 =	sshll.u32 s1, $0xD;
	s1 =	sshrl.u32 s1, $0x2  }
0xbd: {  	s3 =	sand.u32 $0x4000, s31;
	s1 =	sadd.s32 s1, s30  }
0xbe: {  	s0 =	sor.u32 s3, s0;
	s1 =	sshll.u32 s1, $0x11  }
0xbf: {  	s0 =	sor.u32 s1, s0  }
0xc0: {  	s0 =	sadd.s32 $0x8F2B, s0  }
0xc1: {  	[sflag:s0] =	ssyncadd.remote.s32 $0x1  }
0xc2: {  	_ =	sfence.sel $0xFFFF  }
0xc3: {  	[dreg:$0x0] =	wrdreg $0xFFFFFFFF;
	(pc) =	sbr.abs _section_cstart, $3  }
0xc4: {  	[dreg:$0x1] =	wrdreg $0xFFFFFFFF  }
0xc5: {  	_ =	task.clear_ibuf [dreg:s9], $0x2FFFF;
	_ =	strace $0x9FFFFFFF  }
0xc6: {  	(tm) =	ssettm $0x7FFFFFFF  }
0xc7: {  	_ =	shalt  }
tec
execute0_lowered:
.L_overlay_start_1:
0x0: {  	(tag) =	ssettag $0x1  }
0x1: {  	s1 =	rddreg [dreg:$0x0]  }
0x2: {  	s0 =	rddreg [dreg:$0x1]  }
0x3: {  	s2 =	rddreg [dreg:$0x2]  }
0x4: {  	s3 =	rddreg [dreg:$0x3];
	s5 =	simm.s32 $0x0;
	s4 =	srdreg.scid  }
0x5: {  	s6 =	stileid.u32;
	s19 =	simm.s32 $0x80;
	s28 =	simm.s32 $0x400  }
0x6: {  	s29 =	simm.s32 $0x580;
	s30 =	simm.s32 $0x2;
	s16 =	simm.s32 $0x16280  }
0x7: {  	s18 =	simm.s32 $0x3;
	s21 =	simm.s32 $0x16300;
	s31 =	simm.s32 $0x5  }
0x8: {  	[smem:$0x7FF] =	sst s5;
	s4 =	sand.u32 $0x1, s4;
	s8 =	sshll.u32 s6, $0x1  }
0x9: {  	s6 =	sadd.s32 $0x1600, s0;
	s7 =	sadd.s32 $0xB600, s0;
	s17 =	sadd.s32 $0x29010, s0  }
0xa: {  	_ =	strace $0x80000047;
	s10 =	sor.u32 s4, s8;
	s8 =	sadd.s32 $0x15600, s0  }
0xb: {  	s4 =	ssub.s32 $0x2, s4;
	s9 =	sshll.u32 s10, $0x5;
	s11 =	smul.u32 $0x60, s10  }
0xc: {  	s12 =	smul.u32 $0x500, s10;
	s10 =	sadd.s32 $0x29000, s0;
	s14 =	sshrl.u32 s4, $0x1  }
0xd: {  	s0 =	simm.s32 $0x4;
	s13 =	sor.u32 $0x1, s9;
	s11 =	sadd.s32 s1, s11  }
0xe: {  	s4 =	ssub.s32 s4, s14;
	s23 =	sadd.s32 s6, s12;
	[dreg:$0x5] =	wrdreg s11  }
0xf: {  	v0 =	vimm.s32 $0x0;
	s15 =	smul.u32 $0x3, s13;
	s12 =	sadd.s32 s7, s12;
	[dreg:$0x6] =	wrdreg s23  }
0x10: {  	v1 =	vimm.s32 $0x1;
	v2 =	vimm.s32 $0x2;
	v3 =	vimm.s32 $0x3;
	s22 =	smul.u32 $0x28, s13;
	s26 =	smax.u32 s4, $0x1;
	[dreg:$0x7] =	wrdreg s12  }
0x11: {  	v4 =	vimm.s32 $0x4;
	v5 =	vimm.s32 $0x5;
	v6 =	vimm.s32 $0x6;
	[dreg:$0xb] =	wrdreg s26;
	s26 =	simm.s32 $0x380;
	s24 =	sadd.s32 s1, s15  }
0x12: {  	v7 =	vimm.s32 $0x7;
	v8 =	vimm.s32 $0x8;
	v9 =	vimm.s32 $0x9;
	s25 =	sadd.s32 s6, s22;
	s11 =	sadd.s32 s7, s22;
	[dreg:$0x8] =	wrdreg s24  }
0x13: {  	v10 =	vimm.s32 $0xA;
	v11 =	vimm.s32 $0xB;
	v12 =	vimm.s32 $0xC;
	s22 =	simm.s32 $0x14;
	s15 =	simm.s32 $0x15500;
	[dreg:$0x9] =	wrdreg s25  }
0x14: {  	v13 =	vimm.s32 $0xD;
	v14 =	vimm.s32 $0xE;
	v15 =	vimm.s32 $0xF;
	[dreg:$0xa] =	wrdreg s11;
	s25 =	simm.s32 $0x40;
	s11 =	simm.s32 $0x0  }
.LBB2_1:
0x15: {  	[dreg:$0xc] =	wrdreg s11  }
0x16: {  	s4 =	rddreg [dreg:$0x5]  }
0x17: {  	[tilespmem:s5], [sflag:$0x1] =	stream.linear.gather [hbm4b:s4+s5], $0x18, $0x38;
	[tilespmem:$0x16380] =	vst v63  }
0x18: {  	s13 =	rddreg [dreg:$0x6]  }
0x19: {  	[tilespmem:s19], [sflag:$0x1] =	stream.linear.gather [hbm4b:s13+s5], $0x140, $0x38;
	[tilespmem:$0x16380] =	vst v63  }
0x1a: {  	s14 =	rddreg [dreg:$0x7];
	s11 =	simm.s32 $0x200;
	s20 =	simm.s32 $0x1  }
0x1b: {  	[tilespmem:s11], [sflag:$0x1] =	stream.linear.gather [hbm4b:s14+s5], $0x140, $0x38;
	[tilespmem:$0x16380] =	vst v63  }
0x1c: {  	_ =	swait.ge [sflag:s20], $0x18  }
0x1d: {  	[sflag:s20] =	ssyncset.done $0x0  }
0x1e: {  	[sflag:s20] =	ssyncadd.s32 $0xFFFFFFE8  }
0x1f: {  	_ =	swait.ge [sflag:s20], $0x140  }
0x20: {  	[sflag:s20] =	ssyncset.done $0x0  }
0x21: {  	[sflag:s20] =	ssyncadd.s32 $0xFFFFFEC0  }
0x22: {  	_ =	swait.ge [sflag:s20], $0x140  }
0x23: {  	[sflag:s20] =	ssyncset.done $0x0  }
0x24: {  	s23 =	simm.s32 $0x700;
	[sflag:s20] =	ssyncadd.s32 $0xFFFFFEC0  }
0x25: {  	[tilespmem:s23], [sflag:$0x3] =	stream.indirect.gather [hbm4b:s8+s19], $0x80, s19, s19, $0xb8;
	[tilespmem:$0x16380] =	vst v63  }
0x26: {  	s24 =	simm.s32 $0x100;
	s12 =	simm.s32 $0x4700  }
0x27: {  	[tilespmem:s12], [sflag:$0x3] =	stream.indirect.gather [hbm4b:s8+s19], $0x80, s24, s19, $0xb8;
	[tilespmem:$0x16380] =	vst v63  }
0x28: {  	s13 =	simm.s32 $0x180;
	s14 =	simm.s32 $0x8700  }
0x29: {  	[tilespmem:s14], [sflag:$0x3] =	stream.indirect.gather [hbm4b:s8+s25], $0x80, s13, s25, $0xb8;
	[tilespmem:$0x16380] =	vst v63  }
0x2a: {  	s20 =	simm.s32 $0xB300  }
0x2b: {  	[tilespmem:s20], [sflag:$0x3] =	stream.indirect.gather [hbm4b:s2+s19], $0x1, s11, s19, $0xb8;
	[tilespmem:$0x16380] =	vst v63  }
0x2c: {  	s23 =	simm.s32 $0x280;
	s24 =	simm.s32 $0xB380  }
0x2d: {  	[tilespmem:s24], [sflag:$0x3] =	stream.indirect.gather [hbm4b:s2+s19], $0x1, s23, s19, $0xb8;
	[tilespmem:$0x16380] =	vst v63  }
0x2e: {  	s12 =	simm.s32 $0xB400;
	s11 =	simm.s32 $0x300  }
0x2f: {  	[tilespmem:s12], [sflag:$0x3] =	stream.indirect.gather [hbm4b:s2+s25], $0x1, s11, s25, $0xb8;
	[tilespmem:$0x16380] =	vst v63  }
0x30: {  	s13 =	simm.s32 $0xA700  }
0x31: {  	[tilespmem:s13], [sflag:$0x3] =	stream.indirect.gather [hbm4b:s8+s22], $0x80, s5, s22, $0xb8;
	[tilespmem:$0x16380] =	vst v63  }
0x32: {  	s14 =	simm.s32 $0xB480  }
0x33: {  	[tilespmem:s14], [sflag:$0x3] =	stream.indirect.gather [hbm4b:s3+s22], $0x1, s5, s22, $0xb8;
	[tilespmem:$0x16380] =	vst v63  }
0x34: {  	s20 =	rddreg [dreg:$0x8]  }
0x35: {  	[tilespmem:s26], [sflag:$0x2] =	stream.linear.gather [hbm4b:s20+s5], $0x18, $0x38;
	[tilespmem:$0x16380] =	vst v63  }
0x36: {  	s23 =	rddreg [dreg:$0x9]  }
0x37: {  	[tilespmem:s28], [sflag:$0x2] =	stream.linear.gather [hbm4b:s23+s5], $0x140, $0x38;
	[tilespmem:$0x16380] =	vst v63  }
0x38: {  	s4 =	simm.s32 $0x0;
	s24 =	rddreg [dreg:$0xa]  }
0x39: {  	[tilespmem:s29], [sflag:$0x2] =	stream.linear.gather [hbm4b:s24+s5], $0x140, $0x38;
	[tilespmem:$0x16380] =	vst v63  }
.LBB2_2:
0x3a: {  	_ =	swait.ge [sflag:s30], $0x18  }
0x3b: {  	[sflag:s30] =	ssyncset.done $0x0  }
0x3c: {  	[sflag:s30] =	ssyncadd.s32 $0xFFFFFFE8  }
0x3d: {  	_ =	swait.ge [sflag:s30], $0x140  }
0x3e: {  	[sflag:s30] =	ssyncset.done $0x0  }
0x3f: {  	[sflag:s30] =	ssyncadd.s32 $0xFFFFFEC0  }
0x40: {  	_ =	swait.ge [sflag:s30], $0x140  }
0x41: {  	[sflag:s30] =	ssyncset.done $0x0  }
0x42: {  	s11 =	simm.s32 $0xB500;
	[sflag:s30] =	ssyncadd.s32 $0xFFFFFEC0  }
0x43: {  	[tilespmem:s11], [sflag:$0x4] =	stream.indirect.gather [hbm4b:s8+s19], $0x80, s28, s19, $0xb8;
	[tilespmem:$0x16380] =	vst v63  }
0x44: {  	s20 =	simm.s32 $0x480;
	s12 =	simm.s32 $0xF500  }
0x45: {  	[tilespmem:s12], [sflag:$0x4] =	stream.indirect.gather [hbm4b:s8+s19], $0x80, s20, s19, $0xb8;
	[tilespmem:$0x16380] =	vst v63  }
0x46: {  	s23 =	simm.s32 $0x500;
	s24 =	simm.s32 $0x13500  }
0x47: {  	[tilespmem:s24], [sflag:$0x4] =	stream.indirect.gather [hbm4b:s8+s25], $0x80, s23, s25, $0xb8;
	[tilespmem:$0x16380] =	vst v63  }
0x48: {  	s13 =	simm.s32 $0x16100  }
0x49: {  	[tilespmem:s13], [sflag:$0x4] =	stream.indirect.gather [hbm4b:s2+s19], $0x1, s29, s19, $0xb8;
	[tilespmem:$0x16380] =	vst v63  }
0x4a: {  	s14 =	simm.s32 $0x600;
	s20 =	simm.s32 $0x16180  }
0x4b: {  	[tilespmem:s20], [sflag:$0x4] =	stream.indirect.gather [hbm4b:s2+s19], $0x1, s14, s19, $0xb8;
	[tilespmem:$0x16380] =	vst v63  }
0x4c: {  	s23 =	simm.s32 $0x680;
	s24 =	simm.s32 $0x16200  }
0x4d: {  	[tilespmem:s24], [sflag:$0x4] =	stream.indirect.gather [hbm4b:s2+s25], $0x1, s23, s25, $0xb8;
	[tilespmem:$0x16380] =	vst v63  }
0x4e: {  	_ = 	snop  }
0x4f: {  	[tilespmem:s15], [sflag:$0x4] =	stream.indirect.gather [hbm4b:s8+s22], $0x80, s26, s22, $0xb8;
	[tilespmem:$0x16380] =	vst v63  }
0x50: {  	_ = 	snop  }
0x51: {  	[tilespmem:s16], [sflag:$0x4] =	stream.indirect.gather [hbm4b:s3+s22], $0x1, s26, s22, $0xb8;
	[tilespmem:$0x16380] =	vst v63  }
0x52: {  	_ =	swait.ge [sflag:s18], $0x4000  }
0x53: {  	[sflag:s18] =	ssyncset.done $0x0  }
0x54: {  	[sflag:s18] =	ssyncadd.s32 $0xFFFFC000  }
0x55: {  	_ =	swait.ge [sflag:s18], $0x4000  }
0x56: {  	[sflag:s18] =	ssyncset.done $0x0  }
0x57: {  	[sflag:s18] =	ssyncadd.s32 $0xFFFFC000  }
0x58: {  	_ =	swait.ge [sflag:s18], $0x2000  }
0x59: {  	[sflag:s18] =	ssyncset.done $0x0  }
0x5a: {  	[sflag:s18] =	ssyncadd.s32 $0xFFFFE000  }
0x5b: {  	_ =	swait.ge [sflag:s18], $0x80  }
0x5c: {  	[sflag:s18] =	ssyncset.done $0x0  }
0x5d: {  	[sflag:s18] =	ssyncadd.s32 $0xFFFFFF80  }
0x5e: {  	_ =	swait.ge [sflag:s18], $0x80  }
0x5f: {  	[sflag:s18] =	ssyncset.done $0x0  }
0x60: {  	[sflag:s18] =	ssyncadd.s32 $0xFFFFFF80  }
0x61: {  	_ =	swait.ge [sflag:s18], $0x40  }
0x62: {  	[sflag:s18] =	ssyncset.done $0x0  }
0x63: {  	[sflag:s18] =	ssyncadd.s32 $0xFFFFFFC0  }
0x64: {  	s13 =	sshll.u32 s4, $0x1;
	_ =	swait.ge [sflag:s18], $0xA00  }
0x65: {  	p0 =	seq.s32 s4, $0xF;
	s24 =	sadd.s32 s9, s13;
	[sflag:s18] =	ssyncset.done $0x0  }
0x66: {  	s11 =	sadd.s32 @!p0 $0x2, s24;
	[sflag:s18] =	ssyncadd.s32 $0xFFFFF600  }
0x67: {  	s12 =	smul.u32 @!p0 $0x3, s11;
	_ =	swait.ge [sflag:s18], $0x14  }
0x68: {  	s13 =	simm.s32 @!p0 $0x0;
	[sflag:s18] =	ssyncset.done $0x0  }
0x69: {  	s11 =	smul.u32 @!p0 $0x28, s11;
	s12 =	sadd.s32 @!p0 s1, s12;
	[sflag:s18] =	ssyncadd.s32 $0xFFFFFFEC  }
0x6a: {  	[tilespmem:s13], [sflag:$0x1] =	stream.linear.gather @!p0 [hbm4b:s12+s13], $0x18, $0x38;
	[tilespmem:$0x16380] =	vst v63  }
0x6b: {  	s20 =	simm.s32 @!p0 $0x80;
	s12 =	sadd.s32 @!p0 s6, s11  }
0x6c: {  	[tilespmem:s20], [sflag:$0x1] =	stream.linear.gather @!p0 [hbm4b:s12+s13], $0x140, $0x38;
	[tilespmem:$0x16380] =	vst v63  }
0x6d: {  	s14 =	simm.s32 $0xB00;
	s11 =	sadd.s32 @!p0 s7, s11;
	s12 =	simm.s32 @!p0 $0x200  }
0x6e: {  	[tilespmem:s12], [sflag:$0x1] =	stream.linear.gather @!p0 [hbm4b:s11+s13], $0x140, $0x38;
	[tilespmem:$0x16380] =	vst v63  }
0x6f: {  	v20 =	vld [tilespmem:s14+$0xFFFFFD20];
	_ =	sdelay $0x4  }
0x70: {  	[tilespmem:$0x1FE60] =	vst v20;
	v20 =	vld [tilespmem:s14+$0xFFFFFD30];
	_ =	sdelay $0x4  }
0x71: {  	[tilespmem:$0x1FE70] =	vst v20;
	v20 =	vld [tilespmem:s14+$0xFFFFFD40];
	_ =	sdelay $0x4  }
0x72: {  	[tilespmem:$0x1FE80] =	vst v20;
	v20 =	vld [tilespmem:s14+$0xFFFFFD50];
	_ =	sdelay $0x4  }
0x73: {  	[tilespmem:$0x1FE90] =	vst v20;
	v20 =	vld [tilespmem:s14+$0xFFFFFD60];
	_ =	sdelay $0x3  }
0x74: {  	v29 =	vld [tilespmem:s14+$0xFFFFFDB0]  }
0x75: {  	s20 =	simm.s32 $0xB300;
	[tilespmem:$0x1FEA0] =	vst v20;
	v20 =	vld [tilespmem:s14+$0xFFFFFD80]  }
0x76: {  	v17 =	vld [tilespmem:s20+$0x0]  }
0x77: {  	v16 =	vld [tilespmem:s14+$0xFFFFFC70]  }
0x78: {  	v18 =	vld [tilespmem:s14+$0xFFFFFCF0]  }
0x79: {  	[tilespmem:$0x1FEE0] =	vst v29;
	v29 =	vld [tilespmem:s14+$0xFFFFFDC0]  }
0x7a: {  	[tilespmem:$0x1FEB0] =	vst v20;
	v20 =	vld [tilespmem:s14+$0xFFFFFD90]  }
0x7b: {  	v21 =	vld [tilespmem:s14+$0xFFFFFDA0]  }
0x7c: {  	v25 =	vld [tilespmem:s14+$0xFFFFFD70]  }
0x7d: {  	v27 =	vld [tilespmem:s14+$0xFFFFFDF0]  }
0x7e: {  	[tilespmem:$0x1FEF0] =	vst v29;
	v29 =	vld [tilespmem:s14+$0xFFFFFDD0]  }
0x7f: {  	v28 =	vld [tilespmem:s14+$0xFFFFFE70];
	v63 =	vperm.xlane v17, v0;
	[tilespmem:$0x1FEC0] =	vst v20;
	v20 =	vperm.xlane v17, v1  }
0x80: {  	v23 =	vld [tilespmem:s14+$0xFFFFFEF0];
	[tilespmem:$0x1FED0] =	vst v21;
	v21 =	vperm.xlane v17, v2;
	v22 =	vperm.xlane v17, v3  }
0x81: {  	v16 =	vmul.f32 v16, v63;
	v18 =	vmul.f32 v18, v20  }
0x82: {  	v30 =	vperm.xlane v17, v4;
	v25 =	vmul.f32 v25, v21  }
0x83: {  	[tilespmem:$0x1FF00] =	vst v29;
	v29 =	vperm.xlane v17, v5;
	v16 =	vmax.f32 v16, v18;
	v18 =	vmul.f32 v27, v22  }
0x84: {  	v16 =	vmax.f32 v16, v25;
	v25 =	vmul.f32 v28, v30  }
0x85: {  	v16 =	vmax.f32 v16, v18;
	v18 =	vmul.f32 v23, v29  }
0x86: {  	v16 =	vmax.f32 v16, v25  }
0x87: {  	v16 =	vmax.f32 v16, v18;
	v18 =	vld [tilespmem:s14+$0xFFFFFE30];
	_ =	sdelay $0x4  }
0x88: {  	[tilespmem:$0x1FF50] =	vst v18;
	v18 =	vld [tilespmem:s14+$0xFFFFFE60];
	_ =	sdelay $0x1  }
0x89: {  	v51 =	vld [tilespmem:s14+$0x370]  }
0x8a: {  	v24 =	vld [tilespmem:s14+$0xFFFFFF70]  }
0x8b: {  	v26 =	vld [tilespmem:s14+$0xFFFFFFF0]  }
0x8c: {  	[tilespmem:$0x1FF80] =	vst v18;
	v18 =	vld [tilespmem:s14+$0xFFFFFE80]  }
0x8d: {  	v31 =	vld [tilespmem:s14+$0x70]  }
0x8e: {  	v32 =	vld [tilespmem:s14+$0xF0]  }
0x8f: {  	v19 =	vld [tilespmem:s14+$0x170]  }
0x90: {  	v34 =	vld [tilespmem:s14+$0x1F0]  }
0x91: {  	[tilespmem:$0x1FF90] =	vst v18;
	v18 =	vld [tilespmem:s14+$0xFFFFFE90]  }
0x92: {  	v35 =	vld [tilespmem:s14+$0x270]  }
0x93: {  	v23 =	vld [tilespmem:s14+$0xFFFFFE10]  }
0x94: {  	v27 =	vld [tilespmem:s14+$0xFFFFFDE0]  }
0x95: {  	v36 =	vld [tilespmem:s14+$0x2F0]  }
0x96: {  	s23 =	simm.s32 $0x0;
	v28 =	vperm.xlane v17, v6;
	[tilespmem:$0x1FFA0] =	vst v18;
	v18 =	vld [tilespmem:s14+$0xFFFFFEC0]  }
0x97: {  	v37 =	vld [tilespmem:s23+$0xB480]  }
0x98: {  	v38 =	vld [tilespmem:s14+$0x3F0];
	[tilespmem:$0x1FF30] =	vst v23;
	v23 =	vmul.f32 v24, v28  }
0x99: {  	[tilespmem:$0x1FF10] =	vst v27;
	v27 =	vld [tilespmem:s14+$0xFFFFFE00]  }
0x9a: {  	v23 =	vmax.f32 v16, v23;
	v16 =	vld [tilespmem:s14+$0xFFFFFE40]  }
0x9b: {  	[tilespmem:$0x1FFC0] =	vst v18;
	v18 =	vld [tilespmem:s14+$0xFFFFFED0]  }
0x9c: {  	v24 =	vld [tilespmem:s14+$0xFFFFFE20]  }
0x9d: {  	v39 =	vld [tilespmem:s14+$0xFFFFFC00]  }
0x9e: {  	v43 =	vld [tilespmem:s14+$0xFFFFFC30];
	[tilespmem:$0x1FF20] =	vst v27  }
0x9f: {  	v27 =	vperm.xlane v17, v7;
	[tilespmem:$0x1FF60] =	vst v16;
	v16 =	vld [tilespmem:s14+$0xFFFFFE50]  }
0xa0: {  	v25 =	vperm.xlane v17, v8;
	[tilespmem:$0x1FFD0] =	vst v18;
	v18 =	vld [tilespmem:s14+$0xFFFFFEE0]  }
0xa1: {  	v40 =	vld [tilespmem:s14+$0xFFFFFC10];
	[tilespmem:$0x1FF40] =	vst v24;
	v24 =	vmul.f32 v26, v27;
	v26 =	vperm.xlane v17, v9  }
0xa2: {  	v42 =	vld [tilespmem:s14+$0xFFFFFC20];
	v31 =	vmul.f32 v31, v25  }
0xa3: {  	v50 =	vld [tilespmem:s14+$0xFFFFFCB0];
	v33 =	vperm.xlane v17, v10;
	v23 =	vmax.f32 v23, v24;
	v32 =	vmul.f32 v32, v26  }
0xa4: {  	v44 =	vld [tilespmem:s14+$0xFFFFFC40];
	v43 =	vmul.f32 v43, v63;
	v24 =	vperm.xlane v17, v11;
	v31 =	vmax.f32 v23, v31;
	[tilespmem:$0x1FF70] =	vst v16  }
0xa5: {  	v31 =	vmax.f32 v31, v32;
	v32 =	vperm.xlane v17, v13;
	v16 =	vmul.f32 v19, v33;
	[tilespmem:$0x1FFE0] =	vst v18;
	v18 =	vld [tilespmem:$0x1FE60]  }
0xa6: {  	v45 =	vld [tilespmem:s14+$0xFFFFFC50];
	v23 =	vperm.xlane v17, v12;
	v34 =	vmul.f32 v34, v24  }
0xa7: {  	v53 =	vld [tilespmem:s14+$0xFFFFFCC0];
	v56 =	vmul.f32 v36, v32;
	v36 =	vperm.xlane v17, v15;
	v16 =	vmax.f32 v31, v16  }
0xa8: {  	v31 =	vperm.xlane v17, v14;
	v17 =	vld [tilespmem:s14+$0xFFFFFEA0];
	v16 =	vmax.f32 v16, v34;
	v34 =	vmul.f32 v50, v20  }
0xa9: {  	v46 =	vld [tilespmem:s14+$0xFFFFFC60]  }
0xaa: {  	v35 =	vmul.f32 v35, v23;
	v43 =	vmax.f32 v43, v34;
	v34 =	vmul.f32 v18, v21;
	v18 =	vld [tilespmem:$0x1FE70]  }
0xab: {  	s23 =	simm.s32 $0xA740;
	v47 =	vld [tilespmem:s14+$0xFFFFFC80]  }
0xac: {  	v41 =	vld [tilespmem:s23+$0x30];
	v44 =	vmul.f32 v44, v63;
	v16 =	vmax.f32 v16, v35;
	v59 =	vmul.f32 v51, v31  }
0xad: {  	v48 =	vld [tilespmem:s14+$0xFFFFFC90];
	v35 =	vmul.f32 v53, v20;
	v16 =	vmax.f32 v16, v56;
	[tilespmem:$0x1FFB0] =	vst v17;
	v17 =	vperm.xlane v37, v0  }
0xae: {  	v49 =	vld [tilespmem:s14+$0xFFFFFCA0];
	v62 =	vmul.f32 v38, v36;
	v16 =	vmax.f32 v16, v59  }
0xaf: {  	v44 =	vmax.f32 v44, v35;
	v38 =	vsub.f32 $1.000000000e+00, v17;
	v35 =	vmul.f32 v18, v21;
	v18 =	vld [tilespmem:$0x1FE80]  }
0xb0: {  	v55 =	vld [tilespmem:s14+$0xFFFFFCD0];
	v39 =	vmul.f32 v39, v63;
	v16 =	vmax.f32 v16, v62  }
0xb1: {  	v58 =	vld [tilespmem:s14+$0xFFFFFCE0];
	v37 =	vmul.f32 v41, v17;
	v16 =	vmul.f32 v16, v38  }
0xb2: {  	v57 =	vld [tilespmem:s14+$0xFFFFFD00];
	v40 =	vmul.f32 v40, v63;
	v48 =	vmul.f32 v48, v20  }
0xb3: {  	v42 =	vmul.f32 v42, v63;
	v45 =	vmul.f32 v45, v63;
	v16 =	vadd.f32 v37, v16  }
0xb4: {  	v47 =	vmul.f32 v47, v20;
	v40 =	vmax.f32 v40, v48;
	v48 =	vmul.f32 v18, v21;
	v18 =	vld [tilespmem:$0x1FE90]  }
0xb5: {  	v37 =	vmul.f32 v55, v20;
	[tilespmem:$0x1FFF0] =	vst v16;
	v16 =	vmul.f32 v46, v63  }
0xb6: {  	v63 =	vmul.f32 v49, v20;
	v20 =	vmul.f32 v58, v20  }
0xb7: {  	v58 =	vmul.f32 v57, v21  }
0xb8: {  	v60 =	vld [tilespmem:s14+$0xFFFFFD10];
	v39 =	vmax.f32 v39, v47;
	v42 =	vmax.f32 v42, v63;
	v16 =	vmax.f32 v16, v20  }
0xb9: {  	v20 =	vmax.f32 v39, v58;
	v39 =	vmax.f32 v42, v34;
	v34 =	vmul.f32 v18, v21;
	v18 =	vld [tilespmem:$0x1FEA0];
	_ =	sdelay $0x4  }
0xba: {  	v63 =	vmul.f32 v60, v21;
	v21 =	vmul.f32 v18, v21;
	v18 =	vld [tilespmem:$0x1FEB0];
	_ =	sdelay $0x4  }
0xbb: {  	v43 =	vmax.f32 v43, v35;
	v35 =	vmul.f32 v18, v22;
	v18 =	vmax.f32 v16, v21;
	v16 =	vld [tilespmem:$0x1FEC0];
	_ =	sdelay $0x4  }
0xbc: {  	v21 =	vmul.f32 v16, v22;
	v16 =	vld [tilespmem:$0x1FED0];
	_ =	sdelay $0x4  }
0xbd: {  	v45 =	vmax.f32 v45, v37;
	v37 =	vmul.f32 v16, v22;
	v16 =	vld [tilespmem:$0x1FEE0];
	_ =	sdelay $0x4  }
0xbe: {  	v42 =	vmax.f32 v45, v34;
	v34 =	vmul.f32 v16, v22;
	v16 =	vld [tilespmem:$0x1FEF0];
	_ =	sdelay $0x4  }
0xbf: {  	v20 =	vmax.f32 v20, v35;
	v35 =	vmul.f32 v16, v22;
	v16 =	vld [tilespmem:$0x1FF00];
	_ =	sdelay $0x1  }
0xc0: {  	v19 =	vld [tilespmem:$0x1FF10];
	_ =	sdelay $0x2  }
0xc1: {  	v16 =	vmul.f32 v16, v22;
	_ =	sdelay $0x1  }
0xc2: {  	v22 =	vmul.f32 v19, v22;
	v19 =	vmax.f32 v42, v16;
	v16 =	vld [tilespmem:$0x1FF20];
	_ =	sdelay $0x4  }
0xc3: {  	v43 =	vmax.f32 v43, v34;
	v34 =	vmul.f32 v16, v30;
	v16 =	vld [tilespmem:$0x1FF30];
	_ =	sdelay $0x1  }
0xc4: {  	v61 =	vld [tilespmem:s14+$0xFFFFFEB0]  }
0xc5: {  	v54 =	vld [tilespmem:s14+$0xFFFFFF40]  }
0xc6: {  	v52 =	vld [tilespmem:s14+$0xFFFFFF50]  }
0xc7: {  	v18 =	vmax.f32 v18, v22;
	v22 =	vmul.f32 v16, v30;
	v16 =	vld [tilespmem:$0x1FF40]  }
0xc8: {  	v47 =	vld [tilespmem:s14+$0x10]  }
0xc9: {  	v50 =	vld [tilespmem:s14+$0xFFFFFF90]  }
0xca: {  	v51 =	vld [tilespmem:s14+$0xFFFFFF20]  }
0xcb: {  	v53 =	vld [tilespmem:s14+$0xFFFFFF60];
	v40 =	vmax.f32 v40, v63;
	v44 =	vmax.f32 v44, v48  }
0xcc: {  	v21 =	vmax.f32 v40, v21;
	v40 =	vmax.f32 v44, v35;
	v35 =	vmul.f32 v16, v30;
	v16 =	vld [tilespmem:$0x1FF50]  }
0xcd: {  	v56 =	vld [tilespmem:s14+$0xFFFFFF30]  }
0xce: {  	v59 =	vld [tilespmem:s14+$0xFFFFFF10]  }
0xcf: {  	v62 =	vld [tilespmem:s14+$0xFFFFFF00]  }
0xd0: {  	v41 =	vld [tilespmem:s14+$0x40];
	v39 =	vmax.f32 v39, v37  }
0xd1: {  	v21 =	vmax.f32 v21, v22;
	v22 =	vmax.f32 v39, v35;
	v39 =	vld [tilespmem:$0x1FF70];
	v42 =	vmul.f32 v16, v30  }
0xd2: {  	v16 =	vld [tilespmem:$0x1FF60]  }
0xd3: {  	v42 =	vmax.f32 v43, v42;
	v43 =	vld [tilespmem:$0x1FF80]  }
0xd4: {  	v55 =	vld [tilespmem:s14+$0xFFFFFF80]  }
0xd5: {  	v49 =	vld [tilespmem:s14+$0xFFFFFFA0]  }
0xd6: {  	v57 =	vld [tilespmem:s14+$0xFFFFFFD0]  }
0xd7: {  	v46 =	vld [tilespmem:s14+$0x20];
	v39 =	vmul.f32 v39, v30  }
0xd8: {  	v16 =	vmul.f32 v16, v30;
	v30 =	vmul.f32 v43, v30;
	v43 =	vld [tilespmem:$0x1FFA0]  }
0xd9: {  	v58 =	vld [tilespmem:s14+$0xFFFFFFB0]  }
0xda: {  	v60 =	vld [tilespmem:s14+$0xFFFFFFC0]  }
0xdb: {  	v63 =	vld [tilespmem:s14+$0x60]  }
0xdc: {  	v18 =	vmax.f32 v18, v30;
	v30 =	vld [tilespmem:$0x1FFB0]  }
0xdd: {  	v19 =	vmax.f32 v19, v39;
	v39 =	vld [tilespmem:$0x1FF90];
	v43 =	vmul.f32 v43, v29  }
0xde: {  	v48 =	vld [tilespmem:s14+$0xFFFFFFE0]  }
0xdf: {  	v21 =	vmax.f32 v21, v43;
	v43 =	vld [tilespmem:$0x1FFC0]  }
0xe0: {  	v45 =	vld [tilespmem:s14+$0x0]  }
0xe1: {  	v61 =	vmul.f32 v61, v29;
	v37 =	vld [tilespmem:s14+$0x50];
	v30 =	vmul.f32 v30, v29  }
0xe2: {  	v44 =	vld [tilespmem:s14+$0x30];
	v39 =	vmul.f32 v39, v29  }
0xe3: {  	v20 =	vmax.f32 v20, v34;
	v22 =	vmax.f32 v22, v30;
	v30 =	vmax.f32 v42, v61;
	v61 =	vld [tilespmem:$0x1FFD0]  }
0xe4: {  	v34 =	vld [tilespmem:s14+$0xA0];
	v20 =	vmax.f32 v20, v39;
	v39 =	vmul.f32 v43, v29  }
0xe5: {  	v35 =	vld [tilespmem:s14+$0x90];
	v16 =	vmax.f32 v40, v16  }
0xe6: {  	v51 =	vmul.f32 v51, v28;
	v16 =	vmax.f32 v16, v39;
	v39 =	vld [tilespmem:$0x1FFE0]  }
0xe7: {  	v40 =	vld [tilespmem:s14+$0x80]  }
0xe8: {  	v22 =	vmax.f32 v22, v51;
	v51 =	vld [tilespmem:s14+$0x110];
	v42 =	vmul.f32 v61, v29  }
0xe9: {  	v43 =	vld [tilespmem:s14+$0xB0]  }
0xea: {  	v61 =	vld [tilespmem:s14+$0xC0];
	v19 =	vmax.f32 v19, v42;
	v42 =	vmul.f32 v59, v28  }
0xeb: {  	v59 =	vld [tilespmem:s14+$0xE0];
	v29 =	vmul.f32 v39, v29;
	v39 =	vmul.f32 v62, v28  }
0xec: {  	v50 =	vmul.f32 v50, v27;
	v41 =	vmul.f32 v41, v25;
	v62 =	vld [tilespmem:s14+$0xD0]  }
0xed: {  	v18 =	vmax.f32 v18, v29;
	v20 =	vmax.f32 v20, v39;
	v29 =	vmul.f32 v56, v28;
	v39 =	vld [tilespmem:s14+$0x100]  }
0xee: {  	v58 =	vmul.f32 v58, v27;
	v56 =	vmul.f32 v54, v28;
	v54 =	vld [tilespmem:s14+$0x160]  }
0xef: {  	v29 =	vmax.f32 v30, v29;
	v30 =	vmul.f32 v52, v28;
	v28 =	vmul.f32 v53, v28;
	v52 =	vld [tilespmem:s14+$0x120]  }
0xf0: {  	v21 =	vmax.f32 v21, v42;
	v16 =	vmax.f32 v16, v56;
	v56 =	vmul.f32 v55, v27;
	v53 =	vld [tilespmem:s14+$0x130]  }
0xf1: {  	v29 =	vmax.f32 v29, v58;
	v58 =	vld [tilespmem:s14+$0x1A0];
	v18 =	vmax.f32 v18, v28;
	v28 =	vmul.f32 v49, v27  }
0xf2: {  	v21 =	vmax.f32 v21, v50;
	v55 =	vmul.f32 v45, v25;
	v50 =	vmul.f32 v62, v26;
	v62 =	vld [tilespmem:s14+$0x2C0]  }
0xf3: {  	v19 =	vmax.f32 v19, v30;
	v30 =	vld [tilespmem:s14+$0x140];
	v22 =	vmax.f32 v22, v28;
	v28 =	vmul.f32 v60, v27  }
0xf4: {  	v49 =	vld [tilespmem:s14+$0x150];
	v60 =	vmul.f32 v57, v27;
	v27 =	vmul.f32 v48, v27  }
0xf5: {  	v20 =	vmax.f32 v20, v56;
	v56 =	vld [tilespmem:s14+$0x180];
	v16 =	vmax.f32 v16, v28;
	v28 =	vmul.f32 v47, v25  }
0xf6: {  	v57 =	vld [tilespmem:s14+$0x190];
	v19 =	vmax.f32 v19, v60;
	v18 =	vmax.f32 v18, v27;
	v27 =	vmul.f32 v46, v25  }
0xf7: {  	v60 =	vmul.f32 v43, v26;
	v43 =	vld [tilespmem:s14+$0x210];
	v21 =	vmax.f32 v21, v28;
	v28 =	vmul.f32 v44, v25  }
0xf8: {  	v46 =	vld [tilespmem:s14+$0x250];
	v22 =	vmax.f32 v22, v27;
	v27 =	vmul.f32 v37, v25;
	v25 =	vmul.f32 v63, v25  }
0xf9: {  	v20 =	vmax.f32 v20, v55;
	v16 =	vmax.f32 v16, v41;
	v41 =	vld [tilespmem:s14+$0x240]  }
0xfa: {  	v55 =	vmul.f32 v56, v24;
	v56 =	vld [tilespmem:s14+$0x290];
	v18 =	vmax.f32 v18, v25;
	v25 =	vmul.f32 v35, v26  }
0xfb: {  	v58 =	vmul.f32 v58, v24;
	v30 =	vmul.f32 v30, v33;
	v44 =	vld [tilespmem:s14+$0x1B0]  }
0xfc: {  	v37 =	vld [tilespmem:s14+$0x1C0];
	v28 =	vmax.f32 v29, v28;
	v21 =	vmax.f32 v21, v25;
	v25 =	vmul.f32 v61, v26  }
0xfd: {  	v63 =	vld [tilespmem:s14+$0x200];
	v29 =	vmul.f32 v40, v26;
	v19 =	vmax.f32 v19, v27;
	v28 =	vmax.f32 v28, v60  }
0xfe: {  	v40 =	vld [tilespmem:s14+$0x1D0];
	v19 =	vmax.f32 v19, v50;
	v16 =	vmax.f32 v16, v25;
	v25 =	vmul.f32 v39, v33  }
0xff: {  	v27 =	vld [tilespmem:s14+$0x1E0];
	v20 =	vmax.f32 v20, v29;
	v29 =	vmul.f32 v34, v26;
	v26 =	vmul.f32 v59, v26  }
0x100: {  	v60 =	vld [tilespmem:s14+$0x2B0];
	v50 =	vmul.f32 v41, v23;
	v20 =	vmax.f32 v20, v25;
	v25 =	vmul.f32 v53, v33  }
0x101: {  	v34 =	vld [tilespmem:s14+$0x230];
	v22 =	vmax.f32 v22, v29;
	v26 =	vmax.f32 v18, v26;
	v18 =	vmul.f32 v51, v33  }
0x102: {  	v29 =	vld [tilespmem:s14+$0x220];
	v25 =	vmax.f32 v28, v25;
	v28 =	vmax.f32 v16, v30;
	v30 =	vmul.f32 v54, v33  }
0x103: {  	v51 =	vmul.f32 v52, v33;
	v52 =	vmul.f32 v49, v33;
	v49 =	vld [tilespmem:s14+$0x300]  }
0x104: {  	v59 =	vmul.f32 v44, v24;
	v53 =	vld [tilespmem:s14+$0x260];
	v26 =	vmax.f32 v26, v30;
	v30 =	vmul.f32 v57, v24  }
0x105: {  	v21 =	vmax.f32 v21, v18;
	v22 =	vmax.f32 v22, v51;
	v19 =	vmax.f32 v19, v52;
	v51 =	vld [tilespmem:s14+$0x310]  }
0x106: {  	v52 =	vmul.f32 v56, v32;
	v56 =	vld [tilespmem:s14+$0x360];
	v21 =	vmax.f32 v21, v30;
	v30 =	vmul.f32 v37, v24  }
0x107: {  	v61 =	vmul.f32 v40, v24;
	v20 =	vmax.f32 v20, v55;
	v55 =	vld [tilespmem:s14+$0x350];
	v24 =	vmul.f32 v27, v24  }
0x108: {  	v54 =	vld [tilespmem:s14+$0x280];
	v29 =	vmul.f32 v29, v23;
	v28 =	vmax.f32 v28, v30;
	v30 =	vmul.f32 v63, v23  }
0x109: {  	v22 =	vmax.f32 v22, v58;
	v57 =	vld [tilespmem:s14+$0x2A0];
	v24 =	vmax.f32 v26, v24;
	v26 =	vmul.f32 v43, v23  }
0x10a: {  	v19 =	vmax.f32 v19, v61;
	v22 =	vmax.f32 v22, v29;
	v29 =	vld [tilespmem:s14+$0x320];
	v20 =	vmax.f32 v20, v30  }
0x10b: {  	v27 =	vld [tilespmem:s14+$0x2D0];
	v30 =	vmul.f32 v34, v23;
	v21 =	vmax.f32 v21, v26;
	v26 =	vmul.f32 v46, v23  }
0x10c: {  	v25 =	vmax.f32 v25, v59;
	v63 =	vld [tilespmem:s14+$0x2E0];
	v28 =	vmax.f32 v28, v50;
	v23 =	vmul.f32 v53, v23  }
0x10d: {  	v58 =	vld [tilespmem:s14+$0x390];
	v25 =	vmax.f32 v25, v30;
	v19 =	vmax.f32 v19, v26;
	v26 =	vmul.f32 v54, v32  }
0x10e: {  	v30 =	vld [tilespmem:s14+$0x330];
	v23 =	vmax.f32 v24, v23;
	v24 =	vmul.f32 v57, v32;
	v54 =	vmul.f32 v60, v32  }
0x10f: {  	v53 =	vld [tilespmem:s14+$0x340];
	v29 =	vmul.f32 v29, v31;
	v20 =	vmax.f32 v20, v26;
	v26 =	vmul.f32 v62, v32  }
0x110: {  	v59 =	vld [tilespmem:s14+$0x3A0];
	v22 =	vmax.f32 v22, v24;
	v24 =	vmax.f32 v25, v54;
	v25 =	vmul.f32 v27, v32  }
0x111: {  	v27 =	vld [tilespmem:s14+$0x380];
	v26 =	vmax.f32 v28, v26;
	v28 =	vmul.f32 v63, v32  }
0x112: {  	v22 =	vmax.f32 v22, v29;
	v29 =	vld [tilespmem:s14+$0x3C0];
	v19 =	vmax.f32 v19, v25;
	v25 =	vmul.f32 v51, v31  }
0x113: {  	v21 =	vmax.f32 v21, v52;
	v63 =	vld [tilespmem:s23+$0xFFFFFFF0];
	v23 =	vmax.f32 v23, v28;
	v28 =	vmul.f32 v30, v31  }
0x114: {  	v18 =	vimm.f32 $0.0e+00;
	v30 =	vld [tilespmem:s14+$0x3B0];
	v21 =	vmax.f32 v21, v25;
	v25 =	vmul.f32 v53, v31  }
0x115: {  	v16 =	vld [tilespmem:$0x1FFF0];
	v57 =	vmul.f32 v49, v31;
	v24 =	vmax.f32 v24, v28;
	v28 =	vmul.f32 v55, v31  }
0x116: {  	v60 =	vld [tilespmem:s14+$0x3D0];
	v31 =	vmul.f32 v56, v31;
	v25 =	vmax.f32 v26, v25;
	v26 =	vmul.f32 v27, v36  }
0x117: {  	v61 =	vld [tilespmem:s14+$0x3E0];
	v20 =	vmax.f32 v20, v57;
	v27 =	vmul.f32 v58, v36;
	v29 =	vmul.f32 v29, v36  }
0x118: {  	v62 =	vld [tilespmem:s23+$0xFFFFFFC0];
	v40 =	vmul.f32 v63, v17;
	v19 =	vmax.f32 v19, v28;
	v28 =	vmul.f32 v59, v36  }
0x119: {  	v20 =	vmax.f32 v20, v26;
	v21 =	vmax.f32 v21, v27;
	v26 =	vmul.f32 v30, v36  }
0x11a: {  	v16 =	vadd.f32 v16, v18;
	v27 =	vld [tilespmem:s23+$0xFFFFFFD0];
	v20 =	vmul.f32 v20, v38;
	v21 =	vmul.f32 v21, v38  }
0x11b: {  	v30 =	vld [tilespmem:s23+$0xFFFFFFE0];
	v22 =	vmax.f32 v22, v28;
	v24 =	vmax.f32 v24, v26;
	v26 =	vmul.f32 v60, v36  }
0x11c: {  	v28 =	vmul.f32 v22, v38;
	v22 =	vmax.f32 v25, v29;
	v25 =	vmul.f32 v61, v36  }
0x11d: {  	v23 =	vmax.f32 v23, v31;
	v31 =	vmul.f32 v24, v38;
	v24 =	vmul.f32 v62, v17  }
0x11e: {  	v32 =	vld [tilespmem:s23+$0x0];
	v19 =	vmax.f32 v19, v26;
	v26 =	vmul.f32 v22, v38;
	v22 =	vmax.f32 v23, v25  }
0x11f: {  	v33 =	vld [tilespmem:s23+$0x10];
	v23 =	vmul.f32 v27, v17;
	v29 =	vmul.f32 v19, v38;
	v35 =	vadd.f32 v24, v20  }
0x120: {  	s20 =	simm.s32 $0x1300;
	v34 =	vld [tilespmem:s23+$0x20];
	v37 =	vmul.f32 v30, v17;
	v25 =	vmul.f32 v22, v38;
	v24 =	vimm.f32 $0.0e+00  }
0x121: {  	s12 =	simm.s32 $0xB310;
	v36 =	vld [tilespmem:s20+$0x370];
	v22 =	vimm.f32 $0.0e+00;
	v20 =	vimm.f32 $0.0e+00;
	v19 =	vimm.f32 $0.0e+00  }
0x122: {  	s11 =	simm.s32 $0x4;
	s13 =	simm.s32 $0x8;
	v38 =	vld [tilespmem:s12+$0x0];
	v39 =	vadd.f32 v23, v21;
	v23 =	vimm.f32 $0.0e+00;
	v21 =	vimm.f32 $0.0e+00  }
.LBB2_3:
0x123: {  	p1 =	sne.s32 s13, $0x4C;
	v27 =	vld [tilespmem:s20+$0xFFFFFC70];
	v18 =	vadd.f32 v35, v18;
	v28 =	vadd.f32 v37, v28;
	v30 =	vmul.f32 v32, v17  }
0x124: {  	v32 =	vld [tilespmem:s20+$0xFFFFFCF0];
	v24 =	vadd.f32 v39, v24;
	v31 =	vadd.f32 v40, v31;
	v33 =	vmul.f32 v33, v17  }
0x125: {  	v35 =	vld [tilespmem:s20+$0xFFFFFD70];
	v23 =	vadd.f32 v28, v23;
	v26 =	vadd.f32 v30, v26;
	v17 =	vmul.f32 v34, v17  }
0x126: {  	v28 =	vld [tilespmem:s20+$0xFFFFFDF0];
	v22 =	vadd.f32 v31, v22;
	v29 =	vadd.f32 v33, v29  }
0x127: {  	v43 =	vperm.xlane v38, v0;
	v42 =	vperm.xlane v38, v1;
	v30 =	vld [tilespmem:s20+$0xFFFFFE70];
	v17 =	vadd.f32 v17, v25  }
0x128: {  	v41 =	vperm.xlane v38, v2;
	v40 =	vperm.xlane v38, v3;
	v21 =	vadd.f32 v26, v21;
	v25 =	vld [tilespmem:s20+$0xFFFFFEF0]  }
0x129: {  	v20 =	vadd.f32 v29, v20;
	v26 =	vmul.f32 v27, v43;
	v27 =	vmul.f32 v32, v42;
	v31 =	vld [tilespmem:s20+$0xFFFFFF70]  }
0x12a: {  	v39 =	vperm.xlane v38, v4;
	v19 =	vadd.f32 v17, v19;
	v29 =	vmul.f32 v35, v41;
	v32 =	vld [tilespmem:s20+$0xFFFFFFF0]  }
0x12b: {  	v37 =	vperm.xlane v38, v5;
	v17 =	vmax.f32 v26, v27;
	v26 =	vmul.f32 v28, v40;
	v27 =	vld [tilespmem:s20+$0x70]  }
0x12c: {  	v35 =	vperm.xlane v38, v6;
	v17 =	vmax.f32 v17, v29;
	v28 =	vmul.f32 v30, v39;
	v29 =	vld [tilespmem:s20+$0xF0]  }
0x12d: {  	v34 =	vperm.xlane v38, v7;
	v17 =	vmax.f32 v17, v26;
	v25 =	vmul.f32 v25, v37;
	v26 =	vld [tilespmem:s20+$0x170]  }
0x12e: {  	v33 =	vperm.xlane v38, v8;
	v17 =	vmax.f32 v17, v28;
	v28 =	vmul.f32 v31, v35;
	v44 =	vld [tilespmem:s20+$0x1F0]  }
0x12f: {  	v17 =	vmax.f32 v17, v25;
	v25 =	vmul.f32 v32, v34;
	v32 =	vperm.xlane v38, v9;
	v45 =	vld [tilespmem:s20+$0x270]  }
0x130: {  	s14 =	sshra.s32 s11, $0x2;
	s11 =	smov.u32 s13;
	v31 =	vperm.xlane v38, v10;
	v17 =	vmax.f32 v17, v28;
	v27 =	vmul.f32 v27, v33;
	v46 =	vld [tilespmem:s20+$0x2F0]  }
0x131: {  	v30 =	vperm.xlane v38, v11;
	v47 =	vld [tilespmem:s14+$0xB480];
	v17 =	vmax.f32 v17, v25;
	v25 =	vmul.f32 v29, v32  }
0x132: {  	v29 =	vperm.xlane v38, v12;
	v17 =	vmax.f32 v17, v27;
	v26 =	vmul.f32 v26, v31;
	v48 =	vld [tilespmem:s20+$0x3F0]  }
0x133: {  	v28 =	vperm.xlane v38, v13;
	v49 =	vld [tilespmem:s20+$0xFFFFFC00];
	v17 =	vmax.f32 v17, v25;
	v25 =	vmul.f32 v44, v30  }
0x134: {  	s23 =	sadd.s32 $0x80, s23;
	v27 =	vperm.xlane v38, v14;
	v44 =	vld [tilespmem:s20+$0xFFFFFC10];
	v17 =	vmax.f32 v17, v26;
	v45 =	vmul.f32 v45, v29  }
0x135: {  	v26 =	vperm.xlane v38, v15;
	v25 =	vmax.f32 v17, v25;
	v46 =	vmul.f32 v46, v28;
	v38 =	vld [tilespmem:s23+$0x30]  }
0x136: {  	v36 =	vmul.f32 v36, v27;
	v17 =	vperm.xlane v47, v0;
	v47 =	vld [tilespmem:s20+$0xFFFFFC20];
	v25 =	vmax.f32 v25, v45  }
0x137: {  	v45 =	vld [tilespmem:s20+$0xFFFFFC30];
	v25 =	vmax.f32 v25, v46;
	v46 =	vmul.f32 v48, v26  }
0x138: {  	v48 =	vmul.f32 v49, v43;
	v49 =	vld [tilespmem:s20+$0xFFFFFC40];
	v36 =	vmax.f32 v25, v36;
	v25 =	vsub.f32 $1.000000000e+00, v17  }
0x139: {  	v44 =	vmul.f32 v44, v43;
	v50 =	vld [tilespmem:s20+$0xFFFFFC50];
	v36 =	vmax.f32 v36, v46  }
0x13a: {  	v46 =	vld [tilespmem:s20+$0xFFFFFC60];
	v36 =	vmul.f32 v36, v25;
	v38 =	vmul.f32 v38, v17  }
0x13b: {  	v47 =	vmul.f32 v47, v43;
	v51 =	vld [tilespmem:s20+$0xFFFFFC80]  }
0x13c: {  	v45 =	vmul.f32 v45, v43;
	v52 =	vld [tilespmem:s20+$0xFFFFFC90];
	v36 =	vadd.f32 v38, v36  }
0x13d: {  	v38 =	vmul.f32 v49, v43;
	v49 =	vld [tilespmem:s20+$0xFFFFFCA0]  }
0x13e: {  	v50 =	vmul.f32 v50, v43;
	v53 =	vld [tilespmem:s20+$0xFFFFFCB0];
	v16 =	vadd.f32 v36, v16  }
0x13f: {  	v36 =	vmul.f32 v46, v43;
	v43 =	vld [tilespmem:s20+$0xFFFFFCC0]  }
0x140: {  	v46 =	vmul.f32 v51, v42;
	v51 =	vld [tilespmem:s20+$0xFFFFFCD0]  }
0x141: {  	v52 =	vmul.f32 v52, v42;
	v54 =	vld [tilespmem:s20+$0xFFFFFCE0]  }
0x142: {  	v46 =	vmax.f32 v48, v46;
	v48 =	vmul.f32 v49, v42;
	v49 =	vld [tilespmem:s20+$0xFFFFFD00]  }
0x143: {  	v44 =	vmax.f32 v44, v52;
	v52 =	vmul.f32 v53, v42;
	v53 =	vld [tilespmem:s20+$0xFFFFFD10]  }
0x144: {  	v47 =	vmax.f32 v47, v48;
	v43 =	vmul.f32 v43, v42;
	v48 =	vld [tilespmem:s20+$0xFFFFFD20]  }
0x145: {  	v45 =	vmax.f32 v45, v52;
	v51 =	vmul.f32 v51, v42;
	v52 =	vld [tilespmem:s20+$0xFFFFFD30]  }
0x146: {  	v38 =	vmax.f32 v38, v43;
	v42 =	vmul.f32 v54, v42;
	v43 =	vld [tilespmem:s20+$0xFFFFFD40]  }
0x147: {  	v50 =	vmax.f32 v50, v51;
	v49 =	vmul.f32 v49, v41;
	v51 =	vld [tilespmem:s20+$0xFFFFFD50]  }
0x148: {  	v36 =	vmax.f32 v36, v42;
	v42 =	vmul.f32 v53, v41;
	v53 =	vld [tilespmem:s20+$0xFFFFFD60]  }
0x149: {  	v46 =	vmax.f32 v46, v49;
	v48 =	vmul.f32 v48, v41;
	v49 =	vld [tilespmem:s20+$0xFFFFFD80]  }
0x14a: {  	v42 =	vmax.f32 v44, v42;
	v44 =	vmul.f32 v52, v41;
	v52 =	vld [tilespmem:s20+$0xFFFFFD90]  }
0x14b: {  	v47 =	vmax.f32 v47, v48;
	v43 =	vmul.f32 v43, v41;
	v48 =	vld [tilespmem:s20+$0xFFFFFDA0]  }
0x14c: {  	v44 =	vmax.f32 v45, v44;
	v45 =	vmul.f32 v51, v41;
	v51 =	vld [tilespmem:s20+$0xFFFFFDB0]  }
0x14d: {  	v38 =	vmax.f32 v38, v43;
	v41 =	vmul.f32 v53, v41;
	v43 =	vld [tilespmem:s20+$0xFFFFFDC0]  }
0x14e: {  	v45 =	vmax.f32 v50, v45;
	v49 =	vmul.f32 v49, v40;
	v50 =	vld [tilespmem:s20+$0xFFFFFDD0]  }
0x14f: {  	v36 =	vmax.f32 v36, v41;
	v41 =	vmul.f32 v52, v40;
	v52 =	vld [tilespmem:s20+$0xFFFFFDE0]  }
0x150: {  	v46 =	vmax.f32 v46, v49;
	v48 =	vmul.f32 v48, v40;
	v49 =	vld [tilespmem:s20+$0xFFFFFE00]  }
0x151: {  	v41 =	vmax.f32 v42, v41;
	v42 =	vmul.f32 v51, v40;
	v51 =	vld [tilespmem:s20+$0xFFFFFE10]  }
0x152: {  	v47 =	vmax.f32 v47, v48;
	v43 =	vmul.f32 v43, v40;
	v48 =	vld [tilespmem:s20+$0xFFFFFE20]  }
0x153: {  	v42 =	vmax.f32 v44, v42;
	v44 =	vmul.f32 v50, v40;
	v50 =	vld [tilespmem:s20+$0xFFFFFE30]  }
0x154: {  	v38 =	vmax.f32 v38, v43;
	v40 =	vmul.f32 v52, v40;
	v43 =	vld [tilespmem:s20+$0xFFFFFE40]  }
0x155: {  	v44 =	vmax.f32 v45, v44;
	v45 =	vmul.f32 v49, v39;
	v49 =	vld [tilespmem:s20+$0xFFFFFE50]  }
0x156: {  	v36 =	vmax.f32 v36, v40;
	v40 =	vmul.f32 v51, v39;
	v51 =	vld [tilespmem:s20+$0xFFFFFE60]  }
0x157: {  	v45 =	vmax.f32 v46, v45;
	v46 =	vmul.f32 v48, v39;
	v48 =	vld [tilespmem:s20+$0xFFFFFE80]  }
0x158: {  	v40 =	vmax.f32 v41, v40;
	v41 =	vmul.f32 v50, v39;
	v50 =	vld [tilespmem:s20+$0xFFFFFE90]  }
0x159: {  	v46 =	vmax.f32 v47, v46;
	v43 =	vmul.f32 v43, v39;
	v47 =	vld [tilespmem:s20+$0xFFFFFEA0]  }
0x15a: {  	v41 =	vmax.f32 v42, v41;
	v42 =	vmul.f32 v49, v39;
	v49 =	vld [tilespmem:s20+$0xFFFFFEB0]  }
0x15b: {  	v38 =	vmax.f32 v38, v43;
	v39 =	vmul.f32 v51, v39;
	v43 =	vld [tilespmem:s20+$0xFFFFFEC0]  }
0x15c: {  	v42 =	vmax.f32 v44, v42;
	v44 =	vmul.f32 v48, v37;
	v48 =	vld [tilespmem:s20+$0xFFFFFED0]  }
0x15d: {  	v36 =	vmax.f32 v36, v39;
	v39 =	vmul.f32 v50, v37;
	v50 =	vld [tilespmem:s20+$0xFFFFFEE0]  }
0x15e: {  	v44 =	vmax.f32 v45, v44;
	v45 =	vmul.f32 v47, v37;
	v47 =	vld [tilespmem:s20+$0xFFFFFF00]  }
0x15f: {  	v39 =	vmax.f32 v40, v39;
	v40 =	vmul.f32 v49, v37;
	v49 =	vld [tilespmem:s20+$0xFFFFFF10]  }
0x160: {  	v45 =	vmax.f32 v46, v45;
	v43 =	vmul.f32 v43, v37;
	v46 =	vld [tilespmem:s20+$0xFFFFFF20]  }
0x161: {  	v40 =	vmax.f32 v41, v40;
	v41 =	vmul.f32 v48, v37;
	v48 =	vld [tilespmem:s20+$0xFFFFFF30]  }
0x162: {  	v38 =	vmax.f32 v38, v43;
	v37 =	vmul.f32 v50, v37;
	v43 =	vld [tilespmem:s20+$0xFFFFFF40]  }
0x163: {  	v41 =	vmax.f32 v42, v41;
	v42 =	vmul.f32 v47, v35;
	v47 =	vld [tilespmem:s20+$0xFFFFFF50]  }
0x164: {  	v36 =	vmax.f32 v36, v37;
	v37 =	vmul.f32 v49, v35;
	v49 =	vld [tilespmem:s20+$0xFFFFFF60]  }
0x165: {  	v42 =	vmax.f32 v44, v42;
	v44 =	vmul.f32 v46, v35;
	v46 =	vld [tilespmem:s20+$0xFFFFFF80]  }
0x166: {  	v37 =	vmax.f32 v39, v37;
	v39 =	vmul.f32 v48, v35;
	v48 =	vld [tilespmem:s20+$0xFFFFFF90]  }
0x167: {  	v44 =	vmax.f32 v45, v44;
	v43 =	vmul.f32 v43, v35;
	v45 =	vld [tilespmem:s20+$0xFFFFFFA0]  }
0x168: {  	v39 =	vmax.f32 v40, v39;
	v40 =	vmul.f32 v47, v35;
	v47 =	vld [tilespmem:s20+$0xFFFFFFB0]  }
0x169: {  	v38 =	vmax.f32 v38, v43;
	v35 =	vmul.f32 v49, v35;
	v43 =	vld [tilespmem:s20+$0xFFFFFFC0]  }
0x16a: {  	v40 =	vmax.f32 v41, v40;
	v41 =	vmul.f32 v46, v34;
	v46 =	vld [tilespmem:s20+$0xFFFFFFD0]  }
0x16b: {  	v35 =	vmax.f32 v36, v35;
	v36 =	vmul.f32 v48, v34;
	v48 =	vld [tilespmem:s20+$0xFFFFFFE0]  }
0x16c: {  	v41 =	vmax.f32 v42, v41;
	v42 =	vmul.f32 v45, v34;
	v45 =	vld [tilespmem:s20+$0x0]  }
0x16d: {  	v36 =	vmax.f32 v37, v36;
	v37 =	vmul.f32 v47, v34;
	v47 =	vld [tilespmem:s20+$0x10]  }
0x16e: {  	v42 =	vmax.f32 v44, v42;
	v43 =	vmul.f32 v43, v34;
	v44 =	vld [tilespmem:s20+$0x20]  }
0x16f: {  	v37 =	vmax.f32 v39, v37;
	v39 =	vmul.f32 v46, v34;
	v46 =	vld [tilespmem:s20+$0x30]  }
0x170: {  	v38 =	vmax.f32 v38, v43;
	v34 =	vmul.f32 v48, v34;
	v43 =	vld [tilespmem:s20+$0x40]  }
0x171: {  	v39 =	vmax.f32 v40, v39;
	v40 =	vmul.f32 v45, v33;
	v45 =	vld [tilespmem:s20+$0x50]  }
0x172: {  	v34 =	vmax.f32 v35, v34;
	v35 =	vmul.f32 v47, v33;
	v47 =	vld [tilespmem:s20+$0x60]  }
0x173: {  	v40 =	vmax.f32 v41, v40;
	v41 =	vmul.f32 v44, v33;
	v44 =	vld [tilespmem:s20+$0x80]  }
0x174: {  	v35 =	vmax.f32 v36, v35;
	v36 =	vmul.f32 v46, v33;
	v46 =	vld [tilespmem:s20+$0x90]  }
0x175: {  	v41 =	vmax.f32 v42, v41;
	v42 =	vmul.f32 v43, v33;
	v43 =	vld [tilespmem:s20+$0xA0]  }
0x176: {  	v36 =	vmax.f32 v37, v36;
	v37 =	vmul.f32 v45, v33;
	v45 =	vld [tilespmem:s20+$0xB0]  }
0x177: {  	v38 =	vmax.f32 v38, v42;
	v33 =	vmul.f32 v47, v33;
	v42 =	vld [tilespmem:s20+$0xC0]  }
0x178: {  	v37 =	vmax.f32 v39, v37;
	v39 =	vmul.f32 v44, v32;
	v44 =	vld [tilespmem:s20+$0xD0]  }
0x179: {  	v33 =	vmax.f32 v34, v33;
	v34 =	vmul.f32 v46, v32;
	v46 =	vld [tilespmem:s20+$0xE0]  }
0x17a: {  	v39 =	vmax.f32 v40, v39;
	v40 =	vmul.f32 v43, v32;
	v43 =	vld [tilespmem:s20+$0x100]  }
0x17b: {  	v34 =	vmax.f32 v35, v34;
	v35 =	vmul.f32 v45, v32;
	v45 =	vld [tilespmem:s20+$0x110]  }
0x17c: {  	v40 =	vmax.f32 v41, v40;
	v41 =	vmul.f32 v42, v32;
	v42 =	vld [tilespmem:s20+$0x120]  }
0x17d: {  	v35 =	vmax.f32 v36, v35;
	v36 =	vmul.f32 v44, v32;
	v44 =	vld [tilespmem:s20+$0x130]  }
0x17e: {  	v38 =	vmax.f32 v38, v41;
	v32 =	vmul.f32 v46, v32;
	v41 =	vld [tilespmem:s20+$0x140]  }
0x17f: {  	v36 =	vmax.f32 v37, v36;
	v37 =	vmul.f32 v43, v31;
	v43 =	vld [tilespmem:s20+$0x150]  }
0x180: {  	v32 =	vmax.f32 v33, v32;
	v33 =	vmul.f32 v45, v31;
	v45 =	vld [tilespmem:s20+$0x160]  }
0x181: {  	v37 =	vmax.f32 v39, v37;
	v39 =	vmul.f32 v42, v31;
	v42 =	vld [tilespmem:s20+$0x180]  }
0x182: {  	v33 =	vmax.f32 v34, v33;
	v34 =	vmul.f32 v44, v31;
	v44 =	vld [tilespmem:s20+$0x190]  }
0x183: {  	v39 =	vmax.f32 v40, v39;
	v40 =	vmul.f32 v41, v31;
	v41 =	vld [tilespmem:s20+$0x1A0]  }
0x184: {  	v34 =	vmax.f32 v35, v34;
	v35 =	vmul.f32 v43, v31;
	v43 =	vld [tilespmem:s20+$0x1B0]  }
0x185: {  	v38 =	vmax.f32 v38, v40;
	v31 =	vmul.f32 v45, v31;
	v40 =	vld [tilespmem:s20+$0x1C0]  }
0x186: {  	v35 =	vmax.f32 v36, v35;
	v36 =	vmul.f32 v42, v30;
	v42 =	vld [tilespmem:s20+$0x1D0]  }
0x187: {  	v31 =	vmax.f32 v32, v31;
	v32 =	vmul.f32 v44, v30;
	v44 =	vld [tilespmem:s20+$0x1E0]  }
0x188: {  	v36 =	vmax.f32 v37, v36;
	v37 =	vmul.f32 v41, v30;
	v41 =	vld [tilespmem:s20+$0x200]  }
0x189: {  	v32 =	vmax.f32 v33, v32;
	v33 =	vmul.f32 v43, v30;
	v43 =	vld [tilespmem:s20+$0x210]  }
0x18a: {  	v37 =	vmax.f32 v39, v37;
	v39 =	vmul.f32 v40, v30;
	v40 =	vld [tilespmem:s20+$0x220]  }
0x18b: {  	v33 =	vmax.f32 v34, v33;
	v34 =	vmul.f32 v42, v30;
	v42 =	vld [tilespmem:s20+$0x230]  }
0x18c: {  	v38 =	vmax.f32 v38, v39;
	v30 =	vmul.f32 v44, v30;
	v39 =	vld [tilespmem:s20+$0x240]  }
0x18d: {  	v34 =	vmax.f32 v35, v34;
	v35 =	vmul.f32 v41, v29;
	v41 =	vld [tilespmem:s20+$0x250]  }
0x18e: {  	v30 =	vmax.f32 v31, v30;
	v31 =	vmul.f32 v43, v29;
	v43 =	vld [tilespmem:s20+$0x260]  }
0x18f: {  	v35 =	vmax.f32 v36, v35;
	v36 =	vmul.f32 v40, v29;
	v40 =	vld [tilespmem:s20+$0x280]  }
0x190: {  	v31 =	vmax.f32 v32, v31;
	v32 =	vmul.f32 v42, v29;
	v42 =	vld [tilespmem:s20+$0x290]  }
0x191: {  	v36 =	vmax.f32 v37, v36;
	v37 =	vmul.f32 v39, v29;
	v39 =	vld [tilespmem:s20+$0x2A0]  }
0x192: {  	v32 =	vmax.f32 v33, v32;
	v33 =	vmul.f32 v41, v29;
	v41 =	vld [tilespmem:s20+$0x2B0]  }
0x193: {  	v37 =	vmax.f32 v38, v37;
	v29 =	vmul.f32 v43, v29;
	v38 =	vld [tilespmem:s20+$0x2C0]  }
0x194: {  	v33 =	vmax.f32 v34, v33;
	v34 =	vmul.f32 v40, v28;
	v40 =	vld [tilespmem:s20+$0x2D0]  }
0x195: {  	v29 =	vmax.f32 v30, v29;
	v30 =	vmul.f32 v42, v28;
	v42 =	vld [tilespmem:s20+$0x2E0]  }
0x196: {  	v34 =	vmax.f32 v35, v34;
	v35 =	vmul.f32 v39, v28;
	v39 =	vld [tilespmem:s20+$0x300]  }
0x197: {  	v30 =	vmax.f32 v31, v30;
	v31 =	vmul.f32 v41, v28;
	v41 =	vld [tilespmem:s20+$0x310]  }
0x198: {  	v35 =	vmax.f32 v36, v35;
	v36 =	vmul.f32 v38, v28;
	v38 =	vld [tilespmem:s20+$0x320]  }
0x199: {  	v31 =	vmax.f32 v32, v31;
	v32 =	vmul.f32 v40, v28;
	v40 =	vld [tilespmem:s20+$0x330]  }
0x19a: {  	v36 =	vmax.f32 v37, v36;
	v28 =	vmul.f32 v42, v28;
	v37 =	vld [tilespmem:s20+$0x340]  }
0x19b: {  	v32 =	vmax.f32 v33, v32;
	v33 =	vmul.f32 v39, v27;
	v39 =	vld [tilespmem:s20+$0x350]  }
0x19c: {  	v28 =	vmax.f32 v29, v28;
	v29 =	vmul.f32 v41, v27;
	v41 =	vld [tilespmem:s20+$0x360]  }
0x19d: {  	v33 =	vmax.f32 v34, v33;
	v34 =	vmul.f32 v38, v27;
	v38 =	vld [tilespmem:s20+$0x380]  }
0x19e: {  	v29 =	vmax.f32 v30, v29;
	v30 =	vmul.f32 v40, v27;
	v40 =	vld [tilespmem:s20+$0x390]  }
0x19f: {  	v34 =	vmax.f32 v35, v34;
	v35 =	vmul.f32 v37, v27;
	v37 =	vld [tilespmem:s20+$0x3A0]  }
0x1a0: {  	v30 =	vmax.f32 v31, v30;
	v31 =	vmul.f32 v39, v27;
	v39 =	vld [tilespmem:s20+$0x3B0]  }
0x1a1: {  	v35 =	vmax.f32 v36, v35;
	v27 =	vmul.f32 v41, v27;
	v36 =	vld [tilespmem:s20+$0x3C0]  }
0x1a2: {  	v41 =	vmax.f32 v32, v31;
	v31 =	vmul.f32 v38, v26;
	v32 =	vld [tilespmem:s20+$0x3D0]  }
0x1a3: {  	v27 =	vmax.f32 v28, v27;
	v28 =	vmul.f32 v40, v26;
	v38 =	vld [tilespmem:s20+$0x3E0]  }
0x1a4: {  	v31 =	vmax.f32 v33, v31;
	v33 =	vmul.f32 v37, v26;
	v37 =	vld [tilespmem:s23+$0xFFFFFFC0]  }
0x1a5: {  	v28 =	vmax.f32 v29, v28;
	v29 =	vmul.f32 v39, v26;
	v39 =	vmul.f32 v31, v25;
	v40 =	vld [tilespmem:s23+$0xFFFFFFD0]  }
0x1a6: {  	v31 =	vmax.f32 v34, v33;
	v33 =	vmul.f32 v36, v26;
	v42 =	vmul.f32 v28, v25;
	v43 =	vld [tilespmem:s23+$0xFFFFFFE0]  }
0x1a7: {  	v29 =	vmax.f32 v30, v29;
	v30 =	vmul.f32 v32, v26;
	v28 =	vmul.f32 v31, v25;
	v44 =	vld [tilespmem:s23+$0xFFFFFFF0]  }
.Ltmp0:
0x1a8: {  	v33 =	vmax.f32 v35, v33;
	v34 =	vmul.f32 v38, v26;
	v31 =	vmul.f32 v29, v25;
	v32 =	vld [tilespmem:s23+$0x0];
	(pc) =	sbr.rel @p1 .LBB2_3-.Ltmp0, $4  }
0x1a9: {  	v29 =	vmax.f32 v41, v30;
	v30 =	vmul.f32 v37, v17;
	v26 =	vmul.f32 v33, v25;
	v33 =	vld [tilespmem:s23+$0x10]  }
0x1aa: {  	s20 =	sadd.s32 $0x800, s20;
	v27 =	vmax.f32 v27, v34;
	v40 =	vmul.f32 v40, v17;
	v29 =	vmul.f32 v29, v25;
	v34 =	vld [tilespmem:s23+$0x20]  }
0x1ab: {  	s12 =	sadd.s32 $0x10, s12;
	v36 =	vld [tilespmem:s20+$0x370];
	v35 =	vadd.f32 v30, v39;
	v37 =	vmul.f32 v43, v17;
	v25 =	vmul.f32 v27, v25  }
0x1ac: {  	s13 =	sadd.s32 $0x4, s13;
	v38 =	vld [tilespmem:s12+$0x0];
	v39 =	vadd.f32 v40, v42;
	v40 =	vmul.f32 v44, v17  }
0x1ad: {  	_ =	sdelay $0x1  }
0x1ae: {  	v62 =	vld [tilespmem:s20+$0xFFFFFCB0];
	v31 =	vadd.f32 v40, v31;
	v40 =	vmul.f32 v34, v17;
	_ =	sdelay $0x1  }
0x1af: {  	v25 =	vadd.f32 v40, v25;
	_ =	sdelay $0x1  }
0x1b0: {  	v19 =	vadd.f32 v25, v19  }
0x1b1: {  	[tilespmem:$0x1FA40] =	vst v62;
	v62 =	vld [tilespmem:s20+$0xFFFFFCC0]  }
0x1b2: {  	[tilespmem:$0x1FCB0] =	vst v19;
	v19 =	vld [tilespmem:s20+$0xFFFFFE30];
	_ =	sdelay $0x3  }
0x1b3: {  	[tilespmem:$0x1FA50] =	vst v62;
	v62 =	vld [tilespmem:s20+$0xFFFFFCD0]  }
0x1b4: {  	[tilespmem:$0x1FB60] =	vst v19;
	v19 =	vld [tilespmem:s20+$0xFFFFFE50];
	_ =	sdelay $0x3  }
0x1b5: {  	[tilespmem:$0x1FA60] =	vst v62;
	v62 =	vld [tilespmem:s20+$0xFFFFFCE0]  }
0x1b6: {  	[tilespmem:$0x1FB70] =	vst v19;
	v19 =	vld [tilespmem:s20+$0xFFFFFE60];
	_ =	sdelay $0x3  }
0x1b7: {  	[tilespmem:$0x1FA70] =	vst v62;
	v62 =	vld [tilespmem:s20+$0xFFFFFD00]  }
0x1b8: {  	[tilespmem:$0x1FB80] =	vst v19;
	v19 =	vld [tilespmem:s20+$0xFFFFFE80];
	_ =	sdelay $0x3  }
0x1b9: {  	[tilespmem:$0x1FA80] =	vst v62;
	v62 =	vld [tilespmem:s20+$0xFFFFFD10]  }
0x1ba: {  	[tilespmem:$0x1FB90] =	vst v19;
	v19 =	vld [tilespmem:s20+$0xFFFFFE90];
	_ =	sdelay $0x3  }
0x1bb: {  	[tilespmem:$0x1FA90] =	vst v62;
	v62 =	vld [tilespmem:s20+$0xFFFFFD20]  }
0x1bc: {  	[tilespmem:$0x1FBA0] =	vst v19;
	v19 =	vld [tilespmem:s20+$0xFFFFFEA0]  }
0x1bd: {  	v41 =	vld [tilespmem:s20+$0xFFFFFC70]  }
0x1be: {  	v42 =	vld [tilespmem:s20+$0xFFFFFCF0]  }
0x1bf: {  	v43 =	vld [tilespmem:s20+$0xFFFFFD70]  }
0x1c0: {  	[tilespmem:$0x1FAA0] =	vst v62;
	v62 =	vld [tilespmem:s20+$0xFFFFFD30]  }
0x1c1: {  	[tilespmem:$0x1FBB0] =	vst v19;
	v19 =	vld [tilespmem:s20+$0xFFFFFEB0]  }
0x1c2: {  	v44 =	vld [tilespmem:s20+$0xFFFFFDF0]  }
0x1c3: {  	v45 =	vld [tilespmem:s20+$0xFFFFFE70]  }
0x1c4: {  	v46 =	vld [tilespmem:s20+$0xFFFFFEF0]  }
0x1c5: {  	[tilespmem:$0x1FAB0] =	vst v62;
	v62 =	vld [tilespmem:s20+$0xFFFFFD40]  }
0x1c6: {  	[tilespmem:$0x1FBC0] =	vst v19;
	v19 =	vld [tilespmem:s20+$0xFFFFFED0]  }
0x1c7: {  	v47 =	vld [tilespmem:s20+$0xFFFFFF70]  }
0x1c8: {  	v48 =	vld [tilespmem:s20+$0xFFFFFFF0]  }
0x1c9: {  	v49 =	vld [tilespmem:s20+$0x70]  }
0x1ca: {  	v18 =	vadd.f32 v35, v18;
	[tilespmem:$0x1FAC0] =	vst v62;
	v62 =	vld [tilespmem:s20+$0xFFFFFD50]  }
0x1cb: {  	[tilespmem:$0x1FBD0] =	vst v19;
	v19 =	vld [tilespmem:s20+$0xFFFFFEE0]  }
0x1cc: {  	[tilespmem:$0x1FC40] =	vst v18;
	v18 =	vld [tilespmem:s20+$0xFFFFFDA0]  }
0x1cd: {  	v50 =	vld [tilespmem:s20+$0xF0]  }
0x1ce: {  	v51 =	vld [tilespmem:s20+$0x170]  }
0x1cf: {  	[tilespmem:$0x1FAD0] =	vst v62;
	v62 =	vld [tilespmem:s20+$0xFFFFFD60]  }
0x1d0: {  	[tilespmem:$0x1FBE0] =	vst v19;
	v19 =	vld [tilespmem:s20+$0xFFFFFF00]  }
0x1d1: {  	v52 =	vld [tilespmem:s20+$0x1F0];
	[tilespmem:$0x1FB10] =	vst v18;
	v18 =	vadd.f32 v39, v24  }
0x1d2: {  	v53 =	vld [tilespmem:s20+$0x270]  }
0x1d3: {  	v37 =	vadd.f32 v37, v28;
	v28 =	vld [tilespmem:s20+$0xFFFFFD90];
	[tilespmem:$0x1FC50] =	vst v18  }
0x1d4: {  	v32 =	vmul.f32 v32, v17;
	v33 =	vmul.f32 v33, v17;
	v17 =	vadd.f32 v31, v22;
	[tilespmem:$0x1FAE0] =	vst v62;
	v62 =	vld [tilespmem:s20+$0xFFFFFD80]  }
0x1d5: {  	v18 =	vadd.f32 v37, v23;
	[tilespmem:$0x1FBF0] =	vst v19;
	v19 =	vld [tilespmem:s20+$0xFFFFFF10]  }
0x1d6: {  	v54 =	vld [tilespmem:s20+$0x2F0];
	v22 =	vadd.f32 v33, v29;
	v29 =	vperm.xlane v38, v2;
	[tilespmem:$0x1FC70] =	vst v17  }
0x1d7: {  	v55 =	vld [tilespmem:s20+$0x3F0];
	v26 =	vadd.f32 v32, v26;
	v17 =	vperm.xlane v38, v0;
	[tilespmem:$0x1FC60] =	vst v18;
	v18 =	vperm.xlane v38, v1  }
0x1d8: {  	s11 =	sshra.s32 s11, $0x2;
	v31 =	vperm.xlane v38, v3;
	v40 =	vperm.xlane v38, v4;
	[tilespmem:$0x1FB00] =	vst v28;
	v28 =	vld [tilespmem:s20+$0xFFFFFDD0]  }
0x1d9: {  	v27 =	vld [tilespmem:s11+$0xB480];
	v21 =	vadd.f32 v26, v21;
	v26 =	vmul.f32 v41, v17;
	[tilespmem:$0x1FAF0] =	vst v62;
	v62 =	vmul.f32 v42, v18  }
0x1da: {  	v35 =	vperm.xlane v38, v7;
	v20 =	vadd.f32 v22, v20;
	v22 =	vmul.f32 v43, v29;
	[tilespmem:$0x1FC00] =	vst v19;
	v19 =	vld [tilespmem:s20+$0xFFFFFF20]  }
0x1db: {  	v56 =	vld [tilespmem:s20+$0xFFFFFC00];
	v25 =	vmul.f32 v44, v31;
	v39 =	vperm.xlane v38, v5;
	v26 =	vmax.f32 v26, v62  }
0x1dc: {  	v57 =	vld [tilespmem:s20+$0xFFFFFC10];
	v37 =	vperm.xlane v38, v6;
	v22 =	vmax.f32 v26, v22;
	v26 =	vmul.f32 v45, v40  }
0x1dd: {  	v34 =	vperm.xlane v38, v8;
	v32 =	vmul.f32 v46, v39;
	[tilespmem:$0x1FB30] =	vst v28;
	v28 =	vld [tilespmem:s20+$0xFFFFFDE0];
	v22 =	vmax.f32 v22, v25  }
0x1de: {  	v33 =	vperm.xlane v38, v9;
	[tilespmem:$0x1FB20] =	vst v27;
	v27 =	vld [tilespmem:s20+$0xFFFFFC60];
	v25 =	vmul.f32 v47, v37;
	v22 =	vmax.f32 v22, v26  }
0x1df: {  	v41 =	vperm.xlane v38, v12;
	v62 =	vmul.f32 v48, v35;
	v22 =	vmax.f32 v22, v32;
	[tilespmem:$0x1FC10] =	vst v19;
	v19 =	vld [tilespmem:s20+$0xFFFFFF30]  }
0x1e0: {  	v58 =	vld [tilespmem:s20+$0xFFFFFC20];
	v32 =	vperm.xlane v38, v10;
	v22 =	vmax.f32 v22, v25;
	v25 =	vmul.f32 v49, v34  }
0x1e1: {  	v59 =	vld [tilespmem:s20+$0xFFFFFC30];
	v46 =	vmul.f32 v50, v33;
	v42 =	vperm.xlane v38, v11;
	v22 =	vmax.f32 v22, v62  }
0x1e2: {  	v60 =	vld [tilespmem:s20+$0xFFFFFC40];
	[tilespmem:$0x1FB40] =	vst v28;
	v28 =	vperm.xlane v38, v15;
	v51 =	vmul.f32 v51, v32;
	v22 =	vmax.f32 v22, v25  }
0x1e3: {  	v61 =	vld [tilespmem:s20+$0xFFFFFC50];
	[tilespmem:$0x1FA30] =	vst v27;
	v52 =	vmul.f32 v52, v42;
	v26 =	vperm.xlane v38, v13;
	v49 =	vmax.f32 v22, v46  }
0x1e4: {  	v47 =	vmul.f32 v53, v41;
	v25 =	vperm.xlane v38, v14;
	v49 =	vmax.f32 v49, v51;
	[tilespmem:$0x1FC20] =	vst v19;
	v19 =	vld [tilespmem:$0x1FA30]  }
0x1e5: {  	v62 =	vmul.f32 v54, v26;
	v46 =	vmul.f32 v57, v17;
	v49 =	vmax.f32 v49, v52  }
0x1e6: {  	v36 =	vmul.f32 v36, v25;
	v51 =	vmul.f32 v56, v17;
	v49 =	vmax.f32 v49, v47  }
0x1e7: {  	v52 =	vmul.f32 v55, v28;
	v47 =	vmul.f32 v58, v17;
	v49 =	vmax.f32 v49, v62  }
0x1e8: {  	v58 =	vmul.f32 v59, v17;
	v36 =	vmax.f32 v49, v36;
	v49 =	vmul.f32 v60, v17  }
0x1e9: {  	v36 =	vmax.f32 v36, v52;
	v52 =	vmul.f32 v61, v17;
	v17 =	vmul.f32 v19, v17;
	v19 =	vld [tilespmem:$0x1FA40];
	_ =	sdelay $0x2  }
0x1ea: {  	v27 =	vld [tilespmem:s20+$0xFFFFFC90];
	_ =	sdelay $0x1  }
0x1eb: {  	v50 =	vmul.f32 v19, v18;
	v19 =	vld [tilespmem:$0x1FA50];
	_ =	sdelay $0x2  }
0x1ec: {  	v27 =	vmul.f32 v27, v18;
	_ =	sdelay $0x1  }
0x1ed: {  	v27 =	vmax.f32 v46, v27;
	v46 =	vmul.f32 v19, v18;
	v19 =	vld [tilespmem:s20+$0xFFFFFF50];
	_ =	sdelay $0x2  }
0x1ee: {  	v30 =	vld [tilespmem:s20+$0xFFFFFCA0];
	_ =	sdelay $0x1  }
0x1ef: {  	[tilespmem:$0x1FC30] =	vst v19;
	v19 =	vld [tilespmem:$0x1FA60];
	_ =	sdelay $0x2  }
0x1f0: {  	v30 =	vmul.f32 v30, v18  }
0x1f1: {  	v63 =	vld [tilespmem:s20+$0xFFFFFC80]  }
0x1f2: {  	v30 =	vmax.f32 v47, v30;
	v47 =	vmul.f32 v19, v18;
	v19 =	vld [tilespmem:$0x1FA70];
	_ =	sdelay $0x4  }
0x1f3: {  	v48 =	vmul.f32 v63, v18;
	v18 =	vmul.f32 v19, v18;
	v19 =	vld [tilespmem:$0x1FA80];
	_ =	sdelay $0x4  }
0x1f4: {  	v51 =	vmax.f32 v51, v48;
	v48 =	vmul.f32 v19, v29;
	v19 =	vmax.f32 v17, v18;
	v17 =	vld [tilespmem:$0x1FA90];
	_ =	sdelay $0x4  }
0x1f5: {  	v18 =	vmul.f32 v17, v29;
	v17 =	vld [tilespmem:$0x1FAA0]  }
0x1f6: {  	[tilespmem:$0x1FC80] =	vst v21;
	v21 =	vld [tilespmem:s20+$0xFFFFFE00];
	_ =	sdelay $0x3  }
0x1f7: {  	v56 =	vmax.f32 v58, v50;
	v50 =	vmul.f32 v17, v29;
	v17 =	vld [tilespmem:$0x1FAB0]  }
0x1f8: {  	[tilespmem:$0x1FB50] =	vst v21;
	v21 =	vmax.f32 v27, v18;
	v18 =	vld [tilespmem:$0x1FAC0];
	_ =	sdelay $0x3  }
0x1f9: {  	v17 =	vmul.f32 v17, v29  }
0x1fa: {  	v27 =	vmul.f32 v18, v29;
	v18 =	vld [tilespmem:$0x1FAD0]  }
0x1fb: {  	[tilespmem:$0x1FCA0] =	vst v20;
	v20 =	vmax.f32 v56, v17;
	v17 =	vld [tilespmem:$0x1FAE0];
	_ =	sdelay $0x4  }
0x1fc: {  	v18 =	vmul.f32 v18, v29;
	v29 =	vmul.f32 v17, v29;
	v17 =	vld [tilespmem:$0x1FAF0];
	_ =	sdelay $0x3  }
0x1fd: {  	v49 =	vmax.f32 v49, v46  }
0x1fe: {  	v49 =	vmax.f32 v49, v27;
	v27 =	vmul.f32 v17, v31;
	v17 =	vld [tilespmem:$0x1FB00];
	_ =	sdelay $0x4  }
0x1ff: {  	v19 =	vmax.f32 v19, v29;
	v29 =	vmul.f32 v17, v31;
	v17 =	vld [tilespmem:$0x1FB10];
	_ =	sdelay $0x3  }
0x200: {  	v23 =	vld [tilespmem:s20+$0xFFFFFDB0]  }
0x201: {  	v46 =	vmul.f32 v17, v31;
	v17 =	vld [tilespmem:$0x1FB20];
	_ =	sdelay $0x3  }
0x202: {  	v51 =	vmax.f32 v51, v48  }
0x203: {  	v51 =	vmax.f32 v51, v27;
	v27 =	vperm.xlane v17, v0;
	v17 =	vmul.f32 v23, v31;
	_ =	sdelay $0x1  }
0x204: {  	v22 =	vmax.f32 v20, v17;
	v20 =	vld [tilespmem:$0x1FB40];
	_ =	sdelay $0x2  }
0x205: {  	v24 =	vld [tilespmem:s20+$0xFFFFFDC0]  }
0x206: {  	v17 =	vld [tilespmem:$0x1FB30]  }
0x207: {  	v58 =	vmul.f32 v20, v31;
	v20 =	vld [tilespmem:$0x1FB50];
	_ =	sdelay $0x1  }
0x208: {  	v30 =	vmax.f32 v30, v50  }
0x209: {  	v21 =	vmax.f32 v21, v29;
	v29 =	vmax.f32 v30, v46;
	v30 =	vsub.f32 $1.000000000e+00, v27  }
0x20a: {  	v52 =	vmax.f32 v52, v47;
	v47 =	vmul.f32 v24, v31;
	v23 =	vld [tilespmem:$0x1FB70];
	v17 =	vmul.f32 v17, v31  }
0x20b: {  	v43 =	vld [tilespmem:s20+$0xFFFFFE10];
	v31 =	vmul.f32 v20, v40;
	v20 =	vmul.f32 v36, v30  }
0x20c: {  	v45 =	vld [tilespmem:s20+$0xFFFFFE40];
	v18 =	vmax.f32 v52, v18  }
0x20d: {  	[tilespmem:$0x1FC90] =	vst v20;
	v20 =	vmax.f32 v18, v17;
	v17 =	vld [tilespmem:$0x1FB60]  }
0x20e: {  	v44 =	vld [tilespmem:s20+$0xFFFFFE20]  }
0x20f: {  	v36 =	vmul.f32 v23, v40;
	v23 =	vld [tilespmem:$0x1FB80]  }
0x210: {  	v18 =	vmul.f32 v43, v40;
	_ =	sdelay $0x1  }
0x211: {  	v18 =	vmax.f32 v21, v18;
	v21 =	vmul.f32 v17, v40;
	v17 =	vmul.f32 v45, v40  }
0x212: {  	v49 =	vmax.f32 v49, v47  }
0x213: {  	v43 =	vmul.f32 v44, v40;
	v40 =	vmul.f32 v23, v40;
	v23 =	vmax.f32 v49, v17;
	v17 =	vld [tilespmem:$0x1FB90];
	_ =	sdelay $0x4  }
0x214: {  	v21 =	vmax.f32 v22, v21;
	v22 =	vmul.f32 v17, v39;
	v17 =	vld [tilespmem:$0x1FBA0]  }
0x215: {  	v63 =	vld [tilespmem:s20+$0xFFFFFF60]  }
0x216: {  	v53 =	vld [tilespmem:s20+$0x0]  }
0x217: {  	v54 =	vld [tilespmem:s20+$0xFFFFFFE0]  }
0x218: {  	v38 =	vld [tilespmem:s20+$0xFFFFFEC0]  }
0x219: {  	v20 =	vmax.f32 v20, v36;
	v36 =	vmul.f32 v17, v39;
	v17 =	vld [tilespmem:$0x1FBB0]  }
0x21a: {  	v57 =	vld [tilespmem:s20+$0xFFFFFFD0]  }
0x21b: {  	v55 =	vld [tilespmem:s20+$0xFFFFFFB0]  }
0x21c: {  	v59 =	vld [tilespmem:s20+$0xFFFFFFA0]  }
0x21d: {  	v62 =	vld [tilespmem:s20+$0xFFFFFF80];
	v31 =	vmax.f32 v51, v31  }
0x21e: {  	v22 =	vmax.f32 v31, v22;
	v31 =	vmul.f32 v17, v39;
	v17 =	vld [tilespmem:$0x1FBC0]  }
0x21f: {  	v60 =	vld [tilespmem:s20+$0xFFFFFF40]  }
0x220: {  	v61 =	vld [tilespmem:s20+$0xFFFFFF90]  }
0x221: {  	v48 =	vld [tilespmem:s20+$0x20]  }
0x222: {  	v24 =	vmax.f32 v18, v36;
	v18 =	vld [tilespmem:$0x1FBD0]  }
0x223: {  	v50 =	vld [tilespmem:s20+$0x30];
	v17 =	vmul.f32 v17, v39  }
0x224: {  	v47 =	vld [tilespmem:s20+$0x40]  }
0x225: {  	v17 =	vmax.f32 v21, v17;
	v21 =	vld [tilespmem:$0x1FBE0]  }
0x226: {  	v56 =	vld [tilespmem:s20+$0xFFFFFFC0]  }
0x227: {  	v52 =	vld [tilespmem:s20+$0x10];
	v18 =	vmul.f32 v18, v39  }
0x228: {  	v46 =	vld [tilespmem:s20+$0x60]  }
0x229: {  	v18 =	vmax.f32 v20, v18;
	v20 =	vld [tilespmem:$0x1FBF0]  }
0x22a: {  	v19 =	vmax.f32 v19, v58;
	v58 =	vld [tilespmem:s20+$0x50];
	v29 =	vmax.f32 v29, v43;
	v21 =	vmul.f32 v21, v39  }
0x22b: {  	v19 =	vmax.f32 v19, v40;
	v29 =	vmax.f32 v29, v31;
	v31 =	vld [tilespmem:$0x1FC10]  }
0x22c: {  	v19 =	vmax.f32 v19, v21;
	v21 =	vld [tilespmem:$0x1FC00]  }
0x22d: {  	v51 =	vld [tilespmem:s20+$0xA0]  }
0x22e: {  	v44 =	vld [tilespmem:s20+$0xB0];
	v20 =	vmul.f32 v20, v37  }
0x22f: {  	v43 =	vld [tilespmem:s20+$0xC0];
	v40 =	vmul.f32 v38, v39  }
0x230: {  	v20 =	vmax.f32 v22, v20;
	v22 =	vld [tilespmem:$0x1FC20]  }
0x231: {  	v45 =	vld [tilespmem:s20+$0x80];
	v23 =	vmax.f32 v23, v40;
	v40 =	vmul.f32 v31, v37;
	v21 =	vmul.f32 v21, v37  }
0x232: {  	v49 =	vld [tilespmem:s20+$0x90]  }
0x233: {  	v21 =	vmax.f32 v24, v21;
	v24 =	vmax.f32 v29, v40;
	v29 =	vld [tilespmem:$0x1FC30]  }
0x234: {  	v38 =	vld [tilespmem:s20+$0xD0]  }
0x235: {  	v36 =	vld [tilespmem:s20+$0x110];
	v22 =	vmul.f32 v22, v37  }
0x236: {  	v60 =	vmul.f32 v60, v37;
	v31 =	vld [tilespmem:s20+$0x100]  }
0x237: {  	v55 =	vmul.f32 v55, v35;
	v39 =	vld [tilespmem:s20+$0xE0];
	v17 =	vmax.f32 v17, v22  }
0x238: {  	v22 =	vmax.f32 v23, v60;
	v60 =	vmul.f32 v61, v35;
	v61 =	vld [tilespmem:s20+$0x140];
	v29 =	vmul.f32 v29, v37  }
0x239: {  	v23 =	vmul.f32 v63, v37;
	v63 =	vmul.f32 v53, v34;
	v53 =	vld [tilespmem:s20+$0x190]  }
0x23a: {  	v17 =	vmax.f32 v17, v55;
	v55 =	vld [tilespmem:s20+$0x180];
	v18 =	vmax.f32 v18, v29;
	v29 =	vmul.f32 v62, v35  }
0x23b: {  	v19 =	vmax.f32 v19, v23;
	v23 =	vmul.f32 v59, v35;
	v59 =	vld [tilespmem:s20+$0x150]  }
0x23c: {  	v40 =	vld [tilespmem:s20+$0x120];
	v20 =	vmax.f32 v20, v29;
	v29 =	vmul.f32 v56, v35  }
0x23d: {  	v48 =	vmul.f32 v48, v34;
	v23 =	vmax.f32 v24, v23;
	v24 =	vmul.f32 v57, v35;
	v57 =	vld [tilespmem:s20+$0x1E0]  }
0x23e: {  	v21 =	vmax.f32 v21, v60;
	v60 =	vld [tilespmem:s20+$0x220];
	v22 =	vmax.f32 v22, v29;
	v29 =	vmul.f32 v54, v35  }
0x23f: {  	v23 =	vmax.f32 v23, v48;
	v48 =	vld [tilespmem:s20+$0x390];
	v18 =	vmax.f32 v18, v24;
	v24 =	vmul.f32 v52, v34  }
0x240: {  	v37 =	vld [tilespmem:s20+$0x130];
	v19 =	vmax.f32 v19, v29;
	v29 =	vmul.f32 v50, v34  }
0x241: {  	v38 =	vmul.f32 v38, v33;
	v62 =	vld [tilespmem:s20+$0x230];
	v21 =	vmax.f32 v21, v24;
	v24 =	vmul.f32 v47, v34  }
0x242: {  	v31 =	vmul.f32 v31, v32;
	v52 =	vld [tilespmem:s20+$0x1A0];
	v17 =	vmax.f32 v17, v29;
	v29 =	vmul.f32 v58, v34  }
0x243: {  	v56 =	vld [tilespmem:s20+$0x160];
	v20 =	vmax.f32 v20, v63;
	v22 =	vmax.f32 v22, v24;
	v24 =	vmul.f32 v45, v33  }
0x244: {  	v47 =	vld [tilespmem:s20+$0x1C0];
	v54 =	vmul.f32 v49, v33;
	v18 =	vmax.f32 v18, v29;
	v29 =	vmul.f32 v51, v33  }
0x245: {  	v63 =	vld [tilespmem:s20+$0x240];
	v45 =	vmul.f32 v61, v32;
	v20 =	vmax.f32 v20, v24;
	v24 =	vmul.f32 v44, v33  }
0x246: {  	v35 =	vld [tilespmem:s20+$0x1B0];
	v34 =	vmul.f32 v46, v34;
	v23 =	vmax.f32 v23, v29;
	v29 =	vmul.f32 v43, v33  }
0x247: {  	v49 =	vld [tilespmem:s20+$0x260];
	v21 =	vmax.f32 v21, v54;
	v17 =	vmax.f32 v17, v24;
	v24 =	vmul.f32 v39, v33  }
0x248: {  	v50 =	vld [tilespmem:s20+$0x280];
	v19 =	vmax.f32 v19, v34;
	v22 =	vmax.f32 v22, v29;
	v29 =	vmul.f32 v36, v32  }
0x249: {  	v54 =	vld [tilespmem:s20+$0x2B0];
	v20 =	vmax.f32 v20, v31;
	v19 =	vmax.f32 v19, v24;
	v24 =	vmul.f32 v40, v32  }
0x24a: {  	v44 =	vld [tilespmem:s20+$0x210];
	v61 =	vmul.f32 v63, v41;
	v21 =	vmax.f32 v21, v29;
	v29 =	vmul.f32 v37, v32  }
0x24b: {  	v35 =	vmul.f32 v35, v42;
	v51 =	vld [tilespmem:s20+$0x290];
	v23 =	vmax.f32 v23, v24;
	v24 =	vmul.f32 v59, v32  }
0x24c: {  	v58 =	vld [tilespmem:s20+$0x200];
	v18 =	vmax.f32 v18, v38;
	v17 =	vmax.f32 v17, v29;
	v29 =	vmul.f32 v55, v42  }
0x24d: {  	v46 =	vld [tilespmem:s20+$0x1D0];
	v59 =	vmul.f32 v60, v41;
	v18 =	vmax.f32 v18, v24;
	v24 =	vmul.f32 v53, v42  }
0x24e: {  	v31 =	vld [tilespmem:s20+$0x250];
	v22 =	vmax.f32 v22, v45;
	v20 =	vmax.f32 v20, v29;
	v29 =	vmul.f32 v52, v42  }
0x24f: {  	v63 =	vld [tilespmem:s20+$0x330];
	v32 =	vmul.f32 v56, v32;
	v21 =	vmax.f32 v21, v24;
	v24 =	vmul.f32 v47, v42  }
0x250: {  	v60 =	vld [tilespmem:s20+$0x300];
	v37 =	vmul.f32 v51, v26;
	v23 =	vmax.f32 v23, v29;
	v29 =	vmul.f32 v57, v42  }
0x251: {  	v53 =	vld [tilespmem:s20+$0x2A0];
	v19 =	vmax.f32 v19, v32;
	v22 =	vmax.f32 v22, v24;
	v24 =	vmul.f32 v58, v41  }
0x252: {  	v56 =	vld [tilespmem:s20+$0x2C0];
	v55 =	vmul.f32 v46, v42;
	v19 =	vmax.f32 v19, v29;
	v29 =	vmul.f32 v44, v41  }
0x253: {  	v17 =	vmax.f32 v17, v35;
	v58 =	vld [tilespmem:s20+$0x2E0];
	v20 =	vmax.f32 v20, v24;
	v24 =	vmul.f32 v62, v41  }
0x254: {  	v18 =	vmax.f32 v18, v55;
	v57 =	vld [tilespmem:s20+$0x2D0];
	v21 =	vmax.f32 v21, v29;
	v29 =	vmul.f32 v31, v41  }
0x255: {  	v22 =	vmax.f32 v22, v61;
	v62 =	vld [tilespmem:s20+$0x310];
	v17 =	vmax.f32 v17, v24;
	v24 =	vmul.f32 v49, v41  }
0x256: {  	v44 =	vmul.f32 v54, v26;
	v31 =	vld [tilespmem:s20+$0x320];
	v18 =	vmax.f32 v18, v29;
	v29 =	vmul.f32 v50, v26  }
0x257: {  	v45 =	vld [tilespmem:s20+$0x350];
	v23 =	vmax.f32 v23, v59;
	v19 =	vmax.f32 v19, v24;
	v24 =	vmul.f32 v53, v26  }
0x258: {  	v42 =	vld [tilespmem:s20+$0x340];
	v17 =	vmax.f32 v17, v44;
	v20 =	vmax.f32 v20, v29;
	v29 =	vmul.f32 v56, v26  }
0x259: {  	v46 =	vld [tilespmem:s20+$0x360];
	v21 =	vmax.f32 v21, v37;
	v23 =	vmax.f32 v23, v24;
	v24 =	vmul.f32 v57, v26  }
0x25a: {  	v47 =	vld [tilespmem:s20+$0x380];
	v26 =	vmul.f32 v58, v26;
	v22 =	vmax.f32 v22, v29;
	v29 =	vmul.f32 v60, v25  }
0x25b: {  	v49 =	vld [tilespmem:s20+$0x3A0];
	v18 =	vmax.f32 v18, v24;
	v24 =	vmul.f32 v62, v25;
	v31 =	vmul.f32 v31, v25  }
0x25c: {  	v19 =	vmax.f32 v19, v26;
	v26 =	vmul.f32 v63, v25;
	v20 =	vmax.f32 v20, v29;
	v29 =	vld [tilespmem:s20+$0x3B0]  }
0x25d: {  	v21 =	vmax.f32 v21, v24;
	v24 =	vmul.f32 v42, v25;
	v23 =	vmax.f32 v23, v31;
	v31 =	vld [tilespmem:s20+$0x3C0]  }
0x25e: {  	v50 =	vld [tilespmem:s20+$0x3D0];
	v17 =	vmax.f32 v17, v26;
	v26 =	vmul.f32 v45, v25;
	v25 =	vmul.f32 v46, v25  }
0x25f: {  	s12 =	sadd.s32 $0x80, s23;
	v52 =	vld [tilespmem:s20+$0x3E0];
	v22 =	vmax.f32 v22, v24;
	v24 =	vmul.f32 v47, v28  }
0x260: {  	v18 =	vmax.f32 v18, v26;
	v19 =	vmax.f32 v19, v25;
	v25 =	vmul.f32 v49, v28;
	v26 =	vld [tilespmem:s12+$0xFFFFFFC0]  }
0x261: {  	v20 =	vmax.f32 v20, v24;
	v24 =	vmul.f32 v29, v28  }
0x262: {  	v23 =	vmax.f32 v23, v25;
	v25 =	vmul.f32 v31, v28;
	v31 =	vld [tilespmem:s12+$0xFFFFFFE0]  }
0x263: {  	v29 =	vld [tilespmem:s12+$0xFFFFFFD0];
	v17 =	vmax.f32 v17, v24;
	v24 =	vmul.f32 v50, v28  }
0x264: {  	v51 =	vmul.f32 v48, v28;
	v22 =	vmax.f32 v22, v25;
	v25 =	vmul.f32 v52, v28;
	v28 =	vld [tilespmem:s12+$0x0]  }
0x265: {  	v53 =	vld [tilespmem:s12+$0xFFFFFFF0];
	v20 =	vmul.f32 v20, v30;
	v18 =	vmax.f32 v18, v24;
	v24 =	vmul.f32 v26, v27  }
0x266: {  	v21 =	vmax.f32 v21, v51  }
0x267: {  	v23 =	vmul.f32 v23, v30;
	v26 =	vld [tilespmem:s12+$0x10];
	v20 =	vadd.f32 v24, v20;
	v24 =	vmul.f32 v31, v27  }
0x268: {  	v21 =	vmul.f32 v21, v30;
	v19 =	vmax.f32 v19, v25;
	v25 =	vmul.f32 v29, v27  }
0x269: {  	v23 =	vadd.f32 v24, v23;
	v24 =	vmul.f32 v28, v27;
	v28 =	vld [tilespmem:$0x1FC50]  }
0x26a: {  	v17 =	vmul.f32 v17, v30;
	v21 =	vadd.f32 v25, v21;
	v25 =	vmul.f32 v53, v27;
	_ =	sdelay $0x1  }
0x26b: {  	v17 =	vadd.f32 v25, v17;
	v25 =	vmul.f32 v26, v27;
	v26 =	vld [tilespmem:$0x1FC60]  }
0x26c: {  	v54 =	vld [tilespmem:s12+$0x30]  }
0x26d: {  	v22 =	vmul.f32 v22, v30;
	v29 =	vld [tilespmem:s12+$0x20];
	v21 =	vadd.f32 v21, v28  }
0x26e: {  	v19 =	vmul.f32 v19, v30;
	v18 =	vmul.f32 v18, v30;
	v30 =	vld [tilespmem:$0x1FC40]  }
0x26f: {  	[tilespmem:$0x16310] =	vst v21;
	v21 =	vld [tilespmem:$0x1FC80]  }
0x270: {  	v23 =	vadd.f32 v23, v26;
	v26 =	vld [tilespmem:$0x1FC70];
	_ =	sdelay $0x1  }
0x271: {  	v22 =	vadd.f32 v24, v22;
	_ =	sdelay $0x1  }
0x272: {  	v20 =	vadd.f32 v20, v30;
	v21 =	vadd.f32 v22, v21;
	v22 =	vld [tilespmem:$0x1FC90]  }
0x273: {  	v17 =	vadd.f32 v17, v26  }
0x274: {  	[tilespmem:$0x16300] =	vst v20  }
0x275: {  	v20 =	vmul.f32 v54, v27;
	[tilespmem:$0x16330] =	vst v17;
	v17 =	vld [tilespmem:$0x1FCB0]  }
0x276: {  	v24 =	vmul.f32 v29, v27  }
0x277: {  	v20 =	vadd.f32 v20, v22;
	v22 =	vld [tilespmem:$0x1FCA0]  }
0x278: {  	v19 =	vadd.f32 v24, v19;
	_ =	sdelay $0x1  }
0x279: {  	v18 =	vadd.f32 v25, v18;
	[tilespmem:$0x16320] =	vst v23;
	v17 =	vadd.f32 v19, v17  }
0x27a: {  	[tilespmem:$0x16340] =	vst v21;
	v16 =	vadd.f32 v20, v16  }
0x27b: {  	[tilespmem:$0x16360] =	vst v17;
	v18 =	vadd.f32 v18, v22  }
0x27c: {  	s23 =	sshll.u32 s24, $0x4;
	[tilespmem:$0x16370] =	vst v16  }
0x27d: {  	s13 =	sadd.s32 s10, s23;
	[tilespmem:$0x16350] =	vst v18  }
0x27e: {  	[hbm4b:s13+s5] =	stream.linear.scatter [tilespmem:s21], [sflag:$0x5], $0x80, $0x38;
	[tilespmem:$0x16380] =	vst v63  }
0x27f: {  	_ =	swait.ge [sflag:s31], $0x80  }
0x280: {  	[sflag:s31] =	ssyncset.done $0x0  }
0x281: {  	[sflag:s31] =	ssyncadd.s32 $0xFFFFFF80  }
0x282: {  	_ =	swait.ge [sflag:s0], $0x4000  }
0x283: {  	[sflag:s0] =	ssyncset.done $0x0  }
0x284: {  	[sflag:s0] =	ssyncadd.s32 $0xFFFFC000  }
0x285: {  	_ =	swait.ge [sflag:s0], $0x4000  }
0x286: {  	[sflag:s0] =	ssyncset.done $0x0  }
0x287: {  	[sflag:s0] =	ssyncadd.s32 $0xFFFFC000  }
0x288: {  	_ =	swait.ge [sflag:s0], $0x2000  }
0x289: {  	[sflag:s0] =	ssyncset.done $0x0  }
0x28a: {  	[sflag:s0] =	ssyncadd.s32 $0xFFFFE000  }
0x28b: {  	_ =	swait.ge [sflag:s0], $0x80  }
0x28c: {  	[sflag:s0] =	ssyncset.done $0x0  }
0x28d: {  	[sflag:s0] =	ssyncadd.s32 $0xFFFFFF80  }
0x28e: {  	_ =	swait.ge [sflag:s0], $0x80  }
0x28f: {  	[sflag:s0] =	ssyncset.done $0x0  }
0x290: {  	[sflag:s0] =	ssyncadd.s32 $0xFFFFFF80  }
0x291: {  	_ =	swait.ge [sflag:s0], $0x40  }
0x292: {  	[sflag:s0] =	ssyncset.done $0x0  }
0x293: {  	[sflag:s0] =	ssyncadd.s32 $0xFFFFFFC0  }
0x294: {  	_ =	swait.ge [sflag:s0], $0xA00  }
0x295: {  	[sflag:s0] =	ssyncset.done $0x0  }
0x296: {  	s11 =	sadd.s32 @!p0 $0x3, s24;
	[sflag:s0] =	ssyncadd.s32 $0xFFFFF600  }
0x297: {  	s12 =	smul.u32 @!p0 $0x3, s11;
	_ =	swait.ge [sflag:s0], $0x14  }
0x298: {  	s14 =	simm.s32 @!p0 $0x380;
	s11 =	smul.u32 @!p0 $0x28, s11;
	[sflag:s0] =	ssyncset.done $0x0  }
0x299: {  	s12 =	sadd.s32 @!p0 s1, s12;
	s13 =	simm.s32 @!p0 $0x0;
	[sflag:s0] =	ssyncadd.s32 $0xFFFFFFEC  }
0x29a: {  	[tilespmem:s14], [sflag:$0x2] =	stream.linear.gather @!p0 [hbm4b:s12+s13], $0x18, $0x38;
	[tilespmem:$0x16380] =	vst v63  }
0x29b: {  	s12 =	sadd.s32 @!p0 s6, s11;
	s14 =	simm.s32 @!p0 $0x400  }
0x29c: {  	[tilespmem:s14], [sflag:$0x2] =	stream.linear.gather @!p0 [hbm4b:s12+s13], $0x140, $0x38;
	[tilespmem:$0x16380] =	vst v63  }
0x29d: {  	s11 =	sadd.s32 @!p0 s7, s11;
	s12 =	simm.s32 @!p0 $0x580  }
0x29e: {  	[tilespmem:s12], [sflag:$0x2] =	stream.linear.gather @!p0 [hbm4b:s11+s13], $0x140, $0x38;
	[tilespmem:$0x16380] =	vst v63  }
0x29f: {  	s11 =	simm.s32 @!p0 $0x1  }
0x2a0: {  	_ =	swait.ge @!p0 [sflag:s11], $0x18  }
0x2a1: {  	[sflag:s11] =	ssyncset.done @!p0 $0x0  }
0x2a2: {  	[sflag:s11] =	ssyncadd.s32 @!p0 $0xFFFFFFE8  }
0x2a3: {  	_ =	swait.ge @!p0 [sflag:s11], $0x140  }
0x2a4: {  	[sflag:s11] =	ssyncset.done @!p0 $0x0  }
0x2a5: {  	[sflag:s11] =	ssyncadd.s32 @!p0 $0xFFFFFEC0  }
0x2a6: {  	_ =	swait.ge @!p0 [sflag:s11], $0x140  }
0x2a7: {  	[sflag:s11] =	ssyncset.done @!p0 $0x0  }
0x2a8: {  	s12 =	simm.s32 @!p0 $0x700;
	[sflag:s11] =	ssyncadd.s32 @!p0 $0xFFFFFEC0;
	s11 =	simm.s32 @!p0 $0x80  }
0x2a9: {  	[tilespmem:s12], [sflag:$0x3] =	stream.indirect.gather @!p0 [hbm4b:s8+s11], $0x80, s11, s11, $0xb8;
	[tilespmem:$0x16380] =	vst v63  }
0x2aa: {  	s14 =	simm.s32 @!p0 $0x4700;
	s12 =	simm.s32 @!p0 $0x100  }
0x2ab: {  	[tilespmem:s14], [sflag:$0x3] =	stream.indirect.gather @!p0 [hbm4b:s8+s11], $0x80, s12, s11, $0xb8;
	[tilespmem:$0x16380] =	vst v63  }
0x2ac: {  	s20 =	simm.s32 @!p0 $0x8700;
	s12 =	simm.s32 @!p0 $0x40;
	s14 =	simm.s32 @!p0 $0x180  }
0x2ad: {  	[tilespmem:s20], [sflag:$0x3] =	stream.indirect.gather @!p0 [hbm4b:s8+s12], $0x80, s14, s12, $0xb8;
	[tilespmem:$0x16380] =	vst v63  }
0x2ae: {  	s14 =	simm.s32 @!p0 $0x200;
	s20 =	simm.s32 @!p0 $0xB300  }
0x2af: {  	[tilespmem:s20], [sflag:$0x3] =	stream.indirect.gather @!p0 [hbm4b:s2+s11], $0x1, s14, s11, $0xb8;
	[tilespmem:$0x16380] =	vst v63  }
0x2b0: {  	s14 =	simm.s32 @!p0 $0x280;
	s20 =	simm.s32 @!p0 $0xB380  }
0x2b1: {  	[tilespmem:s20], [sflag:$0x3] =	stream.indirect.gather @!p0 [hbm4b:s2+s11], $0x1, s14, s11, $0xb8;
	[tilespmem:$0x16380] =	vst v63  }
0x2b2: {  	s11 =	simm.s32 @!p0 $0x300;
	s14 =	simm.s32 @!p0 $0xB400  }
0x2b3: {  	[tilespmem:s14], [sflag:$0x3] =	stream.indirect.gather @!p0 [hbm4b:s2+s12], $0x1, s11, s12, $0xb8;
	[tilespmem:$0x16380] =	vst v63  }
0x2b4: {  	s11 =	simm.s32 @!p0 $0x14;
	s12 =	simm.s32 @!p0 $0xA700  }
0x2b5: {  	[tilespmem:s12], [sflag:$0x3] =	stream.indirect.gather @!p0 [hbm4b:s8+s11], $0x80, s13, s11, $0xb8;
	[tilespmem:$0x16380] =	vst v63  }
0x2b6: {  	s14 =	simm.s32 $0xB900;
	s12 =	simm.s32 @!p0 $0xB480  }
0x2b7: {  	[tilespmem:s12], [sflag:$0x3] =	stream.indirect.gather @!p0 [hbm4b:s3+s11], $0x1, s13, s11, $0xb8;
	[tilespmem:$0x16380] =	vst v63  }
0x2b8: {  	v20 =	vld [tilespmem:s14+$0xFFFFFD20];
	_ =	sdelay $0x4  }
0x2b9: {  	[tilespmem:$0x1FCC0] =	vst v20;
	v20 =	vld [tilespmem:s14+$0xFFFFFD30];
	_ =	sdelay $0x4  }
0x2ba: {  	[tilespmem:$0x1FCD0] =	vst v20;
	v20 =	vld [tilespmem:s14+$0xFFFFFD40];
	_ =	sdelay $0x4  }
0x2bb: {  	[tilespmem:$0x1FCE0] =	vst v20;
	v20 =	vld [tilespmem:s14+$0xFFFFFD50];
	_ =	sdelay $0x4  }
0x2bc: {  	[tilespmem:$0x1FCF0] =	vst v20;
	v20 =	vld [tilespmem:s14+$0xFFFFFD60];
	_ =	sdelay $0x4  }
0x2bd: {  	[tilespmem:$0x1FD00] =	vst v20;
	v20 =	vld [tilespmem:s14+$0xFFFFFD80];
	_ =	sdelay $0x4  }
0x2be: {  	[tilespmem:$0x1FD10] =	vst v20;
	v20 =	vld [tilespmem:s14+$0xFFFFFD90];
	_ =	sdelay $0x1  }
0x2bf: {  	s20 =	simm.s32 $0x16100  }
0x2c0: {  	v17 =	vld [tilespmem:s20+$0x0]  }
0x2c1: {  	v16 =	vld [tilespmem:s14+$0xFFFFFC70]  }
0x2c2: {  	[tilespmem:$0x1FD20] =	vst v20;
	v20 =	vld [tilespmem:s14+$0xFFFFFDA0]  }
0x2c3: {  	v18 =	vld [tilespmem:s14+$0xFFFFFCF0]  }
0x2c4: {  	v26 =	vld [tilespmem:s14+$0xFFFFFD70]  }
0x2c5: {  	v27 =	vld [tilespmem:s14+$0xFFFFFDF0]  }
0x2c6: {  	v22 =	vld [tilespmem:s14+$0xFFFFFE70];
	v62 =	vperm.xlane v17, v0;
	v63 =	vperm.xlane v17, v1  }
0x2c7: {  	v21 =	vperm.xlane v17, v3;
	[tilespmem:$0x1FD30] =	vst v20;
	v20 =	vperm.xlane v17, v2  }
0x2c8: {  	v16 =	vmul.f32 v16, v62;
	v18 =	vmul.f32 v18, v63  }
0x2c9: {  	v30 =	vperm.xlane v17, v4;
	v26 =	vmul.f32 v26, v20  }
0x2ca: {  	v16 =	vmax.f32 v16, v18;
	v18 =	vmul.f32 v27, v21  }
0x2cb: {  	v22 =	vmul.f32 v22, v30;
	v16 =	vmax.f32 v16, v26  }
0x2cc: {  	v16 =	vmax.f32 v16, v18  }
0x2cd: {  	v22 =	vmax.f32 v16, v22;
	v16 =	vld [tilespmem:s14+$0xFFFFFE20];
	_ =	sdelay $0x4  }
0x2ce: {  	[tilespmem:$0x1FDA0] =	vst v16;
	v16 =	vld [tilespmem:s14+$0xFFFFFE30];
	_ =	sdelay $0x4  }
0x2cf: {  	[tilespmem:$0x1FDB0] =	vst v16;
	v16 =	vld [tilespmem:s14+$0xFFFFFE40];
	_ =	sdelay $0x3  }
0x2d0: {  	v25 =	vld [tilespmem:s14+$0xFFFFFDB0]  }
0x2d1: {  	[tilespmem:$0x1FDC0] =	vst v16;
	v16 =	vld [tilespmem:s14+$0xFFFFFE50];
	_ =	sdelay $0x3  }
0x2d2: {  	[tilespmem:$0x1FD40] =	vst v25;
	v25 =	vld [tilespmem:s14+$0xFFFFFDC0]  }
0x2d3: {  	[tilespmem:$0x1FDD0] =	vst v16;
	v16 =	vld [tilespmem:s14+$0xFFFFFE60];
	_ =	sdelay $0x3  }
0x2d4: {  	[tilespmem:$0x1FD50] =	vst v25;
	v25 =	vld [tilespmem:s14+$0xFFFFFDD0]  }
0x2d5: {  	[tilespmem:$0x1FDE0] =	vst v16;
	v16 =	vld [tilespmem:s14+$0xFFFFFE80];
	_ =	sdelay $0x2  }
0x2d6: {  	v19 =	vld [tilespmem:s14+$0x370]  }
0x2d7: {  	[tilespmem:$0x1FD60] =	vst v25;
	v25 =	vld [tilespmem:s14+$0xFFFFFDE0]  }
0x2d8: {  	[tilespmem:$0x1FDF0] =	vst v16;
	v16 =	vld [tilespmem:s14+$0xFFFFFE90]  }
0x2d9: {  	v23 =	vld [tilespmem:s14+$0xFFFFFEF0]  }
0x2da: {  	v24 =	vld [tilespmem:s14+$0xFFFFFF70]  }
0x2db: {  	v50 =	vld [tilespmem:s14+$0xFFFFFFF0]  }
0x2dc: {  	[tilespmem:$0x1FD70] =	vst v25;
	v25 =	vld [tilespmem:s14+$0xFFFFFE00]  }
0x2dd: {  	[tilespmem:$0x1FE00] =	vst v16;
	v16 =	vld [tilespmem:s14+$0xFFFFFEA0]  }
0x2de: {  	v29 =	vld [tilespmem:s14+$0x70]  }
0x2df: {  	v31 =	vld [tilespmem:s14+$0xF0]  }
0x2e0: {  	v35 =	vld [tilespmem:s14+$0x170];
	v28 =	vperm.xlane v17, v5  }
0x2e1: {  	v33 =	vld [tilespmem:s14+$0x1F0];
	v27 =	vperm.xlane v17, v6;
	[tilespmem:$0x1FD80] =	vst v25  }
0x2e2: {  	v23 =	vmul.f32 v23, v28;
	v25 =	vperm.xlane v17, v7;
	[tilespmem:$0x1FE10] =	vst v16;
	v16 =	vld [tilespmem:s14+$0xFFFFFEC0]  }
0x2e3: {  	v34 =	vld [tilespmem:s14+$0x270];
	v24 =	vmul.f32 v24, v27;
	v26 =	vperm.xlane v17, v8  }
0x2e4: {  	s24 =	simm.s32 $0x0;
	v36 =	vld [tilespmem:s14+$0x2F0];
	v32 =	vperm.xlane v17, v9;
	v22 =	vmax.f32 v22, v23;
	v23 =	vmul.f32 v50, v25  }
0x2e5: {  	v51 =	vld [tilespmem:s24+$0x16280];
	v29 =	vmul.f32 v29, v26;
	v22 =	vmax.f32 v22, v24;
	v24 =	vperm.xlane v17, v10  }
0x2e6: {  	v37 =	vld [tilespmem:s14+$0x3F0];
	v31 =	vmul.f32 v31, v32;
	v22 =	vmax.f32 v22, v23;
	v23 =	vperm.xlane v17, v11  }
0x2e7: {  	v22 =	vmax.f32 v22, v29;
	v29 =	vmul.f32 v35, v24;
	v35 =	vperm.xlane v17, v12;
	[tilespmem:$0x1FE20] =	vst v16;
	v16 =	vld [tilespmem:s14+$0xFFFFFED0]  }
0x2e8: {  	v31 =	vmax.f32 v22, v31;
	v33 =	vmul.f32 v33, v23;
	v22 =	vperm.xlane v17, v13  }
0x2e9: {  	s24 =	simm.s32 $0x15540;
	v29 =	vmax.f32 v31, v29;
	v34 =	vmul.f32 v34, v35;
	v31 =	vperm.xlane v17, v14  }
0x2ea: {  	v40 =	vld [tilespmem:s24+$0x30];
	v29 =	vmax.f32 v29, v33;
	v55 =	vmul.f32 v36, v22;
	v36 =	vperm.xlane v17, v15  }
0x2eb: {  	v17 =	vperm.xlane v51, v0;
	v29 =	vmax.f32 v29, v34;
	v19 =	vmul.f32 v19, v31  }
0x2ec: {  	v29 =	vmax.f32 v29, v55;
	v61 =	vmul.f32 v37, v36;
	[tilespmem:$0x1FE30] =	vst v16;
	v16 =	vld [tilespmem:s14+$0xFFFFFEE0]  }
0x2ed: {  	v29 =	vmax.f32 v29, v19;
	v19 =	vsub.f32 $1.000000000e+00, v17  }
0x2ee: {  	v29 =	vmax.f32 v29, v61  }
0x2ef: {  	v40 =	vmul.f32 v40, v17;
	v29 =	vmul.f32 v29, v19  }
0x2f0: {  	v43 =	vld [tilespmem:s14+$0xFFFFFC40]  }
0x2f1: {  	v53 =	vld [tilespmem:s14+$0xFFFFFCC0];
	[tilespmem:$0x1FE40] =	vst v16;
	v16 =	vadd.f32 v40, v29  }
0x2f2: {  	v41 =	vld [tilespmem:s14+$0xFFFFFC20]  }
0x2f3: {  	[tilespmem:$0x1FE50] =	vst v16;
	v16 =	vld [tilespmem:$0x1FCC0]  }
0x2f4: {  	v48 =	vld [tilespmem:s14+$0xFFFFFCA0]  }
0x2f5: {  	v44 =	vld [tilespmem:s14+$0xFFFFFC50]  }
0x2f6: {  	v54 =	vld [tilespmem:s14+$0xFFFFFCD0];
	v43 =	vmul.f32 v43, v62;
	v33 =	vmul.f32 v53, v63;
	_ =	sdelay $0x1  }
0x2f7: {  	v43 =	vmax.f32 v43, v33;
	v33 =	vmul.f32 v16, v20;
	v16 =	vld [tilespmem:$0x1FCD0]  }
0x2f8: {  	v41 =	vmul.f32 v41, v62;
	v34 =	vmul.f32 v48, v63  }
0x2f9: {  	v45 =	vld [tilespmem:s14+$0xFFFFFC60]  }
0x2fa: {  	v58 =	vld [tilespmem:s14+$0xFFFFFCE0];
	v44 =	vmul.f32 v44, v62;
	v41 =	vmax.f32 v41, v34;
	v34 =	vmul.f32 v54, v63;
	_ =	sdelay $0x1  }
0x2fb: {  	v44 =	vmax.f32 v44, v34;
	v34 =	vmul.f32 v16, v20;
	v16 =	vld [tilespmem:$0x1FCE0]  }
0x2fc: {  	v38 =	vld [tilespmem:s14+$0xFFFFFC00]  }
0x2fd: {  	v39 =	vld [tilespmem:s14+$0xFFFFFC10]  }
0x2fe: {  	v42 =	vld [tilespmem:s14+$0xFFFFFC30];
	v37 =	vmul.f32 v58, v63;
	v40 =	vmul.f32 v45, v62  }
0x2ff: {  	v46 =	vld [tilespmem:s14+$0xFFFFFC80]  }
0x300: {  	v40 =	vmax.f32 v40, v37;
	v37 =	vmul.f32 v16, v20;
	v16 =	vld [tilespmem:$0x1FCF0]  }
0x301: {  	v47 =	vld [tilespmem:s14+$0xFFFFFC90]  }
0x302: {  	v49 =	vld [tilespmem:s14+$0xFFFFFCB0]  }
0x303: {  	v56 =	vld [tilespmem:s14+$0xFFFFFD00]  }
0x304: {  	v60 =	vld [tilespmem:s14+$0xFFFFFD10]  }
0x305: {  	v48 =	vmul.f32 v16, v20;
	v16 =	vld [tilespmem:$0x1FD00]  }
0x306: {  	v38 =	vmul.f32 v38, v62  }
0x307: {  	v39 =	vmul.f32 v39, v62;
	v42 =	vmul.f32 v42, v62  }
0x308: {  	v46 =	vmul.f32 v46, v63;
	v62 =	vmul.f32 v49, v63  }
0x309: {  	v47 =	vmul.f32 v47, v63;
	v63 =	vmul.f32 v60, v20  }
0x30a: {  	v42 =	vmax.f32 v42, v62;
	v62 =	vmul.f32 v56, v20;
	v20 =	vmul.f32 v16, v20;
	v16 =	vld [tilespmem:$0x1FD10];
	_ =	sdelay $0x3  }
0x30b: {  	v39 =	vmax.f32 v39, v47  }
0x30c: {  	v39 =	vmax.f32 v39, v63;
	v63 =	vmul.f32 v16, v21;
	v16 =	vld [tilespmem:$0x1FD20];
	_ =	sdelay $0x4  }
0x30d: {  	v41 =	vmax.f32 v41, v33;
	v33 =	vmul.f32 v16, v21;
	v16 =	vld [tilespmem:$0x1FD30];
	_ =	sdelay $0x4  }
0x30e: {  	v45 =	vmul.f32 v16, v21;
	v16 =	vld [tilespmem:$0x1FD40];
	_ =	sdelay $0x4  }
0x30f: {  	v42 =	vmax.f32 v42, v34;
	v34 =	vmul.f32 v16, v21;
	v16 =	vld [tilespmem:$0x1FD50];
	_ =	sdelay $0x1  }
0x310: {  	v18 =	vld [tilespmem:s14+$0xFFFFFE10];
	_ =	sdelay $0x2  }
0x311: {  	v39 =	vmax.f32 v39, v33;
	v33 =	vmul.f32 v16, v21;
	v16 =	vld [tilespmem:$0x1FD60];
	_ =	sdelay $0x1  }
0x312: {  	[tilespmem:$0x1FD90] =	vst v18;
	v18 =	vld [tilespmem:$0x1FD70];
	_ =	sdelay $0x2  }
0x313: {  	v16 =	vmul.f32 v16, v21  }
0x314: {  	v44 =	vmax.f32 v44, v48  }
0x315: {  	v21 =	vmul.f32 v18, v21;
	v18 =	vmax.f32 v44, v16;
	v16 =	vld [tilespmem:$0x1FD80];
	_ =	sdelay $0x2  }
0x316: {  	v59 =	vld [tilespmem:s14+$0xFFFFFEB0]  }
0x317: {  	v57 =	vld [tilespmem:s14+$0xFFFFFF10]  }
0x318: {  	v42 =	vmax.f32 v42, v34;
	v34 =	vmul.f32 v16, v30;
	v16 =	vld [tilespmem:$0x1FD90]  }
0x319: {  	v52 =	vld [tilespmem:s14+$0xFFFFFF40]  }
0x31a: {  	v38 =	vmax.f32 v38, v46;
	v46 =	vld [tilespmem:s14+$0x0]  }
0x31b: {  	v47 =	vld [tilespmem:s14+$0x10]  }
0x31c: {  	v50 =	vld [tilespmem:s14+$0xFFFFFF20];
	v20 =	vmax.f32 v40, v20  }
0x31d: {  	v20 =	vmax.f32 v20, v21;
	v21 =	vmul.f32 v16, v30;
	v16 =	vld [tilespmem:$0x1FDA0]  }
0x31e: {  	v51 =	vld [tilespmem:s14+$0xFFFFFF50]  }
0x31f: {  	v53 =	vld [tilespmem:s14+$0xFFFFFF60]  }
0x320: {  	v55 =	vld [tilespmem:s14+$0xFFFFFF30]  }
0x321: {  	v29 =	vld [tilespmem:$0x1FDD0];
	v38 =	vmax.f32 v38, v62  }
0x322: {  	v38 =	vmax.f32 v38, v63;
	v63 =	vmul.f32 v16, v30;
	v16 =	vld [tilespmem:$0x1FDB0]  }
0x323: {  	v58 =	vld [tilespmem:s14+$0xFFFFFFD0]  }
0x324: {  	v54 =	vld [tilespmem:s14+$0xFFFFFFA0]  }
0x325: {  	v61 =	vld [tilespmem:s14+$0xFFFFFF00];
	v43 =	vmax.f32 v43, v37  }
0x326: {  	v40 =	vmax.f32 v43, v33;
	v33 =	vmul.f32 v29, v30;
	v29 =	vld [tilespmem:$0x1FDE0]  }
0x327: {  	v43 =	vmul.f32 v16, v30;
	v16 =	vld [tilespmem:$0x1FDC0]  }
0x328: {  	v49 =	vld [tilespmem:s14+$0xFFFFFF90]  }
0x329: {  	v60 =	vld [tilespmem:s14+$0xFFFFFFB0]  }
0x32a: {  	v56 =	vld [tilespmem:s14+$0xFFFFFF80]  }
0x32b: {  	v62 =	vld [tilespmem:s14+$0xFFFFFFC0]  }
0x32c: {  	v16 =	vmul.f32 v16, v30;
	v30 =	vmul.f32 v29, v30;
	v29 =	vld [tilespmem:$0x1FDF0]  }
0x32d: {  	v37 =	vld [tilespmem:s14+$0x40]  }
0x32e: {  	v48 =	vld [tilespmem:s14+$0xFFFFFFE0]  }
0x32f: {  	v20 =	vmax.f32 v20, v30;
	v30 =	vld [tilespmem:$0x1FE10]  }
0x330: {  	v41 =	vmax.f32 v41, v45;
	v45 =	vld [tilespmem:s14+$0x20]  }
0x331: {  	v44 =	vld [tilespmem:s14+$0x30];
	v21 =	vmax.f32 v39, v21;
	v39 =	vmax.f32 v41, v63;
	v41 =	vmul.f32 v29, v28  }
0x332: {  	v18 =	vmax.f32 v18, v33;
	v33 =	vld [tilespmem:s14+$0xA0];
	v38 =	vmax.f32 v38, v34  }
0x333: {  	v38 =	vmax.f32 v38, v41;
	v41 =	vld [tilespmem:$0x1FE20]  }
0x334: {  	v59 =	vmul.f32 v59, v28;
	v29 =	vld [tilespmem:$0x1FE00];
	v30 =	vmul.f32 v30, v28  }
0x335: {  	v34 =	vld [tilespmem:s14+$0x50];
	v42 =	vmax.f32 v42, v43  }
0x336: {  	v30 =	vmax.f32 v39, v30;
	v39 =	vmax.f32 v42, v59;
	v59 =	vld [tilespmem:$0x1FE30]  }
0x337: {  	v63 =	vld [tilespmem:s14+$0x60]  }
0x338: {  	v16 =	vmax.f32 v40, v16;
	v40 =	vld [tilespmem:s14+$0x80];
	v41 =	vmul.f32 v41, v28  }
0x339: {  	v50 =	vmul.f32 v50, v27;
	v43 =	vmul.f32 v29, v28;
	v29 =	vld [tilespmem:s14+$0x90]  }
0x33a: {  	v16 =	vmax.f32 v16, v41;
	v41 =	vld [tilespmem:$0x1FE40]  }
0x33b: {  	v30 =	vmax.f32 v30, v50;
	v50 =	vld [tilespmem:s14+$0x110];
	v42 =	vmul.f32 v59, v28  }
0x33c: {  	v21 =	vmax.f32 v21, v43;
	v43 =	vld [tilespmem:s14+$0xB0]  }
0x33d: {  	v59 =	vld [tilespmem:s14+$0xC0];
	v18 =	vmax.f32 v18, v42;
	v42 =	vmul.f32 v57, v27  }
0x33e: {  	v49 =	vmul.f32 v49, v25;
	v57 =	vld [tilespmem:s14+$0xE0]  }
0x33f: {  	v21 =	vmax.f32 v21, v42;
	v28 =	vmul.f32 v41, v28;
	v41 =	vmul.f32 v61, v27;
	v61 =	vld [tilespmem:s14+$0xD0]  }
0x340: {  	v21 =	vmax.f32 v21, v49;
	v49 =	vld [tilespmem:s14+$0x150]  }
0x341: {  	v56 =	vmul.f32 v56, v25;
	v20 =	vmax.f32 v20, v28;
	v28 =	vmax.f32 v38, v41;
	v41 =	vld [tilespmem:s14+$0x100]  }
0x342: {  	v38 =	vmul.f32 v55, v27;
	v55 =	vmul.f32 v52, v27;
	v52 =	vld [tilespmem:s14+$0x130]  }
0x343: {  	v28 =	vmax.f32 v28, v56;
	v56 =	vld [tilespmem:s14+$0x1D0]  }
0x344: {  	v38 =	vmax.f32 v39, v38;
	v39 =	vmul.f32 v51, v27;
	v27 =	vmul.f32 v53, v27;
	v51 =	vld [tilespmem:s14+$0x120]  }
0x345: {  	v60 =	vmul.f32 v60, v25;
	v37 =	vmul.f32 v37, v26;
	v53 =	vld [tilespmem:s14+$0x1A0]  }
0x346: {  	v16 =	vmax.f32 v16, v55;
	v55 =	vld [tilespmem:s14+$0x1B0];
	v20 =	vmax.f32 v20, v27;
	v27 =	vmul.f32 v54, v25  }
0x347: {  	v33 =	vmul.f32 v33, v32;
	v38 =	vmax.f32 v38, v60;
	v60 =	vld [tilespmem:s14+$0x220];
	v18 =	vmax.f32 v18, v39  }
0x348: {  	v39 =	vld [tilespmem:s14+$0x140];
	v27 =	vmax.f32 v30, v27;
	v30 =	vmul.f32 v62, v25;
	v62 =	vmul.f32 v58, v25  }
0x349: {  	v54 =	vld [tilespmem:s14+$0x160];
	v25 =	vmul.f32 v48, v25;
	v48 =	vmul.f32 v46, v26  }
0x34a: {  	v46 =	vld [tilespmem:s14+$0x180];
	v58 =	vmul.f32 v59, v32;
	v59 =	vmul.f32 v61, v32  }
0x34b: {  	v61 =	vmul.f32 v41, v24;
	v41 =	vld [tilespmem:s14+$0x230];
	v56 =	vmul.f32 v56, v23  }
0x34c: {  	v16 =	vmax.f32 v16, v30;
	v18 =	vmax.f32 v18, v62;
	v30 =	vmul.f32 v47, v26;
	v47 =	vld [tilespmem:s14+$0x190]  }
0x34d: {  	v20 =	vmax.f32 v20, v25;
	v25 =	vmax.f32 v28, v48;
	v28 =	vmul.f32 v45, v26;
	v45 =	vld [tilespmem:s14+$0x240]  }
0x34e: {  	v62 =	vmul.f32 v50, v24;
	v50 =	vld [tilespmem:s14+$0x260];
	v21 =	vmax.f32 v21, v30;
	v30 =	vmul.f32 v44, v26  }
0x34f: {  	v48 =	vld [tilespmem:s14+$0x330];
	v27 =	vmax.f32 v27, v28;
	v28 =	vmul.f32 v34, v26;
	v26 =	vmul.f32 v63, v26  }
0x350: {  	v53 =	vmul.f32 v53, v23;
	v37 =	vmax.f32 v16, v37;
	v16 =	vmul.f32 v40, v32;
	v40 =	vld [tilespmem:s14+$0x200]  }
0x351: {  	v60 =	vmul.f32 v60, v35;
	v34 =	vld [tilespmem:s14+$0x1C0];
	v20 =	vmax.f32 v20, v26;
	v26 =	vmul.f32 v29, v32  }
0x352: {  	v39 =	vmul.f32 v39, v24;
	v63 =	vmul.f32 v52, v24;
	v52 =	vld [tilespmem:s14+$0x290];
	v25 =	vmax.f32 v25, v16  }
0x353: {  	v16 =	vld [tilespmem:$0x1FE50];
	v27 =	vmax.f32 v27, v33;
	v21 =	vmax.f32 v21, v26;
	v26 =	vmul.f32 v43, v32  }
0x354: {  	v33 =	vmax.f32 v37, v58;
	v30 =	vmax.f32 v38, v30;
	v28 =	vmax.f32 v18, v28;
	v29 =	vld [tilespmem:s14+$0x1E0]  }
0x355: {  	v25 =	vmax.f32 v25, v61;
	v61 =	vld [tilespmem:s14+$0x300];
	v26 =	vmax.f32 v30, v26;
	v30 =	vmul.f32 v57, v32  }
0x356: {  	v18 =	vimm.f32 $0.0e+00;
	v33 =	vmax.f32 v33, v39;
	v28 =	vmax.f32 v28, v59;
	v59 =	vld [tilespmem:s14+$0x2E0]  }
0x357: {  	v43 =	vld [tilespmem:s14+$0x210];
	v58 =	vmul.f32 v40, v35;
	v20 =	vmax.f32 v20, v30;
	v30 =	vmul.f32 v51, v24  }
0x358: {  	v21 =	vmax.f32 v21, v62;
	v62 =	vmul.f32 v41, v35;
	v32 =	vld [tilespmem:s14+$0x250];
	v51 =	vmul.f32 v46, v23  }
0x359: {  	v57 =	vld [tilespmem:s14+$0x2C0];
	v27 =	vmax.f32 v27, v30;
	v30 =	vmul.f32 v49, v24;
	v24 =	vmul.f32 v54, v24  }
0x35a: {  	v16 =	vadd.f32 v16, v18;
	v26 =	vmax.f32 v26, v63;
	v63 =	vmul.f32 v45, v35;
	v45 =	vld [tilespmem:s14+$0x310]  }
0x35b: {  	v46 =	vld [tilespmem:s14+$0x320];
	v25 =	vmax.f32 v25, v51;
	v20 =	vmax.f32 v20, v24;
	v24 =	vmul.f32 v47, v23  }
0x35c: {  	v49 =	vld [tilespmem:s14+$0x280];
	v54 =	vmul.f32 v55, v23;
	v27 =	vmax.f32 v27, v53;
	v25 =	vmax.f32 v25, v58  }
0x35d: {  	v55 =	vld [tilespmem:s14+$0x2B0];
	v21 =	vmax.f32 v21, v24;
	v24 =	vmul.f32 v34, v23;
	v23 =	vmul.f32 v29, v23  }
0x35e: {  	v28 =	vmax.f32 v28, v30;
	v30 =	vld [tilespmem:s14+$0x2A0];
	v26 =	vmax.f32 v26, v54;
	v47 =	vmul.f32 v50, v35  }
0x35f: {  	v50 =	vmul.f32 v52, v22;
	v29 =	vld [tilespmem:s14+$0x2D0];
	v20 =	vmax.f32 v20, v23;
	v23 =	vmul.f32 v43, v35  }
0x360: {  	v51 =	vld [tilespmem:s14+$0x340];
	v28 =	vmax.f32 v28, v56;
	v26 =	vmax.f32 v26, v62;
	v24 =	vmax.f32 v33, v24  }
0x361: {  	v53 =	vld [tilespmem:s14+$0x350];
	v21 =	vmax.f32 v21, v23;
	v23 =	vmax.f32 v27, v60;
	v27 =	vmul.f32 v32, v35  }
0x362: {  	v58 =	vld [tilespmem:s14+$0x3D0];
	v52 =	vmul.f32 v55, v22;
	v24 =	vmax.f32 v24, v63;
	v20 =	vmax.f32 v20, v47  }
0x363: {  	v62 =	vld [tilespmem:s24+$0xFFFFFFF0];
	v30 =	vmul.f32 v30, v22;
	v27 =	vmax.f32 v28, v27;
	v28 =	vmul.f32 v49, v22  }
0x364: {  	v54 =	vld [tilespmem:s14+$0x360];
	v26 =	vmax.f32 v26, v52;
	v32 =	vmul.f32 v46, v31;
	v29 =	vmul.f32 v29, v22  }
0x365: {  	v60 =	vld [tilespmem:s24+$0xFFFFFFE0];
	v21 =	vmax.f32 v21, v50;
	v25 =	vmax.f32 v25, v28;
	v28 =	vmul.f32 v57, v22  }
0x366: {  	v55 =	vld [tilespmem:s14+$0x390];
	v23 =	vmax.f32 v23, v30;
	v27 =	vmax.f32 v27, v29;
	v29 =	vmul.f32 v45, v31  }
0x367: {  	v30 =	vld [tilespmem:s14+$0x380];
	v22 =	vmul.f32 v59, v22;
	v24 =	vmax.f32 v24, v28;
	v28 =	vmul.f32 v61, v31  }
0x368: {  	v56 =	vld [tilespmem:s14+$0x3A0];
	v39 =	vmul.f32 v62, v17;
	v21 =	vmax.f32 v21, v29;
	v29 =	vmul.f32 v51, v31  }
0x369: {  	v20 =	vmax.f32 v20, v22;
	v22 =	vmax.f32 v25, v28;
	v25 =	vmul.f32 v48, v31;
	v28 =	vld [tilespmem:s14+$0x3B0]  }
0x36a: {  	v23 =	vmax.f32 v23, v32;
	v57 =	vld [tilespmem:s14+$0x3C0];
	v35 =	vmul.f32 v60, v17;
	v61 =	vmul.f32 v58, v36  }
0x36b: {  	v25 =	vmax.f32 v26, v25;
	v26 =	vmul.f32 v53, v31;
	v31 =	vmul.f32 v54, v31  }
0x36c: {  	v59 =	vld [tilespmem:s14+$0x3E0];
	v24 =	vmax.f32 v24, v29;
	v29 =	vmul.f32 v30, v36;
	v30 =	vmul.f32 v55, v36  }
0x36d: {  	v26 =	vmax.f32 v27, v26;
	v20 =	vmax.f32 v20, v31;
	v27 =	vmul.f32 v56, v36;
	v31 =	vld [tilespmem:s24+$0xFFFFFFC0]  }
0x36e: {  	v22 =	vmax.f32 v22, v29;
	v21 =	vmax.f32 v21, v30;
	v30 =	vld [tilespmem:s24+$0xFFFFFFD0];
	v28 =	vmul.f32 v28, v36  }
0x36f: {  	v22 =	vmul.f32 v22, v19;
	v23 =	vmax.f32 v23, v27;
	v27 =	vmul.f32 v57, v36  }
0x370: {  	v21 =	vmul.f32 v21, v19;
	v25 =	vmax.f32 v25, v28;
	v29 =	vmul.f32 v23, v19  }
0x371: {  	v23 =	vmax.f32 v24, v27;
	v24 =	vmul.f32 v59, v36;
	v28 =	vmul.f32 v25, v19  }
0x372: {  	v25 =	vmax.f32 v26, v61;
	v63 =	vmul.f32 v31, v17;
	v31 =	vld [tilespmem:s24+$0x0];
	v26 =	vmul.f32 v23, v19  }
0x373: {  	v32 =	vld [tilespmem:s24+$0x10];
	v23 =	vmul.f32 v30, v17;
	v27 =	vmul.f32 v25, v19;
	v20 =	vmax.f32 v20, v24  }
0x374: {  	s12 =	simm.s32 $0x16110;
	v33 =	vld [tilespmem:s24+$0x20];
	v24 =	vimm.f32 $0.0e+00;
	v34 =	vadd.f32 v63, v22;
	v30 =	vmul.f32 v20, v19  }
0x375: {  	s20 =	simm.s32 $0xC100;
	v38 =	vld [tilespmem:s12+$0x0];
	v37 =	vadd.f32 v23, v21;
	v23 =	vimm.f32 $0.0e+00;
	v22 =	vimm.f32 $0.0e+00  }
0x376: {  	s11 =	simm.s32 $0x4;
	s13 =	simm.s32 $0x8;
	v36 =	vld [tilespmem:s20+$0x370];
	v21 =	vimm.f32 $0.0e+00;
	v20 =	vimm.f32 $0.0e+00;
	v19 =	vimm.f32 $0.0e+00  }
.LBB2_5:
0x377: {  	p0 =	sne.s32 s13, $0x4C;
	v25 =	vld [tilespmem:s20+$0xFFFFFC70];
	v18 =	vadd.f32 v34, v18;
	v29 =	vadd.f32 v35, v29;
	v31 =	vmul.f32 v31, v17  }
0x378: {  	v34 =	vld [tilespmem:s20+$0xFFFFFCF0];
	v24 =	vadd.f32 v37, v24;
	v28 =	vadd.f32 v39, v28;
	v32 =	vmul.f32 v32, v17  }
0x379: {  	v35 =	vld [tilespmem:s20+$0xFFFFFD70];
	v23 =	vadd.f32 v29, v23;
	v26 =	vadd.f32 v31, v26;
	v17 =	vmul.f32 v33, v17  }
0x37a: {  	v29 =	vld [tilespmem:s20+$0xFFFFFDF0];
	v22 =	vadd.f32 v28, v22;
	v27 =	vadd.f32 v32, v27  }
0x37b: {  	v43 =	vperm.xlane v38, v0;
	v42 =	vperm.xlane v38, v1;
	v28 =	vld [tilespmem:s20+$0xFFFFFE70];
	v17 =	vadd.f32 v17, v30  }
0x37c: {  	v41 =	vperm.xlane v38, v2;
	v40 =	vperm.xlane v38, v3;
	v21 =	vadd.f32 v26, v21;
	v30 =	vld [tilespmem:s20+$0xFFFFFEF0]  }
0x37d: {  	v20 =	vadd.f32 v27, v20;
	v25 =	vmul.f32 v25, v43;
	v26 =	vmul.f32 v34, v42;
	v31 =	vld [tilespmem:s20+$0xFFFFFF70]  }
0x37e: {  	v39 =	vperm.xlane v38, v4;
	v19 =	vadd.f32 v17, v19;
	v27 =	vmul.f32 v35, v41;
	v32 =	vld [tilespmem:s20+$0xFFFFFFF0]  }
0x37f: {  	v37 =	vperm.xlane v38, v5;
	v17 =	vmax.f32 v25, v26;
	v25 =	vmul.f32 v29, v40;
	v26 =	vld [tilespmem:s20+$0x70]  }
0x380: {  	v35 =	vperm.xlane v38, v6;
	v17 =	vmax.f32 v17, v27;
	v27 =	vmul.f32 v28, v39;
	v28 =	vld [tilespmem:s20+$0xF0]  }
0x381: {  	v34 =	vperm.xlane v38, v7;
	v17 =	vmax.f32 v17, v25;
	v25 =	vmul.f32 v30, v37;
	v29 =	vld [tilespmem:s20+$0x170]  }
0x382: {  	v33 =	vperm.xlane v38, v8;
	v17 =	vmax.f32 v17, v27;
	v27 =	vmul.f32 v31, v35;
	v44 =	vld [tilespmem:s20+$0x1F0]  }
0x383: {  	v17 =	vmax.f32 v17, v25;
	v25 =	vmul.f32 v32, v34;
	v32 =	vperm.xlane v38, v9;
	v45 =	vld [tilespmem:s20+$0x270]  }
0x384: {  	s14 =	sshra.s32 s11, $0x2;
	s11 =	smov.u32 s13;
	v31 =	vperm.xlane v38, v10;
	v17 =	vmax.f32 v17, v27;
	v26 =	vmul.f32 v26, v33;
	v46 =	vld [tilespmem:s20+$0x2F0]  }
0x385: {  	v30 =	vperm.xlane v38, v11;
	v47 =	vld [tilespmem:s14+$0x16280];
	v17 =	vmax.f32 v17, v25;
	v25 =	vmul.f32 v28, v32  }
0x386: {  	v17 =	vmax.f32 v17, v26;
	v26 =	vmul.f32 v29, v31;
	v29 =	vperm.xlane v38, v12;
	v48 =	vld [tilespmem:s20+$0x3F0]  }
0x387: {  	v28 =	vperm.xlane v38, v13;
	v49 =	vld [tilespmem:s20+$0xFFFFFC00];
	v17 =	vmax.f32 v17, v25;
	v25 =	vmul.f32 v44, v30  }
0x388: {  	s24 =	sadd.s32 $0x80, s24;
	v27 =	vperm.xlane v38, v14;
	v44 =	vld [tilespmem:s20+$0xFFFFFC10];
	v17 =	vmax.f32 v17, v26;
	v45 =	vmul.f32 v45, v29  }
0x389: {  	v26 =	vperm.xlane v38, v15;
	v25 =	vmax.f32 v17, v25;
	v46 =	vmul.f32 v46, v28;
	v38 =	vld [tilespmem:s24+$0x30]  }
0x38a: {  	v36 =	vmul.f32 v36, v27;
	v17 =	vperm.xlane v47, v0;
	v47 =	vld [tilespmem:s20+$0xFFFFFC20];
	v25 =	vmax.f32 v25, v45  }
0x38b: {  	v45 =	vld [tilespmem:s20+$0xFFFFFC30];
	v25 =	vmax.f32 v25, v46;
	v46 =	vmul.f32 v48, v26  }
0x38c: {  	v48 =	vmul.f32 v49, v43;
	v49 =	vld [tilespmem:s20+$0xFFFFFC40];
	v36 =	vmax.f32 v25, v36;
	v25 =	vsub.f32 $1.000000000e+00, v17  }
0x38d: {  	v44 =	vmul.f32 v44, v43;
	v50 =	vld [tilespmem:s20+$0xFFFFFC50];
	v36 =	vmax.f32 v36, v46  }
0x38e: {  	v46 =	vld [tilespmem:s20+$0xFFFFFC60];
	v36 =	vmul.f32 v36, v25;
	v38 =	vmul.f32 v38, v17  }
0x38f: {  	v47 =	vmul.f32 v47, v43;
	v51 =	vld [tilespmem:s20+$0xFFFFFC80]  }
0x390: {  	v45 =	vmul.f32 v45, v43;
	v52 =	vld [tilespmem:s20+$0xFFFFFC90];
	v36 =	vadd.f32 v38, v36  }
0x391: {  	v38 =	vmul.f32 v49, v43;
	v49 =	vld [tilespmem:s20+$0xFFFFFCA0]  }
0x392: {  	v50 =	vmul.f32 v50, v43;
	v53 =	vld [tilespmem:s20+$0xFFFFFCB0];
	v16 =	vadd.f32 v36, v16  }
0x393: {  	v36 =	vmul.f32 v46, v43;
	v43 =	vld [tilespmem:s20+$0xFFFFFCC0]  }
0x394: {  	v46 =	vmul.f32 v51, v42;
	v51 =	vld [tilespmem:s20+$0xFFFFFCD0]  }
0x395: {  	v52 =	vmul.f32 v52, v42;
	v54 =	vld [tilespmem:s20+$0xFFFFFCE0]  }
0x396: {  	v46 =	vmax.f32 v48, v46;
	v48 =	vmul.f32 v49, v42;
	v49 =	vld [tilespmem:s20+$0xFFFFFD00]  }
0x397: {  	v44 =	vmax.f32 v44, v52;
	v52 =	vmul.f32 v53, v42;
	v53 =	vld [tilespmem:s20+$0xFFFFFD10]  }
0x398: {  	v47 =	vmax.f32 v47, v48;
	v43 =	vmul.f32 v43, v42;
	v48 =	vld [tilespmem:s20+$0xFFFFFD20]  }
0x399: {  	v45 =	vmax.f32 v45, v52;
	v51 =	vmul.f32 v51, v42;
	v52 =	vld [tilespmem:s20+$0xFFFFFD30]  }
0x39a: {  	v38 =	vmax.f32 v38, v43;
	v42 =	vmul.f32 v54, v42;
	v43 =	vld [tilespmem:s20+$0xFFFFFD40]  }
0x39b: {  	v50 =	vmax.f32 v50, v51;
	v49 =	vmul.f32 v49, v41;
	v51 =	vld [tilespmem:s20+$0xFFFFFD50]  }
0x39c: {  	v36 =	vmax.f32 v36, v42;
	v42 =	vmul.f32 v53, v41;
	v53 =	vld [tilespmem:s20+$0xFFFFFD60]  }
0x39d: {  	v46 =	vmax.f32 v46, v49;
	v48 =	vmul.f32 v48, v41;
	v49 =	vld [tilespmem:s20+$0xFFFFFD80]  }
0x39e: {  	v42 =	vmax.f32 v44, v42;
	v44 =	vmul.f32 v52, v41;
	v52 =	vld [tilespmem:s20+$0xFFFFFD90]  }
0x39f: {  	v47 =	vmax.f32 v47, v48;
	v43 =	vmul.f32 v43, v41;
	v48 =	vld [tilespmem:s20+$0xFFFFFDA0]  }
0x3a0: {  	v44 =	vmax.f32 v45, v44;
	v45 =	vmul.f32 v51, v41;
	v51 =	vld [tilespmem:s20+$0xFFFFFDB0]  }
0x3a1: {  	v38 =	vmax.f32 v38, v43;
	v41 =	vmul.f32 v53, v41;
	v43 =	vld [tilespmem:s20+$0xFFFFFDC0]  }
0x3a2: {  	v45 =	vmax.f32 v50, v45;
	v49 =	vmul.f32 v49, v40;
	v50 =	vld [tilespmem:s20+$0xFFFFFDD0]  }
0x3a3: {  	v36 =	vmax.f32 v36, v41;
	v41 =	vmul.f32 v52, v40;
	v52 =	vld [tilespmem:s20+$0xFFFFFDE0]  }
0x3a4: {  	v46 =	vmax.f32 v46, v49;
	v48 =	vmul.f32 v48, v40;
	v49 =	vld [tilespmem:s20+$0xFFFFFE00]  }
0x3a5: {  	v41 =	vmax.f32 v42, v41;
	v42 =	vmul.f32 v51, v40;
	v51 =	vld [tilespmem:s20+$0xFFFFFE10]  }
0x3a6: {  	v47 =	vmax.f32 v47, v48;
	v43 =	vmul.f32 v43, v40;
	v48 =	vld [tilespmem:s20+$0xFFFFFE20]  }
0x3a7: {  	v42 =	vmax.f32 v44, v42;
	v44 =	vmul.f32 v50, v40;
	v50 =	vld [tilespmem:s20+$0xFFFFFE30]  }
0x3a8: {  	v38 =	vmax.f32 v38, v43;
	v40 =	vmul.f32 v52, v40;
	v43 =	vld [tilespmem:s20+$0xFFFFFE40]  }
0x3a9: {  	v44 =	vmax.f32 v45, v44;
	v45 =	vmul.f32 v49, v39;
	v49 =	vld [tilespmem:s20+$0xFFFFFE50]  }
0x3aa: {  	v36 =	vmax.f32 v36, v40;
	v40 =	vmul.f32 v51, v39;
	v51 =	vld [tilespmem:s20+$0xFFFFFE60]  }
0x3ab: {  	v45 =	vmax.f32 v46, v45;
	v46 =	vmul.f32 v48, v39;
	v48 =	vld [tilespmem:s20+$0xFFFFFE80]  }
0x3ac: {  	v40 =	vmax.f32 v41, v40;
	v41 =	vmul.f32 v50, v39;
	v50 =	vld [tilespmem:s20+$0xFFFFFE90]  }
0x3ad: {  	v46 =	vmax.f32 v47, v46;
	v43 =	vmul.f32 v43, v39;
	v47 =	vld [tilespmem:s20+$0xFFFFFEA0]  }
0x3ae: {  	v41 =	vmax.f32 v42, v41;
	v42 =	vmul.f32 v49, v39;
	v49 =	vld [tilespmem:s20+$0xFFFFFEB0]  }
0x3af: {  	v38 =	vmax.f32 v38, v43;
	v39 =	vmul.f32 v51, v39;
	v43 =	vld [tilespmem:s20+$0xFFFFFEC0]  }
0x3b0: {  	v42 =	vmax.f32 v44, v42;
	v44 =	vmul.f32 v48, v37;
	v48 =	vld [tilespmem:s20+$0xFFFFFED0]  }
0x3b1: {  	v36 =	vmax.f32 v36, v39;
	v39 =	vmul.f32 v50, v37;
	v50 =	vld [tilespmem:s20+$0xFFFFFEE0]  }
0x3b2: {  	v44 =	vmax.f32 v45, v44;
	v45 =	vmul.f32 v47, v37;
	v47 =	vld [tilespmem:s20+$0xFFFFFF00]  }
0x3b3: {  	v39 =	vmax.f32 v40, v39;
	v40 =	vmul.f32 v49, v37;
	v49 =	vld [tilespmem:s20+$0xFFFFFF10]  }
0x3b4: {  	v45 =	vmax.f32 v46, v45;
	v43 =	vmul.f32 v43, v37;
	v46 =	vld [tilespmem:s20+$0xFFFFFF20]  }
0x3b5: {  	v40 =	vmax.f32 v41, v40;
	v41 =	vmul.f32 v48, v37;
	v48 =	vld [tilespmem:s20+$0xFFFFFF30]  }
0x3b6: {  	v38 =	vmax.f32 v38, v43;
	v37 =	vmul.f32 v50, v37;
	v43 =	vld [tilespmem:s20+$0xFFFFFF40]  }
0x3b7: {  	v41 =	vmax.f32 v42, v41;
	v42 =	vmul.f32 v47, v35;
	v47 =	vld [tilespmem:s20+$0xFFFFFF50]  }
0x3b8: {  	v36 =	vmax.f32 v36, v37;
	v37 =	vmul.f32 v49, v35;
	v49 =	vld [tilespmem:s20+$0xFFFFFF60]  }
0x3b9: {  	v42 =	vmax.f32 v44, v42;
	v44 =	vmul.f32 v46, v35;
	v46 =	vld [tilespmem:s20+$0xFFFFFF80]  }
0x3ba: {  	v37 =	vmax.f32 v39, v37;
	v39 =	vmul.f32 v48, v35;
	v48 =	vld [tilespmem:s20+$0xFFFFFF90]  }
0x3bb: {  	v44 =	vmax.f32 v45, v44;
	v43 =	vmul.f32 v43, v35;
	v45 =	vld [tilespmem:s20+$0xFFFFFFA0]  }
0x3bc: {  	v39 =	vmax.f32 v40, v39;
	v40 =	vmul.f32 v47, v35;
	v47 =	vld [tilespmem:s20+$0xFFFFFFB0]  }
0x3bd: {  	v38 =	vmax.f32 v38, v43;
	v35 =	vmul.f32 v49, v35;
	v43 =	vld [tilespmem:s20+$0xFFFFFFC0]  }
0x3be: {  	v40 =	vmax.f32 v41, v40;
	v41 =	vmul.f32 v46, v34;
	v46 =	vld [tilespmem:s20+$0xFFFFFFD0]  }
0x3bf: {  	v35 =	vmax.f32 v36, v35;
	v36 =	vmul.f32 v48, v34;
	v48 =	vld [tilespmem:s20+$0xFFFFFFE0]  }
0x3c0: {  	v41 =	vmax.f32 v42, v41;
	v42 =	vmul.f32 v45, v34;
	v45 =	vld [tilespmem:s20+$0x0]  }
0x3c1: {  	v36 =	vmax.f32 v37, v36;
	v37 =	vmul.f32 v47, v34;
	v47 =	vld [tilespmem:s20+$0x10]  }
0x3c2: {  	v42 =	vmax.f32 v44, v42;
	v43 =	vmul.f32 v43, v34;
	v44 =	vld [tilespmem:s20+$0x20]  }
0x3c3: {  	v37 =	vmax.f32 v39, v37;
	v39 =	vmul.f32 v46, v34;
	v46 =	vld [tilespmem:s20+$0x30]  }
0x3c4: {  	v38 =	vmax.f32 v38, v43;
	v34 =	vmul.f32 v48, v34;
	v43 =	vld [tilespmem:s20+$0x40]  }
0x3c5: {  	v39 =	vmax.f32 v40, v39;
	v40 =	vmul.f32 v45, v33;
	v45 =	vld [tilespmem:s20+$0x50]  }
0x3c6: {  	v34 =	vmax.f32 v35, v34;
	v35 =	vmul.f32 v47, v33;
	v47 =	vld [tilespmem:s20+$0x60]  }
0x3c7: {  	v40 =	vmax.f32 v41, v40;
	v41 =	vmul.f32 v44, v33;
	v44 =	vld [tilespmem:s20+$0x80]  }
0x3c8: {  	v35 =	vmax.f32 v36, v35;
	v36 =	vmul.f32 v46, v33;
	v46 =	vld [tilespmem:s20+$0x90]  }
0x3c9: {  	v41 =	vmax.f32 v42, v41;
	v42 =	vmul.f32 v43, v33;
	v43 =	vld [tilespmem:s20+$0xA0]  }
0x3ca: {  	v36 =	vmax.f32 v37, v36;
	v37 =	vmul.f32 v45, v33;
	v45 =	vld [tilespmem:s20+$0xB0]  }
0x3cb: {  	v38 =	vmax.f32 v38, v42;
	v33 =	vmul.f32 v47, v33;
	v42 =	vld [tilespmem:s20+$0xC0]  }
0x3cc: {  	v37 =	vmax.f32 v39, v37;
	v39 =	vmul.f32 v44, v32;
	v44 =	vld [tilespmem:s20+$0xD0]  }
0x3cd: {  	v33 =	vmax.f32 v34, v33;
	v34 =	vmul.f32 v46, v32;
	v46 =	vld [tilespmem:s20+$0xE0]  }
0x3ce: {  	v39 =	vmax.f32 v40, v39;
	v40 =	vmul.f32 v43, v32;
	v43 =	vld [tilespmem:s20+$0x100]  }
0x3cf: {  	v34 =	vmax.f32 v35, v34;
	v35 =	vmul.f32 v45, v32;
	v45 =	vld [tilespmem:s20+$0x110]  }
0x3d0: {  	v40 =	vmax.f32 v41, v40;
	v41 =	vmul.f32 v42, v32;
	v42 =	vld [tilespmem:s20+$0x120]  }
0x3d1: {  	v35 =	vmax.f32 v36, v35;
	v36 =	vmul.f32 v44, v32;
	v44 =	vld [tilespmem:s20+$0x130]  }
0x3d2: {  	v38 =	vmax.f32 v38, v41;
	v32 =	vmul.f32 v46, v32;
	v41 =	vld [tilespmem:s20+$0x140]  }
0x3d3: {  	v36 =	vmax.f32 v37, v36;
	v37 =	vmul.f32 v43, v31;
	v43 =	vld [tilespmem:s20+$0x150]  }
0x3d4: {  	v32 =	vmax.f32 v33, v32;
	v33 =	vmul.f32 v45, v31;
	v45 =	vld [tilespmem:s20+$0x160]  }
0x3d5: {  	v37 =	vmax.f32 v39, v37;
	v39 =	vmul.f32 v42, v31;
	v42 =	vld [tilespmem:s20+$0x180]  }
0x3d6: {  	v33 =	vmax.f32 v34, v33;
	v34 =	vmul.f32 v44, v31;
	v44 =	vld [tilespmem:s20+$0x190]  }
0x3d7: {  	v39 =	vmax.f32 v40, v39;
	v40 =	vmul.f32 v41, v31;
	v41 =	vld [tilespmem:s20+$0x1A0]  }
0x3d8: {  	v34 =	vmax.f32 v35, v34;
	v35 =	vmul.f32 v43, v31;
	v43 =	vld [tilespmem:s20+$0x1B0]  }
0x3d9: {  	v38 =	vmax.f32 v38, v40;
	v31 =	vmul.f32 v45, v31;
	v40 =	vld [tilespmem:s20+$0x1C0]  }
0x3da: {  	v35 =	vmax.f32 v36, v35;
	v36 =	vmul.f32 v42, v30;
	v42 =	vld [tilespmem:s20+$0x1D0]  }
0x3db: {  	v31 =	vmax.f32 v32, v31;
	v32 =	vmul.f32 v44, v30;
	v44 =	vld [tilespmem:s20+$0x1E0]  }
0x3dc: {  	v36 =	vmax.f32 v37, v36;
	v37 =	vmul.f32 v41, v30;
	v41 =	vld [tilespmem:s20+$0x200]  }
0x3dd: {  	v32 =	vmax.f32 v33, v32;
	v33 =	vmul.f32 v43, v30;
	v43 =	vld [tilespmem:s20+$0x210]  }
0x3de: {  	v37 =	vmax.f32 v39, v37;
	v39 =	vmul.f32 v40, v30;
	v40 =	vld [tilespmem:s20+$0x220]  }
0x3df: {  	v33 =	vmax.f32 v34, v33;
	v34 =	vmul.f32 v42, v30;
	v42 =	vld [tilespmem:s20+$0x230]  }
0x3e0: {  	v38 =	vmax.f32 v38, v39;
	v30 =	vmul.f32 v44, v30;
	v39 =	vld [tilespmem:s20+$0x240]  }
0x3e1: {  	v34 =	vmax.f32 v35, v34;
	v35 =	vmul.f32 v41, v29;
	v41 =	vld [tilespmem:s20+$0x250]  }
0x3e2: {  	v30 =	vmax.f32 v31, v30;
	v31 =	vmul.f32 v43, v29;
	v43 =	vld [tilespmem:s20+$0x260]  }
0x3e3: {  	v35 =	vmax.f32 v36, v35;
	v36 =	vmul.f32 v40, v29;
	v40 =	vld [tilespmem:s20+$0x280]  }
0x3e4: {  	v31 =	vmax.f32 v32, v31;
	v32 =	vmul.f32 v42, v29;
	v42 =	vld [tilespmem:s20+$0x290]  }
0x3e5: {  	v36 =	vmax.f32 v37, v36;
	v37 =	vmul.f32 v39, v29;
	v39 =	vld [tilespmem:s20+$0x2A0]  }
0x3e6: {  	v32 =	vmax.f32 v33, v32;
	v33 =	vmul.f32 v41, v29;
	v41 =	vld [tilespmem:s20+$0x2B0]  }
0x3e7: {  	v37 =	vmax.f32 v38, v37;
	v29 =	vmul.f32 v43, v29;
	v38 =	vld [tilespmem:s20+$0x2C0]  }
0x3e8: {  	v33 =	vmax.f32 v34, v33;
	v34 =	vmul.f32 v40, v28;
	v40 =	vld [tilespmem:s20+$0x2D0]  }
0x3e9: {  	v29 =	vmax.f32 v30, v29;
	v30 =	vmul.f32 v42, v28;
	v42 =	vld [tilespmem:s20+$0x2E0]  }
0x3ea: {  	v34 =	vmax.f32 v35, v34;
	v35 =	vmul.f32 v39, v28;
	v39 =	vld [tilespmem:s20+$0x300]  }
0x3eb: {  	v30 =	vmax.f32 v31, v30;
	v31 =	vmul.f32 v41, v28;
	v41 =	vld [tilespmem:s20+$0x310]  }
0x3ec: {  	v35 =	vmax.f32 v36, v35;
	v36 =	vmul.f32 v38, v28;
	v38 =	vld [tilespmem:s20+$0x320]  }
0x3ed: {  	v31 =	vmax.f32 v32, v31;
	v32 =	vmul.f32 v40, v28;
	v40 =	vld [tilespmem:s20+$0x330]  }
0x3ee: {  	v36 =	vmax.f32 v37, v36;
	v28 =	vmul.f32 v42, v28;
	v37 =	vld [tilespmem:s20+$0x340]  }
0x3ef: {  	v32 =	vmax.f32 v33, v32;
	v33 =	vmul.f32 v39, v27;
	v39 =	vld [tilespmem:s20+$0x350]  }
0x3f0: {  	v28 =	vmax.f32 v29, v28;
	v29 =	vmul.f32 v41, v27;
	v41 =	vld [tilespmem:s20+$0x360]  }
0x3f1: {  	v33 =	vmax.f32 v34, v33;
	v34 =	vmul.f32 v38, v27;
	v38 =	vld [tilespmem:s20+$0x380]  }
0x3f2: {  	v29 =	vmax.f32 v30, v29;
	v30 =	vmul.f32 v40, v27;
	v40 =	vld [tilespmem:s20+$0x390]  }
0x3f3: {  	v34 =	vmax.f32 v35, v34;
	v35 =	vmul.f32 v37, v27;
	v37 =	vld [tilespmem:s20+$0x3A0]  }
0x3f4: {  	v30 =	vmax.f32 v31, v30;
	v31 =	vmul.f32 v39, v27;
	v39 =	vld [tilespmem:s20+$0x3B0]  }
0x3f5: {  	v35 =	vmax.f32 v36, v35;
	v27 =	vmul.f32 v41, v27;
	v36 =	vld [tilespmem:s20+$0x3C0]  }
0x3f6: {  	v32 =	vmax.f32 v32, v31;
	v31 =	vmul.f32 v38, v26;
	v38 =	vld [tilespmem:s20+$0x3D0]  }
0x3f7: {  	v27 =	vmax.f32 v28, v27;
	v28 =	vmul.f32 v40, v26;
	v40 =	vld [tilespmem:s20+$0x3E0]  }
0x3f8: {  	v31 =	vmax.f32 v33, v31;
	v33 =	vmul.f32 v37, v26;
	v37 =	vld [tilespmem:s24+$0xFFFFFFC0]  }
0x3f9: {  	v28 =	vmax.f32 v29, v28;
	v29 =	vmul.f32 v39, v26;
	v39 =	vmul.f32 v31, v25;
	v41 =	vld [tilespmem:s24+$0xFFFFFFD0]  }
0x3fa: {  	v31 =	vmax.f32 v34, v33;
	v33 =	vmul.f32 v36, v26;
	v42 =	vmul.f32 v28, v25;
	v43 =	vld [tilespmem:s24+$0xFFFFFFE0]  }
0x3fb: {  	v28 =	vmax.f32 v30, v29;
	v30 =	vmul.f32 v38, v26;
	v29 =	vmul.f32 v31, v25;
	v44 =	vld [tilespmem:s24+$0xFFFFFFF0]  }
.Ltmp1:
0x3fc: {  	v33 =	vmax.f32 v35, v33;
	v34 =	vmul.f32 v40, v26;
	v28 =	vmul.f32 v28, v25;
	v31 =	vld [tilespmem:s24+$0x0];
	(pc) =	sbr.rel @p0 .LBB2_5-.Ltmp1, $4  }
0x3fd: {  	v30 =	vmax.f32 v32, v30;
	v35 =	vmul.f32 v37, v17;
	v26 =	vmul.f32 v33, v25;
	v32 =	vld [tilespmem:s24+$0x10]  }
0x3fe: {  	s20 =	sadd.s32 $0x800, s20;
	v37 =	vmax.f32 v27, v34;
	v40 =	vmul.f32 v41, v17;
	v27 =	vmul.f32 v30, v25;
	v33 =	vld [tilespmem:s24+$0x20]  }
0x3ff: {  	s12 =	sadd.s32 $0x10, s12;
	v36 =	vld [tilespmem:s20+$0x370];
	v34 =	vadd.f32 v35, v39;
	v35 =	vmul.f32 v43, v17;
	v30 =	vmul.f32 v37, v25  }
0x400: {  	s13 =	sadd.s32 $0x4, s13;
	v38 =	vld [tilespmem:s12+$0x0];
	v37 =	vadd.f32 v40, v42;
	v39 =	vmul.f32 v44, v17  }
0x401: {  	v63 =	vld [tilespmem:s20+$0xFFFFFCB0];
	_ =	sdelay $0x4  }
0x402: {  	[tilespmem:$0x1F7E0] =	vst v63;
	v63 =	vld [tilespmem:s20+$0xFFFFFCC0];
	_ =	sdelay $0x4  }
0x403: {  	[tilespmem:$0x1F7F0] =	vst v63;
	v63 =	vld [tilespmem:s20+$0xFFFFFCD0];
	_ =	sdelay $0x4  }
0x404: {  	[tilespmem:$0x1F800] =	vst v63;
	v63 =	vld [tilespmem:s20+$0xFFFFFCE0];
	_ =	sdelay $0x4  }
0x405: {  	[tilespmem:$0x1F810] =	vst v63;
	v63 =	vld [tilespmem:s20+$0xFFFFFD00];
	_ =	sdelay $0x4  }
0x406: {  	[tilespmem:$0x1F820] =	vst v63;
	v63 =	vld [tilespmem:s20+$0xFFFFFD10];
	_ =	sdelay $0x4  }
0x407: {  	[tilespmem:$0x1F830] =	vst v63;
	v63 =	vld [tilespmem:s20+$0xFFFFFD20];
	_ =	sdelay $0x4  }
0x408: {  	[tilespmem:$0x1F840] =	vst v63;
	v63 =	vld [tilespmem:s20+$0xFFFFFD30]  }
0x409: {  	v42 =	vld [tilespmem:s20+$0xFFFFFC70]  }
0x40a: {  	v43 =	vld [tilespmem:s20+$0xFFFFFCF0]  }
0x40b: {  	v44 =	vld [tilespmem:s20+$0xFFFFFD70]  }
0x40c: {  	v45 =	vld [tilespmem:s20+$0xFFFFFDF0]  }
0x40d: {  	[tilespmem:$0x1F850] =	vst v63;
	v63 =	vld [tilespmem:s20+$0xFFFFFD40]  }
0x40e: {  	v46 =	vld [tilespmem:s20+$0xFFFFFE70]  }
0x40f: {  	v47 =	vld [tilespmem:s20+$0xFFFFFEF0]  }
0x410: {  	v48 =	vld [tilespmem:s20+$0xFFFFFF70]  }
0x411: {  	v49 =	vld [tilespmem:s20+$0xFFFFFFF0]  }
0x412: {  	[tilespmem:$0x1F860] =	vst v63;
	v63 =	vld [tilespmem:s20+$0xFFFFFD50]  }
0x413: {  	v50 =	vld [tilespmem:s20+$0x70]  }
0x414: {  	v51 =	vld [tilespmem:s20+$0xF0]  }
0x415: {  	v52 =	vld [tilespmem:s20+$0x170]  }
0x416: {  	v53 =	vld [tilespmem:s20+$0x1F0]  }
0x417: {  	[tilespmem:$0x1F870] =	vst v63;
	v63 =	vld [tilespmem:s20+$0xFFFFFD60]  }
0x418: {  	v54 =	vld [tilespmem:s20+$0x270]  }
0x419: {  	v55 =	vld [tilespmem:s20+$0x2F0]  }
0x41a: {  	v56 =	vld [tilespmem:s20+$0x3F0]  }
0x41b: {  	v57 =	vld [tilespmem:s20+$0xFFFFFC00]  }
0x41c: {  	[tilespmem:$0x1F880] =	vst v63;
	v63 =	vld [tilespmem:s20+$0xFFFFFD80]  }
0x41d: {  	v58 =	vld [tilespmem:s20+$0xFFFFFC10]  }
0x41e: {  	v59 =	vld [tilespmem:s20+$0xFFFFFC20]  }
0x41f: {  	v60 =	vld [tilespmem:s20+$0xFFFFFC30]  }
0x420: {  	v61 =	vld [tilespmem:s20+$0xFFFFFC40];
	v28 =	vadd.f32 v39, v28  }
0x421: {  	v18 =	vadd.f32 v34, v18;
	v31 =	vmul.f32 v31, v17;
	v34 =	vadd.f32 v37, v24;
	[tilespmem:$0x1F890] =	vst v63;
	v63 =	vld [tilespmem:s20+$0xFFFFFD90]  }
0x422: {  	s11 =	sshra.s32 s11, $0x2;
	v62 =	vld [tilespmem:s20+$0xFFFFFC50];
	v32 =	vmul.f32 v32, v17;
	v37 =	vmul.f32 v33, v17;
	v17 =	vadd.f32 v28, v22  }
0x423: {  	v29 =	vadd.f32 v35, v29;
	v25 =	vld [tilespmem:s11+$0x16280];
	[tilespmem:$0x1F9C0] =	vst v18  }
0x424: {  	[tilespmem:$0x1F9F0] =	vst v17;
	v17 =	vld [tilespmem:s20+$0xFFFFFDC0]  }
0x425: {  	v35 =	vadd.f32 v29, v23;
	v26 =	vadd.f32 v31, v26;
	v31 =	vld [tilespmem:s20+$0xFFFFFDD0];
	[tilespmem:$0x1F9D0] =	vst v34  }
0x426: {  	v39 =	vadd.f32 v32, v27;
	v32 =	vperm.xlane v38, v0;
	[tilespmem:$0x1F8A0] =	vst v63;
	v63 =	vld [tilespmem:s20+$0xFFFFFDA0]  }
0x427: {  	[tilespmem:$0x1F9E0] =	vst v35;
	v33 =	vadd.f32 v37, v30;
	v18 =	vperm.xlane v38, v2;
	v28 =	vperm.xlane v38, v3;
	v37 =	vld [tilespmem:s20+$0xFFFFFE10]  }
0x428: {  	v34 =	vld [tilespmem:s20+$0xFFFFFDE0];
	v29 =	vperm.xlane v38, v11;
	v27 =	vperm.xlane v38, v13;
	[tilespmem:$0x1F9A0] =	vst v25  }
0x429: {  	v41 =	vld [tilespmem:s20+$0xFFFFFC60];
	v23 =	vperm.xlane v38, v15;
	[tilespmem:$0x1F8C0] =	vst v17;
	v17 =	vperm.xlane v38, v1  }
0x42a: {  	v30 =	vld [tilespmem:s20+$0xFFFFFE00];
	v20 =	vadd.f32 v39, v20;
	v39 =	vperm.xlane v38, v4;
	v35 =	vmul.f32 v42, v32;
	[tilespmem:$0x1F8D0] =	vst v31  }
0x42b: {  	v21 =	vadd.f32 v26, v21;
	v31 =	vmul.f32 v44, v18;
	v44 =	vld [tilespmem:s20+$0xFFFFFE30];
	[tilespmem:$0x1F8B0] =	vst v63;
	v63 =	vmul.f32 v43, v17  }
0x42c: {  	v40 =	vld [tilespmem:s20+$0xFFFFFC90];
	v19 =	vadd.f32 v33, v19;
	v42 =	vmul.f32 v45, v28;
	[tilespmem:$0x1F900] =	vst v37;
	v37 =	vperm.xlane v38, v5  }
0x42d: {  	v25 =	vld [tilespmem:s20+$0xFFFFFC80];
	v45 =	vmul.f32 v46, v39;
	[tilespmem:$0x1F8E0] =	vst v34;
	v34 =	vperm.xlane v38, v7;
	v26 =	vmax.f32 v35, v63  }
0x42e: {  	v46 =	vmul.f32 v47, v37;
	v47 =	vld [tilespmem:s20+$0xFFFFFE40];
	v35 =	vperm.xlane v38, v6;
	v22 =	vmax.f32 v26, v31  }
0x42f: {  	v33 =	vperm.xlane v38, v8;
	[tilespmem:$0x1F8F0] =	vst v30;
	v30 =	vperm.xlane v38, v10;
	v43 =	vld [tilespmem:s20+$0xFFFFFE20];
	v22 =	vmax.f32 v22, v42  }
0x430: {  	[tilespmem:$0x1F920] =	vst v44;
	v44 =	vld [tilespmem:s20+$0xFFFFFE60];
	v63 =	vmul.f32 v49, v34;
	v48 =	vmul.f32 v48, v35;
	v22 =	vmax.f32 v22, v45  }
0x431: {  	[tilespmem:$0x1F7D0] =	vst v41;
	v41 =	vld [tilespmem:s20+$0xFFFFFCA0];
	v31 =	vperm.xlane v38, v9;
	v26 =	vperm.xlane v38, v14;
	v22 =	vmax.f32 v22, v46  }
0x432: {  	v42 =	vperm.xlane v38, v12;
	v38 =	vld [tilespmem:$0x1F800];
	v46 =	vmul.f32 v50, v33;
	v22 =	vmax.f32 v22, v48  }
0x433: {  	[tilespmem:$0x1F930] =	vst v47;
	v47 =	vmul.f32 v51, v31;
	v22 =	vmax.f32 v22, v63;
	v63 =	vld [tilespmem:s20+$0xFFFFFEC0]  }
0x434: {  	v52 =	vmul.f32 v52, v30;
	[tilespmem:$0x1F910] =	vst v43;
	v43 =	vld [tilespmem:s20+$0xFFFFFE50];
	v22 =	vmax.f32 v22, v46  }
0x435: {  	[tilespmem:$0x1F950] =	vst v44;
	v44 =	vmul.f32 v57, v32;
	v45 =	vld [tilespmem:s20+$0xFFFFFE80];
	v50 =	vmax.f32 v22, v47;
	v47 =	vmul.f32 v25, v17  }
0x436: {  	v53 =	vmul.f32 v53, v29;
	v40 =	vmul.f32 v40, v17;
	v25 =	vld [tilespmem:$0x1F7F0]  }
0x437: {  	[tilespmem:$0x1FA00] =	vst v21;
	v21 =	vmul.f32 v54, v42;
	v50 =	vmax.f32 v50, v52;
	v52 =	vmax.f32 v44, v47;
	v44 =	vld [tilespmem:$0x1F810]  }
0x438: {  	v41 =	vmul.f32 v41, v17;
	v22 =	vmul.f32 v55, v27;
	v50 =	vmax.f32 v50, v53;
	[tilespmem:$0x1F990] =	vst v63;
	v63 =	vld [tilespmem:$0x1F7D0]  }
0x439: {  	v36 =	vmul.f32 v36, v26;
	v46 =	vmul.f32 v59, v32;
	v50 =	vmax.f32 v50, v21;
	v21 =	vld [tilespmem:$0x1F7E0]  }
0x43a: {  	v59 =	vmul.f32 v60, v32;
	[tilespmem:$0x1F940] =	vst v43;
	v43 =	vmul.f32 v56, v23;
	v50 =	vmax.f32 v50, v22  }
0x43b: {  	[tilespmem:$0x1F960] =	vst v45;
	v45 =	vmul.f32 v58, v32;
	v36 =	vmax.f32 v50, v36;
	v50 =	vmul.f32 v61, v32  }
0x43c: {  	v53 =	vmax.f32 v36, v43;
	v36 =	vmul.f32 v25, v17;
	v43 =	vmul.f32 v38, v17  }
0x43d: {  	[tilespmem:$0x1F9B0] =	vst v53;
	v53 =	vmul.f32 v62, v32;
	v32 =	vmul.f32 v63, v32  }
0x43e: {  	v22 =	vmul.f32 v21, v17;
	v17 =	vmul.f32 v44, v17;
	_ =	sdelay $0x1  }
0x43f: {  	[tilespmem:$0x1FA10] =	vst v20;
	v20 =	vmax.f32 v32, v17;
	v17 =	vld [tilespmem:$0x1F830];
	_ =	sdelay $0x4  }
0x440: {  	v57 =	vmax.f32 v59, v22;
	v22 =	vmul.f32 v17, v18;
	v17 =	vld [tilespmem:$0x1F840];
	_ =	sdelay $0x4  }
0x441: {  	v25 =	vmul.f32 v17, v18;
	v17 =	vld [tilespmem:$0x1F850];
	_ =	sdelay $0x3  }
0x442: {  	v40 =	vmax.f32 v45, v40;
	v45 =	vld [tilespmem:$0x1F820]  }
0x443: {  	v50 =	vmax.f32 v50, v36;
	v36 =	vld [tilespmem:$0x1F860];
	v17 =	vmul.f32 v17, v18  }
0x444: {  	v32 =	vmax.f32 v40, v22;
	v22 =	vld [tilespmem:$0x1F870]  }
0x445: {  	v21 =	vmax.f32 v57, v17;
	v17 =	vld [tilespmem:$0x1F880];
	_ =	sdelay $0x3  }
0x446: {  	v41 =	vmax.f32 v46, v41;
	v46 =	vmul.f32 v45, v18;
	v38 =	vmul.f32 v36, v18  }
0x447: {  	[tilespmem:$0x1FA20] =	vst v19;
	v19 =	vmul.f32 v22, v18;
	v18 =	vmul.f32 v17, v18;
	v17 =	vld [tilespmem:$0x1F890];
	_ =	sdelay $0x4  }
0x448: {  	v41 =	vmax.f32 v41, v25;
	v25 =	vmul.f32 v17, v28;
	v17 =	vld [tilespmem:$0x1F8A0];
	_ =	sdelay $0x4  }
0x449: {  	v36 =	vmul.f32 v17, v28;
	v17 =	vld [tilespmem:$0x1F8B0];
	_ =	sdelay $0x4  }
0x44a: {  	v40 =	vmax.f32 v50, v38;
	v38 =	vmul.f32 v17, v28;
	v17 =	vld [tilespmem:$0x1F8C0];
	_ =	sdelay $0x1  }
0x44b: {  	v24 =	vld [tilespmem:s20+$0xFFFFFDB0]  }
0x44c: {  	v49 =	vld [tilespmem:s20+$0xFFFFFEB0]  }
0x44d: {  	v51 =	vld [tilespmem:s20+$0xFFFFFEA0]  }
0x44e: {  	v54 =	vld [tilespmem:s20+$0xFFFFFF90];
	v17 =	vmul.f32 v17, v28  }
0x44f: {  	v22 =	vmax.f32 v20, v18;
	v20 =	vmax.f32 v32, v36;
	v36 =	vld [tilespmem:$0x1F8D0]  }
0x450: {  	v18 =	vmax.f32 v40, v17;
	v17 =	vld [tilespmem:$0x1F8E0]  }
0x451: {  	v48 =	vld [tilespmem:s20+$0xFFFFFE90]  }
0x452: {  	[tilespmem:$0x1F980] =	vst v49;
	v49 =	vld [tilespmem:s20+$0xFFFFFF20]  }
0x453: {  	v60 =	vld [tilespmem:s20+$0xFFFFFF10];
	v52 =	vmax.f32 v52, v46  }
0x454: {  	v55 =	vld [tilespmem:s20+$0xFFFFFED0];
	v50 =	vmax.f32 v52, v25;
	v25 =	vmul.f32 v24, v28  }
0x455: {  	v32 =	vmax.f32 v41, v38;
	v38 =	vmul.f32 v36, v28;
	v28 =	vmul.f32 v17, v28;
	v17 =	vld [tilespmem:$0x1F8F0]  }
0x456: {  	v56 =	vld [tilespmem:s20+$0xFFFFFEE0]  }
0x457: {  	v58 =	vld [tilespmem:s20+$0xFFFFFF00]  }
0x458: {  	[tilespmem:$0x1F970] =	vst v48;
	v48 =	vld [tilespmem:s20+$0xFFFFFF50]  }
0x459: {  	v47 =	vld [tilespmem:s20+$0xFFFFFF60]  }
0x45a: {  	v24 =	vmul.f32 v17, v39;
	v17 =	vld [tilespmem:$0x1F900]  }
0x45b: {  	v61 =	vld [tilespmem:s20+$0xFFFFFF40]  }
0x45c: {  	v62 =	vld [tilespmem:s20+$0xFFFFFF30]  }
0x45d: {  	v45 =	vld [tilespmem:s20+$0xFFFFFFB0]  }
0x45e: {  	v63 =	vld [tilespmem:s20+$0xFFFFFF80]  }
0x45f: {  	v21 =	vmax.f32 v21, v25;
	v25 =	vmul.f32 v17, v39;
	v17 =	vld [tilespmem:$0x1F910]  }
0x460: {  	v44 =	vld [tilespmem:s20+$0xFFFFFFE0]  }
0x461: {  	v46 =	vld [tilespmem:s20+$0xFFFFFFA0]  }
0x462: {  	v53 =	vmax.f32 v53, v43;
	v43 =	vld [tilespmem:s20+$0x0]  }
0x463: {  	v52 =	vld [tilespmem:$0x1F930]  }
0x464: {  	v22 =	vmax.f32 v22, v28;
	v28 =	vmul.f32 v17, v39;
	v17 =	vld [tilespmem:$0x1F920]  }
0x465: {  	v41 =	vmax.f32 v50, v24;
	v50 =	vld [tilespmem:$0x1F950]  }
0x466: {  	v28 =	vmax.f32 v32, v28;
	v32 =	vld [tilespmem:$0x1F940]  }
0x467: {  	v59 =	vld [tilespmem:s20+$0x10]  }
0x468: {  	v24 =	vld [tilespmem:$0x1F970]  }
0x469: {  	v19 =	vmax.f32 v53, v19;
	v53 =	vld [tilespmem:s20+$0xFFFFFFD0];
	v17 =	vmul.f32 v17, v39  }
0x46a: {  	v57 =	vld [tilespmem:s20+$0xFFFFFFC0];
	v20 =	vmax.f32 v20, v25;
	v25 =	vmul.f32 v52, v39  }
0x46b: {  	v17 =	vmax.f32 v21, v17;
	v21 =	vmul.f32 v32, v39;
	v39 =	vmul.f32 v50, v39;
	v50 =	vld [tilespmem:$0x1F960]  }
0x46c: {  	v36 =	vld [tilespmem:s20+$0x40];
	v19 =	vmax.f32 v19, v38  }
0x46d: {  	v51 =	vmul.f32 v51, v37;
	v38 =	vld [tilespmem:s20+$0x30];
	v19 =	vmax.f32 v19, v21;
	v21 =	vmul.f32 v24, v37  }
0x46e: {  	v40 =	vld [tilespmem:s20+$0x20]  }
0x46f: {  	v20 =	vmax.f32 v20, v21;
	v21 =	vmax.f32 v28, v51;
	v51 =	vld [tilespmem:$0x1F990]  }
0x470: {  	v52 =	vld [tilespmem:s20+$0x50];
	v50 =	vmul.f32 v50, v37  }
0x471: {  	v18 =	vmax.f32 v18, v25;
	v25 =	vld [tilespmem:s20+$0x80]  }
0x472: {  	v22 =	vmax.f32 v22, v39;
	v39 =	vmax.f32 v41, v50;
	v50 =	vld [tilespmem:$0x1F980]  }
0x473: {  	v60 =	vmul.f32 v60, v35;
	v32 =	vld [tilespmem:s20+$0x60]  }
0x474: {  	v24 =	vld [tilespmem:s20+$0x90];
	v28 =	vmul.f32 v51, v37  }
0x475: {  	v20 =	vmax.f32 v20, v60;
	v60 =	vmul.f32 v62, v35;
	v51 =	vld [tilespmem:s20+$0xB0]  }
0x476: {  	v62 =	vmul.f32 v61, v35;
	v18 =	vmax.f32 v18, v28;
	v28 =	vmul.f32 v58, v35;
	v58 =	vld [tilespmem:s20+$0xD0]  }
0x477: {  	v41 =	vmul.f32 v50, v37;
	v50 =	vld [tilespmem:s20+$0xA0]  }
0x478: {  	v18 =	vmax.f32 v18, v62;
	v62 =	vmul.f32 v46, v34;
	v46 =	vld [tilespmem:s20+$0x150]  }
0x479: {  	v61 =	vmul.f32 v54, v34;
	v54 =	vmul.f32 v57, v34;
	v28 =	vmax.f32 v39, v28;
	v39 =	vld [tilespmem:s20+$0x140]  }
0x47a: {  	v57 =	vmul.f32 v53, v34;
	v17 =	vmax.f32 v17, v41;
	v41 =	vmul.f32 v55, v37;
	v55 =	vld [tilespmem:s20+$0xC0]  }
0x47b: {  	v37 =	vmul.f32 v56, v37;
	v56 =	vld [tilespmem:s20+$0x110];
	v17 =	vmax.f32 v17, v60;
	v60 =	vmul.f32 v63, v34  }
0x47c: {  	v63 =	vmul.f32 v45, v34;
	v34 =	vmul.f32 v44, v34;
	v44 =	vld [tilespmem:s20+$0x160]  }
0x47d: {  	v45 =	vld [tilespmem:s20+$0x1B0]  }
0x47e: {  	v19 =	vmax.f32 v19, v41;
	v41 =	vld [tilespmem:s20+$0xE0]  }
0x47f: {  	v48 =	vmul.f32 v48, v35;
	v22 =	vmax.f32 v22, v37;
	v37 =	vmul.f32 v49, v35;
	v49 =	vld [tilespmem:s20+$0x100]  }
0x480: {  	v35 =	vmul.f32 v47, v35;
	v47 =	vld [tilespmem:s20+$0x120]  }
0x481: {  	v19 =	vmax.f32 v19, v48;
	v48 =	vld [tilespmem:s20+$0x130]  }
0x482: {  	v28 =	vmax.f32 v28, v60;
	v60 =	vmul.f32 v43, v33;
	v43 =	vld [tilespmem:s20+$0x180]  }
0x483: {  	v17 =	vmax.f32 v17, v63;
	v63 =	vmul.f32 v36, v33;
	v36 =	vld [tilespmem:s20+$0x1E0]  }
0x484: {  	v38 =	vmul.f32 v38, v33;
	v53 =	vmul.f32 v50, v31;
	v50 =	vld [tilespmem:s20+$0x2D0]  }
0x485: {  	v22 =	vmax.f32 v22, v35;
	v35 =	vld [tilespmem:s20+$0x190]  }
0x486: {  	v52 =	vmul.f32 v52, v33;
	v17 =	vmax.f32 v17, v38;
	v38 =	vld [tilespmem:s20+$0x200]  }
0x487: {  	v25 =	vmul.f32 v25, v31;
	v32 =	vmul.f32 v32, v33;
	v21 =	vmax.f32 v21, v37;
	v37 =	vld [tilespmem:s20+$0x250]  }
0x488: {  	v20 =	vmax.f32 v20, v61;
	v21 =	vmax.f32 v21, v62;
	v62 =	vmul.f32 v40, v33;
	v40 =	vld [tilespmem:s20+$0x1A0]  }
0x489: {  	v61 =	vmul.f32 v59, v33;
	v24 =	vmul.f32 v24, v31;
	v18 =	vmax.f32 v18, v54;
	v33 =	vld [tilespmem:s20+$0x1C0]  }
0x48a: {  	v54 =	vmul.f32 v51, v31;
	v59 =	vmul.f32 v58, v31;
	v22 =	vmax.f32 v22, v34;
	v34 =	vld [tilespmem:s20+$0x1D0]  }
0x48b: {  	v19 =	vmax.f32 v19, v57;
	v28 =	vmax.f32 v28, v60;
	v22 =	vmax.f32 v22, v32;
	v32 =	vld [tilespmem:s20+$0x210]  }
0x48c: {  	v18 =	vmax.f32 v18, v63;
	v57 =	vmul.f32 v55, v31;
	v60 =	vmul.f32 v41, v31;
	v31 =	vld [tilespmem:s20+$0x220]  }
0x48d: {  	v19 =	vmax.f32 v19, v52;
	v17 =	vmax.f32 v17, v54;
	v54 =	vmul.f32 v46, v30;
	v41 =	vld [tilespmem:s20+$0x230]  }
0x48e: {  	v19 =	vmax.f32 v19, v59;
	v18 =	vmax.f32 v18, v57;
	v57 =	vld [tilespmem:$0x1F9A0]  }
0x48f: {  	v19 =	vmax.f32 v19, v54;
	v54 =	vld [tilespmem:s20+$0x300]  }
0x490: {  	v21 =	vmax.f32 v21, v62;
	v52 =	vmul.f32 v48, v30;
	v48 =	vld [tilespmem:s20+$0x240]  }
0x491: {  	v55 =	vmul.f32 v44, v30;
	v21 =	vmax.f32 v21, v53;
	v53 =	vmul.f32 v39, v30;
	v39 =	vld [tilespmem:s20+$0x260]  }
0x492: {  	v62 =	vmul.f32 v56, v30;
	v56 =	vmul.f32 v43, v29;
	v43 =	vld [tilespmem:s20+$0x280]  }
0x493: {  	s14 =	sadd.s32 $0x80, s24;
	v20 =	vmax.f32 v20, v61;
	v61 =	vmul.f32 v49, v30;
	v63 =	vmul.f32 v47, v30;
	v30 =	vld [tilespmem:s20+$0x2A0]  }
0x494: {  	v49 =	vmul.f32 v36, v29;
	v36 =	vld [tilespmem:s14+$0xFFFFFFD0]  }
0x495: {  	v58 =	vmul.f32 v35, v29;
	v35 =	vld [tilespmem:s20+$0x290]  }
0x496: {  	v22 =	vmax.f32 v22, v60;
	v60 =	vmul.f32 v45, v29;
	v45 =	vld [tilespmem:s20+$0x2B0]  }
0x497: {  	v20 =	vmax.f32 v20, v24;
	v25 =	vmax.f32 v28, v25;
	v21 =	vmax.f32 v21, v63;
	v63 =	vld [tilespmem:$0x1F9B0]  }
0x498: {  	v24 =	vmax.f32 v25, v61;
	v20 =	vmax.f32 v20, v62;
	v51 =	vmul.f32 v38, v42;
	v38 =	vld [tilespmem:s14+$0xFFFFFFE0]  }
0x499: {  	v17 =	vmax.f32 v17, v52;
	v18 =	vmax.f32 v18, v53;
	v62 =	vmul.f32 v34, v29;
	v34 =	vld [tilespmem:s20+$0x2C0]  }
0x49a: {  	v22 =	vmax.f32 v22, v55;
	v24 =	vmax.f32 v24, v56;
	v59 =	vmul.f32 v40, v29;
	v52 =	vld [tilespmem:s20+$0x2E0]  }
0x49b: {  	v61 =	vmul.f32 v33, v29;
	v22 =	vmax.f32 v22, v49;
	v49 =	vmul.f32 v50, v27;
	v50 =	vld [tilespmem:s20+$0x380]  }
0x49c: {  	v20 =	vmax.f32 v20, v58;
	v17 =	vmax.f32 v17, v60;
	v44 =	vperm.xlane v57, v0;
	v57 =	vld [tilespmem:s20+$0x310]  }
0x49d: {  	v53 =	vmul.f32 v32, v42;
	v24 =	vmax.f32 v24, v51;
	v21 =	vmax.f32 v21, v59;
	v59 =	vld [tilespmem:s20+$0x320]  }
0x49e: {  	v58 =	vmul.f32 v37, v42;
	v18 =	vmax.f32 v18, v61;
	v31 =	vmul.f32 v31, v42;
	v61 =	vld [tilespmem:s20+$0x330]  }
0x49f: {  	v19 =	vmax.f32 v19, v62;
	v55 =	vmul.f32 v41, v42;
	v51 =	vmul.f32 v54, v26;
	v54 =	vld [tilespmem:s20+$0x3A0]  }
0x4a0: {  	v41 =	vld [tilespmem:s14+$0xFFFFFFF0];
	v56 =	vmul.f32 v48, v42;
	v20 =	vmax.f32 v20, v53;
	v60 =	vmul.f32 v39, v42  }
0x4a1: {  	v19 =	vmax.f32 v19, v58;
	v62 =	vmul.f32 v43, v27;
	v42 =	vmul.f32 v30, v27;
	v48 =	vld [tilespmem:s20+$0x360]  }
0x4a2: {  	v58 =	vld [tilespmem:s20+$0x3C0];
	v40 =	vsub.f32 $1.000000000e+00, v44;
	v21 =	vmax.f32 v21, v31;
	v17 =	vmax.f32 v17, v55  }
0x4a3: {  	v35 =	vmul.f32 v35, v27;
	v43 =	vmul.f32 v45, v27;
	v45 =	vld [tilespmem:s20+$0x350];
	v19 =	vmax.f32 v19, v49  }
0x4a4: {  	v49 =	vld [tilespmem:s14+$0x30];
	v18 =	vmax.f32 v18, v56;
	v22 =	vmax.f32 v22, v60;
	v24 =	vmax.f32 v24, v62  }
0x4a5: {  	v47 =	vmul.f32 v34, v27;
	v21 =	vmax.f32 v21, v42;
	v27 =	vmul.f32 v52, v27;
	v52 =	vld [tilespmem:s20+$0x390]  }
0x4a6: {  	v56 =	vld [tilespmem:s20+$0x3B0];
	v46 =	vmul.f32 v63, v40;
	v20 =	vmax.f32 v20, v35;
	v53 =	vmul.f32 v57, v26  }
0x4a7: {  	v60 =	vld [tilespmem:s20+$0x3D0];
	v17 =	vmax.f32 v17, v43;
	v31 =	vmul.f32 v59, v26;
	v55 =	vmul.f32 v61, v26  }
0x4a8: {  	v34 =	vld [tilespmem:s14+$0xFFFFFFC0];
	v24 =	vmax.f32 v24, v51;
	v61 =	vmul.f32 v50, v23;
	v32 =	vmul.f32 v54, v23  }
0x4a9: {  	v42 =	vld [tilespmem:s14+$0x0];
	v18 =	vmax.f32 v18, v47;
	v47 =	vmul.f32 v36, v44;
	v50 =	vmul.f32 v38, v44  }
0x4aa: {  	v63 =	vld [tilespmem:s20+$0x340];
	v22 =	vmax.f32 v22, v27;
	v51 =	vmul.f32 v41, v44;
	v37 =	vmul.f32 v58, v23  }
0x4ab: {  	v20 =	vmax.f32 v20, v53;
	v59 =	vmul.f32 v45, v26;
	v58 =	vmul.f32 v49, v44  }
0x4ac: {  	v24 =	vmax.f32 v24, v61;
	v62 =	vmul.f32 v52, v23;
	v35 =	vmul.f32 v56, v23  }
0x4ad: {  	v21 =	vmax.f32 v21, v31;
	v24 =	vmul.f32 v24, v40;
	v39 =	vmul.f32 v60, v23  }
0x4ae: {  	v17 =	vmax.f32 v17, v55;
	v45 =	vld [tilespmem:s14+$0x10];
	v43 =	vmul.f32 v34, v44;
	v53 =	vmul.f32 v42, v44  }
0x4af: {  	v21 =	vmax.f32 v21, v32;
	v57 =	vmul.f32 v63, v26;
	v26 =	vmul.f32 v48, v26;
	v63 =	vld [tilespmem:s20+$0x3E0]  }
0x4b0: {  	v19 =	vmax.f32 v19, v59;
	v21 =	vmul.f32 v21, v40;
	v59 =	vld [tilespmem:$0x1F9F0];
	v17 =	vmax.f32 v17, v35  }
0x4b1: {  	v52 =	vld [tilespmem:$0x1F9C0];
	v20 =	vmax.f32 v20, v62;
	v19 =	vmax.f32 v19, v39;
	v17 =	vmul.f32 v17, v40  }
0x4b2: {  	v56 =	vld [tilespmem:$0x1F9E0];
	v24 =	vadd.f32 v43, v24;
	v62 =	vadd.f32 v58, v46;
	v18 =	vmax.f32 v18, v57  }
0x4b3: {  	v48 =	vld [tilespmem:s14+$0x20];
	v22 =	vmax.f32 v22, v26;
	v20 =	vmul.f32 v20, v40;
	v17 =	vadd.f32 v51, v17  }
0x4b4: {  	v54 =	vld [tilespmem:$0x1F9D0];
	v19 =	vmul.f32 v19, v40;
	v21 =	vadd.f32 v50, v21;
	v18 =	vmax.f32 v18, v37  }
0x4b5: {  	v61 =	vld [tilespmem:$0x1FA00];
	v55 =	vmul.f32 v45, v44;
	v23 =	vmul.f32 v63, v23;
	v17 =	vadd.f32 v17, v59  }
0x4b6: {  	v16 =	vadd.f32 v62, v16;
	v18 =	vmul.f32 v18, v40;
	v20 =	vadd.f32 v47, v20;
	v63 =	vld [tilespmem:$0x1FA10]  }
0x4b7: {  	v24 =	vadd.f32 v24, v52;
	v21 =	vadd.f32 v21, v56;
	v22 =	vmax.f32 v22, v23;
	[tilespmem:$0x16330] =	vst v17;
	v17 =	vld [tilespmem:$0x1FA20]  }
0x4b8: {  	v57 =	vmul.f32 v48, v44;
	[tilespmem:$0x16370] =	vst v16;
	v18 =	vadd.f32 v53, v18;
	v22 =	vmul.f32 v22, v40  }
0x4b9: {  	v19 =	vadd.f32 v55, v19;
	v20 =	vadd.f32 v20, v54;
	[tilespmem:$0x16300] =	vst v24  }
0x4ba: {  	[tilespmem:$0x16320] =	vst v21;
	v18 =	vadd.f32 v18, v61;
	v60 =	vadd.f32 v57, v22  }
0x4bb: {  	[tilespmem:$0x16310] =	vst v20;
	v19 =	vadd.f32 v19, v63  }
0x4bc: {  	s4 =	sadd.s32 $0x1, s4;
	[tilespmem:$0x16340] =	vst v18;
	v17 =	vadd.f32 v60, v17  }
0x4bd: {  	p0 =	sne.s32 s4, $0x10;
	[tilespmem:$0x16350] =	vst v19  }
.Ltmp2:
0x4be: {  	s24 =	sadd.s32 s23, s17;
	[tilespmem:$0x16360] =	vst v17;
	(pc) =	sbr.rel @p0 .LBB2_2-.Ltmp2, $4  }
0x4bf: {  	[hbm4b:s24+s5] =	stream.linear.scatter [tilespmem:s21], [sflag:$0x5], $0x80, $0x38;
	[tilespmem:$0x16380] =	vst v63  }
0x4c0: {  	_ =	swait.ge [sflag:s31], $0x80  }
0x4c1: {  	[sflag:s31] =	ssyncset.done $0x0  }
0x4c2: {  	[sflag:s31] =	ssyncadd.s32 $0xFFFFFF80  }
0x4c3: {  	s11 =	rddreg [dreg:$0xc]  }
0x4c4: {  	s4 =	rddreg [dreg:$0xb];
	s11 =	sadd.s32 $0x1, s11  }
0x4c5: {  	p0 =	sne.s32 s11, s4  }
.Ltmp3:
0x4c6: {  	_ = 	snop;
	(pc) =	sbr.rel @p0 .LBB2_1-.Ltmp3, $1  }
0x4c7: {  	_ =	sdelay $0x3  }
0x4c8: {  	_ =	sfence.sel $0x180000  }
0x4c9: {  	[bflag:$0x0] =	sbarrier.arrive $0xFFFF  }
0x4ca: {  	_ =	strace $0x90000047  }
0x4cb: {  	s0 =	stileid.u32;
	[bflag:$0x2] =	sbarrier.arrive $0xFFFF  }
0x4cc: {  	p0 =	sne.s32 s0, $0x0;
	s0 =	rddreg [dreg:$0x4]  }
0x4cd: {  	s0 =	sadd.s32 @!p0 $0x100000, s0  }
0x4ce: {  	[sflag:s0] =	ssyncadd.tile.s32 @!p0 $0x1;
	_ =	shalt  }
.Lfunc_end2:
_tile_overlayer_lowered:
.L_overlay_start_2:
0x4cf: {  	(tag) =	ssettag $0x2  }
0x4d0: {  	s0 =	rddreg [dreg:$0x0];
	s2 =	stileid.u32  }
0x4d1: {  	s1 =	rddreg [dreg:$0x1];
	p0 =	sne.s32 s2, $0x0  }
0x4d2: {  	s3 =	rddreg [dreg:$0x2];
	[bflag:$0x3] =	sbarrier.arrive $0xFFFF;
	s2 =	simm.s32 @!p0 $0x1C05  }
0x4d3: {  	[timem:s3], [sflag:s2] =	dma.local @!p0 [hbm:s0], s1  }
0x4d4: {  	s0 =	simm.s32 @!p0 $0x5  }
0x4d5: {  	_ =	swait.ge @!p0 [sflag:s0], s1  }
0x4d6: {  	s1 =	ssub.s32 @!p0 $0x0, s1;
	[sflag:s0] =	ssyncset.done @!p0 $0x0  }
0x4d7: {  	[sflag:s0] =	ssyncadd.s32 @!p0 s1  }
0x4d8: {  	[bflag:$0x3] =	sbarrier.arrive $0xFFFF  }
0x4d9: {  	_ =	shalt  }

</sc_bundles>
